<compile_context>
chip_gen: v7x
topology: tpu7x:2x2x1
jax: 0.10.2.dev20260603
libtpu: 0.0.44.dev20260713+nightly
codegen_flags: <defaults>
</compile_context>

<pallas_src>
import jax
import jax.numpy as jnp
from jax import lax
from jax.experimental import pallas as pl
from jax.experimental.pallas import tpu as pltpu
from jax.experimental.pallas import tpu_sc as plsc

NC = 2
NS = 16
NW = NC * NS
L = 16

BATCH_SIZE = 16384
N_ROWS = 1000000
N_FACT = 16
B_PER_W = BATCH_SIZE // NW
N_GROUPS = B_PER_W // L


def _body(uidx_hbm, iidx_hbm, ufacT_hbm, ifacT_hbm, out_hbm,
          uidx_v, iidx_v, blk_v, out_v, dummy_hbm, usem, isem, usem2, isem2):
    wid = lax.axis_index("s") * NC + lax.axis_index("c")
    base = wid * B_PER_W

    pltpu.sync_copy(uidx_hbm.at[pl.ds(base, B_PER_W)], uidx_v)
    pltpu.sync_copy(iidx_hbm.at[pl.ds(base, B_PER_W)], iidx_v)

    lane = lax.iota(jnp.int32, L)
    blk2d = blk_v.reshape(2 * L * N_FACT, 128)

    def fire_group(g, buf):
        ub = (uidx_v[pl.ds(g * L, L)] - 1) >> 4
        ib = (iidx_v[pl.ds(g * L, L)] - 1) >> 4
        for b in range(L):
            pltpu.async_copy(
                ufacT_hbm.at[:, :, pl.ds(ub[b] * 16, 16)],
                blk_v.at[buf, b, :, :, pl.ds(0, 16)],
                usem if b % 2 == 0 else usem2)
            pltpu.async_copy(
                ifacT_hbm.at[:, :, pl.ds(ib[b] * 16, 16)],
                blk_v.at[buf, b, :, :, pl.ds(16, 16)],
                isem if b % 2 == 0 else isem2)

    def drain_group(buf):
        pltpu.make_async_copy(
            dummy_hbm.at[pl.ds(0, 8), :, :, pl.ds(0, 16)],
            blk_v.at[buf, pl.ds(0, 8), :, :, pl.ds(0, 16)], usem).wait()
        pltpu.make_async_copy(
            dummy_hbm.at[pl.ds(0, 8), :, :, pl.ds(0, 16)],
            blk_v.at[buf, pl.ds(0, 8), :, :, pl.ds(0, 16)], usem2).wait()
        pltpu.make_async_copy(
            dummy_hbm.at[pl.ds(0, 8), :, :, pl.ds(16, 16)],
            blk_v.at[buf, pl.ds(0, 8), :, :, pl.ds(16, 16)], isem).wait()
        pltpu.make_async_copy(
            dummy_hbm.at[pl.ds(0, 8), :, :, pl.ds(16, 16)],
            blk_v.at[buf, pl.ds(0, 8), :, :, pl.ds(16, 16)], isem2).wait()

    def compute_group(g, buf):
        uoff = (uidx_v[pl.ds(g * L, L)] - 1) & 15
        ioff = ((iidx_v[pl.ds(g * L, L)] - 1) & 15) + 16
        base_row = (buf * L + lane) * N_FACT
        acc = jnp.zeros((L,), jnp.float32)
        for k in range(N_FACT):
            rows = base_row + k
            uf = plsc.load_gather(blk2d, [rows, uoff])
            vf = plsc.load_gather(blk2d, [rows, ioff])
            acc = acc + uf * vf
        out_v[pl.ds(g * L, L)] = acc * 5.0

    fire_group(0, 0)

    def one_group(g, _):
        buf = lax.rem(g, 2)

        @pl.when(g < N_GROUPS - 1)
        def _():
            fire_group(g + 1, 1 - buf)

        drain_group(buf)
        compute_group(g, buf)
        return 0

    lax.fori_loop(0, N_GROUPS, one_group, 0)
    pltpu.sync_copy(out_v, out_hbm.at[pl.ds(base, B_PER_W)])


@jax.jit
def _mf_kernel(u_idx, i_idx, ufacT, ifacT):
    mesh = plsc.VectorSubcoreMesh(core_axis_name="c", subcore_axis_name="s")
    return pl.kernel(
        _body,
        out_type=jax.ShapeDtypeStruct((BATCH_SIZE,), jnp.float32),
        mesh=mesh,
        compiler_params=pltpu.CompilerParams(
            needs_layout_passes=False,
            disable_bounds_checks=True,
            disable_semaphore_checks=True,
        ),
        scratch_types=[
            pltpu.VMEM((B_PER_W,), jnp.int32),
            pltpu.VMEM((B_PER_W,), jnp.int32),
            pltpu.VMEM((2, L, 2, 8, 128), jnp.float32),
            pltpu.VMEM((B_PER_W,), jnp.float32),
            pltpu.MemorySpace.HBM((L, 2, 8, 128), jnp.float32),
            pltpu.SemaphoreType.DMA,
            pltpu.SemaphoreType.DMA,
            pltpu.SemaphoreType.DMA,
            pltpu.SemaphoreType.DMA,
        ],
    )(u_idx, i_idx, ufacT, ifacT)


def kernel(user, item, user_factors, item_factors):
    ufT = user_factors.T.reshape(2, 8, N_ROWS)
    ifT = item_factors.T.reshape(2, 8, N_ROWS)
    return _mf_kernel(user, item, ufT, ifT)

# --- scband reference (transcript-rebuilt; emitter-appended) ---
"""Pipeline reference for scband-matrix-factorization-17403207483482 (READ-ONLY COPY).

The authoritative reference and input builder live on the scoring server;
editing this copy changes nothing except your own understanding.
"""

import jax, jax.numpy as jnp
import numpy as np

N_USERS = 1000000
N_ITEMS = 1000000
N_FACTORS = 16
BATCH = 16384


def setup_inputs(seed: int = 0) -> dict:
    key = jax.random.key(seed)
    k1, k2, k3, k4 = jax.random.split(key, 4)
    # Module does `user - 1` / `item - 1` internally (1-based IDs), so generate in [1, N].
    user = jax.random.randint(k1, (BATCH,), 1, N_USERS + 1, dtype=jnp.int32)
    item = jax.random.randint(k2, (BATCH,), 1, N_ITEMS + 1, dtype=jnp.int32)
    # Learned parameters: the two embedding tables (nn.Embedding default init ~ N(0,1); scale down for stability).
    user_factors = jax.random.normal(k3, (N_USERS, N_FACTORS), dtype=jnp.float32) * 0.02
    item_factors = jax.random.normal(k4, (N_ITEMS, N_FACTORS), dtype=jnp.float32) * 0.02
    return {"user": user, "item": item, "user_factors": user_factors, "item_factors": item_factors}


def reference(user, item, user_factors, item_factors):
    # user = torch.LongTensor(user) - 1 ; item = torch.LongTensor(item) - 1
    u_idx = user - 1
    i_idx = item - 1
    # embedding lookups -> SparseCore gathers
    u = jnp.take(user_factors, u_idx, axis=0)
    it = jnp.take(item_factors, i_idx, axis=0)
    # elementwise product, reduce over factor dim, scale by 5 (rating scale)
    x = (u * it).sum(axis=1)
    assert x.shape == user.shape
    return x * 5

if __name__ == "__main__":
    import jax
    _d = setup_inputs()
    print(jax.jit(kernel)(*tuple(_d.values())))

</pallas_src>

<mosaic_0001>
#map = affine_map<(d0, d1) -> (0)>
#map1 = affine_map<(d0, d1) -> (0, 0, 0)>
module attributes {stable_mosaic.version = 14 : i64} {
  func.func @_body(%arg0: i32, %arg1: i32, %arg2: memref<16384xi32, #tpu.memory_space<hbm>>, %arg3: memref<16384xi32, #tpu.memory_space<hbm>>, %arg4: memref<2x8x1000000xf32, #tpu.memory_space<hbm>>, %arg5: memref<2x8x1000000xf32, #tpu.memory_space<hbm>>, %arg6: memref<16384xf32, #tpu.memory_space<hbm>>, %arg7: memref<512xi32, #tpu.memory_space<vmem>>, %arg8: memref<512xi32, #tpu.memory_space<vmem>>, %arg9: memref<2x16x2x8x128xf32, #tpu.memory_space<vmem>>, %arg10: memref<512xf32, #tpu.memory_space<vmem>>, %arg11: memref<16x2x8x128xf32, #tpu.memory_space<hbm>>, %arg12: memref<!tpu.dma_semaphore, #tpu.memory_space<semaphore_mem>>, %arg13: memref<!tpu.dma_semaphore, #tpu.memory_space<semaphore_mem>>, %arg14: memref<!tpu.dma_semaphore, #tpu.memory_space<semaphore_mem>>, %arg15: memref<!tpu.dma_semaphore, #tpu.memory_space<semaphore_mem>>) attributes {dimension_semantics = [#tpu.dimension_semantics<core_parallel>, #tpu.dimension_semantics<subcore_parallel>], iteration_bounds = array<i64: 2, 16>, scalar_prefetch = 0 : i64, scratch_operands = 9 : i64, tpu.core_type = #tpu.core_type<sc_vector_subcore>, window_params = [{transform_indices = #map}, {transform_indices = #map}, {transform_indices = #map1}, {transform_indices = #map1}, {transform_indices = #map}]} {
    %mul3A = arith.constant 2 : i32
    %mul3A_0 = arith.muli %arg1, %mul3A : i32
    %add3A = arith.addi %mul3A_0, %arg0 : i32
    %mul3A_1 = arith.constant 512 : i32
    %mul3A_2 = arith.muli %add3A, %mul3A_1 : i32
    "tpu.region"() ({
      %run_scoped3A = tpu.sem_alloc : memref<!tpu.dma_semaphore, #tpu.memory_space<semaphore_mem>>
      %dma_start3A_723 = tpu.memref_slice %arg2[%mul3A_2] : memref<16384xi32, #tpu.memory_space<hbm>> -> memref<512xi32, #tpu.memory_space<hbm>>
      %dma_start3A_724 = tpu.memref_slice %arg2[%mul3A_2] : memref<16384xi32, #tpu.memory_space<hbm>> -> memref<512xi32, #tpu.memory_space<hbm>>
      tpu.enqueue_dma source(%dma_start3A_724 : memref<512xi32, #tpu.memory_space<hbm>>) target(%arg7 : memref<512xi32, #tpu.memory_space<vmem>>) target_semaphore(%run_scoped3A : memref<!tpu.dma_semaphore, #tpu.memory_space<semaphore_mem>>)
      %dma_wait3A = tpu.memref_slice %arg2[%mul3A_2] : memref<16384xi32, #tpu.memory_space<hbm>> -> memref<512xi32, #tpu.memory_space<hbm>>
      %dma_wait3A_725 = tpu.memref_slice %arg2[%mul3A_2] : memref<16384xi32, #tpu.memory_space<hbm>> -> memref<512xi32, #tpu.memory_space<hbm>>
      tpu.wait_dma2 semaphore(%run_scoped3A : memref<!tpu.dma_semaphore, #tpu.memory_space<semaphore_mem>>) src(%dma_wait3A_725 : memref<512xi32, #tpu.memory_space<hbm>>) dst(%arg7 : memref<512xi32, #tpu.memory_space<vmem>>)
      tpu.yield
    }) : () -> ()
    "tpu.region"() ({
      %run_scoped3A = tpu.sem_alloc : memref<!tpu.dma_semaphore, #tpu.memory_space<semaphore_mem>>
      %dma_start3A_723 = tpu.memref_slice %arg3[%mul3A_2] : memref<16384xi32, #tpu.memory_space<hbm>> -> memref<512xi32, #tpu.memory_space<hbm>>
      %dma_start3A_724 = tpu.memref_slice %arg3[%mul3A_2] : memref<16384xi32, #tpu.memory_space<hbm>> -> memref<512xi32, #tpu.memory_space<hbm>>
      tpu.enqueue_dma source(%dma_start3A_724 : memref<512xi32, #tpu.memory_space<hbm>>) target(%arg8 : memref<512xi32, #tpu.memory_space<vmem>>) target_semaphore(%run_scoped3A : memref<!tpu.dma_semaphore, #tpu.memory_space<semaphore_mem>>)
      %dma_wait3A = tpu.memref_slice %arg3[%mul3A_2] : memref<16384xi32, #tpu.memory_space<hbm>> -> memref<512xi32, #tpu.memory_space<hbm>>
      %dma_wait3A_725 = tpu.memref_slice %arg3[%mul3A_2] : memref<16384xi32, #tpu.memory_space<hbm>> -> memref<512xi32, #tpu.memory_space<hbm>>
      tpu.wait_dma2 semaphore(%run_scoped3A : memref<!tpu.dma_semaphore, #tpu.memory_space<semaphore_mem>>) src(%dma_wait3A_725 : memref<512xi32, #tpu.memory_space<hbm>>) dst(%arg8 : memref<512xi32, #tpu.memory_space<vmem>>)
      tpu.yield
    }) : () -> ()
    %iota3A = tpu.iota {dimensions = array<i32: 0>} : vector<16xi32>
    %get3A = arith.constant 0 : index
    %get3A_3 = tpu.vector_load %arg7[%get3A] {strides = array<i32>} : memref<512xi32, #tpu.memory_space<vmem>>, vector<16xi32>,
    %sub3A = arith.constant 1 : i32
    %sub3A_4 = vector.broadcast %sub3A : i32 to vector<16xi32>
    %sub3A_5 = arith.subi %get3A_3, %sub3A_4 : vector<16xi32>
    %shift_right_arithmetic3A = arith.constant 4 : i32
    %shift_right_arithmetic3A_6 = vector.broadcast %shift_right_arithmetic3A : i32 to vector<16xi32>
    %shift_right_arithmetic3A_7 = arith.shrsi %sub3A_5, %shift_right_arithmetic3A_6 : vector<16xi32>
    %get3A_8 = arith.constant 0 : index
    %get3A_9 = tpu.vector_load %arg8[%get3A_8] {strides = array<i32>} : memref<512xi32, #tpu.memory_space<vmem>>, vector<16xi32>,
    %sub3A_10 = arith.constant 1 : i32
    %sub3A_11 = vector.broadcast %sub3A_10 : i32 to vector<16xi32>
    %sub3A_12 = arith.subi %get3A_9, %sub3A_11 : vector<16xi32>
    %shift_right_arithmetic3A_13 = arith.constant 4 : i32
    %shift_right_arithmetic3A_14 = vector.broadcast %shift_right_arithmetic3A_13 : i32 to vector<16xi32>
    %shift_right_arithmetic3A_15 = arith.shrsi %sub3A_12, %shift_right_arithmetic3A_14 : vector<16xi32>
    %slice3A = vector.extract_strided_slice %shift_right_arithmetic3A_7 {offsets = [0], sizes = [1], strides = [1]} : vector<16xi32> to vector<1xi32>
    %squeeze3A = vector.extract %slice3A[0] : i32 from vector<1xi32>
    %mul3A_16 = arith.constant 16 : i32
    %mul3A_17 = arith.muli %squeeze3A, %mul3A_16 : i32
    %dma_start3A = arith.constant 0 : i32
    %dma_start3A_18 = arith.constant 0 : i32
    %dma_start3A_19 = arith.constant 0 : i32
    %dma_start3A_20 = arith.constant 0 : i32
    %dma_start3A_21 = arith.constant 0 : i32
    %dma_start3A_22 = tpu.memref_slice %arg9[%dma_start3A, %dma_start3A_18, %dma_start3A_19, %dma_start3A_20, %dma_start3A_21] : memref<2x16x2x8x128xf32, #tpu.memory_space<vmem>> -> memref<1x1x2x8x16xf32, #tpu.memory_space<vmem>>
    %dma_start3A_23 = tpu.memref_squeeze %dma_start3A_22 : memref<1x1x2x8x16xf32, #tpu.memory_space<vmem>> -> memref<2x8x16xf32, #tpu.memory_space<vmem>>
    %dma_start3A_24 = arith.constant 0 : i32
    %dma_start3A_25 = arith.constant 0 : i32
    %dma_start3A_26 = tpu.memref_slice %arg4[%dma_start3A_24, %dma_start3A_25, %mul3A_17] : memref<2x8x1000000xf32, #tpu.memory_space<hbm>> -> memref<2x8x16xf32, #tpu.memory_space<hbm>>
    %dma_start3A_27 = arith.constant 0 : i32
    %dma_start3A_28 = arith.constant 0 : i32
    %dma_start3A_29 = arith.constant 0 : i32
    %dma_start3A_30 = tpu.memref_slice %arg9[%dma_start3A, %dma_start3A_18, %dma_start3A_27, %dma_start3A_28, %dma_start3A_29] : memref<2x16x2x8x128xf32, #tpu.memory_space<vmem>> -> memref<1x1x2x8x16xf32, #tpu.memory_space<vmem>>
    %dma_start3A_31 = tpu.memref_squeeze %dma_start3A_30 : memref<1x1x2x8x16xf32, #tpu.memory_space<vmem>> -> memref<2x8x16xf32, #tpu.memory_space<vmem>>
    %dma_start3A_32 = arith.constant 0 : i32
    %dma_start3A_33 = arith.constant 0 : i32
    %dma_start3A_34 = tpu.memref_slice %arg4[%dma_start3A_32, %dma_start3A_33, %mul3A_17] : memref<2x8x1000000xf32, #tpu.memory_space<hbm>> -> memref<2x8x16xf32, #tpu.memory_space<hbm>>
    tpu.enqueue_dma source(%dma_start3A_34 : memref<2x8x16xf32, #tpu.memory_space<hbm>>) target(%dma_start3A_31 : memref<2x8x16xf32, #tpu.memory_space<vmem>>) target_semaphore(%arg12 : memref<!tpu.dma_semaphore, #tpu.memory_space<semaphore_mem>>)
    %slice3A_35 = vector.extract_strided_slice %shift_right_arithmetic3A_15 {offsets = [0], sizes = [1], strides = [1]} : vector<16xi32> to vector<1xi32>
    %squeeze3A_36 = vector.extract %slice3A_35[0] : i32 from vector<1xi32>
    %mul3A_37 = arith.constant 16 : i32
    %mul3A_38 = arith.muli %squeeze3A_36, %mul3A_37 : i32
    %dma_start3A_39 = arith.constant 0 : i32
    %dma_start3A_40 = arith.constant 0 : i32
    %dma_start3A_41 = arith.constant 0 : i32
    %dma_start3A_42 = arith.constant 0 : i32
    %dma_start3A_43 = arith.constant 16 : i32
    %dma_start3A_44 = tpu.memref_slice %arg9[%dma_start3A_39, %dma_start3A_40, %dma_start3A_41, %dma_start3A_42, %dma_start3A_43] : memref<2x16x2x8x128xf32, #tpu.memory_space<vmem>> -> memref<1x1x2x8x16xf32, #tpu.memory_space<vmem>>
    %dma_start3A_45 = tpu.memref_squeeze %dma_start3A_44 : memref<1x1x2x8x16xf32, #tpu.memory_space<vmem>> -> memref<2x8x16xf32, #tpu.memory_space<vmem>>
    %dma_start3A_46 = arith.constant 0 : i32
    %dma_start3A_47 = arith.constant 0 : i32
    %dma_start3A_48 = tpu.memref_slice %arg5[%dma_start3A_46, %dma_start3A_47, %mul3A_38] : memref<2x8x1000000xf32, #tpu.memory_space<hbm>> -> memref<2x8x16xf32, #tpu.memory_space<hbm>>
    %dma_start3A_49 = arith.constant 0 : i32
    %dma_start3A_50 = arith.constant 0 : i32
    %dma_start3A_51 = arith.constant 16 : i32
    %dma_start3A_52 = tpu.memref_slice %arg9[%dma_start3A_39, %dma_start3A_40, %dma_start3A_49, %dma_start3A_50, %dma_start3A_51] : memref<2x16x2x8x128xf32, #tpu.memory_space<vmem>> -> memref<1x1x2x8x16xf32, #tpu.memory_space<vmem>>
    %dma_start3A_53 = tpu.memref_squeeze %dma_start3A_52 : memref<1x1x2x8x16xf32, #tpu.memory_space<vmem>> -> memref<2x8x16xf32, #tpu.memory_space<vmem>>
    %dma_start3A_54 = arith.constant 0 : i32
    %dma_start3A_55 = arith.constant 0 : i32
    %dma_start3A_56 = tpu.memref_slice %arg5[%dma_start3A_54, %dma_start3A_55, %mul3A_38] : memref<2x8x1000000xf32, #tpu.memory_space<hbm>> -> memref<2x8x16xf32, #tpu.memory_space<hbm>>
    tpu.enqueue_dma source(%dma_start3A_56 : memref<2x8x16xf32, #tpu.memory_space<hbm>>) target(%dma_start3A_53 : memref<2x8x16xf32, #tpu.memory_space<vmem>>) target_semaphore(%arg13 : memref<!tpu.dma_semaphore, #tpu.memory_space<semaphore_mem>>)
    %slice3A_57 = vector.extract_strided_slice %shift_right_arithmetic3A_7 {offsets = [1], sizes = [1], strides = [1]} : vector<16xi32> to vector<1xi32>
    %squeeze3A_58 = vector.extract %slice3A_57[0] : i32 from vector<1xi32>
    %mul3A_59 = arith.constant 16 : i32
    %mul3A_60 = arith.muli %squeeze3A_58, %mul3A_59 : i32
    %dma_start3A_61 = arith.constant 0 : i32
    %dma_start3A_62 = arith.constant 1 : i32
    %dma_start3A_63 = arith.constant 0 : i32
    %dma_start3A_64 = arith.constant 0 : i32
    %dma_start3A_65 = arith.constant 0 : i32
    %dma_start3A_66 = tpu.memref_slice %arg9[%dma_start3A_61, %dma_start3A_62, %dma_start3A_63, %dma_start3A_64, %dma_start3A_65] : memref<2x16x2x8x128xf32, #tpu.memory_space<vmem>> -> memref<1x1x2x8x16xf32, #tpu.memory_space<vmem>>
    %dma_start3A_67 = tpu.memref_squeeze %dma_start3A_66 : memref<1x1x2x8x16xf32, #tpu.memory_space<vmem>> -> memref<2x8x16xf32, #tpu.memory_space<vmem>>
    %dma_start3A_68 = arith.constant 0 : i32
    %dma_start3A_69 = arith.constant 0 : i32
    %dma_start3A_70 = tpu.memref_slice %arg4[%dma_start3A_68, %dma_start3A_69, %mul3A_60] : memref<2x8x1000000xf32, #tpu.memory_space<hbm>> -> memref<2x8x16xf32, #tpu.memory_space<hbm>>
    %dma_start3A_71 = arith.constant 0 : i32
    %dma_start3A_72 = arith.constant 0 : i32
    %dma_start3A_73 = arith.constant 0 : i32
    %dma_start3A_74 = tpu.memref_slice %arg9[%dma_start3A_61, %dma_start3A_62, %dma_start3A_71, %dma_start3A_72, %dma_start3A_73] : memref<2x16x2x8x128xf32, #tpu.memory_space<vmem>> -> memref<1x1x2x8x16xf32, #tpu.memory_space<vmem>>
    %dma_start3A_75 = tpu.memref_squeeze %dma_start3A_74 : memref<1x1x2x8x16xf32, #tpu.memory_space<vmem>> -> memref<2x8x16xf32, #tpu.memory_space<vmem>>
    %dma_start3A_76 = arith.constant 0 : i32
    %dma_start3A_77 = arith.constant 0 : i32
    %dma_start3A_78 = tpu.memref_slice %arg4[%dma_start3A_76, %dma_start3A_77, %mul3A_60] : memref<2x8x1000000xf32, #tpu.memory_space<hbm>> -> memref<2x8x16xf32, #tpu.memory_space<hbm>>
    tpu.enqueue_dma source(%dma_start3A_78 : memref<2x8x16xf32, #tpu.memory_space<hbm>>) target(%dma_start3A_75 : memref<2x8x16xf32, #tpu.memory_space<vmem>>) target_semaphore(%arg14 : memref<!tpu.dma_semaphore, #tpu.memory_space<semaphore_mem>>)
    %slice3A_79 = vector.extract_strided_slice %shift_right_arithmetic3A_15 {offsets = [1], sizes = [1], strides = [1]} : vector<16xi32> to vector<1xi32>
    %squeeze3A_80 = vector.extract %slice3A_79[0] : i32 from vector<1xi32>
    %mul3A_81 = arith.constant 16 : i32
    %mul3A_82 = arith.muli %squeeze3A_80, %mul3A_81 : i32
    %dma_start3A_83 = arith.constant 0 : i32
    %dma_start3A_84 = arith.constant 1 : i32
    %dma_start3A_85 = arith.constant 0 : i32
    %dma_start3A_86 = arith.constant 0 : i32
    %dma_start3A_87 = arith.constant 16 : i32
    %dma_start3A_88 = tpu.memref_slice %arg9[%dma_start3A_83, %dma_start3A_84, %dma_start3A_85, %dma_start3A_86, %dma_start3A_87] : memref<2x16x2x8x128xf32, #tpu.memory_space<vmem>> -> memref<1x1x2x8x16xf32, #tpu.memory_space<vmem>>
    %dma_start3A_89 = tpu.memref_squeeze %dma_start3A_88 : memref<1x1x2x8x16xf32, #tpu.memory_space<vmem>> -> memref<2x8x16xf32, #tpu.memory_space<vmem>>
    %dma_start3A_90 = arith.constant 0 : i32
    %dma_start3A_91 = arith.constant 0 : i32
    %dma_start3A_92 = tpu.memref_slice %arg5[%dma_start3A_90, %dma_start3A_91, %mul3A_82] : memref<2x8x1000000xf32, #tpu.memory_space<hbm>> -> memref<2x8x16xf32, #tpu.memory_space<hbm>>
    %dma_start3A_93 = arith.constant 0 : i32
    %dma_start3A_94 = arith.constant 0 : i32
    %dma_start3A_95 = arith.constant 16 : i32
    %dma_start3A_96 = tpu.memref_slice %arg9[%dma_start3A_83, %dma_start3A_84, %dma_start3A_93, %dma_start3A_94, %dma_start3A_95] : memref<2x16x2x8x128xf32, #tpu.memory_space<vmem>> -> memref<1x1x2x8x16xf32, #tpu.memory_space<vmem>>
    %dma_start3A_97 = tpu.memref_squeeze %dma_start3A_96 : memref<1x1x2x8x16xf32, #tpu.memory_space<vmem>> -> memref<2x8x16xf32, #tpu.memory_space<vmem>>
    %dma_start3A_98 = arith.constant 0 : i32
    %dma_start3A_99 = arith.constant 0 : i32
    %dma_start3A_100 = tpu.memref_slice %arg5[%dma_start3A_98, %dma_start3A_99, %mul3A_82] : memref<2x8x1000000xf32, #tpu.memory_space<hbm>> -> memref<2x8x16xf32, #tpu.memory_space<hbm>>
    tpu.enqueue_dma source(%dma_start3A_100 : memref<2x8x16xf32, #tpu.memory_space<hbm>>) target(%dma_start3A_97 : memref<2x8x16xf32, #tpu.memory_space<vmem>>) target_semaphore(%arg15 : memref<!tpu.dma_semaphore, #tpu.memory_space<semaphore_mem>>)
    %slice3A_101 = vector.extract_strided_slice %shift_right_arithmetic3A_7 {offsets = [2], sizes = [1], strides = [1]} : vector<16xi32> to vector<1xi32>
    %squeeze3A_102 = vector.extract %slice3A_101[0] : i32 from vector<1xi32>
    %mul3A_103 = arith.constant 16 : i32
    %mul3A_104 = arith.muli %squeeze3A_102, %mul3A_103 : i32
    %dma_start3A_105 = arith.constant 0 : i32
    %dma_start3A_106 = arith.constant 2 : i32
    %dma_start3A_107 = arith.constant 0 : i32
    %dma_start3A_108 = arith.constant 0 : i32
    %dma_start3A_109 = arith.constant 0 : i32
    %dma_start3A_110 = tpu.memref_slice %arg9[%dma_start3A_105, %dma_start3A_106, %dma_start3A_107, %dma_start3A_108, %dma_start3A_109] : memref<2x16x2x8x128xf32, #tpu.memory_space<vmem>> -> memref<1x1x2x8x16xf32, #tpu.memory_space<vmem>>
    %dma_start3A_111 = tpu.memref_squeeze %dma_start3A_110 : memref<1x1x2x8x16xf32, #tpu.memory_space<vmem>> -> memref<2x8x16xf32, #tpu.memory_space<vmem>>
    %dma_start3A_112 = arith.constant 0 : i32
    %dma_start3A_113 = arith.constant 0 : i32
    %dma_start3A_114 = tpu.memref_slice %arg4[%dma_start3A_112, %dma_start3A_113, %mul3A_104] : memref<2x8x1000000xf32, #tpu.memory_space<hbm>> -> memref<2x8x16xf32, #tpu.memory_space<hbm>>
    %dma_start3A_115 = arith.constant 0 : i32
    %dma_start3A_116 = arith.constant 0 : i32
    %dma_start3A_117 = arith.constant 0 : i32
    %dma_start3A_118 = tpu.memref_slice %arg9[%dma_start3A_105, %dma_start3A_106, %dma_start3A_115, %dma_start3A_116, %dma_start3A_117] : memref<2x16x2x8x128xf32, #tpu.memory_space<vmem>> -> memref<1x1x2x8x16xf32, #tpu.memory_space<vmem>>
    %dma_start3A_119 = tpu.memref_squeeze %dma_start3A_118 : memref<1x1x2x8x16xf32, #tpu.memory_space<vmem>> -> memref<2x8x16xf32, #tpu.memory_space<vmem>>
    %dma_start3A_120 = arith.constant 0 : i32
    %dma_start3A_121 = arith.constant 0 : i32
    %dma_start3A_122 = tpu.memref_slice %arg4[%dma_start3A_120, %dma_start3A_121, %mul3A_104] : memref<2x8x1000000xf32, #tpu.memory_space<hbm>> -> memref<2x8x16xf32, #tpu.memory_space<hbm>>
    tpu.enqueue_dma source(%dma_start3A_122 : memref<2x8x16xf32, #tpu.memory_space<hbm>>) target(%dma_start3A_119 : memref<2x8x16xf32, #tpu.memory_space<vmem>>) target_semaphore(%arg12 : memref<!tpu.dma_semaphore, #tpu.memory_space<semaphore_mem>>)
    %slice3A_123 = vector.extract_strided_slice %shift_right_arithmetic3A_15 {offsets = [2], sizes = [1], strides = [1]} : vector<16xi32> to vector<1xi32>
    %squeeze3A_124 = vector.extract %slice3A_123[0] : i32 from vector<1xi32>
    %mul3A_125 = arith.constant 16 : i32
    %mul3A_126 = arith.muli %squeeze3A_124, %mul3A_125 : i32
    %dma_start3A_127 = arith.constant 0 : i32
    %dma_start3A_128 = arith.constant 2 : i32
    %dma_start3A_129 = arith.constant 0 : i32
    %dma_start3A_130 = arith.constant 0 : i32
    %dma_start3A_131 = arith.constant 16 : i32
    %dma_start3A_132 = tpu.memref_slice %arg9[%dma_start3A_127, %dma_start3A_128, %dma_start3A_129, %dma_start3A_130, %dma_start3A_131] : memref<2x16x2x8x128xf32, #tpu.memory_space<vmem>> -> memref<1x1x2x8x16xf32, #tpu.memory_space<vmem>>
    %dma_start3A_133 = tpu.memref_squeeze %dma_start3A_132 : memref<1x1x2x8x16xf32, #tpu.memory_space<vmem>> -> memref<2x8x16xf32, #tpu.memory_space<vmem>>
    %dma_start3A_134 = arith.constant 0 : i32
    %dma_start3A_135 = arith.constant 0 : i32
    %dma_start3A_136 = tpu.memref_slice %arg5[%dma_start3A_134, %dma_start3A_135, %mul3A_126] : memref<2x8x1000000xf32, #tpu.memory_space<hbm>> -> memref<2x8x16xf32, #tpu.memory_space<hbm>>
    %dma_start3A_137 = arith.constant 0 : i32
    %dma_start3A_138 = arith.constant 0 : i32
    %dma_start3A_139 = arith.constant 16 : i32
    %dma_start3A_140 = tpu.memref_slice %arg9[%dma_start3A_127, %dma_start3A_128, %dma_start3A_137, %dma_start3A_138, %dma_start3A_139] : memref<2x16x2x8x128xf32, #tpu.memory_space<vmem>> -> memref<1x1x2x8x16xf32, #tpu.memory_space<vmem>>
    %dma_start3A_141 = tpu.memref_squeeze %dma_start3A_140 : memref<1x1x2x8x16xf32, #tpu.memory_space<vmem>> -> memref<2x8x16xf32, #tpu.memory_space<vmem>>
    %dma_start3A_142 = arith.constant 0 : i32
    %dma_start3A_143 = arith.constant 0 : i32
    %dma_start3A_144 = tpu.memref_slice %arg5[%dma_start3A_142, %dma_start3A_143, %mul3A_126] : memref<2x8x1000000xf32, #tpu.memory_space<hbm>> -> memref<2x8x16xf32, #tpu.memory_space<hbm>>
    tpu.enqueue_dma source(%dma_start3A_144 : memref<2x8x16xf32, #tpu.memory_space<hbm>>) target(%dma_start3A_141 : memref<2x8x16xf32, #tpu.memory_space<vmem>>) target_semaphore(%arg13 : memref<!tpu.dma_semaphore, #tpu.memory_space<semaphore_mem>>)
    %slice3A_145 = vector.extract_strided_slice %shift_right_arithmetic3A_7 {offsets = [3], sizes = [1], strides = [1]} : vector<16xi32> to vector<1xi32>
    %squeeze3A_146 = vector.extract %slice3A_145[0] : i32 from vector<1xi32>
    %mul3A_147 = arith.constant 16 : i32
    %mul3A_148 = arith.muli %squeeze3A_146, %mul3A_147 : i32
    %dma_start3A_149 = arith.constant 0 : i32
    %dma_start3A_150 = arith.constant 3 : i32
    %dma_start3A_151 = arith.constant 0 : i32
    %dma_start3A_152 = arith.constant 0 : i32
    %dma_start3A_153 = arith.constant 0 : i32
    %dma_start3A_154 = tpu.memref_slice %arg9[%dma_start3A_149, %dma_start3A_150, %dma_start3A_151, %dma_start3A_152, %dma_start3A_153] : memref<2x16x2x8x128xf32, #tpu.memory_space<vmem>> -> memref<1x1x2x8x16xf32, #tpu.memory_space<vmem>>
    %dma_start3A_155 = tpu.memref_squeeze %dma_start3A_154 : memref<1x1x2x8x16xf32, #tpu.memory_space<vmem>> -> memref<2x8x16xf32, #tpu.memory_space<vmem>>
    %dma_start3A_156 = arith.constant 0 : i32
    %dma_start3A_157 = arith.constant 0 : i32
    %dma_start3A_158 = tpu.memref_slice %arg4[%dma_start3A_156, %dma_start3A_157, %mul3A_148] : memref<2x8x1000000xf32, #tpu.memory_space<hbm>> -> memref<2x8x16xf32, #tpu.memory_space<hbm>>
    %dma_start3A_159 = arith.constant 0 : i32
    %dma_start3A_160 = arith.constant 0 : i32
    %dma_start3A_161 = arith.constant 0 : i32
    %dma_start3A_162 = tpu.memref_slice %arg9[%dma_start3A_149, %dma_start3A_150, %dma_start3A_159, %dma_start3A_160, %dma_start3A_161] : memref<2x16x2x8x128xf32, #tpu.memory_space<vmem>> -> memref<1x1x2x8x16xf32, #tpu.memory_space<vmem>>
    %dma_start3A_163 = tpu.memref_squeeze %dma_start3A_162 : memref<1x1x2x8x16xf32, #tpu.memory_space<vmem>> -> memref<2x8x16xf32, #tpu.memory_space<vmem>>
    %dma_start3A_164 = arith.constant 0 : i32
    %dma_start3A_165 = arith.constant 0 : i32
    %dma_start3A_166 = tpu.memref_slice %arg4[%dma_start3A_164, %dma_start3A_165, %mul3A_148] : memref<2x8x1000000xf32, #tpu.memory_space<hbm>> -> memref<2x8x16xf32, #tpu.memory_space<hbm>>
    tpu.enqueue_dma source(%dma_start3A_166 : memref<2x8x16xf32, #tpu.memory_space<hbm>>) target(%dma_start3A_163 : memref<2x8x16xf32, #tpu.memory_space<vmem>>) target_semaphore(%arg14 : memref<!tpu.dma_semaphore, #tpu.memory_space<semaphore_mem>>)
    %slice3A_167 = vector.extract_strided_slice %shift_right_arithmetic3A_15 {offsets = [3], sizes = [1], strides = [1]} : vector<16xi32> to vector<1xi32>
    %squeeze3A_168 = vector.extract %slice3A_167[0] : i32 from vector<1xi32>
    %mul3A_169 = arith.constant 16 : i32
    %mul3A_170 = arith.muli %squeeze3A_168, %mul3A_169 : i32
    %dma_start3A_171 = arith.constant 0 : i32
    %dma_start3A_172 = arith.constant 3 : i32
    %dma_start3A_173 = arith.constant 0 : i32
    %dma_start3A_174 = arith.constant 0 : i32
    %dma_start3A_175 = arith.constant 16 : i32
    %dma_start3A_176 = tpu.memref_slice %arg9[%dma_start3A_171, %dma_start3A_172, %dma_start3A_173, %dma_start3A_174, %dma_start3A_175] : memref<2x16x2x8x128xf32, #tpu.memory_space<vmem>> -> memref<1x1x2x8x16xf32, #tpu.memory_space<vmem>>
    %dma_start3A_177 = tpu.memref_squeeze %dma_start3A_176 : memref<1x1x2x8x16xf32, #tpu.memory_space<vmem>> -> memref<2x8x16xf32, #tpu.memory_space<vmem>>
    %dma_start3A_178 = arith.constant 0 : i32
    %dma_start3A_179 = arith.constant 0 : i32
    %dma_start3A_180 = tpu.memref_slice %arg5[%dma_start3A_178, %dma_start3A_179, %mul3A_170] : memref<2x8x1000000xf32, #tpu.memory_space<hbm>> -> memref<2x8x16xf32, #tpu.memory_space<hbm>>
    %dma_start3A_181 = arith.constant 0 : i32
    %dma_start3A_182 = arith.constant 0 : i32
    %dma_start3A_183 = arith.constant 16 : i32
    %dma_start3A_184 = tpu.memref_slice %arg9[%dma_start3A_171, %dma_start3A_172, %dma_start3A_181, %dma_start3A_182, %dma_start3A_183] : memref<2x16x2x8x128xf32, #tpu.memory_space<vmem>> -> memref<1x1x2x8x16xf32, #tpu.memory_space<vmem>>
    %dma_start3A_185 = tpu.memref_squeeze %dma_start3A_184 : memref<1x1x2x8x16xf32, #tpu.memory_space<vmem>> -> memref<2x8x16xf32, #tpu.memory_space<vmem>>
    %dma_start3A_186 = arith.constant 0 : i32
    %dma_start3A_187 = arith.constant 0 : i32
    %dma_start3A_188 = tpu.memref_slice %arg5[%dma_start3A_186, %dma_start3A_187, %mul3A_170] : memref<2x8x1000000xf32, #tpu.memory_space<hbm>> -> memref<2x8x16xf32, #tpu.memory_space<hbm>>
    tpu.enqueue_dma source(%dma_start3A_188 : memref<2x8x16xf32, #tpu.memory_space<hbm>>) target(%dma_start3A_185 : memref<2x8x16xf32, #tpu.memory_space<vmem>>) target_semaphore(%arg15 : memref<!tpu.dma_semaphore, #tpu.memory_space<semaphore_mem>>)
    %slice3A_189 = vector.extract_strided_slice %shift_right_arithmetic3A_7 {offsets = [4], sizes = [1], strides = [1]} : vector<16xi32> to vector<1xi32>
    %squeeze3A_190 = vector.extract %slice3A_189[0] : i32 from vector<1xi32>
    %mul3A_191 = arith.constant 16 : i32
    %mul3A_192 = arith.muli %squeeze3A_190, %mul3A_191 : i32
    %dma_start3A_193 = arith.constant 0 : i32
    %dma_start3A_194 = arith.constant 4 : i32
    %dma_start3A_195 = arith.constant 0 : i32
    %dma_start3A_196 = arith.constant 0 : i32
    %dma_start3A_197 = arith.constant 0 : i32
    %dma_start3A_198 = tpu.memref_slice %arg9[%dma_start3A_193, %dma_start3A_194, %dma_start3A_195, %dma_start3A_196, %dma_start3A_197] : memref<2x16x2x8x128xf32, #tpu.memory_space<vmem>> -> memref<1x1x2x8x16xf32, #tpu.memory_space<vmem>>
    %dma_start3A_199 = tpu.memref_squeeze %dma_start3A_198 : memref<1x1x2x8x16xf32, #tpu.memory_space<vmem>> -> memref<2x8x16xf32, #tpu.memory_space<vmem>>
    %dma_start3A_200 = arith.constant 0 : i32
    %dma_start3A_201 = arith.constant 0 : i32
    %dma_start3A_202 = tpu.memref_slice %arg4[%dma_start3A_200, %dma_start3A_201, %mul3A_192] : memref<2x8x1000000xf32, #tpu.memory_space<hbm>> -> memref<2x8x16xf32, #tpu.memory_space<hbm>>
    %dma_start3A_203 = arith.constant 0 : i32
    %dma_start3A_204 = arith.constant 0 : i32
    %dma_start3A_205 = arith.constant 0 : i32
    %dma_start3A_206 = tpu.memref_slice %arg9[%dma_start3A_193, %dma_start3A_194, %dma_start3A_203, %dma_start3A_204, %dma_start3A_205] : memref<2x16x2x8x128xf32, #tpu.memory_space<vmem>> -> memref<1x1x2x8x16xf32, #tpu.memory_space<vmem>>
    %dma_start3A_207 = tpu.memref_squeeze %dma_start3A_206 : memref<1x1x2x8x16xf32, #tpu.memory_space<vmem>> -> memref<2x8x16xf32, #tpu.memory_space<vmem>>
    %dma_start3A_208 = arith.constant 0 : i32
    %dma_start3A_209 = arith.constant 0 : i32
    %dma_start3A_210 = tpu.memref_slice %arg4[%dma_start3A_208, %dma_start3A_209, %mul3A_192] : memref<2x8x1000000xf32, #tpu.memory_space<hbm>> -> memref<2x8x16xf32, #tpu.memory_space<hbm>>
    tpu.enqueue_dma source(%dma_start3A_210 : memref<2x8x16xf32, #tpu.memory_space<hbm>>) target(%dma_start3A_207 : memref<2x8x16xf32, #tpu.memory_space<vmem>>) target_semaphore(%arg12 : memref<!tpu.dma_semaphore, #tpu.memory_space<semaphore_mem>>)
    %slice3A_211 = vector.extract_strided_slice %shift_right_arithmetic3A_15 {offsets = [4], sizes = [1], strides = [1]} : vector<16xi32> to vector<1xi32>
    %squeeze3A_212 = vector.extract %slice3A_211[0] : i32 from vector<1xi32>
    %mul3A_213 = arith.constant 16 : i32
    %mul3A_214 = arith.muli %squeeze3A_212, %mul3A_213 : i32
    %dma_start3A_215 = arith.constant 0 : i32
    %dma_start3A_216 = arith.constant 4 : i32
    %dma_start3A_217 = arith.constant 0 : i32
    %dma_start3A_218 = arith.constant 0 : i32
    %dma_start3A_219 = arith.constant 16 : i32
    %dma_start3A_220 = tpu.memref_slice %arg9[%dma_start3A_215, %dma_start3A_216, %dma_start3A_217, %dma_start3A_218, %dma_start3A_219] : memref<2x16x2x8x128xf32, #tpu.memory_space<vmem>> -> memref<1x1x2x8x16xf32, #tpu.memory_space<vmem>>
    %dma_start3A_221 = tpu.memref_squeeze %dma_start3A_220 : memref<1x1x2x8x16xf32, #tpu.memory_space<vmem>> -> memref<2x8x16xf32, #tpu.memory_space<vmem>>
    %dma_start3A_222 = arith.constant 0 : i32
    %dma_start3A_223 = arith.constant 0 : i32
    %dma_start3A_224 = tpu.memref_slice %arg5[%dma_start3A_222, %dma_start3A_223, %mul3A_214] : memref<2x8x1000000xf32, #tpu.memory_space<hbm>> -> memref<2x8x16xf32, #tpu.memory_space<hbm>>
    %dma_start3A_225 = arith.constant 0 : i32
    %dma_start3A_226 = arith.constant 0 : i32
    %dma_start3A_227 = arith.constant 16 : i32
    %dma_start3A_228 = tpu.memref_slice %arg9[%dma_start3A_215, %dma_start3A_216, %dma_start3A_225, %dma_start3A_226, %dma_start3A_227] : memref<2x16x2x8x128xf32, #tpu.memory_space<vmem>> -> memref<1x1x2x8x16xf32, #tpu.memory_space<vmem>>
    %dma_start3A_229 = tpu.memref_squeeze %dma_start3A_228 : memref<1x1x2x8x16xf32, #tpu.memory_space<vmem>> -> memref<2x8x16xf32, #tpu.memory_space<vmem>>
    %dma_start3A_230 = arith.constant 0 : i32
    %dma_start3A_231 = arith.constant 0 : i32
    %dma_start3A_232 = tpu.memref_slice %arg5[%dma_start3A_230, %dma_start3A_231, %mul3A_214] : memref<2x8x1000000xf32, #tpu.memory_space<hbm>> -> memref<2x8x16xf32, #tpu.memory_space<hbm>>
    tpu.enqueue_dma source(%dma_start3A_232 : memref<2x8x16xf32, #tpu.memory_space<hbm>>) target(%dma_start3A_229 : memref<2x8x16xf32, #tpu.memory_space<vmem>>) target_semaphore(%arg13 : memref<!tpu.dma_semaphore, #tpu.memory_space<semaphore_mem>>)
    %slice3A_233 = vector.extract_strided_slice %shift_right_arithmetic3A_7 {offsets = [5], sizes = [1], strides = [1]} : vector<16xi32> to vector<1xi32>
    %squeeze3A_234 = vector.extract %slice3A_233[0] : i32 from vector<1xi32>
    %mul3A_235 = arith.constant 16 : i32
    %mul3A_236 = arith.muli %squeeze3A_234, %mul3A_235 : i32
    %dma_start3A_237 = arith.constant 0 : i32
    %dma_start3A_238 = arith.constant 5 : i32
    %dma_start3A_239 = arith.constant 0 : i32
    %dma_start3A_240 = arith.constant 0 : i32
    %dma_start3A_241 = arith.constant 0 : i32
    %dma_start3A_242 = tpu.memref_slice %arg9[%dma_start3A_237, %dma_start3A_238, %dma_start3A_239, %dma_start3A_240, %dma_start3A_241] : memref<2x16x2x8x128xf32, #tpu.memory_space<vmem>> -> memref<1x1x2x8x16xf32, #tpu.memory_space<vmem>>
    %dma_start3A_243 = tpu.memref_squeeze %dma_start3A_242 : memref<1x1x2x8x16xf32, #tpu.memory_space<vmem>> -> memref<2x8x16xf32, #tpu.memory_space<vmem>>
    %dma_start3A_244 = arith.constant 0 : i32
    %dma_start3A_245 = arith.constant 0 : i32
    %dma_start3A_246 = tpu.memref_slice %arg4[%dma_start3A_244, %dma_start3A_245, %mul3A_236] : memref<2x8x1000000xf32, #tpu.memory_space<hbm>> -> memref<2x8x16xf32, #tpu.memory_space<hbm>>
    %dma_start3A_247 = arith.constant 0 : i32
    %dma_start3A_248 = arith.constant 0 : i32
    %dma_start3A_249 = arith.constant 0 : i32
    %dma_start3A_250 = tpu.memref_slice %arg9[%dma_start3A_237, %dma_start3A_238, %dma_start3A_247, %dma_start3A_248, %dma_start3A_249] : memref<2x16x2x8x128xf32, #tpu.memory_space<vmem>> -> memref<1x1x2x8x16xf32, #tpu.memory_space<vmem>>
    %dma_start3A_251 = tpu.memref_squeeze %dma_start3A_250 : memref<1x1x2x8x16xf32, #tpu.memory_space<vmem>> -> memref<2x8x16xf32, #tpu.memory_space<vmem>>
    %dma_start3A_252 = arith.constant 0 : i32
    %dma_start3A_253 = arith.constant 0 : i32
    %dma_start3A_254 = tpu.memref_slice %arg4[%dma_start3A_252, %dma_start3A_253, %mul3A_236] : memref<2x8x1000000xf32, #tpu.memory_space<hbm>> -> memref<2x8x16xf32, #tpu.memory_space<hbm>>
    tpu.enqueue_dma source(%dma_start3A_254 : memref<2x8x16xf32, #tpu.memory_space<hbm>>) target(%dma_start3A_251 : memref<2x8x16xf32, #tpu.memory_space<vmem>>) target_semaphore(%arg14 : memref<!tpu.dma_semaphore, #tpu.memory_space<semaphore_mem>>)
    %slice3A_255 = vector.extract_strided_slice %shift_right_arithmetic3A_15 {offsets = [5], sizes = [1], strides = [1]} : vector<16xi32> to vector<1xi32>
    %squeeze3A_256 = vector.extract %slice3A_255[0] : i32 from vector<1xi32>
    %mul3A_257 = arith.constant 16 : i32
    %mul3A_258 = arith.muli %squeeze3A_256, %mul3A_257 : i32
    %dma_start3A_259 = arith.constant 0 : i32
    %dma_start3A_260 = arith.constant 5 : i32
    %dma_start3A_261 = arith.constant 0 : i32
    %dma_start3A_262 = arith.constant 0 : i32
    %dma_start3A_263 = arith.constant 16 : i32
    %dma_start3A_264 = tpu.memref_slice %arg9[%dma_start3A_259, %dma_start3A_260, %dma_start3A_261, %dma_start3A_262, %dma_start3A_263] : memref<2x16x2x8x128xf32, #tpu.memory_space<vmem>> -> memref<1x1x2x8x16xf32, #tpu.memory_space<vmem>>
    %dma_start3A_265 = tpu.memref_squeeze %dma_start3A_264 : memref<1x1x2x8x16xf32, #tpu.memory_space<vmem>> -> memref<2x8x16xf32, #tpu.memory_space<vmem>>
    %dma_start3A_266 = arith.constant 0 : i32
    %dma_start3A_267 = arith.constant 0 : i32
    %dma_start3A_268 = tpu.memref_slice %arg5[%dma_start3A_266, %dma_start3A_267, %mul3A_258] : memref<2x8x1000000xf32, #tpu.memory_space<hbm>> -> memref<2x8x16xf32, #tpu.memory_space<hbm>>
    %dma_start3A_269 = arith.constant 0 : i32
    %dma_start3A_270 = arith.constant 0 : i32
    %dma_start3A_271 = arith.constant 16 : i32
    %dma_start3A_272 = tpu.memref_slice %arg9[%dma_start3A_259, %dma_start3A_260, %dma_start3A_269, %dma_start3A_270, %dma_start3A_271] : memref<2x16x2x8x128xf32, #tpu.memory_space<vmem>> -> memref<1x1x2x8x16xf32, #tpu.memory_space<vmem>>
    %dma_start3A_273 = tpu.memref_squeeze %dma_start3A_272 : memref<1x1x2x8x16xf32, #tpu.memory_space<vmem>> -> memref<2x8x16xf32, #tpu.memory_space<vmem>>
    %dma_start3A_274 = arith.constant 0 : i32
    %dma_start3A_275 = arith.constant 0 : i32
    %dma_start3A_276 = tpu.memref_slice %arg5[%dma_start3A_274, %dma_start3A_275, %mul3A_258] : memref<2x8x1000000xf32, #tpu.memory_space<hbm>> -> memref<2x8x16xf32, #tpu.memory_space<hbm>>
    tpu.enqueue_dma source(%dma_start3A_276 : memref<2x8x16xf32, #tpu.memory_space<hbm>>) target(%dma_start3A_273 : memref<2x8x16xf32, #tpu.memory_space<vmem>>) target_semaphore(%arg15 : memref<!tpu.dma_semaphore, #tpu.memory_space<semaphore_mem>>)
    %slice3A_277 = vector.extract_strided_slice %shift_right_arithmetic3A_7 {offsets = [6], sizes = [1], strides = [1]} : vector<16xi32> to vector<1xi32>
    %squeeze3A_278 = vector.extract %slice3A_277[0] : i32 from vector<1xi32>
    %mul3A_279 = arith.constant 16 : i32
    %mul3A_280 = arith.muli %squeeze3A_278, %mul3A_279 : i32
    %dma_start3A_281 = arith.constant 0 : i32
    %dma_start3A_282 = arith.constant 6 : i32
    %dma_start3A_283 = arith.constant 0 : i32
    %dma_start3A_284 = arith.constant 0 : i32
    %dma_start3A_285 = arith.constant 0 : i32
    %dma_start3A_286 = tpu.memref_slice %arg9[%dma_start3A_281, %dma_start3A_282, %dma_start3A_283, %dma_start3A_284, %dma_start3A_285] : memref<2x16x2x8x128xf32, #tpu.memory_space<vmem>> -> memref<1x1x2x8x16xf32, #tpu.memory_space<vmem>>
    %dma_start3A_287 = tpu.memref_squeeze %dma_start3A_286 : memref<1x1x2x8x16xf32, #tpu.memory_space<vmem>> -> memref<2x8x16xf32, #tpu.memory_space<vmem>>
    %dma_start3A_288 = arith.constant 0 : i32
    %dma_start3A_289 = arith.constant 0 : i32
    %dma_start3A_290 = tpu.memref_slice %arg4[%dma_start3A_288, %dma_start3A_289, %mul3A_280] : memref<2x8x1000000xf32, #tpu.memory_space<hbm>> -> memref<2x8x16xf32, #tpu.memory_space<hbm>>
    %dma_start3A_291 = arith.constant 0 : i32
    %dma_start3A_292 = arith.constant 0 : i32
    %dma_start3A_293 = arith.constant 0 : i32
    %dma_start3A_294 = tpu.memref_slice %arg9[%dma_start3A_281, %dma_start3A_282, %dma_start3A_291, %dma_start3A_292, %dma_start3A_293] : memref<2x16x2x8x128xf32, #tpu.memory_space<vmem>> -> memref<1x1x2x8x16xf32, #tpu.memory_space<vmem>>
    %dma_start3A_295 = tpu.memref_squeeze %dma_start3A_294 : memref<1x1x2x8x16xf32, #tpu.memory_space<vmem>> -> memref<2x8x16xf32, #tpu.memory_space<vmem>>
    %dma_start3A_296 = arith.constant 0 : i32
    %dma_start3A_297 = arith.constant 0 : i32
    %dma_start3A_298 = tpu.memref_slice %arg4[%dma_start3A_296, %dma_start3A_297, %mul3A_280] : memref<2x8x1000000xf32, #tpu.memory_space<hbm>> -> memref<2x8x16xf32, #tpu.memory_space<hbm>>
    tpu.enqueue_dma source(%dma_start3A_298 : memref<2x8x16xf32, #tpu.memory_space<hbm>>) target(%dma_start3A_295 : memref<2x8x16xf32, #tpu.memory_space<vmem>>) target_semaphore(%arg12 : memref<!tpu.dma_semaphore, #tpu.memory_space<semaphore_mem>>)
    %slice3A_299 = vector.extract_strided_slice %shift_right_arithmetic3A_15 {offsets = [6], sizes = [1], strides = [1]} : vector<16xi32> to vector<1xi32>
    %squeeze3A_300 = vector.extract %slice3A_299[0] : i32 from vector<1xi32>
    %mul3A_301 = arith.constant 16 : i32
    %mul3A_302 = arith.muli %squeeze3A_300, %mul3A_301 : i32
    %dma_start3A_303 = arith.constant 0 : i32
    %dma_start3A_304 = arith.constant 6 : i32
    %dma_start3A_305 = arith.constant 0 : i32
    %dma_start3A_306 = arith.constant 0 : i32
    %dma_start3A_307 = arith.constant 16 : i32
    %dma_start3A_308 = tpu.memref_slice %arg9[%dma_start3A_303, %dma_start3A_304, %dma_start3A_305, %dma_start3A_306, %dma_start3A_307] : memref<2x16x2x8x128xf32, #tpu.memory_space<vmem>> -> memref<1x1x2x8x16xf32, #tpu.memory_space<vmem>>
    %dma_start3A_309 = tpu.memref_squeeze %dma_start3A_308 : memref<1x1x2x8x16xf32, #tpu.memory_space<vmem>> -> memref<2x8x16xf32, #tpu.memory_space<vmem>>
    %dma_start3A_310 = arith.constant 0 : i32
    %dma_start3A_311 = arith.constant 0 : i32
    %dma_start3A_312 = tpu.memref_slice %arg5[%dma_start3A_310, %dma_start3A_311, %mul3A_302] : memref<2x8x1000000xf32, #tpu.memory_space<hbm>> -> memref<2x8x16xf32, #tpu.memory_space<hbm>>
    %dma_start3A_313 = arith.constant 0 : i32
    %dma_start3A_314 = arith.constant 0 : i32
    %dma_start3A_315 = arith.constant 16 : i32
    %dma_start3A_316 = tpu.memref_slice %arg9[%dma_start3A_303, %dma_start3A_304, %dma_start3A_313, %dma_start3A_314, %dma_start3A_315] : memref<2x16x2x8x128xf32, #tpu.memory_space<vmem>> -> memref<1x1x2x8x16xf32, #tpu.memory_space<vmem>>
    %dma_start3A_317 = tpu.memref_squeeze %dma_start3A_316 : memref<1x1x2x8x16xf32, #tpu.memory_space<vmem>> -> memref<2x8x16xf32, #tpu.memory_space<vmem>>
    %dma_start3A_318 = arith.constant 0 : i32
    %dma_start3A_319 = arith.constant 0 : i32
    %dma_start3A_320 = tpu.memref_slice %arg5[%dma_start3A_318, %dma_start3A_319, %mul3A_302] : memref<2x8x1000000xf32, #tpu.memory_space<hbm>> -> memref<2x8x16xf32, #tpu.memory_space<hbm>>
    tpu.enqueue_dma source(%dma_start3A_320 : memref<2x8x16xf32, #tpu.memory_space<hbm>>) target(%dma_start3A_317 : memref<2x8x16xf32, #tpu.memory_space<vmem>>) target_semaphore(%arg13 : memref<!tpu.dma_semaphore, #tpu.memory_space<semaphore_mem>>)
    %slice3A_321 = vector.extract_strided_slice %shift_right_arithmetic3A_7 {offsets = [7], sizes = [1], strides = [1]} : vector<16xi32> to vector<1xi32>
    %squeeze3A_322 = vector.extract %slice3A_321[0] : i32 from vector<1xi32>
    %mul3A_323 = arith.constant 16 : i32
    %mul3A_324 = arith.muli %squeeze3A_322, %mul3A_323 : i32
    %dma_start3A_325 = arith.constant 0 : i32
    %dma_start3A_326 = arith.constant 7 : i32
    %dma_start3A_327 = arith.constant 0 : i32
    %dma_start3A_328 = arith.constant 0 : i32
    %dma_start3A_329 = arith.constant 0 : i32
    %dma_start3A_330 = tpu.memref_slice %arg9[%dma_start3A_325, %dma_start3A_326, %dma_start3A_327, %dma_start3A_328, %dma_start3A_329] : memref<2x16x2x8x128xf32, #tpu.memory_space<vmem>> -> memref<1x1x2x8x16xf32, #tpu.memory_space<vmem>>
    %dma_start3A_331 = tpu.memref_squeeze %dma_start3A_330 : memref<1x1x2x8x16xf32, #tpu.memory_space<vmem>> -> memref<2x8x16xf32, #tpu.memory_space<vmem>>
    %dma_start3A_332 = arith.constant 0 : i32
    %dma_start3A_333 = arith.constant 0 : i32
    %dma_start3A_334 = tpu.memref_slice %arg4[%dma_start3A_332, %dma_start3A_333, %mul3A_324] : memref<2x8x1000000xf32, #tpu.memory_space<hbm>> -> memref<2x8x16xf32, #tpu.memory_space<hbm>>
    %dma_start3A_335 = arith.constant 0 : i32
    %dma_start3A_336 = arith.constant 0 : i32
    %dma_start3A_337 = arith.constant 0 : i32
    %dma_start3A_338 = tpu.memref_slice %arg9[%dma_start3A_325, %dma_start3A_326, %dma_start3A_335, %dma_start3A_336, %dma_start3A_337] : memref<2x16x2x8x128xf32, #tpu.memory_space<vmem>> -> memref<1x1x2x8x16xf32, #tpu.memory_space<vmem>>
    %dma_start3A_339 = tpu.memref_squeeze %dma_start3A_338 : memref<1x1x2x8x16xf32, #tpu.memory_space<vmem>> -> memref<2x8x16xf32, #tpu.memory_space<vmem>>
    %dma_start3A_340 = arith.constant 0 : i32
    %dma_start3A_341 = arith.constant 0 : i32
    %dma_start3A_342 = tpu.memref_slice %arg4[%dma_start3A_340, %dma_start3A_341, %mul3A_324] : memref<2x8x1000000xf32, #tpu.memory_space<hbm>> -> memref<2x8x16xf32, #tpu.memory_space<hbm>>
    tpu.enqueue_dma source(%dma_start3A_342 : memref<2x8x16xf32, #tpu.memory_space<hbm>>) target(%dma_start3A_339 : memref<2x8x16xf32, #tpu.memory_space<vmem>>) target_semaphore(%arg14 : memref<!tpu.dma_semaphore, #tpu.memory_space<semaphore_mem>>)
    %slice3A_343 = vector.extract_strided_slice %shift_right_arithmetic3A_15 {offsets = [7], sizes = [1], strides = [1]} : vector<16xi32> to vector<1xi32>
    %squeeze3A_344 = vector.extract %slice3A_343[0] : i32 from vector<1xi32>
    %mul3A_345 = arith.constant 16 : i32
    %mul3A_346 = arith.muli %squeeze3A_344, %mul3A_345 : i32
    %dma_start3A_347 = arith.constant 0 : i32
    %dma_start3A_348 = arith.constant 7 : i32
    %dma_start3A_349 = arith.constant 0 : i32
    %dma_start3A_350 = arith.constant 0 : i32
    %dma_start3A_351 = arith.constant 16 : i32
    %dma_start3A_352 = tpu.memref_slice %arg9[%dma_start3A_347, %dma_start3A_348, %dma_start3A_349, %dma_start3A_350, %dma_start3A_351] : memref<2x16x2x8x128xf32, #tpu.memory_space<vmem>> -> memref<1x1x2x8x16xf32, #tpu.memory_space<vmem>>
    %dma_start3A_353 = tpu.memref_squeeze %dma_start3A_352 : memref<1x1x2x8x16xf32, #tpu.memory_space<vmem>> -> memref<2x8x16xf32, #tpu.memory_space<vmem>>
    %dma_start3A_354 = arith.constant 0 : i32
    %dma_start3A_355 = arith.constant 0 : i32
    %dma_start3A_356 = tpu.memref_slice %arg5[%dma_start3A_354, %dma_start3A_355, %mul3A_346] : memref<2x8x1000000xf32, #tpu.memory_space<hbm>> -> memref<2x8x16xf32, #tpu.memory_space<hbm>>
    %dma_start3A_357 = arith.constant 0 : i32
    %dma_start3A_358 = arith.constant 0 : i32
    %dma_start3A_359 = arith.constant 16 : i32
    %dma_start3A_360 = tpu.memref_slice %arg9[%dma_start3A_347, %dma_start3A_348, %dma_start3A_357, %dma_start3A_358, %dma_start3A_359] : memref<2x16x2x8x128xf32, #tpu.memory_space<vmem>> -> memref<1x1x2x8x16xf32, #tpu.memory_space<vmem>>
    %dma_start3A_361 = tpu.memref_squeeze %dma_start3A_360 : memref<1x1x2x8x16xf32, #tpu.memory_space<vmem>> -> memref<2x8x16xf32, #tpu.memory_space<vmem>>
    %dma_start3A_362 = arith.constant 0 : i32
    %dma_start3A_363 = arith.constant 0 : i32
    %dma_start3A_364 = tpu.memref_slice %arg5[%dma_start3A_362, %dma_start3A_363, %mul3A_346] : memref<2x8x1000000xf32, #tpu.memory_space<hbm>> -> memref<2x8x16xf32, #tpu.memory_space<hbm>>
    tpu.enqueue_dma source(%dma_start3A_364 : memref<2x8x16xf32, #tpu.memory_space<hbm>>) target(%dma_start3A_361 : memref<2x8x16xf32, #tpu.memory_space<vmem>>) target_semaphore(%arg15 : memref<!tpu.dma_semaphore, #tpu.memory_space<semaphore_mem>>)
    %slice3A_365 = vector.extract_strided_slice %shift_right_arithmetic3A_7 {offsets = [8], sizes = [1], strides = [1]} : vector<16xi32> to vector<1xi32>
    %squeeze3A_366 = vector.extract %slice3A_365[0] : i32 from vector<1xi32>
    %mul3A_367 = arith.constant 16 : i32
    %mul3A_368 = arith.muli %squeeze3A_366, %mul3A_367 : i32
    %dma_start3A_369 = arith.constant 0 : i32
    %dma_start3A_370 = arith.constant 8 : i32
    %dma_start3A_371 = arith.constant 0 : i32
    %dma_start3A_372 = arith.constant 0 : i32
    %dma_start3A_373 = arith.constant 0 : i32
    %dma_start3A_374 = tpu.memref_slice %arg9[%dma_start3A_369, %dma_start3A_370, %dma_start3A_371, %dma_start3A_372, %dma_start3A_373] : memref<2x16x2x8x128xf32, #tpu.memory_space<vmem>> -> memref<1x1x2x8x16xf32, #tpu.memory_space<vmem>>
    %dma_start3A_375 = tpu.memref_squeeze %dma_start3A_374 : memref<1x1x2x8x16xf32, #tpu.memory_space<vmem>> -> memref<2x8x16xf32, #tpu.memory_space<vmem>>
    %dma_start3A_376 = arith.constant 0 : i32
    %dma_start3A_377 = arith.constant 0 : i32
    %dma_start3A_378 = tpu.memref_slice %arg4[%dma_start3A_376, %dma_start3A_377, %mul3A_368] : memref<2x8x1000000xf32, #tpu.memory_space<hbm>> -> memref<2x8x16xf32, #tpu.memory_space<hbm>>
    %dma_start3A_379 = arith.constant 0 : i32
    %dma_start3A_380 = arith.constant 0 : i32
    %dma_start3A_381 = arith.constant 0 : i32
    %dma_start3A_382 = tpu.memref_slice %arg9[%dma_start3A_369, %dma_start3A_370, %dma_start3A_379, %dma_start3A_380, %dma_start3A_381] : memref<2x16x2x8x128xf32, #tpu.memory_space<vmem>> -> memref<1x1x2x8x16xf32, #tpu.memory_space<vmem>>
    %dma_start3A_383 = tpu.memref_squeeze %dma_start3A_382 : memref<1x1x2x8x16xf32, #tpu.memory_space<vmem>> -> memref<2x8x16xf32, #tpu.memory_space<vmem>>
    %dma_start3A_384 = arith.constant 0 : i32
    %dma_start3A_385 = arith.constant 0 : i32
    %dma_start3A_386 = tpu.memref_slice %arg4[%dma_start3A_384, %dma_start3A_385, %mul3A_368] : memref<2x8x1000000xf32, #tpu.memory_space<hbm>> -> memref<2x8x16xf32, #tpu.memory_space<hbm>>
    tpu.enqueue_dma source(%dma_start3A_386 : memref<2x8x16xf32, #tpu.memory_space<hbm>>) target(%dma_start3A_383 : memref<2x8x16xf32, #tpu.memory_space<vmem>>) target_semaphore(%arg12 : memref<!tpu.dma_semaphore, #tpu.memory_space<semaphore_mem>>)
    %slice3A_387 = vector.extract_strided_slice %shift_right_arithmetic3A_15 {offsets = [8], sizes = [1], strides = [1]} : vector<16xi32> to vector<1xi32>
    %squeeze3A_388 = vector.extract %slice3A_387[0] : i32 from vector<1xi32>
    %mul3A_389 = arith.constant 16 : i32
    %mul3A_390 = arith.muli %squeeze3A_388, %mul3A_389 : i32
    %dma_start3A_391 = arith.constant 0 : i32
    %dma_start3A_392 = arith.constant 8 : i32
    %dma_start3A_393 = arith.constant 0 : i32
    %dma_start3A_394 = arith.constant 0 : i32
    %dma_start3A_395 = arith.constant 16 : i32
    %dma_start3A_396 = tpu.memref_slice %arg9[%dma_start3A_391, %dma_start3A_392, %dma_start3A_393, %dma_start3A_394, %dma_start3A_395] : memref<2x16x2x8x128xf32, #tpu.memory_space<vmem>> -> memref<1x1x2x8x16xf32, #tpu.memory_space<vmem>>
    %dma_start3A_397 = tpu.memref_squeeze %dma_start3A_396 : memref<1x1x2x8x16xf32, #tpu.memory_space<vmem>> -> memref<2x8x16xf32, #tpu.memory_space<vmem>>
    %dma_start3A_398 = arith.constant 0 : i32
    %dma_start3A_399 = arith.constant 0 : i32
    %dma_start3A_400 = tpu.memref_slice %arg5[%dma_start3A_398, %dma_start3A_399, %mul3A_390] : memref<2x8x1000000xf32, #tpu.memory_space<hbm>> -> memref<2x8x16xf32, #tpu.memory_space<hbm>>
    %dma_start3A_401 = arith.constant 0 : i32
    %dma_start3A_402 = arith.constant 0 : i32
    %dma_start3A_403 = arith.constant 16 : i32
    %dma_start3A_404 = tpu.memref_slice %arg9[%dma_start3A_391, %dma_start3A_392, %dma_start3A_401, %dma_start3A_402, %dma_start3A_403] : memref<2x16x2x8x128xf32, #tpu.memory_space<vmem>> -> memref<1x1x2x8x16xf32, #tpu.memory_space<vmem>>
    %dma_start3A_405 = tpu.memref_squeeze %dma_start3A_404 : memref<1x1x2x8x16xf32, #tpu.memory_space<vmem>> -> memref<2x8x16xf32, #tpu.memory_space<vmem>>
    %dma_start3A_406 = arith.constant 0 : i32
    %dma_start3A_407 = arith.constant 0 : i32
    %dma_start3A_408 = tpu.memref_slice %arg5[%dma_start3A_406, %dma_start3A_407, %mul3A_390] : memref<2x8x1000000xf32, #tpu.memory_space<hbm>> -> memref<2x8x16xf32, #tpu.memory_space<hbm>>
    tpu.enqueue_dma source(%dma_start3A_408 : memref<2x8x16xf32, #tpu.memory_space<hbm>>) target(%dma_start3A_405 : memref<2x8x16xf32, #tpu.memory_space<vmem>>) target_semaphore(%arg13 : memref<!tpu.dma_semaphore, #tpu.memory_space<semaphore_mem>>)
    %slice3A_409 = vector.extract_strided_slice %shift_right_arithmetic3A_7 {offsets = [9], sizes = [1], strides = [1]} : vector<16xi32> to vector<1xi32>
    %squeeze3A_410 = vector.extract %slice3A_409[0] : i32 from vector<1xi32>
    %mul3A_411 = arith.constant 16 : i32
    %mul3A_412 = arith.muli %squeeze3A_410, %mul3A_411 : i32
    %dma_start3A_413 = arith.constant 0 : i32
    %dma_start3A_414 = arith.constant 9 : i32
    %dma_start3A_415 = arith.constant 0 : i32
    %dma_start3A_416 = arith.constant 0 : i32
    %dma_start3A_417 = arith.constant 0 : i32
    %dma_start3A_418 = tpu.memref_slice %arg9[%dma_start3A_413, %dma_start3A_414, %dma_start3A_415, %dma_start3A_416, %dma_start3A_417] : memref<2x16x2x8x128xf32, #tpu.memory_space<vmem>> -> memref<1x1x2x8x16xf32, #tpu.memory_space<vmem>>
    %dma_start3A_419 = tpu.memref_squeeze %dma_start3A_418 : memref<1x1x2x8x16xf32, #tpu.memory_space<vmem>> -> memref<2x8x16xf32, #tpu.memory_space<vmem>>
    %dma_start3A_420 = arith.constant 0 : i32
    %dma_start3A_421 = arith.constant 0 : i32
    %dma_start3A_422 = tpu.memref_slice %arg4[%dma_start3A_420, %dma_start3A_421, %mul3A_412] : memref<2x8x1000000xf32, #tpu.memory_space<hbm>> -> memref<2x8x16xf32, #tpu.memory_space<hbm>>
    %dma_start3A_423 = arith.constant 0 : i32
    %dma_start3A_424 = arith.constant 0 : i32
    %dma_start3A_425 = arith.constant 0 : i32
    %dma_start3A_426 = tpu.memref_slice %arg9[%dma_start3A_413, %dma_start3A_414, %dma_start3A_423, %dma_start3A_424, %dma_start3A_425] : memref<2x16x2x8x128xf32, #tpu.memory_space<vmem>> -> memref<1x1x2x8x16xf32, #tpu.memory_space<vmem>>
    %dma_start3A_427 = tpu.memref_squeeze %dma_start3A_426 : memref<1x1x2x8x16xf32, #tpu.memory_space<vmem>> -> memref<2x8x16xf32, #tpu.memory_space<vmem>>
    %dma_start3A_428 = arith.constant 0 : i32
    %dma_start3A_429 = arith.constant 0 : i32
    %dma_start3A_430 = tpu.memref_slice %arg4[%dma_start3A_428, %dma_start3A_429, %mul3A_412] : memref<2x8x1000000xf32, #tpu.memory_space<hbm>> -> memref<2x8x16xf32, #tpu.memory_space<hbm>>
    tpu.enqueue_dma source(%dma_start3A_430 : memref<2x8x16xf32, #tpu.memory_space<hbm>>) target(%dma_start3A_427 : memref<2x8x16xf32, #tpu.memory_space<vmem>>) target_semaphore(%arg14 : memref<!tpu.dma_semaphore, #tpu.memory_space<semaphore_mem>>)
    %slice3A_431 = vector.extract_strided_slice %shift_right_arithmetic3A_15 {offsets = [9], sizes = [1], strides = [1]} : vector<16xi32> to vector<1xi32>
    %squeeze3A_432 = vector.extract %slice3A_431[0] : i32 from vector<1xi32>
    %mul3A_433 = arith.constant 16 : i32
    %mul3A_434 = arith.muli %squeeze3A_432, %mul3A_433 : i32
    %dma_start3A_435 = arith.constant 0 : i32
    %dma_start3A_436 = arith.constant 9 : i32
    %dma_start3A_437 = arith.constant 0 : i32
    %dma_start3A_438 = arith.constant 0 : i32
    %dma_start3A_439 = arith.constant 16 : i32
    %dma_start3A_440 = tpu.memref_slice %arg9[%dma_start3A_435, %dma_start3A_436, %dma_start3A_437, %dma_start3A_438, %dma_start3A_439] : memref<2x16x2x8x128xf32, #tpu.memory_space<vmem>> -> memref<1x1x2x8x16xf32, #tpu.memory_space<vmem>>
    %dma_start3A_441 = tpu.memref_squeeze %dma_start3A_440 : memref<1x1x2x8x16xf32, #tpu.memory_space<vmem>> -> memref<2x8x16xf32, #tpu.memory_space<vmem>>
    %dma_start3A_442 = arith.constant 0 : i32
    %dma_start3A_443 = arith.constant 0 : i32
    %dma_start3A_444 = tpu.memref_slice %arg5[%dma_start3A_442, %dma_start3A_443, %mul3A_434] : memref<2x8x1000000xf32, #tpu.memory_space<hbm>> -> memref<2x8x16xf32, #tpu.memory_space<hbm>>
    %dma_start3A_445 = arith.constant 0 : i32
    %dma_start3A_446 = arith.constant 0 : i32
    %dma_start3A_447 = arith.constant 16 : i32
    %dma_start3A_448 = tpu.memref_slice %arg9[%dma_start3A_435, %dma_start3A_436, %dma_start3A_445, %dma_start3A_446, %dma_start3A_447] : memref<2x16x2x8x128xf32, #tpu.memory_space<vmem>> -> memref<1x1x2x8x16xf32, #tpu.memory_space<vmem>>
    %dma_start3A_449 = tpu.memref_squeeze %dma_start3A_448 : memref<1x1x2x8x16xf32, #tpu.memory_space<vmem>> -> memref<2x8x16xf32, #tpu.memory_space<vmem>>
    %dma_start3A_450 = arith.constant 0 : i32
    %dma_start3A_451 = arith.constant 0 : i32
    %dma_start3A_452 = tpu.memref_slice %arg5[%dma_start3A_450, %dma_start3A_451, %mul3A_434] : memref<2x8x1000000xf32, #tpu.memory_space<hbm>> -> memref<2x8x16xf32, #tpu.memory_space<hbm>>
    tpu.enqueue_dma source(%dma_start3A_452 : memref<2x8x16xf32, #tpu.memory_space<hbm>>) target(%dma_start3A_449 : memref<2x8x16xf32, #tpu.memory_space<vmem>>) target_semaphore(%arg15 : memref<!tpu.dma_semaphore, #tpu.memory_space<semaphore_mem>>)
    %slice3A_453 = vector.extract_strided_slice %shift_right_arithmetic3A_7 {offsets = [10], sizes = [1], strides = [1]} : vector<16xi32> to vector<1xi32>
    %squeeze3A_454 = vector.extract %slice3A_453[0] : i32 from vector<1xi32>
    %mul3A_455 = arith.constant 16 : i32
    %mul3A_456 = arith.muli %squeeze3A_454, %mul3A_455 : i32
    %dma_start3A_457 = arith.constant 0 : i32
    %dma_start3A_458 = arith.constant 10 : i32
    %dma_start3A_459 = arith.constant 0 : i32
    %dma_start3A_460 = arith.constant 0 : i32
    %dma_start3A_461 = arith.constant 0 : i32
    %dma_start3A_462 = tpu.memref_slice %arg9[%dma_start3A_457, %dma_start3A_458, %dma_start3A_459, %dma_start3A_460, %dma_start3A_461] : memref<2x16x2x8x128xf32, #tpu.memory_space<vmem>> -> memref<1x1x2x8x16xf32, #tpu.memory_space<vmem>>
    %dma_start3A_463 = tpu.memref_squeeze %dma_start3A_462 : memref<1x1x2x8x16xf32, #tpu.memory_space<vmem>> -> memref<2x8x16xf32, #tpu.memory_space<vmem>>
    %dma_start3A_464 = arith.constant 0 : i32
    %dma_start3A_465 = arith.constant 0 : i32
    %dma_start3A_466 = tpu.memref_slice %arg4[%dma_start3A_464, %dma_start3A_465, %mul3A_456] : memref<2x8x1000000xf32, #tpu.memory_space<hbm>> -> memref<2x8x16xf32, #tpu.memory_space<hbm>>
    %dma_start3A_467 = arith.constant 0 : i32
    %dma_start3A_468 = arith.constant 0 : i32
    %dma_start3A_469 = arith.constant 0 : i32
    %dma_start3A_470 = tpu.memref_slice %arg9[%dma_start3A_457, %dma_start3A_458, %dma_start3A_467, %dma_start3A_468, %dma_start3A_469] : memref<2x16x2x8x128xf32, #tpu.memory_space<vmem>> -> memref<1x1x2x8x16xf32, #tpu.memory_space<vmem>>
    %dma_start3A_471 = tpu.memref_squeeze %dma_start3A_470 : memref<1x1x2x8x16xf32, #tpu.memory_space<vmem>> -> memref<2x8x16xf32, #tpu.memory_space<vmem>>
    %dma_start3A_472 = arith.constant 0 : i32
    %dma_start3A_473 = arith.constant 0 : i32
    %dma_start3A_474 = tpu.memref_slice %arg4[%dma_start3A_472, %dma_start3A_473, %mul3A_456] : memref<2x8x1000000xf32, #tpu.memory_space<hbm>> -> memref<2x8x16xf32, #tpu.memory_space<hbm>>
    tpu.enqueue_dma source(%dma_start3A_474 : memref<2x8x16xf32, #tpu.memory_space<hbm>>) target(%dma_start3A_471 : memref<2x8x16xf32, #tpu.memory_space<vmem>>) target_semaphore(%arg12 : memref<!tpu.dma_semaphore, #tpu.memory_space<semaphore_mem>>)
    %slice3A_475 = vector.extract_strided_slice %shift_right_arithmetic3A_15 {offsets = [10], sizes = [1], strides = [1]} : vector<16xi32> to vector<1xi32>
    %squeeze3A_476 = vector.extract %slice3A_475[0] : i32 from vector<1xi32>
    %mul3A_477 = arith.constant 16 : i32
    %mul3A_478 = arith.muli %squeeze3A_476, %mul3A_477 : i32
    %dma_start3A_479 = arith.constant 0 : i32
    %dma_start3A_480 = arith.constant 10 : i32
    %dma_start3A_481 = arith.constant 0 : i32
    %dma_start3A_482 = arith.constant 0 : i32
    %dma_start3A_483 = arith.constant 16 : i32
    %dma_start3A_484 = tpu.memref_slice %arg9[%dma_start3A_479, %dma_start3A_480, %dma_start3A_481, %dma_start3A_482, %dma_start3A_483] : memref<2x16x2x8x128xf32, #tpu.memory_space<vmem>> -> memref<1x1x2x8x16xf32, #tpu.memory_space<vmem>>
    %dma_start3A_485 = tpu.memref_squeeze %dma_start3A_484 : memref<1x1x2x8x16xf32, #tpu.memory_space<vmem>> -> memref<2x8x16xf32, #tpu.memory_space<vmem>>
    %dma_start3A_486 = arith.constant 0 : i32
    %dma_start3A_487 = arith.constant 0 : i32
    %dma_start3A_488 = tpu.memref_slice %arg5[%dma_start3A_486, %dma_start3A_487, %mul3A_478] : memref<2x8x1000000xf32, #tpu.memory_space<hbm>> -> memref<2x8x16xf32, #tpu.memory_space<hbm>>
    %dma_start3A_489 = arith.constant 0 : i32
    %dma_start3A_490 = arith.constant 0 : i32
    %dma_start3A_491 = arith.constant 16 : i32
    %dma_start3A_492 = tpu.memref_slice %arg9[%dma_start3A_479, %dma_start3A_480, %dma_start3A_489, %dma_start3A_490, %dma_start3A_491] : memref<2x16x2x8x128xf32, #tpu.memory_space<vmem>> -> memref<1x1x2x8x16xf32, #tpu.memory_space<vmem>>
    %dma_start3A_493 = tpu.memref_squeeze %dma_start3A_492 : memref<1x1x2x8x16xf32, #tpu.memory_space<vmem>> -> memref<2x8x16xf32, #tpu.memory_space<vmem>>
    %dma_start3A_494 = arith.constant 0 : i32
    %dma_start3A_495 = arith.constant 0 : i32
    %dma_start3A_496 = tpu.memref_slice %arg5[%dma_start3A_494, %dma_start3A_495, %mul3A_478] : memref<2x8x1000000xf32, #tpu.memory_space<hbm>> -> memref<2x8x16xf32, #tpu.memory_space<hbm>>
    tpu.enqueue_dma source(%dma_start3A_496 : memref<2x8x16xf32, #tpu.memory_space<hbm>>) target(%dma_start3A_493 : memref<2x8x16xf32, #tpu.memory_space<vmem>>) target_semaphore(%arg13 : memref<!tpu.dma_semaphore, #tpu.memory_space<semaphore_mem>>)
    %slice3A_497 = vector.extract_strided_slice %shift_right_arithmetic3A_7 {offsets = [11], sizes = [1], strides = [1]} : vector<16xi32> to vector<1xi32>
    %squeeze3A_498 = vector.extract %slice3A_497[0] : i32 from vector<1xi32>
    %mul3A_499 = arith.constant 16 : i32
    %mul3A_500 = arith.muli %squeeze3A_498, %mul3A_499 : i32
    %dma_start3A_501 = arith.constant 0 : i32
    %dma_start3A_502 = arith.constant 11 : i32
    %dma_start3A_503 = arith.constant 0 : i32
    %dma_start3A_504 = arith.constant 0 : i32
    %dma_start3A_505 = arith.constant 0 : i32
    %dma_start3A_506 = tpu.memref_slice %arg9[%dma_start3A_501, %dma_start3A_502, %dma_start3A_503, %dma_start3A_504, %dma_start3A_505] : memref<2x16x2x8x128xf32, #tpu.memory_space<vmem>> -> memref<1x1x2x8x16xf32, #tpu.memory_space<vmem>>
    %dma_start3A_507 = tpu.memref_squeeze %dma_start3A_506 : memref<1x1x2x8x16xf32, #tpu.memory_space<vmem>> -> memref<2x8x16xf32, #tpu.memory_space<vmem>>
    %dma_start3A_508 = arith.constant 0 : i32
    %dma_start3A_509 = arith.constant 0 : i32
    %dma_start3A_510 = tpu.memref_slice %arg4[%dma_start3A_508, %dma_start3A_509, %mul3A_500] : memref<2x8x1000000xf32, #tpu.memory_space<hbm>> -> memref<2x8x16xf32, #tpu.memory_space<hbm>>
    %dma_start3A_511 = arith.constant 0 : i32
    %dma_start3A_512 = arith.constant 0 : i32
    %dma_start3A_513 = arith.constant 0 : i32
    %dma_start3A_514 = tpu.memref_slice %arg9[%dma_start3A_501, %dma_start3A_502, %dma_start3A_511, %dma_start3A_512, %dma_start3A_513] : memref<2x16x2x8x128xf32, #tpu.memory_space<vmem>> -> memref<1x1x2x8x16xf32, #tpu.memory_space<vmem>>
    %dma_start3A_515 = tpu.memref_squeeze %dma_start3A_514 : memref<1x1x2x8x16xf32, #tpu.memory_space<vmem>> -> memref<2x8x16xf32, #tpu.memory_space<vmem>>
    %dma_start3A_516 = arith.constant 0 : i32
    %dma_start3A_517 = arith.constant 0 : i32
    %dma_start3A_518 = tpu.memref_slice %arg4[%dma_start3A_516, %dma_start3A_517, %mul3A_500] : memref<2x8x1000000xf32, #tpu.memory_space<hbm>> -> memref<2x8x16xf32, #tpu.memory_space<hbm>>
    tpu.enqueue_dma source(%dma_start3A_518 : memref<2x8x16xf32, #tpu.memory_space<hbm>>) target(%dma_start3A_515 : memref<2x8x16xf32, #tpu.memory_space<vmem>>) target_semaphore(%arg14 : memref<!tpu.dma_semaphore, #tpu.memory_space<semaphore_mem>>)
    %slice3A_519 = vector.extract_strided_slice %shift_right_arithmetic3A_15 {offsets = [11], sizes = [1], strides = [1]} : vector<16xi32> to vector<1xi32>
    %squeeze3A_520 = vector.extract %slice3A_519[0] : i32 from vector<1xi32>
    %mul3A_521 = arith.constant 16 : i32
    %mul3A_522 = arith.muli %squeeze3A_520, %mul3A_521 : i32
    %dma_start3A_523 = arith.constant 0 : i32
    %dma_start3A_524 = arith.constant 11 : i32
    %dma_start3A_525 = arith.constant 0 : i32
    %dma_start3A_526 = arith.constant 0 : i32
    %dma_start3A_527 = arith.constant 16 : i32
    %dma_start3A_528 = tpu.memref_slice %arg9[%dma_start3A_523, %dma_start3A_524, %dma_start3A_525, %dma_start3A_526, %dma_start3A_527] : memref<2x16x2x8x128xf32, #tpu.memory_space<vmem>> -> memref<1x1x2x8x16xf32, #tpu.memory_space<vmem>>
    %dma_start3A_529 = tpu.memref_squeeze %dma_start3A_528 : memref<1x1x2x8x16xf32, #tpu.memory_space<vmem>> -> memref<2x8x16xf32, #tpu.memory_space<vmem>>
    %dma_start3A_530 = arith.constant 0 : i32
    %dma_start3A_531 = arith.constant 0 : i32
    %dma_start3A_532 = tpu.memref_slice %arg5[%dma_start3A_530, %dma_start3A_531, %mul3A_522] : memref<2x8x1000000xf32, #tpu.memory_space<hbm>> -> memref<2x8x16xf32, #tpu.memory_space<hbm>>
    %dma_start3A_533 = arith.constant 0 : i32
    %dma_start3A_534 = arith.constant 0 : i32
    %dma_start3A_535 = arith.constant 16 : i32
    %dma_start3A_536 = tpu.memref_slice %arg9[%dma_start3A_523, %dma_start3A_524, %dma_start3A_533, %dma_start3A_534, %dma_start3A_535] : memref<2x16x2x8x128xf32, #tpu.memory_space<vmem>> -> memref<1x1x2x8x16xf32, #tpu.memory_space<vmem>>
    %dma_start3A_537 = tpu.memref_squeeze %dma_start3A_536 : memref<1x1x2x8x16xf32, #tpu.memory_space<vmem>> -> memref<2x8x16xf32, #tpu.memory_space<vmem>>
    %dma_start3A_538 = arith.constant 0 : i32
    %dma_start3A_539 = arith.constant 0 : i32
    %dma_start3A_540 = tpu.memref_slice %arg5[%dma_start3A_538, %dma_start3A_539, %mul3A_522] : memref<2x8x1000000xf32, #tpu.memory_space<hbm>> -> memref<2x8x16xf32, #tpu.memory_space<hbm>>
    tpu.enqueue_dma source(%dma_start3A_540 : memref<2x8x16xf32, #tpu.memory_space<hbm>>) target(%dma_start3A_537 : memref<2x8x16xf32, #tpu.memory_space<vmem>>) target_semaphore(%arg15 : memref<!tpu.dma_semaphore, #tpu.memory_space<semaphore_mem>>)
    %slice3A_541 = vector.extract_strided_slice %shift_right_arithmetic3A_7 {offsets = [12], sizes = [1], strides = [1]} : vector<16xi32> to vector<1xi32>
    %squeeze3A_542 = vector.extract %slice3A_541[0] : i32 from vector<1xi32>
    %mul3A_543 = arith.constant 16 : i32
    %mul3A_544 = arith.muli %squeeze3A_542, %mul3A_543 : i32
    %dma_start3A_545 = arith.constant 0 : i32
    %dma_start3A_546 = arith.constant 12 : i32
    %dma_start3A_547 = arith.constant 0 : i32
    %dma_start3A_548 = arith.constant 0 : i32
    %dma_start3A_549 = arith.constant 0 : i32
    %dma_start3A_550 = tpu.memref_slice %arg9[%dma_start3A_545, %dma_start3A_546, %dma_start3A_547, %dma_start3A_548, %dma_start3A_549] : memref<2x16x2x8x128xf32, #tpu.memory_space<vmem>> -> memref<1x1x2x8x16xf32, #tpu.memory_space<vmem>>
    %dma_start3A_551 = tpu.memref_squeeze %dma_start3A_550 : memref<1x1x2x8x16xf32, #tpu.memory_space<vmem>> -> memref<2x8x16xf32, #tpu.memory_space<vmem>>
    %dma_start3A_552 = arith.constant 0 : i32
    %dma_start3A_553 = arith.constant 0 : i32
    %dma_start3A_554 = tpu.memref_slice %arg4[%dma_start3A_552, %dma_start3A_553, %mul3A_544] : memref<2x8x1000000xf32, #tpu.memory_space<hbm>> -> memref<2x8x16xf32, #tpu.memory_space<hbm>>
    %dma_start3A_555 = arith.constant 0 : i32
    %dma_start3A_556 = arith.constant 0 : i32
    %dma_start3A_557 = arith.constant 0 : i32
    %dma_start3A_558 = tpu.memref_slice %arg9[%dma_start3A_545, %dma_start3A_546, %dma_start3A_555, %dma_start3A_556, %dma_start3A_557] : memref<2x16x2x8x128xf32, #tpu.memory_space<vmem>> -> memref<1x1x2x8x16xf32, #tpu.memory_space<vmem>>
    %dma_start3A_559 = tpu.memref_squeeze %dma_start3A_558 : memref<1x1x2x8x16xf32, #tpu.memory_space<vmem>> -> memref<2x8x16xf32, #tpu.memory_space<vmem>>
    %dma_start3A_560 = arith.constant 0 : i32
    %dma_start3A_561 = arith.constant 0 : i32
    %dma_start3A_562 = tpu.memref_slice %arg4[%dma_start3A_560, %dma_start3A_561, %mul3A_544] : memref<2x8x1000000xf32, #tpu.memory_space<hbm>> -> memref<2x8x16xf32, #tpu.memory_space<hbm>>
    tpu.enqueue_dma source(%dma_start3A_562 : memref<2x8x16xf32, #tpu.memory_space<hbm>>) target(%dma_start3A_559 : memref<2x8x16xf32, #tpu.memory_space<vmem>>) target_semaphore(%arg12 : memref<!tpu.dma_semaphore, #tpu.memory_space<semaphore_mem>>)
    %slice3A_563 = vector.extract_strided_slice %shift_right_arithmetic3A_15 {offsets = [12], sizes = [1], strides = [1]} : vector<16xi32> to vector<1xi32>
    %squeeze3A_564 = vector.extract %slice3A_563[0] : i32 from vector<1xi32>
    %mul3A_565 = arith.constant 16 : i32
    %mul3A_566 = arith.muli %squeeze3A_564, %mul3A_565 : i32
    %dma_start3A_567 = arith.constant 0 : i32
    %dma_start3A_568 = arith.constant 12 : i32
    %dma_start3A_569 = arith.constant 0 : i32
    %dma_start3A_570 = arith.constant 0 : i32
    %dma_start3A_571 = arith.constant 16 : i32
    %dma_start3A_572 = tpu.memref_slice %arg9[%dma_start3A_567, %dma_start3A_568, %dma_start3A_569, %dma_start3A_570, %dma_start3A_571] : memref<2x16x2x8x128xf32, #tpu.memory_space<vmem>> -> memref<1x1x2x8x16xf32, #tpu.memory_space<vmem>>
    %dma_start3A_573 = tpu.memref_squeeze %dma_start3A_572 : memref<1x1x2x8x16xf32, #tpu.memory_space<vmem>> -> memref<2x8x16xf32, #tpu.memory_space<vmem>>
    %dma_start3A_574 = arith.constant 0 : i32
    %dma_start3A_575 = arith.constant 0 : i32
    %dma_start3A_576 = tpu.memref_slice %arg5[%dma_start3A_574, %dma_start3A_575, %mul3A_566] : memref<2x8x1000000xf32, #tpu.memory_space<hbm>> -> memref<2x8x16xf32, #tpu.memory_space<hbm>>
    %dma_start3A_577 = arith.constant 0 : i32
    %dma_start3A_578 = arith.constant 0 : i32
    %dma_start3A_579 = arith.constant 16 : i32
    %dma_start3A_580 = tpu.memref_slice %arg9[%dma_start3A_567, %dma_start3A_568, %dma_start3A_577, %dma_start3A_578, %dma_start3A_579] : memref<2x16x2x8x128xf32, #tpu.memory_space<vmem>> -> memref<1x1x2x8x16xf32, #tpu.memory_space<vmem>>
    %dma_start3A_581 = tpu.memref_squeeze %dma_start3A_580 : memref<1x1x2x8x16xf32, #tpu.memory_space<vmem>> -> memref<2x8x16xf32, #tpu.memory_space<vmem>>
    %dma_start3A_582 = arith.constant 0 : i32
    %dma_start3A_583 = arith.constant 0 : i32
    %dma_start3A_584 = tpu.memref_slice %arg5[%dma_start3A_582, %dma_start3A_583, %mul3A_566] : memref<2x8x1000000xf32, #tpu.memory_space<hbm>> -> memref<2x8x16xf32, #tpu.memory_space<hbm>>
    tpu.enqueue_dma source(%dma_start3A_584 : memref<2x8x16xf32, #tpu.memory_space<hbm>>) target(%dma_start3A_581 : memref<2x8x16xf32, #tpu.memory_space<vmem>>) target_semaphore(%arg13 : memref<!tpu.dma_semaphore, #tpu.memory_space<semaphore_mem>>)
    %slice3A_585 = vector.extract_strided_slice %shift_right_arithmetic3A_7 {offsets = [13], sizes = [1], strides = [1]} : vector<16xi32> to vector<1xi32>
    %squeeze3A_586 = vector.extract %slice3A_585[0] : i32 from vector<1xi32>
    %mul3A_587 = arith.constant 16 : i32
    %mul3A_588 = arith.muli %squeeze3A_586, %mul3A_587 : i32
    %dma_start3A_589 = arith.constant 0 : i32
    %dma_start3A_590 = arith.constant 13 : i32
    %dma_start3A_591 = arith.constant 0 : i32
    %dma_start3A_592 = arith.constant 0 : i32
    %dma_start3A_593 = arith.constant 0 : i32
    %dma_start3A_594 = tpu.memref_slice %arg9[%dma_start3A_589, %dma_start3A_590, %dma_start3A_591, %dma_start3A_592, %dma_start3A_593] : memref<2x16x2x8x128xf32, #tpu.memory_space<vmem>> -> memref<1x1x2x8x16xf32, #tpu.memory_space<vmem>>
    %dma_start3A_595 = tpu.memref_squeeze %dma_start3A_594 : memref<1x1x2x8x16xf32, #tpu.memory_space<vmem>> -> memref<2x8x16xf32, #tpu.memory_space<vmem>>
    %dma_start3A_596 = arith.constant 0 : i32
    %dma_start3A_597 = arith.constant 0 : i32
    %dma_start3A_598 = tpu.memref_slice %arg4[%dma_start3A_596, %dma_start3A_597, %mul3A_588] : memref<2x8x1000000xf32, #tpu.memory_space<hbm>> -> memref<2x8x16xf32, #tpu.memory_space<hbm>>
    %dma_start3A_599 = arith.constant 0 : i32
    %dma_start3A_600 = arith.constant 0 : i32
    %dma_start3A_601 = arith.constant 0 : i32
    %dma_start3A_602 = tpu.memref_slice %arg9[%dma_start3A_589, %dma_start3A_590, %dma_start3A_599, %dma_start3A_600, %dma_start3A_601] : memref<2x16x2x8x128xf32, #tpu.memory_space<vmem>> -> memref<1x1x2x8x16xf32, #tpu.memory_space<vmem>>
    %dma_start3A_603 = tpu.memref_squeeze %dma_start3A_602 : memref<1x1x2x8x16xf32, #tpu.memory_space<vmem>> -> memref<2x8x16xf32, #tpu.memory_space<vmem>>
    %dma_start3A_604 = arith.constant 0 : i32
    %dma_start3A_605 = arith.constant 0 : i32
    %dma_start3A_606 = tpu.memref_slice %arg4[%dma_start3A_604, %dma_start3A_605, %mul3A_588] : memref<2x8x1000000xf32, #tpu.memory_space<hbm>> -> memref<2x8x16xf32, #tpu.memory_space<hbm>>
    tpu.enqueue_dma source(%dma_start3A_606 : memref<2x8x16xf32, #tpu.memory_space<hbm>>) target(%dma_start3A_603 : memref<2x8x16xf32, #tpu.memory_space<vmem>>) target_semaphore(%arg14 : memref<!tpu.dma_semaphore, #tpu.memory_space<semaphore_mem>>)
    %slice3A_607 = vector.extract_strided_slice %shift_right_arithmetic3A_15 {offsets = [13], sizes = [1], strides = [1]} : vector<16xi32> to vector<1xi32>
    %squeeze3A_608 = vector.extract %slice3A_607[0] : i32 from vector<1xi32>
    %mul3A_609 = arith.constant 16 : i32
    %mul3A_610 = arith.muli %squeeze3A_608, %mul3A_609 : i32
    %dma_start3A_611 = arith.constant 0 : i32
    %dma_start3A_612 = arith.constant 13 : i32
    %dma_start3A_613 = arith.constant 0 : i32
    %dma_start3A_614 = arith.constant 0 : i32
    %dma_start3A_615 = arith.constant 16 : i32
    %dma_start3A_616 = tpu.memref_slice %arg9[%dma_start3A_611, %dma_start3A_612, %dma_start3A_613, %dma_start3A_614, %dma_start3A_615] : memref<2x16x2x8x128xf32, #tpu.memory_space<vmem>> -> memref<1x1x2x8x16xf32, #tpu.memory_space<vmem>>
    %dma_start3A_617 = tpu.memref_squeeze %dma_start3A_616 : memref<1x1x2x8x16xf32, #tpu.memory_space<vmem>> -> memref<2x8x16xf32, #tpu.memory_space<vmem>>
    %dma_start3A_618 = arith.constant 0 : i32
    %dma_start3A_619 = arith.constant 0 : i32
    %dma_start3A_620 = tpu.memref_slice %arg5[%dma_start3A_618, %dma_start3A_619, %mul3A_610] : memref<2x8x1000000xf32, #tpu.memory_space<hbm>> -> memref<2x8x16xf32, #tpu.memory_space<hbm>>
    %dma_start3A_621 = arith.constant 0 : i32
    %dma_start3A_622 = arith.constant 0 : i32
    %dma_start3A_623 = arith.constant 16 : i32
    %dma_start3A_624 = tpu.memref_slice %arg9[%dma_start3A_611, %dma_start3A_612, %dma_start3A_621, %dma_start3A_622, %dma_start3A_623] : memref<2x16x2x8x128xf32, #tpu.memory_space<vmem>> -> memref<1x1x2x8x16xf32, #tpu.memory_space<vmem>>
    %dma_start3A_625 = tpu.memref_squeeze %dma_start3A_624 : memref<1x1x2x8x16xf32, #tpu.memory_space<vmem>> -> memref<2x8x16xf32, #tpu.memory_space<vmem>>
    %dma_start3A_626 = arith.constant 0 : i32
    %dma_start3A_627 = arith.constant 0 : i32
    %dma_start3A_628 = tpu.memref_slice %arg5[%dma_start3A_626, %dma_start3A_627, %mul3A_610] : memref<2x8x1000000xf32, #tpu.memory_space<hbm>> -> memref<2x8x16xf32, #tpu.memory_space<hbm>>
    tpu.enqueue_dma source(%dma_start3A_628 : memref<2x8x16xf32, #tpu.memory_space<hbm>>) target(%dma_start3A_625 : memref<2x8x16xf32, #tpu.memory_space<vmem>>) target_semaphore(%arg15 : memref<!tpu.dma_semaphore, #tpu.memory_space<semaphore_mem>>)
    %slice3A_629 = vector.extract_strided_slice %shift_right_arithmetic3A_7 {offsets = [14], sizes = [1], strides = [1]} : vector<16xi32> to vector<1xi32>
    %squeeze3A_630 = vector.extract %slice3A_629[0] : i32 from vector<1xi32>
    %mul3A_631 = arith.constant 16 : i32
    %mul3A_632 = arith.muli %squeeze3A_630, %mul3A_631 : i32
    %dma_start3A_633 = arith.constant 0 : i32
    %dma_start3A_634 = arith.constant 14 : i32
    %dma_start3A_635 = arith.constant 0 : i32
    %dma_start3A_636 = arith.constant 0 : i32
    %dma_start3A_637 = arith.constant 0 : i32
    %dma_start3A_638 = tpu.memref_slice %arg9[%dma_start3A_633, %dma_start3A_634, %dma_start3A_635, %dma_start3A_636, %dma_start3A_637] : memref<2x16x2x8x128xf32, #tpu.memory_space<vmem>> -> memref<1x1x2x8x16xf32, #tpu.memory_space<vmem>>
    %dma_start3A_639 = tpu.memref_squeeze %dma_start3A_638 : memref<1x1x2x8x16xf32, #tpu.memory_space<vmem>> -> memref<2x8x16xf32, #tpu.memory_space<vmem>>
    %dma_start3A_640 = arith.constant 0 : i32
    %dma_start3A_641 = arith.constant 0 : i32
    %dma_start3A_642 = tpu.memref_slice %arg4[%dma_start3A_640, %dma_start3A_641, %mul3A_632] : memref<2x8x1000000xf32, #tpu.memory_space<hbm>> -> memref<2x8x16xf32, #tpu.memory_space<hbm>>
    %dma_start3A_643 = arith.constant 0 : i32
    %dma_start3A_644 = arith.constant 0 : i32
    %dma_start3A_645 = arith.constant 0 : i32
    %dma_start3A_646 = tpu.memref_slice %arg9[%dma_start3A_633, %dma_start3A_634, %dma_start3A_643, %dma_start3A_644, %dma_start3A_645] : memref<2x16x2x8x128xf32, #tpu.memory_space<vmem>> -> memref<1x1x2x8x16xf32, #tpu.memory_space<vmem>>
    %dma_start3A_647 = tpu.memref_squeeze %dma_start3A_646 : memref<1x1x2x8x16xf32, #tpu.memory_space<vmem>> -> memref<2x8x16xf32, #tpu.memory_space<vmem>>
    %dma_start3A_648 = arith.constant 0 : i32
    %dma_start3A_649 = arith.constant 0 : i32
    %dma_start3A_650 = tpu.memref_slice %arg4[%dma_start3A_648, %dma_start3A_649, %mul3A_632] : memref<2x8x1000000xf32, #tpu.memory_space<hbm>> -> memref<2x8x16xf32, #tpu.memory_space<hbm>>
    tpu.enqueue_dma source(%dma_start3A_650 : memref<2x8x16xf32, #tpu.memory_space<hbm>>) target(%dma_start3A_647 : memref<2x8x16xf32, #tpu.memory_space<vmem>>) target_semaphore(%arg12 : memref<!tpu.dma_semaphore, #tpu.memory_space<semaphore_mem>>)
    %slice3A_651 = vector.extract_strided_slice %shift_right_arithmetic3A_15 {offsets = [14], sizes = [1], strides = [1]} : vector<16xi32> to vector<1xi32>
    %squeeze3A_652 = vector.extract %slice3A_651[0] : i32 from vector<1xi32>
    %mul3A_653 = arith.constant 16 : i32
    %mul3A_654 = arith.muli %squeeze3A_652, %mul3A_653 : i32
    %dma_start3A_655 = arith.constant 0 : i32
    %dma_start3A_656 = arith.constant 14 : i32
    %dma_start3A_657 = arith.constant 0 : i32
    %dma_start3A_658 = arith.constant 0 : i32
    %dma_start3A_659 = arith.constant 16 : i32
    %dma_start3A_660 = tpu.memref_slice %arg9[%dma_start3A_655, %dma_start3A_656, %dma_start3A_657, %dma_start3A_658, %dma_start3A_659] : memref<2x16x2x8x128xf32, #tpu.memory_space<vmem>> -> memref<1x1x2x8x16xf32, #tpu.memory_space<vmem>>
    %dma_start3A_661 = tpu.memref_squeeze %dma_start3A_660 : memref<1x1x2x8x16xf32, #tpu.memory_space<vmem>> -> memref<2x8x16xf32, #tpu.memory_space<vmem>>
    %dma_start3A_662 = arith.constant 0 : i32
    %dma_start3A_663 = arith.constant 0 : i32
    %dma_start3A_664 = tpu.memref_slice %arg5[%dma_start3A_662, %dma_start3A_663, %mul3A_654] : memref<2x8x1000000xf32, #tpu.memory_space<hbm>> -> memref<2x8x16xf32, #tpu.memory_space<hbm>>
    %dma_start3A_665 = arith.constant 0 : i32
    %dma_start3A_666 = arith.constant 0 : i32
    %dma_start3A_667 = arith.constant 16 : i32
    %dma_start3A_668 = tpu.memref_slice %arg9[%dma_start3A_655, %dma_start3A_656, %dma_start3A_665, %dma_start3A_666, %dma_start3A_667] : memref<2x16x2x8x128xf32, #tpu.memory_space<vmem>> -> memref<1x1x2x8x16xf32, #tpu.memory_space<vmem>>
    %dma_start3A_669 = tpu.memref_squeeze %dma_start3A_668 : memref<1x1x2x8x16xf32, #tpu.memory_space<vmem>> -> memref<2x8x16xf32, #tpu.memory_space<vmem>>
    %dma_start3A_670 = arith.constant 0 : i32
    %dma_start3A_671 = arith.constant 0 : i32
    %dma_start3A_672 = tpu.memref_slice %arg5[%dma_start3A_670, %dma_start3A_671, %mul3A_654] : memref<2x8x1000000xf32, #tpu.memory_space<hbm>> -> memref<2x8x16xf32, #tpu.memory_space<hbm>>
    tpu.enqueue_dma source(%dma_start3A_672 : memref<2x8x16xf32, #tpu.memory_space<hbm>>) target(%dma_start3A_669 : memref<2x8x16xf32, #tpu.memory_space<vmem>>) target_semaphore(%arg13 : memref<!tpu.dma_semaphore, #tpu.memory_space<semaphore_mem>>)
    %slice3A_673 = vector.extract_strided_slice %shift_right_arithmetic3A_7 {offsets = [15], sizes = [1], strides = [1]} : vector<16xi32> to vector<1xi32>
    %squeeze3A_674 = vector.extract %slice3A_673[0] : i32 from vector<1xi32>
    %mul3A_675 = arith.constant 16 : i32
    %mul3A_676 = arith.muli %squeeze3A_674, %mul3A_675 : i32
    %dma_start3A_677 = arith.constant 0 : i32
    %dma_start3A_678 = arith.constant 15 : i32
    %dma_start3A_679 = arith.constant 0 : i32
    %dma_start3A_680 = arith.constant 0 : i32
    %dma_start3A_681 = arith.constant 0 : i32
    %dma_start3A_682 = tpu.memref_slice %arg9[%dma_start3A_677, %dma_start3A_678, %dma_start3A_679, %dma_start3A_680, %dma_start3A_681] : memref<2x16x2x8x128xf32, #tpu.memory_space<vmem>> -> memref<1x1x2x8x16xf32, #tpu.memory_space<vmem>>
    %dma_start3A_683 = tpu.memref_squeeze %dma_start3A_682 : memref<1x1x2x8x16xf32, #tpu.memory_space<vmem>> -> memref<2x8x16xf32, #tpu.memory_space<vmem>>
    %dma_start3A_684 = arith.constant 0 : i32
    %dma_start3A_685 = arith.constant 0 : i32
    %dma_start3A_686 = tpu.memref_slice %arg4[%dma_start3A_684, %dma_start3A_685, %mul3A_676] : memref<2x8x1000000xf32, #tpu.memory_space<hbm>> -> memref<2x8x16xf32, #tpu.memory_space<hbm>>
    %dma_start3A_687 = arith.constant 0 : i32
    %dma_start3A_688 = arith.constant 0 : i32
    %dma_start3A_689 = arith.constant 0 : i32
    %dma_start3A_690 = tpu.memref_slice %arg9[%dma_start3A_677, %dma_start3A_678, %dma_start3A_687, %dma_start3A_688, %dma_start3A_689] : memref<2x16x2x8x128xf32, #tpu.memory_space<vmem>> -> memref<1x1x2x8x16xf32, #tpu.memory_space<vmem>>
    %dma_start3A_691 = tpu.memref_squeeze %dma_start3A_690 : memref<1x1x2x8x16xf32, #tpu.memory_space<vmem>> -> memref<2x8x16xf32, #tpu.memory_space<vmem>>
    %dma_start3A_692 = arith.constant 0 : i32
    %dma_start3A_693 = arith.constant 0 : i32
    %dma_start3A_694 = tpu.memref_slice %arg4[%dma_start3A_692, %dma_start3A_693, %mul3A_676] : memref<2x8x1000000xf32, #tpu.memory_space<hbm>> -> memref<2x8x16xf32, #tpu.memory_space<hbm>>
    tpu.enqueue_dma source(%dma_start3A_694 : memref<2x8x16xf32, #tpu.memory_space<hbm>>) target(%dma_start3A_691 : memref<2x8x16xf32, #tpu.memory_space<vmem>>) target_semaphore(%arg14 : memref<!tpu.dma_semaphore, #tpu.memory_space<semaphore_mem>>)
    %slice3A_695 = vector.extract_strided_slice %shift_right_arithmetic3A_15 {offsets = [15], sizes = [1], strides = [1]} : vector<16xi32> to vector<1xi32>
    %squeeze3A_696 = vector.extract %slice3A_695[0] : i32 from vector<1xi32>
    %mul3A_697 = arith.constant 16 : i32
    %mul3A_698 = arith.muli %squeeze3A_696, %mul3A_697 : i32
    %dma_start3A_699 = arith.constant 0 : i32
    %dma_start3A_700 = arith.constant 15 : i32
    %dma_start3A_701 = arith.constant 0 : i32
    %dma_start3A_702 = arith.constant 0 : i32
    %dma_start3A_703 = arith.constant 16 : i32
    %dma_start3A_704 = tpu.memref_slice %arg9[%dma_start3A_699, %dma_start3A_700, %dma_start3A_701, %dma_start3A_702, %dma_start3A_703] : memref<2x16x2x8x128xf32, #tpu.memory_space<vmem>> -> memref<1x1x2x8x16xf32, #tpu.memory_space<vmem>>
    %dma_start3A_705 = tpu.memref_squeeze %dma_start3A_704 : memref<1x1x2x8x16xf32, #tpu.memory_space<vmem>> -> memref<2x8x16xf32, #tpu.memory_space<vmem>>
    %dma_start3A_706 = arith.constant 0 : i32
    %dma_start3A_707 = arith.constant 0 : i32
    %dma_start3A_708 = tpu.memref_slice %arg5[%dma_start3A_706, %dma_start3A_707, %mul3A_698] : memref<2x8x1000000xf32, #tpu.memory_space<hbm>> -> memref<2x8x16xf32, #tpu.memory_space<hbm>>
    %dma_start3A_709 = arith.constant 0 : i32
    %dma_start3A_710 = arith.constant 0 : i32
    %dma_start3A_711 = arith.constant 16 : i32
    %dma_start3A_712 = tpu.memref_slice %arg9[%dma_start3A_699, %dma_start3A_700, %dma_start3A_709, %dma_start3A_710, %dma_start3A_711] : memref<2x16x2x8x128xf32, #tpu.memory_space<vmem>> -> memref<1x1x2x8x16xf32, #tpu.memory_space<vmem>>
    %dma_start3A_713 = tpu.memref_squeeze %dma_start3A_712 : memref<1x1x2x8x16xf32, #tpu.memory_space<vmem>> -> memref<2x8x16xf32, #tpu.memory_space<vmem>>
    %dma_start3A_714 = arith.constant 0 : i32
    %dma_start3A_715 = arith.constant 0 : i32
    %dma_start3A_716 = tpu.memref_slice %arg5[%dma_start3A_714, %dma_start3A_715, %mul3A_698] : memref<2x8x1000000xf32, #tpu.memory_space<hbm>> -> memref<2x8x16xf32, #tpu.memory_space<hbm>>
    tpu.enqueue_dma source(%dma_start3A_716 : memref<2x8x16xf32, #tpu.memory_space<hbm>>) target(%dma_start3A_713 : memref<2x8x16xf32, #tpu.memory_space<vmem>>) target_semaphore(%arg15 : memref<!tpu.dma_semaphore, #tpu.memory_space<semaphore_mem>>)
    %scan3A = arith.constant 0 : i32
    %scan3A_717 = arith.constant 0 : i32
    %scan3A_718 = arith.constant 32 : i32
    %scan3A_719 = arith.addi %scan3A_717, %scan3A_718 : i32
    %scan3A_720 = arith.constant 1 : i32
    %scan3A_721 = scf.for %scan3A_723 = %scan3A_717 to %scan3A_719 step %scan3A_720 iter_args(%scan3A_724 = %scan3A) -> (i32)  : i32 {
      %rem3A = arith.constant 2 : i32
      %rem3A_725 = arith.remsi %scan3A_723, %rem3A : i32
      %lt3A = arith.constant 31 : i32
      %lt3A_726 = arith.cmpi slt, %scan3A_723, %lt3A : i32
      %convert_element_type3A = arith.extui %lt3A_726 : i1 to i32
      %cond3A = arith.constant 0 : i32
      %cond3A_727 = arith.cmpi ne, %convert_element_type3A, %cond3A : i32
      scf.if %cond3A_727 {
        %add3A_995 = arith.constant 1 : i32
        %add3A_996 = arith.addi %scan3A_723, %add3A_995 : i32
        %sub3A_997 = arith.constant 1 : i32
        %sub3A_998 = arith.subi %sub3A_997, %rem3A_725 : i32
        %mul3A_999 = arith.constant 16 : i32
        %mul3A_1000 = arith.muli %add3A_996, %mul3A_999 : i32
        %get3A_1001 = arith.index_cast %mul3A_1000 : i32 to index
        %get3A_1002 = tpu.vector_load %arg7[%get3A_1001] {strides = array<i32>} : memref<512xi32, #tpu.memory_space<vmem>>, vector<16xi32>,
        %sub3A_1003 = arith.constant 1 : i32
        %sub3A_1004 = vector.broadcast %sub3A_1003 : i32 to vector<16xi32>
        %sub3A_1005 = arith.subi %get3A_1002, %sub3A_1004 : vector<16xi32>
        %shift_right_arithmetic3A_1006 = arith.constant 4 : i32
        %shift_right_arithmetic3A_1007 = vector.broadcast %shift_right_arithmetic3A_1006 : i32 to vector<16xi32>
        %shift_right_arithmetic3A_1008 = arith.shrsi %sub3A_1005, %shift_right_arithmetic3A_1007 : vector<16xi32>
        %mul3A_1009 = arith.constant 16 : i32
        %mul3A_1010 = arith.muli %add3A_996, %mul3A_1009 : i32
        %get3A_1011 = arith.index_cast %mul3A_1010 : i32 to index
        %get3A_1012 = tpu.vector_load %arg8[%get3A_1011] {strides = array<i32>} : memref<512xi32, #tpu.memory_space<vmem>>, vector<16xi32>,
        %sub3A_1013 = arith.constant 1 : i32
        %sub3A_1014 = vector.broadcast %sub3A_1013 : i32 to vector<16xi32>
        %sub3A_1015 = arith.subi %get3A_1012, %sub3A_1014 : vector<16xi32>
        %shift_right_arithmetic3A_1016 = arith.constant 4 : i32
        %shift_right_arithmetic3A_1017 = vector.broadcast %shift_right_arithmetic3A_1016 : i32 to vector<16xi32>
        %shift_right_arithmetic3A_1018 = arith.shrsi %sub3A_1015, %shift_right_arithmetic3A_1017 : vector<16xi32>
        %slice3A_1019 = vector.extract_strided_slice %shift_right_arithmetic3A_1008 {offsets = [0], sizes = [1], strides = [1]} : vector<16xi32> to vector<1xi32>
        %squeeze3A_1020 = vector.extract %slice3A_1019[0] : i32 from vector<1xi32>
        %mul3A_1021 = arith.constant 16 : i32
        %mul3A_1022 = arith.muli %squeeze3A_1020, %mul3A_1021 : i32
        %dma_start3A_1023 = arith.constant 0 : i32
        %dma_start3A_1024 = arith.constant 0 : i32
        %dma_start3A_1025 = arith.constant 0 : i32
        %dma_start3A_1026 = arith.constant 0 : i32
        %dma_start3A_1027 = tpu.memref_slice %arg9[%sub3A_998, %dma_start3A_1023, %dma_start3A_1024, %dma_start3A_1025, %dma_start3A_1026] : memref<2x16x2x8x128xf32, #tpu.memory_space<vmem>> -> memref<1x1x2x8x16xf32, #tpu.memory_space<vmem>>
        %dma_start3A_1028 = tpu.memref_squeeze %dma_start3A_1027 : memref<1x1x2x8x16xf32, #tpu.memory_space<vmem>> -> memref<2x8x16xf32, #tpu.memory_space<vmem>>
        %dma_start3A_1029 = arith.constant 0 : i32
        %dma_start3A_1030 = arith.constant 0 : i32
        %dma_start3A_1031 = tpu.memref_slice %arg4[%dma_start3A_1029, %dma_start3A_1030, %mul3A_1022] : memref<2x8x1000000xf32, #tpu.memory_space<hbm>> -> memref<2x8x16xf32, #tpu.memory_space<hbm>>
        %dma_start3A_1032 = arith.constant 0 : i32
        %dma_start3A_1033 = arith.constant 0 : i32
        %dma_start3A_1034 = arith.constant 0 : i32
        %dma_start3A_1035 = tpu.memref_slice %arg9[%sub3A_998, %dma_start3A_1023, %dma_start3A_1032, %dma_start3A_1033, %dma_start3A_1034] : memref<2x16x2x8x128xf32, #tpu.memory_space<vmem>> -> memref<1x1x2x8x16xf32, #tpu.memory_space<vmem>>
        %dma_start3A_1036 = tpu.memref_squeeze %dma_start3A_1035 : memref<1x1x2x8x16xf32, #tpu.memory_space<vmem>> -> memref<2x8x16xf32, #tpu.memory_space<vmem>>
        %dma_start3A_1037 = arith.constant 0 : i32
        %dma_start3A_1038 = arith.constant 0 : i32
        %dma_start3A_1039 = tpu.memref_slice %arg4[%dma_start3A_1037, %dma_start3A_1038, %mul3A_1022] : memref<2x8x1000000xf32, #tpu.memory_space<hbm>> -> memref<2x8x16xf32, #tpu.memory_space<hbm>>
        tpu.enqueue_dma source(%dma_start3A_1039 : memref<2x8x16xf32, #tpu.memory_space<hbm>>) target(%dma_start3A_1036 : memref<2x8x16xf32, #tpu.memory_space<vmem>>) target_semaphore(%arg12 : memref<!tpu.dma_semaphore, #tpu.memory_space<semaphore_mem>>)
        %slice3A_1040 = vector.extract_strided_slice %shift_right_arithmetic3A_1018 {offsets = [0], sizes = [1], strides = [1]} : vector<16xi32> to vector<1xi32>
        %squeeze3A_1041 = vector.extract %slice3A_1040[0] : i32 from vector<1xi32>
        %mul3A_1042 = arith.constant 16 : i32
        %mul3A_1043 = arith.muli %squeeze3A_1041, %mul3A_1042 : i32
        %dma_start3A_1044 = arith.constant 0 : i32
        %dma_start3A_1045 = arith.constant 0 : i32
        %dma_start3A_1046 = arith.constant 0 : i32
        %dma_start3A_1047 = arith.constant 16 : i32
        %dma_start3A_1048 = tpu.memref_slice %arg9[%sub3A_998, %dma_start3A_1044, %dma_start3A_1045, %dma_start3A_1046, %dma_start3A_1047] : memref<2x16x2x8x128xf32, #tpu.memory_space<vmem>> -> memref<1x1x2x8x16xf32, #tpu.memory_space<vmem>>
        %dma_start3A_1049 = tpu.memref_squeeze %dma_start3A_1048 : memref<1x1x2x8x16xf32, #tpu.memory_space<vmem>> -> memref<2x8x16xf32, #tpu.memory_space<vmem>>
        %dma_start3A_1050 = arith.constant 0 : i32
        %dma_start3A_1051 = arith.constant 0 : i32
        %dma_start3A_1052 = tpu.memref_slice %arg5[%dma_start3A_1050, %dma_start3A_1051, %mul3A_1043] : memref<2x8x1000000xf32, #tpu.memory_space<hbm>> -> memref<2x8x16xf32, #tpu.memory_space<hbm>>
        %dma_start3A_1053 = arith.constant 0 : i32
        %dma_start3A_1054 = arith.constant 0 : i32
        %dma_start3A_1055 = arith.constant 16 : i32
        %dma_start3A_1056 = tpu.memref_slice %arg9[%sub3A_998, %dma_start3A_1044, %dma_start3A_1053, %dma_start3A_1054, %dma_start3A_1055] : memref<2x16x2x8x128xf32, #tpu.memory_space<vmem>> -> memref<1x1x2x8x16xf32, #tpu.memory_space<vmem>>
        %dma_start3A_1057 = tpu.memref_squeeze %dma_start3A_1056 : memref<1x1x2x8x16xf32, #tpu.memory_space<vmem>> -> memref<2x8x16xf32, #tpu.memory_space<vmem>>
        %dma_start3A_1058 = arith.constant 0 : i32
        %dma_start3A_1059 = arith.constant 0 : i32
        %dma_start3A_1060 = tpu.memref_slice %arg5[%dma_start3A_1058, %dma_start3A_1059, %mul3A_1043] : memref<2x8x1000000xf32, #tpu.memory_space<hbm>> -> memref<2x8x16xf32, #tpu.memory_space<hbm>>
        tpu.enqueue_dma source(%dma_start3A_1060 : memref<2x8x16xf32, #tpu.memory_space<hbm>>) target(%dma_start3A_1057 : memref<2x8x16xf32, #tpu.memory_space<vmem>>) target_semaphore(%arg13 : memref<!tpu.dma_semaphore, #tpu.memory_space<semaphore_mem>>)
        %slice3A_1061 = vector.extract_strided_slice %shift_right_arithmetic3A_1008 {offsets = [1], sizes = [1], strides = [1]} : vector<16xi32> to vector<1xi32>
        %squeeze3A_1062 = vector.extract %slice3A_1061[0] : i32 from vector<1xi32>
        %mul3A_1063 = arith.constant 16 : i32
        %mul3A_1064 = arith.muli %squeeze3A_1062, %mul3A_1063 : i32
        %dma_start3A_1065 = arith.constant 1 : i32
        %dma_start3A_1066 = arith.constant 0 : i32
        %dma_start3A_1067 = arith.constant 0 : i32
        %dma_start3A_1068 = arith.constant 0 : i32
        %dma_start3A_1069 = tpu.memref_slice %arg9[%sub3A_998, %dma_start3A_1065, %dma_start3A_1066, %dma_start3A_1067, %dma_start3A_1068] : memref<2x16x2x8x128xf32, #tpu.memory_space<vmem>> -> memref<1x1x2x8x16xf32, #tpu.memory_space<vmem>>
        %dma_start3A_1070 = tpu.memref_squeeze %dma_start3A_1069 : memref<1x1x2x8x16xf32, #tpu.memory_space<vmem>> -> memref<2x8x16xf32, #tpu.memory_space<vmem>>
        %dma_start3A_1071 = arith.constant 0 : i32
        %dma_start3A_1072 = arith.constant 0 : i32
        %dma_start3A_1073 = tpu.memref_slice %arg4[%dma_start3A_1071, %dma_start3A_1072, %mul3A_1064] : memref<2x8x1000000xf32, #tpu.memory_space<hbm>> -> memref<2x8x16xf32, #tpu.memory_space<hbm>>
        %dma_start3A_1074 = arith.constant 0 : i32
        %dma_start3A_1075 = arith.constant 0 : i32
        %dma_start3A_1076 = arith.constant 0 : i32
        %dma_start3A_1077 = tpu.memref_slice %arg9[%sub3A_998, %dma_start3A_1065, %dma_start3A_1074, %dma_start3A_1075, %dma_start3A_1076] : memref<2x16x2x8x128xf32, #tpu.memory_space<vmem>> -> memref<1x1x2x8x16xf32, #tpu.memory_space<vmem>>
        %dma_start3A_1078 = tpu.memref_squeeze %dma_start3A_1077 : memref<1x1x2x8x16xf32, #tpu.memory_space<vmem>> -> memref<2x8x16xf32, #tpu.memory_space<vmem>>
        %dma_start3A_1079 = arith.constant 0 : i32
        %dma_start3A_1080 = arith.constant 0 : i32
        %dma_start3A_1081 = tpu.memref_slice %arg4[%dma_start3A_1079, %dma_start3A_1080, %mul3A_1064] : memref<2x8x1000000xf32, #tpu.memory_space<hbm>> -> memref<2x8x16xf32, #tpu.memory_space<hbm>>
        tpu.enqueue_dma source(%dma_start3A_1081 : memref<2x8x16xf32, #tpu.memory_space<hbm>>) target(%dma_start3A_1078 : memref<2x8x16xf32, #tpu.memory_space<vmem>>) target_semaphore(%arg14 : memref<!tpu.dma_semaphore, #tpu.memory_space<semaphore_mem>>)
        %slice3A_1082 = vector.extract_strided_slice %shift_right_arithmetic3A_1018 {offsets = [1], sizes = [1], strides = [1]} : vector<16xi32> to vector<1xi32>
        %squeeze3A_1083 = vector.extract %slice3A_1082[0] : i32 from vector<1xi32>
        %mul3A_1084 = arith.constant 16 : i32
        %mul3A_1085 = arith.muli %squeeze3A_1083, %mul3A_1084 : i32
        %dma_start3A_1086 = arith.constant 1 : i32
        %dma_start3A_1087 = arith.constant 0 : i32
        %dma_start3A_1088 = arith.constant 0 : i32
        %dma_start3A_1089 = arith.constant 16 : i32
        %dma_start3A_1090 = tpu.memref_slice %arg9[%sub3A_998, %dma_start3A_1086, %dma_start3A_1087, %dma_start3A_1088, %dma_start3A_1089] : memref<2x16x2x8x128xf32, #tpu.memory_space<vmem>> -> memref<1x1x2x8x16xf32, #tpu.memory_space<vmem>>
        %dma_start3A_1091 = tpu.memref_squeeze %dma_start3A_1090 : memref<1x1x2x8x16xf32, #tpu.memory_space<vmem>> -> memref<2x8x16xf32, #tpu.memory_space<vmem>>
        %dma_start3A_1092 = arith.constant 0 : i32
        %dma_start3A_1093 = arith.constant 0 : i32
        %dma_start3A_1094 = tpu.memref_slice %arg5[%dma_start3A_1092, %dma_start3A_1093, %mul3A_1085] : memref<2x8x1000000xf32, #tpu.memory_space<hbm>> -> memref<2x8x16xf32, #tpu.memory_space<hbm>>
        %dma_start3A_1095 = arith.constant 0 : i32
        %dma_start3A_1096 = arith.constant 0 : i32
        %dma_start3A_1097 = arith.constant 16 : i32
        %dma_start3A_1098 = tpu.memref_slice %arg9[%sub3A_998, %dma_start3A_1086, %dma_start3A_1095, %dma_start3A_1096, %dma_start3A_1097] : memref<2x16x2x8x128xf32, #tpu.memory_space<vmem>> -> memref<1x1x2x8x16xf32, #tpu.memory_space<vmem>>
        %dma_start3A_1099 = tpu.memref_squeeze %dma_start3A_1098 : memref<1x1x2x8x16xf32, #tpu.memory_space<vmem>> -> memref<2x8x16xf32, #tpu.memory_space<vmem>>
        %dma_start3A_1100 = arith.constant 0 : i32
        %dma_start3A_1101 = arith.constant 0 : i32
        %dma_start3A_1102 = tpu.memref_slice %arg5[%dma_start3A_1100, %dma_start3A_1101, %mul3A_1085] : memref<2x8x1000000xf32, #tpu.memory_space<hbm>> -> memref<2x8x16xf32, #tpu.memory_space<hbm>>
        tpu.enqueue_dma source(%dma_start3A_1102 : memref<2x8x16xf32, #tpu.memory_space<hbm>>) target(%dma_start3A_1099 : memref<2x8x16xf32, #tpu.memory_space<vmem>>) target_semaphore(%arg15 : memref<!tpu.dma_semaphore, #tpu.memory_space<semaphore_mem>>)
        %slice3A_1103 = vector.extract_strided_slice %shift_right_arithmetic3A_1008 {offsets = [2], sizes = [1], strides = [1]} : vector<16xi32> to vector<1xi32>
        %squeeze3A_1104 = vector.extract %slice3A_1103[0] : i32 from vector<1xi32>
        %mul3A_1105 = arith.constant 16 : i32
        %mul3A_1106 = arith.muli %squeeze3A_1104, %mul3A_1105 : i32
        %dma_start3A_1107 = arith.constant 2 : i32
        %dma_start3A_1108 = arith.constant 0 : i32
        %dma_start3A_1109 = arith.constant 0 : i32
        %dma_start3A_1110 = arith.constant 0 : i32
        %dma_start3A_1111 = tpu.memref_slice %arg9[%sub3A_998, %dma_start3A_1107, %dma_start3A_1108, %dma_start3A_1109, %dma_start3A_1110] : memref<2x16x2x8x128xf32, #tpu.memory_space<vmem>> -> memref<1x1x2x8x16xf32, #tpu.memory_space<vmem>>
        %dma_start3A_1112 = tpu.memref_squeeze %dma_start3A_1111 : memref<1x1x2x8x16xf32, #tpu.memory_space<vmem>> -> memref<2x8x16xf32, #tpu.memory_space<vmem>>
        %dma_start3A_1113 = arith.constant 0 : i32
        %dma_start3A_1114 = arith.constant 0 : i32
        %dma_start3A_1115 = tpu.memref_slice %arg4[%dma_start3A_1113, %dma_start3A_1114, %mul3A_1106] : memref<2x8x1000000xf32, #tpu.memory_space<hbm>> -> memref<2x8x16xf32, #tpu.memory_space<hbm>>
        %dma_start3A_1116 = arith.constant 0 : i32
        %dma_start3A_1117 = arith.constant 0 : i32
        %dma_start3A_1118 = arith.constant 0 : i32
        %dma_start3A_1119 = tpu.memref_slice %arg9[%sub3A_998, %dma_start3A_1107, %dma_start3A_1116, %dma_start3A_1117, %dma_start3A_1118] : memref<2x16x2x8x128xf32, #tpu.memory_space<vmem>> -> memref<1x1x2x8x16xf32, #tpu.memory_space<vmem>>
        %dma_start3A_1120 = tpu.memref_squeeze %dma_start3A_1119 : memref<1x1x2x8x16xf32, #tpu.memory_space<vmem>> -> memref<2x8x16xf32, #tpu.memory_space<vmem>>
        %dma_start3A_1121 = arith.constant 0 : i32
        %dma_start3A_1122 = arith.constant 0 : i32
        %dma_start3A_1123 = tpu.memref_slice %arg4[%dma_start3A_1121, %dma_start3A_1122, %mul3A_1106] : memref<2x8x1000000xf32, #tpu.memory_space<hbm>> -> memref<2x8x16xf32, #tpu.memory_space<hbm>>
        tpu.enqueue_dma source(%dma_start3A_1123 : memref<2x8x16xf32, #tpu.memory_space<hbm>>) target(%dma_start3A_1120 : memref<2x8x16xf32, #tpu.memory_space<vmem>>) target_semaphore(%arg12 : memref<!tpu.dma_semaphore, #tpu.memory_space<semaphore_mem>>)
        %slice3A_1124 = vector.extract_strided_slice %shift_right_arithmetic3A_1018 {offsets = [2], sizes = [1], strides = [1]} : vector<16xi32> to vector<1xi32>
        %squeeze3A_1125 = vector.extract %slice3A_1124[0] : i32 from vector<1xi32>
        %mul3A_1126 = arith.constant 16 : i32
        %mul3A_1127 = arith.muli %squeeze3A_1125, %mul3A_1126 : i32
        %dma_start3A_1128 = arith.constant 2 : i32
        %dma_start3A_1129 = arith.constant 0 : i32
        %dma_start3A_1130 = arith.constant 0 : i32
        %dma_start3A_1131 = arith.constant 16 : i32
        %dma_start3A_1132 = tpu.memref_slice %arg9[%sub3A_998, %dma_start3A_1128, %dma_start3A_1129, %dma_start3A_1130, %dma_start3A_1131] : memref<2x16x2x8x128xf32, #tpu.memory_space<vmem>> -> memref<1x1x2x8x16xf32, #tpu.memory_space<vmem>>
        %dma_start3A_1133 = tpu.memref_squeeze %dma_start3A_1132 : memref<1x1x2x8x16xf32, #tpu.memory_space<vmem>> -> memref<2x8x16xf32, #tpu.memory_space<vmem>>
        %dma_start3A_1134 = arith.constant 0 : i32
        %dma_start3A_1135 = arith.constant 0 : i32
        %dma_start3A_1136 = tpu.memref_slice %arg5[%dma_start3A_1134, %dma_start3A_1135, %mul3A_1127] : memref<2x8x1000000xf32, #tpu.memory_space<hbm>> -> memref<2x8x16xf32, #tpu.memory_space<hbm>>
        %dma_start3A_1137 = arith.constant 0 : i32
        %dma_start3A_1138 = arith.constant 0 : i32
        %dma_start3A_1139 = arith.constant 16 : i32
        %dma_start3A_1140 = tpu.memref_slice %arg9[%sub3A_998, %dma_start3A_1128, %dma_start3A_1137, %dma_start3A_1138, %dma_start3A_1139] : memref<2x16x2x8x128xf32, #tpu.memory_space<vmem>> -> memref<1x1x2x8x16xf32, #tpu.memory_space<vmem>>
        %dma_start3A_1141 = tpu.memref_squeeze %dma_start3A_1140 : memref<1x1x2x8x16xf32, #tpu.memory_space<vmem>> -> memref<2x8x16xf32, #tpu.memory_space<vmem>>
        %dma_start3A_1142 = arith.constant 0 : i32
        %dma_start3A_1143 = arith.constant 0 : i32
        %dma_start3A_1144 = tpu.memref_slice %arg5[%dma_start3A_1142, %dma_start3A_1143, %mul3A_1127] : memref<2x8x1000000xf32, #tpu.memory_space<hbm>> -> memref<2x8x16xf32, #tpu.memory_space<hbm>>
        tpu.enqueue_dma source(%dma_start3A_1144 : memref<2x8x16xf32, #tpu.memory_space<hbm>>) target(%dma_start3A_1141 : memref<2x8x16xf32, #tpu.memory_space<vmem>>) target_semaphore(%arg13 : memref<!tpu.dma_semaphore, #tpu.memory_space<semaphore_mem>>)
        %slice3A_1145 = vector.extract_strided_slice %shift_right_arithmetic3A_1008 {offsets = [3], sizes = [1], strides = [1]} : vector<16xi32> to vector<1xi32>
        %squeeze3A_1146 = vector.extract %slice3A_1145[0] : i32 from vector<1xi32>
        %mul3A_1147 = arith.constant 16 : i32
        %mul3A_1148 = arith.muli %squeeze3A_1146, %mul3A_1147 : i32
        %dma_start3A_1149 = arith.constant 3 : i32
        %dma_start3A_1150 = arith.constant 0 : i32
        %dma_start3A_1151 = arith.constant 0 : i32
        %dma_start3A_1152 = arith.constant 0 : i32
        %dma_start3A_1153 = tpu.memref_slice %arg9[%sub3A_998, %dma_start3A_1149, %dma_start3A_1150, %dma_start3A_1151, %dma_start3A_1152] : memref<2x16x2x8x128xf32, #tpu.memory_space<vmem>> -> memref<1x1x2x8x16xf32, #tpu.memory_space<vmem>>
        %dma_start3A_1154 = tpu.memref_squeeze %dma_start3A_1153 : memref<1x1x2x8x16xf32, #tpu.memory_space<vmem>> -> memref<2x8x16xf32, #tpu.memory_space<vmem>>
        %dma_start3A_1155 = arith.constant 0 : i32
        %dma_start3A_1156 = arith.constant 0 : i32
        %dma_start3A_1157 = tpu.memref_slice %arg4[%dma_start3A_1155, %dma_start3A_1156, %mul3A_1148] : memref<2x8x1000000xf32, #tpu.memory_space<hbm>> -> memref<2x8x16xf32, #tpu.memory_space<hbm>>
        %dma_start3A_1158 = arith.constant 0 : i32
        %dma_start3A_1159 = arith.constant 0 : i32
        %dma_start3A_1160 = arith.constant 0 : i32
        %dma_start3A_1161 = tpu.memref_slice %arg9[%sub3A_998, %dma_start3A_1149, %dma_start3A_1158, %dma_start3A_1159, %dma_start3A_1160] : memref<2x16x2x8x128xf32, #tpu.memory_space<vmem>> -> memref<1x1x2x8x16xf32, #tpu.memory_space<vmem>>
        %dma_start3A_1162 = tpu.memref_squeeze %dma_start3A_1161 : memref<1x1x2x8x16xf32, #tpu.memory_space<vmem>> -> memref<2x8x16xf32, #tpu.memory_space<vmem>>
        %dma_start3A_1163 = arith.constant 0 : i32
        %dma_start3A_1164 = arith.constant 0 : i32
        %dma_start3A_1165 = tpu.memref_slice %arg4[%dma_start3A_1163, %dma_start3A_1164, %mul3A_1148] : memref<2x8x1000000xf32, #tpu.memory_space<hbm>> -> memref<2x8x16xf32, #tpu.memory_space<hbm>>
        tpu.enqueue_dma source(%dma_start3A_1165 : memref<2x8x16xf32, #tpu.memory_space<hbm>>) target(%dma_start3A_1162 : memref<2x8x16xf32, #tpu.memory_space<vmem>>) target_semaphore(%arg14 : memref<!tpu.dma_semaphore, #tpu.memory_space<semaphore_mem>>)
        %slice3A_1166 = vector.extract_strided_slice %shift_right_arithmetic3A_1018 {offsets = [3], sizes = [1], strides = [1]} : vector<16xi32> to vector<1xi32>
        %squeeze3A_1167 = vector.extract %slice3A_1166[0] : i32 from vector<1xi32>
        %mul3A_1168 = arith.constant 16 : i32
        %mul3A_1169 = arith.muli %squeeze3A_1167, %mul3A_1168 : i32
        %dma_start3A_1170 = arith.constant 3 : i32
        %dma_start3A_1171 = arith.constant 0 : i32
        %dma_start3A_1172 = arith.constant 0 : i32
        %dma_start3A_1173 = arith.constant 16 : i32
        %dma_start3A_1174 = tpu.memref_slice %arg9[%sub3A_998, %dma_start3A_1170, %dma_start3A_1171, %dma_start3A_1172, %dma_start3A_1173] : memref<2x16x2x8x128xf32, #tpu.memory_space<vmem>> -> memref<1x1x2x8x16xf32, #tpu.memory_space<vmem>>
        %dma_start3A_1175 = tpu.memref_squeeze %dma_start3A_1174 : memref<1x1x2x8x16xf32, #tpu.memory_space<vmem>> -> memref<2x8x16xf32, #tpu.memory_space<vmem>>
        %dma_start3A_1176 = arith.constant 0 : i32
        %dma_start3A_1177 = arith.constant 0 : i32
        %dma_start3A_1178 = tpu.memref_slice %arg5[%dma_start3A_1176, %dma_start3A_1177, %mul3A_1169] : memref<2x8x1000000xf32, #tpu.memory_space<hbm>> -> memref<2x8x16xf32, #tpu.memory_space<hbm>>
        %dma_start3A_1179 = arith.constant 0 : i32
        %dma_start3A_1180 = arith.constant 0 : i32
        %dma_start3A_1181 = arith.constant 16 : i32
        %dma_start3A_1182 = tpu.memref_slice %arg9[%sub3A_998, %dma_start3A_1170, %dma_start3A_1179, %dma_start3A_1180, %dma_start3A_1181] : memref<2x16x2x8x128xf32, #tpu.memory_space<vmem>> -> memref<1x1x2x8x16xf32, #tpu.memory_space<vmem>>
        %dma_start3A_1183 = tpu.memref_squeeze %dma_start3A_1182 : memref<1x1x2x8x16xf32, #tpu.memory_space<vmem>> -> memref<2x8x16xf32, #tpu.memory_space<vmem>>
        %dma_start3A_1184 = arith.constant 0 : i32
        %dma_start3A_1185 = arith.constant 0 : i32
        %dma_start3A_1186 = tpu.memref_slice %arg5[%dma_start3A_1184, %dma_start3A_1185, %mul3A_1169] : memref<2x8x1000000xf32, #tpu.memory_space<hbm>> -> memref<2x8x16xf32, #tpu.memory_space<hbm>>
        tpu.enqueue_dma source(%dma_start3A_1186 : memref<2x8x16xf32, #tpu.memory_space<hbm>>) target(%dma_start3A_1183 : memref<2x8x16xf32, #tpu.memory_space<vmem>>) target_semaphore(%arg15 : memref<!tpu.dma_semaphore, #tpu.memory_space<semaphore_mem>>)
        %slice3A_1187 = vector.extract_strided_slice %shift_right_arithmetic3A_1008 {offsets = [4], sizes = [1], strides = [1]} : vector<16xi32> to vector<1xi32>
        %squeeze3A_1188 = vector.extract %slice3A_1187[0] : i32 from vector<1xi32>
        %mul3A_1189 = arith.constant 16 : i32
        %mul3A_1190 = arith.muli %squeeze3A_1188, %mul3A_1189 : i32
        %dma_start3A_1191 = arith.constant 4 : i32
        %dma_start3A_1192 = arith.constant 0 : i32
        %dma_start3A_1193 = arith.constant 0 : i32
        %dma_start3A_1194 = arith.constant 0 : i32
        %dma_start3A_1195 = tpu.memref_slice %arg9[%sub3A_998, %dma_start3A_1191, %dma_start3A_1192, %dma_start3A_1193, %dma_start3A_1194] : memref<2x16x2x8x128xf32, #tpu.memory_space<vmem>> -> memref<1x1x2x8x16xf32, #tpu.memory_space<vmem>>
        %dma_start3A_1196 = tpu.memref_squeeze %dma_start3A_1195 : memref<1x1x2x8x16xf32, #tpu.memory_space<vmem>> -> memref<2x8x16xf32, #tpu.memory_space<vmem>>
        %dma_start3A_1197 = arith.constant 0 : i32
        %dma_start3A_1198 = arith.constant 0 : i32
        %dma_start3A_1199 = tpu.memref_slice %arg4[%dma_start3A_1197, %dma_start3A_1198, %mul3A_1190] : memref<2x8x1000000xf32, #tpu.memory_space<hbm>> -> memref<2x8x16xf32, #tpu.memory_space<hbm>>
        %dma_start3A_1200 = arith.constant 0 : i32
        %dma_start3A_1201 = arith.constant 0 : i32
        %dma_start3A_1202 = arith.constant 0 : i32
        %dma_start3A_1203 = tpu.memref_slice %arg9[%sub3A_998, %dma_start3A_1191, %dma_start3A_1200, %dma_start3A_1201, %dma_start3A_1202] : memref<2x16x2x8x128xf32, #tpu.memory_space<vmem>> -> memref<1x1x2x8x16xf32, #tpu.memory_space<vmem>>
        %dma_start3A_1204 = tpu.memref_squeeze %dma_start3A_1203 : memref<1x1x2x8x16xf32, #tpu.memory_space<vmem>> -> memref<2x8x16xf32, #tpu.memory_space<vmem>>
        %dma_start3A_1205 = arith.constant 0 : i32
        %dma_start3A_1206 = arith.constant 0 : i32
        %dma_start3A_1207 = tpu.memref_slice %arg4[%dma_start3A_1205, %dma_start3A_1206, %mul3A_1190] : memref<2x8x1000000xf32, #tpu.memory_space<hbm>> -> memref<2x8x16xf32, #tpu.memory_space<hbm>>
        tpu.enqueue_dma source(%dma_start3A_1207 : memref<2x8x16xf32, #tpu.memory_space<hbm>>) target(%dma_start3A_1204 : memref<2x8x16xf32, #tpu.memory_space<vmem>>) target_semaphore(%arg12 : memref<!tpu.dma_semaphore, #tpu.memory_space<semaphore_mem>>)
        %slice3A_1208 = vector.extract_strided_slice %shift_right_arithmetic3A_1018 {offsets = [4], sizes = [1], strides = [1]} : vector<16xi32> to vector<1xi32>
        %squeeze3A_1209 = vector.extract %slice3A_1208[0] : i32 from vector<1xi32>
        %mul3A_1210 = arith.constant 16 : i32
        %mul3A_1211 = arith.muli %squeeze3A_1209, %mul3A_1210 : i32
        %dma_start3A_1212 = arith.constant 4 : i32
        %dma_start3A_1213 = arith.constant 0 : i32
        %dma_start3A_1214 = arith.constant 0 : i32
        %dma_start3A_1215 = arith.constant 16 : i32
        %dma_start3A_1216 = tpu.memref_slice %arg9[%sub3A_998, %dma_start3A_1212, %dma_start3A_1213, %dma_start3A_1214, %dma_start3A_1215] : memref<2x16x2x8x128xf32, #tpu.memory_space<vmem>> -> memref<1x1x2x8x16xf32, #tpu.memory_space<vmem>>
        %dma_start3A_1217 = tpu.memref_squeeze %dma_start3A_1216 : memref<1x1x2x8x16xf32, #tpu.memory_space<vmem>> -> memref<2x8x16xf32, #tpu.memory_space<vmem>>
        %dma_start3A_1218 = arith.constant 0 : i32
        %dma_start3A_1219 = arith.constant 0 : i32
        %dma_start3A_1220 = tpu.memref_slice %arg5[%dma_start3A_1218, %dma_start3A_1219, %mul3A_1211] : memref<2x8x1000000xf32, #tpu.memory_space<hbm>> -> memref<2x8x16xf32, #tpu.memory_space<hbm>>
        %dma_start3A_1221 = arith.constant 0 : i32
        %dma_start3A_1222 = arith.constant 0 : i32
        %dma_start3A_1223 = arith.constant 16 : i32
        %dma_start3A_1224 = tpu.memref_slice %arg9[%sub3A_998, %dma_start3A_1212, %dma_start3A_1221, %dma_start3A_1222, %dma_start3A_1223] : memref<2x16x2x8x128xf32, #tpu.memory_space<vmem>> -> memref<1x1x2x8x16xf32, #tpu.memory_space<vmem>>
        %dma_start3A_1225 = tpu.memref_squeeze %dma_start3A_1224 : memref<1x1x2x8x16xf32, #tpu.memory_space<vmem>> -> memref<2x8x16xf32, #tpu.memory_space<vmem>>
        %dma_start3A_1226 = arith.constant 0 : i32
        %dma_start3A_1227 = arith.constant 0 : i32
        %dma_start3A_1228 = tpu.memref_slice %arg5[%dma_start3A_1226, %dma_start3A_1227, %mul3A_1211] : memref<2x8x1000000xf32, #tpu.memory_space<hbm>> -> memref<2x8x16xf32, #tpu.memory_space<hbm>>
        tpu.enqueue_dma source(%dma_start3A_1228 : memref<2x8x16xf32, #tpu.memory_space<hbm>>) target(%dma_start3A_1225 : memref<2x8x16xf32, #tpu.memory_space<vmem>>) target_semaphore(%arg13 : memref<!tpu.dma_semaphore, #tpu.memory_space<semaphore_mem>>)
        %slice3A_1229 = vector.extract_strided_slice %shift_right_arithmetic3A_1008 {offsets = [5], sizes = [1], strides = [1]} : vector<16xi32> to vector<1xi32>
        %squeeze3A_1230 = vector.extract %slice3A_1229[0] : i32 from vector<1xi32>
        %mul3A_1231 = arith.constant 16 : i32
        %mul3A_1232 = arith.muli %squeeze3A_1230, %mul3A_1231 : i32
        %dma_start3A_1233 = arith.constant 5 : i32
        %dma_start3A_1234 = arith.constant 0 : i32
        %dma_start3A_1235 = arith.constant 0 : i32
        %dma_start3A_1236 = arith.constant 0 : i32
        %dma_start3A_1237 = tpu.memref_slice %arg9[%sub3A_998, %dma_start3A_1233, %dma_start3A_1234, %dma_start3A_1235, %dma_start3A_1236] : memref<2x16x2x8x128xf32, #tpu.memory_space<vmem>> -> memref<1x1x2x8x16xf32, #tpu.memory_space<vmem>>
        %dma_start3A_1238 = tpu.memref_squeeze %dma_start3A_1237 : memref<1x1x2x8x16xf32, #tpu.memory_space<vmem>> -> memref<2x8x16xf32, #tpu.memory_space<vmem>>
        %dma_start3A_1239 = arith.constant 0 : i32
        %dma_start3A_1240 = arith.constant 0 : i32
        %dma_start3A_1241 = tpu.memref_slice %arg4[%dma_start3A_1239, %dma_start3A_1240, %mul3A_1232] : memref<2x8x1000000xf32, #tpu.memory_space<hbm>> -> memref<2x8x16xf32, #tpu.memory_space<hbm>>
        %dma_start3A_1242 = arith.constant 0 : i32
        %dma_start3A_1243 = arith.constant 0 : i32
        %dma_start3A_1244 = arith.constant 0 : i32
        %dma_start3A_1245 = tpu.memref_slice %arg9[%sub3A_998, %dma_start3A_1233, %dma_start3A_1242, %dma_start3A_1243, %dma_start3A_1244] : memref<2x16x2x8x128xf32, #tpu.memory_space<vmem>> -> memref<1x1x2x8x16xf32, #tpu.memory_space<vmem>>
        %dma_start3A_1246 = tpu.memref_squeeze %dma_start3A_1245 : memref<1x1x2x8x16xf32, #tpu.memory_space<vmem>> -> memref<2x8x16xf32, #tpu.memory_space<vmem>>
        %dma_start3A_1247 = arith.constant 0 : i32
        %dma_start3A_1248 = arith.constant 0 : i32
        %dma_start3A_1249 = tpu.memref_slice %arg4[%dma_start3A_1247, %dma_start3A_1248, %mul3A_1232] : memref<2x8x1000000xf32, #tpu.memory_space<hbm>> -> memref<2x8x16xf32, #tpu.memory_space<hbm>>
        tpu.enqueue_dma source(%dma_start3A_1249 : memref<2x8x16xf32, #tpu.memory_space<hbm>>) target(%dma_start3A_1246 : memref<2x8x16xf32, #tpu.memory_space<vmem>>) target_semaphore(%arg14 : memref<!tpu.dma_semaphore, #tpu.memory_space<semaphore_mem>>)
        %slice3A_1250 = vector.extract_strided_slice %shift_right_arithmetic3A_1018 {offsets = [5], sizes = [1], strides = [1]} : vector<16xi32> to vector<1xi32>
        %squeeze3A_1251 = vector.extract %slice3A_1250[0] : i32 from vector<1xi32>
        %mul3A_1252 = arith.constant 16 : i32
        %mul3A_1253 = arith.muli %squeeze3A_1251, %mul3A_1252 : i32
        %dma_start3A_1254 = arith.constant 5 : i32
        %dma_start3A_1255 = arith.constant 0 : i32
        %dma_start3A_1256 = arith.constant 0 : i32
        %dma_start3A_1257 = arith.constant 16 : i32
        %dma_start3A_1258 = tpu.memref_slice %arg9[%sub3A_998, %dma_start3A_1254, %dma_start3A_1255, %dma_start3A_1256, %dma_start3A_1257] : memref<2x16x2x8x128xf32, #tpu.memory_space<vmem>> -> memref<1x1x2x8x16xf32, #tpu.memory_space<vmem>>
        %dma_start3A_1259 = tpu.memref_squeeze %dma_start3A_1258 : memref<1x1x2x8x16xf32, #tpu.memory_space<vmem>> -> memref<2x8x16xf32, #tpu.memory_space<vmem>>
        %dma_start3A_1260 = arith.constant 0 : i32
        %dma_start3A_1261 = arith.constant 0 : i32
        %dma_start3A_1262 = tpu.memref_slice %arg5[%dma_start3A_1260, %dma_start3A_1261, %mul3A_1253] : memref<2x8x1000000xf32, #tpu.memory_space<hbm>> -> memref<2x8x16xf32, #tpu.memory_space<hbm>>
        %dma_start3A_1263 = arith.constant 0 : i32
        %dma_start3A_1264 = arith.constant 0 : i32
        %dma_start3A_1265 = arith.constant 16 : i32
        %dma_start3A_1266 = tpu.memref_slice %arg9[%sub3A_998, %dma_start3A_1254, %dma_start3A_1263, %dma_start3A_1264, %dma_start3A_1265] : memref<2x16x2x8x128xf32, #tpu.memory_space<vmem>> -> memref<1x1x2x8x16xf32, #tpu.memory_space<vmem>>
        %dma_start3A_1267 = tpu.memref_squeeze %dma_start3A_1266 : memref<1x1x2x8x16xf32, #tpu.memory_space<vmem>> -> memref<2x8x16xf32, #tpu.memory_space<vmem>>
        %dma_start3A_1268 = arith.constant 0 : i32
        %dma_start3A_1269 = arith.constant 0 : i32
        %dma_start3A_1270 = tpu.memref_slice %arg5[%dma_start3A_1268, %dma_start3A_1269, %mul3A_1253] : memref<2x8x1000000xf32, #tpu.memory_space<hbm>> -> memref<2x8x16xf32, #tpu.memory_space<hbm>>
        tpu.enqueue_dma source(%dma_start3A_1270 : memref<2x8x16xf32, #tpu.memory_space<hbm>>) target(%dma_start3A_1267 : memref<2x8x16xf32, #tpu.memory_space<vmem>>) target_semaphore(%arg15 : memref<!tpu.dma_semaphore, #tpu.memory_space<semaphore_mem>>)
        %slice3A_1271 = vector.extract_strided_slice %shift_right_arithmetic3A_1008 {offsets = [6], sizes = [1], strides = [1]} : vector<16xi32> to vector<1xi32>
        %squeeze3A_1272 = vector.extract %slice3A_1271[0] : i32 from vector<1xi32>
        %mul3A_1273 = arith.constant 16 : i32
        %mul3A_1274 = arith.muli %squeeze3A_1272, %mul3A_1273 : i32
        %dma_start3A_1275 = arith.constant 6 : i32
        %dma_start3A_1276 = arith.constant 0 : i32
        %dma_start3A_1277 = arith.constant 0 : i32
        %dma_start3A_1278 = arith.constant 0 : i32
        %dma_start3A_1279 = tpu.memref_slice %arg9[%sub3A_998, %dma_start3A_1275, %dma_start3A_1276, %dma_start3A_1277, %dma_start3A_1278] : memref<2x16x2x8x128xf32, #tpu.memory_space<vmem>> -> memref<1x1x2x8x16xf32, #tpu.memory_space<vmem>>
        %dma_start3A_1280 = tpu.memref_squeeze %dma_start3A_1279 : memref<1x1x2x8x16xf32, #tpu.memory_space<vmem>> -> memref<2x8x16xf32, #tpu.memory_space<vmem>>
        %dma_start3A_1281 = arith.constant 0 : i32
        %dma_start3A_1282 = arith.constant 0 : i32
        %dma_start3A_1283 = tpu.memref_slice %arg4[%dma_start3A_1281, %dma_start3A_1282, %mul3A_1274] : memref<2x8x1000000xf32, #tpu.memory_space<hbm>> -> memref<2x8x16xf32, #tpu.memory_space<hbm>>
        %dma_start3A_1284 = arith.constant 0 : i32
        %dma_start3A_1285 = arith.constant 0 : i32
        %dma_start3A_1286 = arith.constant 0 : i32
        %dma_start3A_1287 = tpu.memref_slice %arg9[%sub3A_998, %dma_start3A_1275, %dma_start3A_1284, %dma_start3A_1285, %dma_start3A_1286] : memref<2x16x2x8x128xf32, #tpu.memory_space<vmem>> -> memref<1x1x2x8x16xf32, #tpu.memory_space<vmem>>
        %dma_start3A_1288 = tpu.memref_squeeze %dma_start3A_1287 : memref<1x1x2x8x16xf32, #tpu.memory_space<vmem>> -> memref<2x8x16xf32, #tpu.memory_space<vmem>>
        %dma_start3A_1289 = arith.constant 0 : i32
        %dma_start3A_1290 = arith.constant 0 : i32
        %dma_start3A_1291 = tpu.memref_slice %arg4[%dma_start3A_1289, %dma_start3A_1290, %mul3A_1274] : memref<2x8x1000000xf32, #tpu.memory_space<hbm>> -> memref<2x8x16xf32, #tpu.memory_space<hbm>>
        tpu.enqueue_dma source(%dma_start3A_1291 : memref<2x8x16xf32, #tpu.memory_space<hbm>>) target(%dma_start3A_1288 : memref<2x8x16xf32, #tpu.memory_space<vmem>>) target_semaphore(%arg12 : memref<!tpu.dma_semaphore, #tpu.memory_space<semaphore_mem>>)
        %slice3A_1292 = vector.extract_strided_slice %shift_right_arithmetic3A_1018 {offsets = [6], sizes = [1], strides = [1]} : vector<16xi32> to vector<1xi32>
        %squeeze3A_1293 = vector.extract %slice3A_1292[0] : i32 from vector<1xi32>
        %mul3A_1294 = arith.constant 16 : i32
        %mul3A_1295 = arith.muli %squeeze3A_1293, %mul3A_1294 : i32
        %dma_start3A_1296 = arith.constant 6 : i32
        %dma_start3A_1297 = arith.constant 0 : i32
        %dma_start3A_1298 = arith.constant 0 : i32
        %dma_start3A_1299 = arith.constant 16 : i32
        %dma_start3A_1300 = tpu.memref_slice %arg9[%sub3A_998, %dma_start3A_1296, %dma_start3A_1297, %dma_start3A_1298, %dma_start3A_1299] : memref<2x16x2x8x128xf32, #tpu.memory_space<vmem>> -> memref<1x1x2x8x16xf32, #tpu.memory_space<vmem>>
        %dma_start3A_1301 = tpu.memref_squeeze %dma_start3A_1300 : memref<1x1x2x8x16xf32, #tpu.memory_space<vmem>> -> memref<2x8x16xf32, #tpu.memory_space<vmem>>
        %dma_start3A_1302 = arith.constant 0 : i32
        %dma_start3A_1303 = arith.constant 0 : i32
        %dma_start3A_1304 = tpu.memref_slice %arg5[%dma_start3A_1302, %dma_start3A_1303, %mul3A_1295] : memref<2x8x1000000xf32, #tpu.memory_space<hbm>> -> memref<2x8x16xf32, #tpu.memory_space<hbm>>
        %dma_start3A_1305 = arith.constant 0 : i32
        %dma_start3A_1306 = arith.constant 0 : i32
        %dma_start3A_1307 = arith.constant 16 : i32
        %dma_start3A_1308 = tpu.memref_slice %arg9[%sub3A_998, %dma_start3A_1296, %dma_start3A_1305, %dma_start3A_1306, %dma_start3A_1307] : memref<2x16x2x8x128xf32, #tpu.memory_space<vmem>> -> memref<1x1x2x8x16xf32, #tpu.memory_space<vmem>>
        %dma_start3A_1309 = tpu.memref_squeeze %dma_start3A_1308 : memref<1x1x2x8x16xf32, #tpu.memory_space<vmem>> -> memref<2x8x16xf32, #tpu.memory_space<vmem>>
        %dma_start3A_1310 = arith.constant 0 : i32
        %dma_start3A_1311 = arith.constant 0 : i32
        %dma_start3A_1312 = tpu.memref_slice %arg5[%dma_start3A_1310, %dma_start3A_1311, %mul3A_1295] : memref<2x8x1000000xf32, #tpu.memory_space<hbm>> -> memref<2x8x16xf32, #tpu.memory_space<hbm>>
        tpu.enqueue_dma source(%dma_start3A_1312 : memref<2x8x16xf32, #tpu.memory_space<hbm>>) target(%dma_start3A_1309 : memref<2x8x16xf32, #tpu.memory_space<vmem>>) target_semaphore(%arg13 : memref<!tpu.dma_semaphore, #tpu.memory_space<semaphore_mem>>)
        %slice3A_1313 = vector.extract_strided_slice %shift_right_arithmetic3A_1008 {offsets = [7], sizes = [1], strides = [1]} : vector<16xi32> to vector<1xi32>
        %squeeze3A_1314 = vector.extract %slice3A_1313[0] : i32 from vector<1xi32>
        %mul3A_1315 = arith.constant 16 : i32
        %mul3A_1316 = arith.muli %squeeze3A_1314, %mul3A_1315 : i32
        %dma_start3A_1317 = arith.constant 7 : i32
        %dma_start3A_1318 = arith.constant 0 : i32
        %dma_start3A_1319 = arith.constant 0 : i32
        %dma_start3A_1320 = arith.constant 0 : i32
        %dma_start3A_1321 = tpu.memref_slice %arg9[%sub3A_998, %dma_start3A_1317, %dma_start3A_1318, %dma_start3A_1319, %dma_start3A_1320] : memref<2x16x2x8x128xf32, #tpu.memory_space<vmem>> -> memref<1x1x2x8x16xf32, #tpu.memory_space<vmem>>
        %dma_start3A_1322 = tpu.memref_squeeze %dma_start3A_1321 : memref<1x1x2x8x16xf32, #tpu.memory_space<vmem>> -> memref<2x8x16xf32, #tpu.memory_space<vmem>>
        %dma_start3A_1323 = arith.constant 0 : i32
        %dma_start3A_1324 = arith.constant 0 : i32
        %dma_start3A_1325 = tpu.memref_slice %arg4[%dma_start3A_1323, %dma_start3A_1324, %mul3A_1316] : memref<2x8x1000000xf32, #tpu.memory_space<hbm>> -> memref<2x8x16xf32, #tpu.memory_space<hbm>>
        %dma_start3A_1326 = arith.constant 0 : i32
        %dma_start3A_1327 = arith.constant 0 : i32
        %dma_start3A_1328 = arith.constant 0 : i32
        %dma_start3A_1329 = tpu.memref_slice %arg9[%sub3A_998, %dma_start3A_1317, %dma_start3A_1326, %dma_start3A_1327, %dma_start3A_1328] : memref<2x16x2x8x128xf32, #tpu.memory_space<vmem>> -> memref<1x1x2x8x16xf32, #tpu.memory_space<vmem>>
        %dma_start3A_1330 = tpu.memref_squeeze %dma_start3A_1329 : memref<1x1x2x8x16xf32, #tpu.memory_space<vmem>> -> memref<2x8x16xf32, #tpu.memory_space<vmem>>
        %dma_start3A_1331 = arith.constant 0 : i32
        %dma_start3A_1332 = arith.constant 0 : i32
        %dma_start3A_1333 = tpu.memref_slice %arg4[%dma_start3A_1331, %dma_start3A_1332, %mul3A_1316] : memref<2x8x1000000xf32, #tpu.memory_space<hbm>> -> memref<2x8x16xf32, #tpu.memory_space<hbm>>
        tpu.enqueue_dma source(%dma_start3A_1333 : memref<2x8x16xf32, #tpu.memory_space<hbm>>) target(%dma_start3A_1330 : memref<2x8x16xf32, #tpu.memory_space<vmem>>) target_semaphore(%arg14 : memref<!tpu.dma_semaphore, #tpu.memory_space<semaphore_mem>>)
        %slice3A_1334 = vector.extract_strided_slice %shift_right_arithmetic3A_1018 {offsets = [7], sizes = [1], strides = [1]} : vector<16xi32> to vector<1xi32>
        %squeeze3A_1335 = vector.extract %slice3A_1334[0] : i32 from vector<1xi32>
        %mul3A_1336 = arith.constant 16 : i32
        %mul3A_1337 = arith.muli %squeeze3A_1335, %mul3A_1336 : i32
        %dma_start3A_1338 = arith.constant 7 : i32
        %dma_start3A_1339 = arith.constant 0 : i32
        %dma_start3A_1340 = arith.constant 0 : i32
        %dma_start3A_1341 = arith.constant 16 : i32
        %dma_start3A_1342 = tpu.memref_slice %arg9[%sub3A_998, %dma_start3A_1338, %dma_start3A_1339, %dma_start3A_1340, %dma_start3A_1341] : memref<2x16x2x8x128xf32, #tpu.memory_space<vmem>> -> memref<1x1x2x8x16xf32, #tpu.memory_space<vmem>>
        %dma_start3A_1343 = tpu.memref_squeeze %dma_start3A_1342 : memref<1x1x2x8x16xf32, #tpu.memory_space<vmem>> -> memref<2x8x16xf32, #tpu.memory_space<vmem>>
        %dma_start3A_1344 = arith.constant 0 : i32
        %dma_start3A_1345 = arith.constant 0 : i32
        %dma_start3A_1346 = tpu.memref_slice %arg5[%dma_start3A_1344, %dma_start3A_1345, %mul3A_1337] : memref<2x8x1000000xf32, #tpu.memory_space<hbm>> -> memref<2x8x16xf32, #tpu.memory_space<hbm>>
        %dma_start3A_1347 = arith.constant 0 : i32
        %dma_start3A_1348 = arith.constant 0 : i32
        %dma_start3A_1349 = arith.constant 16 : i32
        %dma_start3A_1350 = tpu.memref_slice %arg9[%sub3A_998, %dma_start3A_1338, %dma_start3A_1347, %dma_start3A_1348, %dma_start3A_1349] : memref<2x16x2x8x128xf32, #tpu.memory_space<vmem>> -> memref<1x1x2x8x16xf32, #tpu.memory_space<vmem>>
        %dma_start3A_1351 = tpu.memref_squeeze %dma_start3A_1350 : memref<1x1x2x8x16xf32, #tpu.memory_space<vmem>> -> memref<2x8x16xf32, #tpu.memory_space<vmem>>
        %dma_start3A_1352 = arith.constant 0 : i32
        %dma_start3A_1353 = arith.constant 0 : i32
        %dma_start3A_1354 = tpu.memref_slice %arg5[%dma_start3A_1352, %dma_start3A_1353, %mul3A_1337] : memref<2x8x1000000xf32, #tpu.memory_space<hbm>> -> memref<2x8x16xf32, #tpu.memory_space<hbm>>
        tpu.enqueue_dma source(%dma_start3A_1354 : memref<2x8x16xf32, #tpu.memory_space<hbm>>) target(%dma_start3A_1351 : memref<2x8x16xf32, #tpu.memory_space<vmem>>) target_semaphore(%arg15 : memref<!tpu.dma_semaphore, #tpu.memory_space<semaphore_mem>>)
        %slice3A_1355 = vector.extract_strided_slice %shift_right_arithmetic3A_1008 {offsets = [8], sizes = [1], strides = [1]} : vector<16xi32> to vector<1xi32>
        %squeeze3A_1356 = vector.extract %slice3A_1355[0] : i32 from vector<1xi32>
        %mul3A_1357 = arith.constant 16 : i32
        %mul3A_1358 = arith.muli %squeeze3A_1356, %mul3A_1357 : i32
        %dma_start3A_1359 = arith.constant 8 : i32
        %dma_start3A_1360 = arith.constant 0 : i32
        %dma_start3A_1361 = arith.constant 0 : i32
        %dma_start3A_1362 = arith.constant 0 : i32
        %dma_start3A_1363 = tpu.memref_slice %arg9[%sub3A_998, %dma_start3A_1359, %dma_start3A_1360, %dma_start3A_1361, %dma_start3A_1362] : memref<2x16x2x8x128xf32, #tpu.memory_space<vmem>> -> memref<1x1x2x8x16xf32, #tpu.memory_space<vmem>>
        %dma_start3A_1364 = tpu.memref_squeeze %dma_start3A_1363 : memref<1x1x2x8x16xf32, #tpu.memory_space<vmem>> -> memref<2x8x16xf32, #tpu.memory_space<vmem>>
        %dma_start3A_1365 = arith.constant 0 : i32
        %dma_start3A_1366 = arith.constant 0 : i32
        %dma_start3A_1367 = tpu.memref_slice %arg4[%dma_start3A_1365, %dma_start3A_1366, %mul3A_1358] : memref<2x8x1000000xf32, #tpu.memory_space<hbm>> -> memref<2x8x16xf32, #tpu.memory_space<hbm>>
        %dma_start3A_1368 = arith.constant 0 : i32
        %dma_start3A_1369 = arith.constant 0 : i32
        %dma_start3A_1370 = arith.constant 0 : i32
        %dma_start3A_1371 = tpu.memref_slice %arg9[%sub3A_998, %dma_start3A_1359, %dma_start3A_1368, %dma_start3A_1369, %dma_start3A_1370] : memref<2x16x2x8x128xf32, #tpu.memory_space<vmem>> -> memref<1x1x2x8x16xf32, #tpu.memory_space<vmem>>
        %dma_start3A_1372 = tpu.memref_squeeze %dma_start3A_1371 : memref<1x1x2x8x16xf32, #tpu.memory_space<vmem>> -> memref<2x8x16xf32, #tpu.memory_space<vmem>>
        %dma_start3A_1373 = arith.constant 0 : i32
        %dma_start3A_1374 = arith.constant 0 : i32
        %dma_start3A_1375 = tpu.memref_slice %arg4[%dma_start3A_1373, %dma_start3A_1374, %mul3A_1358] : memref<2x8x1000000xf32, #tpu.memory_space<hbm>> -> memref<2x8x16xf32, #tpu.memory_space<hbm>>
        tpu.enqueue_dma source(%dma_start3A_1375 : memref<2x8x16xf32, #tpu.memory_space<hbm>>) target(%dma_start3A_1372 : memref<2x8x16xf32, #tpu.memory_space<vmem>>) target_semaphore(%arg12 : memref<!tpu.dma_semaphore, #tpu.memory_space<semaphore_mem>>)
        %slice3A_1376 = vector.extract_strided_slice %shift_right_arithmetic3A_1018 {offsets = [8], sizes = [1], strides = [1]} : vector<16xi32> to vector<1xi32>
        %squeeze3A_1377 = vector.extract %slice3A_1376[0] : i32 from vector<1xi32>
        %mul3A_1378 = arith.constant 16 : i32
        %mul3A_1379 = arith.muli %squeeze3A_1377, %mul3A_1378 : i32
        %dma_start3A_1380 = arith.constant 8 : i32
        %dma_start3A_1381 = arith.constant 0 : i32
        %dma_start3A_1382 = arith.constant 0 : i32
        %dma_start3A_1383 = arith.constant 16 : i32
        %dma_start3A_1384 = tpu.memref_slice %arg9[%sub3A_998, %dma_start3A_1380, %dma_start3A_1381, %dma_start3A_1382, %dma_start3A_1383] : memref<2x16x2x8x128xf32, #tpu.memory_space<vmem>> -> memref<1x1x2x8x16xf32, #tpu.memory_space<vmem>>
        %dma_start3A_1385 = tpu.memref_squeeze %dma_start3A_1384 : memref<1x1x2x8x16xf32, #tpu.memory_space<vmem>> -> memref<2x8x16xf32, #tpu.memory_space<vmem>>
        %dma_start3A_1386 = arith.constant 0 : i32
        %dma_start3A_1387 = arith.constant 0 : i32
        %dma_start3A_1388 = tpu.memref_slice %arg5[%dma_start3A_1386, %dma_start3A_1387, %mul3A_1379] : memref<2x8x1000000xf32, #tpu.memory_space<hbm>> -> memref<2x8x16xf32, #tpu.memory_space<hbm>>
        %dma_start3A_1389 = arith.constant 0 : i32
        %dma_start3A_1390 = arith.constant 0 : i32
        %dma_start3A_1391 = arith.constant 16 : i32
        %dma_start3A_1392 = tpu.memref_slice %arg9[%sub3A_998, %dma_start3A_1380, %dma_start3A_1389, %dma_start3A_1390, %dma_start3A_1391] : memref<2x16x2x8x128xf32, #tpu.memory_space<vmem>> -> memref<1x1x2x8x16xf32, #tpu.memory_space<vmem>>
        %dma_start3A_1393 = tpu.memref_squeeze %dma_start3A_1392 : memref<1x1x2x8x16xf32, #tpu.memory_space<vmem>> -> memref<2x8x16xf32, #tpu.memory_space<vmem>>
        %dma_start3A_1394 = arith.constant 0 : i32
        %dma_start3A_1395 = arith.constant 0 : i32
        %dma_start3A_1396 = tpu.memref_slice %arg5[%dma_start3A_1394, %dma_start3A_1395, %mul3A_1379] : memref<2x8x1000000xf32, #tpu.memory_space<hbm>> -> memref<2x8x16xf32, #tpu.memory_space<hbm>>
        tpu.enqueue_dma source(%dma_start3A_1396 : memref<2x8x16xf32, #tpu.memory_space<hbm>>) target(%dma_start3A_1393 : memref<2x8x16xf32, #tpu.memory_space<vmem>>) target_semaphore(%arg13 : memref<!tpu.dma_semaphore, #tpu.memory_space<semaphore_mem>>)
        %slice3A_1397 = vector.extract_strided_slice %shift_right_arithmetic3A_1008 {offsets = [9], sizes = [1], strides = [1]} : vector<16xi32> to vector<1xi32>
        %squeeze3A_1398 = vector.extract %slice3A_1397[0] : i32 from vector<1xi32>
        %mul3A_1399 = arith.constant 16 : i32
        %mul3A_1400 = arith.muli %squeeze3A_1398, %mul3A_1399 : i32
        %dma_start3A_1401 = arith.constant 9 : i32
        %dma_start3A_1402 = arith.constant 0 : i32
        %dma_start3A_1403 = arith.constant 0 : i32
        %dma_start3A_1404 = arith.constant 0 : i32
        %dma_start3A_1405 = tpu.memref_slice %arg9[%sub3A_998, %dma_start3A_1401, %dma_start3A_1402, %dma_start3A_1403, %dma_start3A_1404] : memref<2x16x2x8x128xf32, #tpu.memory_space<vmem>> -> memref<1x1x2x8x16xf32, #tpu.memory_space<vmem>>
        %dma_start3A_1406 = tpu.memref_squeeze %dma_start3A_1405 : memref<1x1x2x8x16xf32, #tpu.memory_space<vmem>> -> memref<2x8x16xf32, #tpu.memory_space<vmem>>
        %dma_start3A_1407 = arith.constant 0 : i32
        %dma_start3A_1408 = arith.constant 0 : i32
        %dma_start3A_1409 = tpu.memref_slice %arg4[%dma_start3A_1407, %dma_start3A_1408, %mul3A_1400] : memref<2x8x1000000xf32, #tpu.memory_space<hbm>> -> memref<2x8x16xf32, #tpu.memory_space<hbm>>
        %dma_start3A_1410 = arith.constant 0 : i32
        %dma_start3A_1411 = arith.constant 0 : i32
        %dma_start3A_1412 = arith.constant 0 : i32
        %dma_start3A_1413 = tpu.memref_slice %arg9[%sub3A_998, %dma_start3A_1401, %dma_start3A_1410, %dma_start3A_1411, %dma_start3A_1412] : memref<2x16x2x8x128xf32, #tpu.memory_space<vmem>> -> memref<1x1x2x8x16xf32, #tpu.memory_space<vmem>>
        %dma_start3A_1414 = tpu.memref_squeeze %dma_start3A_1413 : memref<1x1x2x8x16xf32, #tpu.memory_space<vmem>> -> memref<2x8x16xf32, #tpu.memory_space<vmem>>
        %dma_start3A_1415 = arith.constant 0 : i32
        %dma_start3A_1416 = arith.constant 0 : i32
        %dma_start3A_1417 = tpu.memref_slice %arg4[%dma_start3A_1415, %dma_start3A_1416, %mul3A_1400] : memref<2x8x1000000xf32, #tpu.memory_space<hbm>> -> memref<2x8x16xf32, #tpu.memory_space<hbm>>
        tpu.enqueue_dma source(%dma_start3A_1417 : memref<2x8x16xf32, #tpu.memory_space<hbm>>) target(%dma_start3A_1414 : memref<2x8x16xf32, #tpu.memory_space<vmem>>) target_semaphore(%arg14 : memref<!tpu.dma_semaphore, #tpu.memory_space<semaphore_mem>>)
        %slice3A_1418 = vector.extract_strided_slice %shift_right_arithmetic3A_1018 {offsets = [9], sizes = [1], strides = [1]} : vector<16xi32> to vector<1xi32>
        %squeeze3A_1419 = vector.extract %slice3A_1418[0] : i32 from vector<1xi32>
        %mul3A_1420 = arith.constant 16 : i32
        %mul3A_1421 = arith.muli %squeeze3A_1419, %mul3A_1420 : i32
        %dma_start3A_1422 = arith.constant 9 : i32
        %dma_start3A_1423 = arith.constant 0 : i32
        %dma_start3A_1424 = arith.constant 0 : i32
        %dma_start3A_1425 = arith.constant 16 : i32
        %dma_start3A_1426 = tpu.memref_slice %arg9[%sub3A_998, %dma_start3A_1422, %dma_start3A_1423, %dma_start3A_1424, %dma_start3A_1425] : memref<2x16x2x8x128xf32, #tpu.memory_space<vmem>> -> memref<1x1x2x8x16xf32, #tpu.memory_space<vmem>>
        %dma_start3A_1427 = tpu.memref_squeeze %dma_start3A_1426 : memref<1x1x2x8x16xf32, #tpu.memory_space<vmem>> -> memref<2x8x16xf32, #tpu.memory_space<vmem>>
        %dma_start3A_1428 = arith.constant 0 : i32
        %dma_start3A_1429 = arith.constant 0 : i32
        %dma_start3A_1430 = tpu.memref_slice %arg5[%dma_start3A_1428, %dma_start3A_1429, %mul3A_1421] : memref<2x8x1000000xf32, #tpu.memory_space<hbm>> -> memref<2x8x16xf32, #tpu.memory_space<hbm>>
        %dma_start3A_1431 = arith.constant 0 : i32
        %dma_start3A_1432 = arith.constant 0 : i32
        %dma_start3A_1433 = arith.constant 16 : i32
        %dma_start3A_1434 = tpu.memref_slice %arg9[%sub3A_998, %dma_start3A_1422, %dma_start3A_1431, %dma_start3A_1432, %dma_start3A_1433] : memref<2x16x2x8x128xf32, #tpu.memory_space<vmem>> -> memref<1x1x2x8x16xf32, #tpu.memory_space<vmem>>
        %dma_start3A_1435 = tpu.memref_squeeze %dma_start3A_1434 : memref<1x1x2x8x16xf32, #tpu.memory_space<vmem>> -> memref<2x8x16xf32, #tpu.memory_space<vmem>>
        %dma_start3A_1436 = arith.constant 0 : i32
        %dma_start3A_1437 = arith.constant 0 : i32
        %dma_start3A_1438 = tpu.memref_slice %arg5[%dma_start3A_1436, %dma_start3A_1437, %mul3A_1421] : memref<2x8x1000000xf32, #tpu.memory_space<hbm>> -> memref<2x8x16xf32, #tpu.memory_space<hbm>>
        tpu.enqueue_dma source(%dma_start3A_1438 : memref<2x8x16xf32, #tpu.memory_space<hbm>>) target(%dma_start3A_1435 : memref<2x8x16xf32, #tpu.memory_space<vmem>>) target_semaphore(%arg15 : memref<!tpu.dma_semaphore, #tpu.memory_space<semaphore_mem>>)
        %slice3A_1439 = vector.extract_strided_slice %shift_right_arithmetic3A_1008 {offsets = [10], sizes = [1], strides = [1]} : vector<16xi32> to vector<1xi32>
        %squeeze3A_1440 = vector.extract %slice3A_1439[0] : i32 from vector<1xi32>
        %mul3A_1441 = arith.constant 16 : i32
        %mul3A_1442 = arith.muli %squeeze3A_1440, %mul3A_1441 : i32
        %dma_start3A_1443 = arith.constant 10 : i32
        %dma_start3A_1444 = arith.constant 0 : i32
        %dma_start3A_1445 = arith.constant 0 : i32
        %dma_start3A_1446 = arith.constant 0 : i32
        %dma_start3A_1447 = tpu.memref_slice %arg9[%sub3A_998, %dma_start3A_1443, %dma_start3A_1444, %dma_start3A_1445, %dma_start3A_1446] : memref<2x16x2x8x128xf32, #tpu.memory_space<vmem>> -> memref<1x1x2x8x16xf32, #tpu.memory_space<vmem>>
        %dma_start3A_1448 = tpu.memref_squeeze %dma_start3A_1447 : memref<1x1x2x8x16xf32, #tpu.memory_space<vmem>> -> memref<2x8x16xf32, #tpu.memory_space<vmem>>
        %dma_start3A_1449 = arith.constant 0 : i32
        %dma_start3A_1450 = arith.constant 0 : i32
        %dma_start3A_1451 = tpu.memref_slice %arg4[%dma_start3A_1449, %dma_start3A_1450, %mul3A_1442] : memref<2x8x1000000xf32, #tpu.memory_space<hbm>> -> memref<2x8x16xf32, #tpu.memory_space<hbm>>
        %dma_start3A_1452 = arith.constant 0 : i32
        %dma_start3A_1453 = arith.constant 0 : i32
        %dma_start3A_1454 = arith.constant 0 : i32
        %dma_start3A_1455 = tpu.memref_slice %arg9[%sub3A_998, %dma_start3A_1443, %dma_start3A_1452, %dma_start3A_1453, %dma_start3A_1454] : memref<2x16x2x8x128xf32, #tpu.memory_space<vmem>> -> memref<1x1x2x8x16xf32, #tpu.memory_space<vmem>>
        %dma_start3A_1456 = tpu.memref_squeeze %dma_start3A_1455 : memref<1x1x2x8x16xf32, #tpu.memory_space<vmem>> -> memref<2x8x16xf32, #tpu.memory_space<vmem>>
        %dma_start3A_1457 = arith.constant 0 : i32
        %dma_start3A_1458 = arith.constant 0 : i32
        %dma_start3A_1459 = tpu.memref_slice %arg4[%dma_start3A_1457, %dma_start3A_1458, %mul3A_1442] : memref<2x8x1000000xf32, #tpu.memory_space<hbm>> -> memref<2x8x16xf32, #tpu.memory_space<hbm>>
        tpu.enqueue_dma source(%dma_start3A_1459 : memref<2x8x16xf32, #tpu.memory_space<hbm>>) target(%dma_start3A_1456 : memref<2x8x16xf32, #tpu.memory_space<vmem>>) target_semaphore(%arg12 : memref<!tpu.dma_semaphore, #tpu.memory_space<semaphore_mem>>)
        %slice3A_1460 = vector.extract_strided_slice %shift_right_arithmetic3A_1018 {offsets = [10], sizes = [1], strides = [1]} : vector<16xi32> to vector<1xi32>
        %squeeze3A_1461 = vector.extract %slice3A_1460[0] : i32 from vector<1xi32>
        %mul3A_1462 = arith.constant 16 : i32
        %mul3A_1463 = arith.muli %squeeze3A_1461, %mul3A_1462 : i32
        %dma_start3A_1464 = arith.constant 10 : i32
        %dma_start3A_1465 = arith.constant 0 : i32
        %dma_start3A_1466 = arith.constant 0 : i32
        %dma_start3A_1467 = arith.constant 16 : i32
        %dma_start3A_1468 = tpu.memref_slice %arg9[%sub3A_998, %dma_start3A_1464, %dma_start3A_1465, %dma_start3A_1466, %dma_start3A_1467] : memref<2x16x2x8x128xf32, #tpu.memory_space<vmem>> -> memref<1x1x2x8x16xf32, #tpu.memory_space<vmem>>
        %dma_start3A_1469 = tpu.memref_squeeze %dma_start3A_1468 : memref<1x1x2x8x16xf32, #tpu.memory_space<vmem>> -> memref<2x8x16xf32, #tpu.memory_space<vmem>>
        %dma_start3A_1470 = arith.constant 0 : i32
        %dma_start3A_1471 = arith.constant 0 : i32
        %dma_start3A_1472 = tpu.memref_slice %arg5[%dma_start3A_1470, %dma_start3A_1471, %mul3A_1463] : memref<2x8x1000000xf32, #tpu.memory_space<hbm>> -> memref<2x8x16xf32, #tpu.memory_space<hbm>>
        %dma_start3A_1473 = arith.constant 0 : i32
        %dma_start3A_1474 = arith.constant 0 : i32
        %dma_start3A_1475 = arith.constant 16 : i32
        %dma_start3A_1476 = tpu.memref_slice %arg9[%sub3A_998, %dma_start3A_1464, %dma_start3A_1473, %dma_start3A_1474, %dma_start3A_1475] : memref<2x16x2x8x128xf32, #tpu.memory_space<vmem>> -> memref<1x1x2x8x16xf32, #tpu.memory_space<vmem>>
        %dma_start3A_1477 = tpu.memref_squeeze %dma_start3A_1476 : memref<1x1x2x8x16xf32, #tpu.memory_space<vmem>> -> memref<2x8x16xf32, #tpu.memory_space<vmem>>
        %dma_start3A_1478 = arith.constant 0 : i32
        %dma_start3A_1479 = arith.constant 0 : i32
        %dma_start3A_1480 = tpu.memref_slice %arg5[%dma_start3A_1478, %dma_start3A_1479, %mul3A_1463] : memref<2x8x1000000xf32, #tpu.memory_space<hbm>> -> memref<2x8x16xf32, #tpu.memory_space<hbm>>
        tpu.enqueue_dma source(%dma_start3A_1480 : memref<2x8x16xf32, #tpu.memory_space<hbm>>) target(%dma_start3A_1477 : memref<2x8x16xf32, #tpu.memory_space<vmem>>) target_semaphore(%arg13 : memref<!tpu.dma_semaphore, #tpu.memory_space<semaphore_mem>>)
        %slice3A_1481 = vector.extract_strided_slice %shift_right_arithmetic3A_1008 {offsets = [11], sizes = [1], strides = [1]} : vector<16xi32> to vector<1xi32>
        %squeeze3A_1482 = vector.extract %slice3A_1481[0] : i32 from vector<1xi32>
        %mul3A_1483 = arith.constant 16 : i32
        %mul3A_1484 = arith.muli %squeeze3A_1482, %mul3A_1483 : i32
        %dma_start3A_1485 = arith.constant 11 : i32
        %dma_start3A_1486 = arith.constant 0 : i32
        %dma_start3A_1487 = arith.constant 0 : i32
        %dma_start3A_1488 = arith.constant 0 : i32
        %dma_start3A_1489 = tpu.memref_slice %arg9[%sub3A_998, %dma_start3A_1485, %dma_start3A_1486, %dma_start3A_1487, %dma_start3A_1488] : memref<2x16x2x8x128xf32, #tpu.memory_space<vmem>> -> memref<1x1x2x8x16xf32, #tpu.memory_space<vmem>>
        %dma_start3A_1490 = tpu.memref_squeeze %dma_start3A_1489 : memref<1x1x2x8x16xf32, #tpu.memory_space<vmem>> -> memref<2x8x16xf32, #tpu.memory_space<vmem>>
        %dma_start3A_1491 = arith.constant 0 : i32
        %dma_start3A_1492 = arith.constant 0 : i32
        %dma_start3A_1493 = tpu.memref_slice %arg4[%dma_start3A_1491, %dma_start3A_1492, %mul3A_1484] : memref<2x8x1000000xf32, #tpu.memory_space<hbm>> -> memref<2x8x16xf32, #tpu.memory_space<hbm>>
        %dma_start3A_1494 = arith.constant 0 : i32
        %dma_start3A_1495 = arith.constant 0 : i32
        %dma_start3A_1496 = arith.constant 0 : i32
        %dma_start3A_1497 = tpu.memref_slice %arg9[%sub3A_998, %dma_start3A_1485, %dma_start3A_1494, %dma_start3A_1495, %dma_start3A_1496] : memref<2x16x2x8x128xf32, #tpu.memory_space<vmem>> -> memref<1x1x2x8x16xf32, #tpu.memory_space<vmem>>
        %dma_start3A_1498 = tpu.memref_squeeze %dma_start3A_1497 : memref<1x1x2x8x16xf32, #tpu.memory_space<vmem>> -> memref<2x8x16xf32, #tpu.memory_space<vmem>>
        %dma_start3A_1499 = arith.constant 0 : i32
        %dma_start3A_1500 = arith.constant 0 : i32
        %dma_start3A_1501 = tpu.memref_slice %arg4[%dma_start3A_1499, %dma_start3A_1500, %mul3A_1484] : memref<2x8x1000000xf32, #tpu.memory_space<hbm>> -> memref<2x8x16xf32, #tpu.memory_space<hbm>>
        tpu.enqueue_dma source(%dma_start3A_1501 : memref<2x8x16xf32, #tpu.memory_space<hbm>>) target(%dma_start3A_1498 : memref<2x8x16xf32, #tpu.memory_space<vmem>>) target_semaphore(%arg14 : memref<!tpu.dma_semaphore, #tpu.memory_space<semaphore_mem>>)
        %slice3A_1502 = vector.extract_strided_slice %shift_right_arithmetic3A_1018 {offsets = [11], sizes = [1], strides = [1]} : vector<16xi32> to vector<1xi32>
        %squeeze3A_1503 = vector.extract %slice3A_1502[0] : i32 from vector<1xi32>
        %mul3A_1504 = arith.constant 16 : i32
        %mul3A_1505 = arith.muli %squeeze3A_1503, %mul3A_1504 : i32
        %dma_start3A_1506 = arith.constant 11 : i32
        %dma_start3A_1507 = arith.constant 0 : i32
        %dma_start3A_1508 = arith.constant 0 : i32
        %dma_start3A_1509 = arith.constant 16 : i32
        %dma_start3A_1510 = tpu.memref_slice %arg9[%sub3A_998, %dma_start3A_1506, %dma_start3A_1507, %dma_start3A_1508, %dma_start3A_1509] : memref<2x16x2x8x128xf32, #tpu.memory_space<vmem>> -> memref<1x1x2x8x16xf32, #tpu.memory_space<vmem>>
        %dma_start3A_1511 = tpu.memref_squeeze %dma_start3A_1510 : memref<1x1x2x8x16xf32, #tpu.memory_space<vmem>> -> memref<2x8x16xf32, #tpu.memory_space<vmem>>
        %dma_start3A_1512 = arith.constant 0 : i32
        %dma_start3A_1513 = arith.constant 0 : i32
        %dma_start3A_1514 = tpu.memref_slice %arg5[%dma_start3A_1512, %dma_start3A_1513, %mul3A_1505] : memref<2x8x1000000xf32, #tpu.memory_space<hbm>> -> memref<2x8x16xf32, #tpu.memory_space<hbm>>
        %dma_start3A_1515 = arith.constant 0 : i32
        %dma_start3A_1516 = arith.constant 0 : i32
        %dma_start3A_1517 = arith.constant 16 : i32
        %dma_start3A_1518 = tpu.memref_slice %arg9[%sub3A_998, %dma_start3A_1506, %dma_start3A_1515, %dma_start3A_1516, %dma_start3A_1517] : memref<2x16x2x8x128xf32, #tpu.memory_space<vmem>> -> memref<1x1x2x8x16xf32, #tpu.memory_space<vmem>>
        %dma_start3A_1519 = tpu.memref_squeeze %dma_start3A_1518 : memref<1x1x2x8x16xf32, #tpu.memory_space<vmem>> -> memref<2x8x16xf32, #tpu.memory_space<vmem>>
        %dma_start3A_1520 = arith.constant 0 : i32
        %dma_start3A_1521 = arith.constant 0 : i32
        %dma_start3A_1522 = tpu.memref_slice %arg5[%dma_start3A_1520, %dma_start3A_1521, %mul3A_1505] : memref<2x8x1000000xf32, #tpu.memory_space<hbm>> -> memref<2x8x16xf32, #tpu.memory_space<hbm>>
        tpu.enqueue_dma source(%dma_start3A_1522 : memref<2x8x16xf32, #tpu.memory_space<hbm>>) target(%dma_start3A_1519 : memref<2x8x16xf32, #tpu.memory_space<vmem>>) target_semaphore(%arg15 : memref<!tpu.dma_semaphore, #tpu.memory_space<semaphore_mem>>)
        %slice3A_1523 = vector.extract_strided_slice %shift_right_arithmetic3A_1008 {offsets = [12], sizes = [1], strides = [1]} : vector<16xi32> to vector<1xi32>
        %squeeze3A_1524 = vector.extract %slice3A_1523[0] : i32 from vector<1xi32>
        %mul3A_1525 = arith.constant 16 : i32
        %mul3A_1526 = arith.muli %squeeze3A_1524, %mul3A_1525 : i32
        %dma_start3A_1527 = arith.constant 12 : i32
        %dma_start3A_1528 = arith.constant 0 : i32
        %dma_start3A_1529 = arith.constant 0 : i32
        %dma_start3A_1530 = arith.constant 0 : i32
        %dma_start3A_1531 = tpu.memref_slice %arg9[%sub3A_998, %dma_start3A_1527, %dma_start3A_1528, %dma_start3A_1529, %dma_start3A_1530] : memref<2x16x2x8x128xf32, #tpu.memory_space<vmem>> -> memref<1x1x2x8x16xf32, #tpu.memory_space<vmem>>
        %dma_start3A_1532 = tpu.memref_squeeze %dma_start3A_1531 : memref<1x1x2x8x16xf32, #tpu.memory_space<vmem>> -> memref<2x8x16xf32, #tpu.memory_space<vmem>>
        %dma_start3A_1533 = arith.constant 0 : i32
        %dma_start3A_1534 = arith.constant 0 : i32
        %dma_start3A_1535 = tpu.memref_slice %arg4[%dma_start3A_1533, %dma_start3A_1534, %mul3A_1526] : memref<2x8x1000000xf32, #tpu.memory_space<hbm>> -> memref<2x8x16xf32, #tpu.memory_space<hbm>>
        %dma_start3A_1536 = arith.constant 0 : i32
        %dma_start3A_1537 = arith.constant 0 : i32
        %dma_start3A_1538 = arith.constant 0 : i32
        %dma_start3A_1539 = tpu.memref_slice %arg9[%sub3A_998, %dma_start3A_1527, %dma_start3A_1536, %dma_start3A_1537, %dma_start3A_1538] : memref<2x16x2x8x128xf32, #tpu.memory_space<vmem>> -> memref<1x1x2x8x16xf32, #tpu.memory_space<vmem>>
        %dma_start3A_1540 = tpu.memref_squeeze %dma_start3A_1539 : memref<1x1x2x8x16xf32, #tpu.memory_space<vmem>> -> memref<2x8x16xf32, #tpu.memory_space<vmem>>
        %dma_start3A_1541 = arith.constant 0 : i32
        %dma_start3A_1542 = arith.constant 0 : i32
        %dma_start3A_1543 = tpu.memref_slice %arg4[%dma_start3A_1541, %dma_start3A_1542, %mul3A_1526] : memref<2x8x1000000xf32, #tpu.memory_space<hbm>> -> memref<2x8x16xf32, #tpu.memory_space<hbm>>
        tpu.enqueue_dma source(%dma_start3A_1543 : memref<2x8x16xf32, #tpu.memory_space<hbm>>) target(%dma_start3A_1540 : memref<2x8x16xf32, #tpu.memory_space<vmem>>) target_semaphore(%arg12 : memref<!tpu.dma_semaphore, #tpu.memory_space<semaphore_mem>>)
        %slice3A_1544 = vector.extract_strided_slice %shift_right_arithmetic3A_1018 {offsets = [12], sizes = [1], strides = [1]} : vector<16xi32> to vector<1xi32>
        %squeeze3A_1545 = vector.extract %slice3A_1544[0] : i32 from vector<1xi32>
        %mul3A_1546 = arith.constant 16 : i32
        %mul3A_1547 = arith.muli %squeeze3A_1545, %mul3A_1546 : i32
        %dma_start3A_1548 = arith.constant 12 : i32
        %dma_start3A_1549 = arith.constant 0 : i32
        %dma_start3A_1550 = arith.constant 0 : i32
        %dma_start3A_1551 = arith.constant 16 : i32
        %dma_start3A_1552 = tpu.memref_slice %arg9[%sub3A_998, %dma_start3A_1548, %dma_start3A_1549, %dma_start3A_1550, %dma_start3A_1551] : memref<2x16x2x8x128xf32, #tpu.memory_space<vmem>> -> memref<1x1x2x8x16xf32, #tpu.memory_space<vmem>>
        %dma_start3A_1553 = tpu.memref_squeeze %dma_start3A_1552 : memref<1x1x2x8x16xf32, #tpu.memory_space<vmem>> -> memref<2x8x16xf32, #tpu.memory_space<vmem>>
        %dma_start3A_1554 = arith.constant 0 : i32
        %dma_start3A_1555 = arith.constant 0 : i32
        %dma_start3A_1556 = tpu.memref_slice %arg5[%dma_start3A_1554, %dma_start3A_1555, %mul3A_1547] : memref<2x8x1000000xf32, #tpu.memory_space<hbm>> -> memref<2x8x16xf32, #tpu.memory_space<hbm>>
        %dma_start3A_1557 = arith.constant 0 : i32
        %dma_start3A_1558 = arith.constant 0 : i32
        %dma_start3A_1559 = arith.constant 16 : i32
        %dma_start3A_1560 = tpu.memref_slice %arg9[%sub3A_998, %dma_start3A_1548, %dma_start3A_1557, %dma_start3A_1558, %dma_start3A_1559] : memref<2x16x2x8x128xf32, #tpu.memory_space<vmem>> -> memref<1x1x2x8x16xf32, #tpu.memory_space<vmem>>
        %dma_start3A_1561 = tpu.memref_squeeze %dma_start3A_1560 : memref<1x1x2x8x16xf32, #tpu.memory_space<vmem>> -> memref<2x8x16xf32, #tpu.memory_space<vmem>>
        %dma_start3A_1562 = arith.constant 0 : i32
        %dma_start3A_1563 = arith.constant 0 : i32
        %dma_start3A_1564 = tpu.memref_slice %arg5[%dma_start3A_1562, %dma_start3A_1563, %mul3A_1547] : memref<2x8x1000000xf32, #tpu.memory_space<hbm>> -> memref<2x8x16xf32, #tpu.memory_space<hbm>>
        tpu.enqueue_dma source(%dma_start3A_1564 : memref<2x8x16xf32, #tpu.memory_space<hbm>>) target(%dma_start3A_1561 : memref<2x8x16xf32, #tpu.memory_space<vmem>>) target_semaphore(%arg13 : memref<!tpu.dma_semaphore, #tpu.memory_space<semaphore_mem>>)
        %slice3A_1565 = vector.extract_strided_slice %shift_right_arithmetic3A_1008 {offsets = [13], sizes = [1], strides = [1]} : vector<16xi32> to vector<1xi32>
        %squeeze3A_1566 = vector.extract %slice3A_1565[0] : i32 from vector<1xi32>
        %mul3A_1567 = arith.constant 16 : i32
        %mul3A_1568 = arith.muli %squeeze3A_1566, %mul3A_1567 : i32
        %dma_start3A_1569 = arith.constant 13 : i32
        %dma_start3A_1570 = arith.constant 0 : i32
        %dma_start3A_1571 = arith.constant 0 : i32
        %dma_start3A_1572 = arith.constant 0 : i32
        %dma_start3A_1573 = tpu.memref_slice %arg9[%sub3A_998, %dma_start3A_1569, %dma_start3A_1570, %dma_start3A_1571, %dma_start3A_1572] : memref<2x16x2x8x128xf32, #tpu.memory_space<vmem>> -> memref<1x1x2x8x16xf32, #tpu.memory_space<vmem>>
        %dma_start3A_1574 = tpu.memref_squeeze %dma_start3A_1573 : memref<1x1x2x8x16xf32, #tpu.memory_space<vmem>> -> memref<2x8x16xf32, #tpu.memory_space<vmem>>
        %dma_start3A_1575 = arith.constant 0 : i32
        %dma_start3A_1576 = arith.constant 0 : i32
        %dma_start3A_1577 = tpu.memref_slice %arg4[%dma_start3A_1575, %dma_start3A_1576, %mul3A_1568] : memref<2x8x1000000xf32, #tpu.memory_space<hbm>> -> memref<2x8x16xf32, #tpu.memory_space<hbm>>
        %dma_start3A_1578 = arith.constant 0 : i32
        %dma_start3A_1579 = arith.constant 0 : i32
        %dma_start3A_1580 = arith.constant 0 : i32
        %dma_start3A_1581 = tpu.memref_slice %arg9[%sub3A_998, %dma_start3A_1569, %dma_start3A_1578, %dma_start3A_1579, %dma_start3A_1580] : memref<2x16x2x8x128xf32, #tpu.memory_space<vmem>> -> memref<1x1x2x8x16xf32, #tpu.memory_space<vmem>>
        %dma_start3A_1582 = tpu.memref_squeeze %dma_start3A_1581 : memref<1x1x2x8x16xf32, #tpu.memory_space<vmem>> -> memref<2x8x16xf32, #tpu.memory_space<vmem>>
        %dma_start3A_1583 = arith.constant 0 : i32
        %dma_start3A_1584 = arith.constant 0 : i32
        %dma_start3A_1585 = tpu.memref_slice %arg4[%dma_start3A_1583, %dma_start3A_1584, %mul3A_1568] : memref<2x8x1000000xf32, #tpu.memory_space<hbm>> -> memref<2x8x16xf32, #tpu.memory_space<hbm>>
        tpu.enqueue_dma source(%dma_start3A_1585 : memref<2x8x16xf32, #tpu.memory_space<hbm>>) target(%dma_start3A_1582 : memref<2x8x16xf32, #tpu.memory_space<vmem>>) target_semaphore(%arg14 : memref<!tpu.dma_semaphore, #tpu.memory_space<semaphore_mem>>)
        %slice3A_1586 = vector.extract_strided_slice %shift_right_arithmetic3A_1018 {offsets = [13], sizes = [1], strides = [1]} : vector<16xi32> to vector<1xi32>
        %squeeze3A_1587 = vector.extract %slice3A_1586[0] : i32 from vector<1xi32>
        %mul3A_1588 = arith.constant 16 : i32
        %mul3A_1589 = arith.muli %squeeze3A_1587, %mul3A_1588 : i32
        %dma_start3A_1590 = arith.constant 13 : i32
        %dma_start3A_1591 = arith.constant 0 : i32
        %dma_start3A_1592 = arith.constant 0 : i32
        %dma_start3A_1593 = arith.constant 16 : i32
        %dma_start3A_1594 = tpu.memref_slice %arg9[%sub3A_998, %dma_start3A_1590, %dma_start3A_1591, %dma_start3A_1592, %dma_start3A_1593] : memref<2x16x2x8x128xf32, #tpu.memory_space<vmem>> -> memref<1x1x2x8x16xf32, #tpu.memory_space<vmem>>
        %dma_start3A_1595 = tpu.memref_squeeze %dma_start3A_1594 : memref<1x1x2x8x16xf32, #tpu.memory_space<vmem>> -> memref<2x8x16xf32, #tpu.memory_space<vmem>>
        %dma_start3A_1596 = arith.constant 0 : i32
        %dma_start3A_1597 = arith.constant 0 : i32
        %dma_start3A_1598 = tpu.memref_slice %arg5[%dma_start3A_1596, %dma_start3A_1597, %mul3A_1589] : memref<2x8x1000000xf32, #tpu.memory_space<hbm>> -> memref<2x8x16xf32, #tpu.memory_space<hbm>>
        %dma_start3A_1599 = arith.constant 0 : i32
        %dma_start3A_1600 = arith.constant 0 : i32
        %dma_start3A_1601 = arith.constant 16 : i32
        %dma_start3A_1602 = tpu.memref_slice %arg9[%sub3A_998, %dma_start3A_1590, %dma_start3A_1599, %dma_start3A_1600, %dma_start3A_1601] : memref<2x16x2x8x128xf32, #tpu.memory_space<vmem>> -> memref<1x1x2x8x16xf32, #tpu.memory_space<vmem>>
        %dma_start3A_1603 = tpu.memref_squeeze %dma_start3A_1602 : memref<1x1x2x8x16xf32, #tpu.memory_space<vmem>> -> memref<2x8x16xf32, #tpu.memory_space<vmem>>
        %dma_start3A_1604 = arith.constant 0 : i32
        %dma_start3A_1605 = arith.constant 0 : i32
        %dma_start3A_1606 = tpu.memref_slice %arg5[%dma_start3A_1604, %dma_start3A_1605, %mul3A_1589] : memref<2x8x1000000xf32, #tpu.memory_space<hbm>> -> memref<2x8x16xf32, #tpu.memory_space<hbm>>
        tpu.enqueue_dma source(%dma_start3A_1606 : memref<2x8x16xf32, #tpu.memory_space<hbm>>) target(%dma_start3A_1603 : memref<2x8x16xf32, #tpu.memory_space<vmem>>) target_semaphore(%arg15 : memref<!tpu.dma_semaphore, #tpu.memory_space<semaphore_mem>>)
        %slice3A_1607 = vector.extract_strided_slice %shift_right_arithmetic3A_1008 {offsets = [14], sizes = [1], strides = [1]} : vector<16xi32> to vector<1xi32>
        %squeeze3A_1608 = vector.extract %slice3A_1607[0] : i32 from vector<1xi32>
        %mul3A_1609 = arith.constant 16 : i32
        %mul3A_1610 = arith.muli %squeeze3A_1608, %mul3A_1609 : i32
        %dma_start3A_1611 = arith.constant 14 : i32
        %dma_start3A_1612 = arith.constant 0 : i32
        %dma_start3A_1613 = arith.constant 0 : i32
        %dma_start3A_1614 = arith.constant 0 : i32
        %dma_start3A_1615 = tpu.memref_slice %arg9[%sub3A_998, %dma_start3A_1611, %dma_start3A_1612, %dma_start3A_1613, %dma_start3A_1614] : memref<2x16x2x8x128xf32, #tpu.memory_space<vmem>> -> memref<1x1x2x8x16xf32, #tpu.memory_space<vmem>>
        %dma_start3A_1616 = tpu.memref_squeeze %dma_start3A_1615 : memref<1x1x2x8x16xf32, #tpu.memory_space<vmem>> -> memref<2x8x16xf32, #tpu.memory_space<vmem>>
        %dma_start3A_1617 = arith.constant 0 : i32
        %dma_start3A_1618 = arith.constant 0 : i32
        %dma_start3A_1619 = tpu.memref_slice %arg4[%dma_start3A_1617, %dma_start3A_1618, %mul3A_1610] : memref<2x8x1000000xf32, #tpu.memory_space<hbm>> -> memref<2x8x16xf32, #tpu.memory_space<hbm>>
        %dma_start3A_1620 = arith.constant 0 : i32
        %dma_start3A_1621 = arith.constant 0 : i32
        %dma_start3A_1622 = arith.constant 0 : i32
        %dma_start3A_1623 = tpu.memref_slice %arg9[%sub3A_998, %dma_start3A_1611, %dma_start3A_1620, %dma_start3A_1621, %dma_start3A_1622] : memref<2x16x2x8x128xf32, #tpu.memory_space<vmem>> -> memref<1x1x2x8x16xf32, #tpu.memory_space<vmem>>
        %dma_start3A_1624 = tpu.memref_squeeze %dma_start3A_1623 : memref<1x1x2x8x16xf32, #tpu.memory_space<vmem>> -> memref<2x8x16xf32, #tpu.memory_space<vmem>>
        %dma_start3A_1625 = arith.constant 0 : i32
        %dma_start3A_1626 = arith.constant 0 : i32
        %dma_start3A_1627 = tpu.memref_slice %arg4[%dma_start3A_1625, %dma_start3A_1626, %mul3A_1610] : memref<2x8x1000000xf32, #tpu.memory_space<hbm>> -> memref<2x8x16xf32, #tpu.memory_space<hbm>>
        tpu.enqueue_dma source(%dma_start3A_1627 : memref<2x8x16xf32, #tpu.memory_space<hbm>>) target(%dma_start3A_1624 : memref<2x8x16xf32, #tpu.memory_space<vmem>>) target_semaphore(%arg12 : memref<!tpu.dma_semaphore, #tpu.memory_space<semaphore_mem>>)
        %slice3A_1628 = vector.extract_strided_slice %shift_right_arithmetic3A_1018 {offsets = [14], sizes = [1], strides = [1]} : vector<16xi32> to vector<1xi32>
        %squeeze3A_1629 = vector.extract %slice3A_1628[0] : i32 from vector<1xi32>
        %mul3A_1630 = arith.constant 16 : i32
        %mul3A_1631 = arith.muli %squeeze3A_1629, %mul3A_1630 : i32
        %dma_start3A_1632 = arith.constant 14 : i32
        %dma_start3A_1633 = arith.constant 0 : i32
        %dma_start3A_1634 = arith.constant 0 : i32
        %dma_start3A_1635 = arith.constant 16 : i32
        %dma_start3A_1636 = tpu.memref_slice %arg9[%sub3A_998, %dma_start3A_1632, %dma_start3A_1633, %dma_start3A_1634, %dma_start3A_1635] : memref<2x16x2x8x128xf32, #tpu.memory_space<vmem>> -> memref<1x1x2x8x16xf32, #tpu.memory_space<vmem>>
        %dma_start3A_1637 = tpu.memref_squeeze %dma_start3A_1636 : memref<1x1x2x8x16xf32, #tpu.memory_space<vmem>> -> memref<2x8x16xf32, #tpu.memory_space<vmem>>
        %dma_start3A_1638 = arith.constant 0 : i32
        %dma_start3A_1639 = arith.constant 0 : i32
        %dma_start3A_1640 = tpu.memref_slice %arg5[%dma_start3A_1638, %dma_start3A_1639, %mul3A_1631] : memref<2x8x1000000xf32, #tpu.memory_space<hbm>> -> memref<2x8x16xf32, #tpu.memory_space<hbm>>
        %dma_start3A_1641 = arith.constant 0 : i32
        %dma_start3A_1642 = arith.constant 0 : i32
        %dma_start3A_1643 = arith.constant 16 : i32
        %dma_start3A_1644 = tpu.memref_slice %arg9[%sub3A_998, %dma_start3A_1632, %dma_start3A_1641, %dma_start3A_1642, %dma_start3A_1643] : memref<2x16x2x8x128xf32, #tpu.memory_space<vmem>> -> memref<1x1x2x8x16xf32, #tpu.memory_space<vmem>>
        %dma_start3A_1645 = tpu.memref_squeeze %dma_start3A_1644 : memref<1x1x2x8x16xf32, #tpu.memory_space<vmem>> -> memref<2x8x16xf32, #tpu.memory_space<vmem>>
        %dma_start3A_1646 = arith.constant 0 : i32
        %dma_start3A_1647 = arith.constant 0 : i32
        %dma_start3A_1648 = tpu.memref_slice %arg5[%dma_start3A_1646, %dma_start3A_1647, %mul3A_1631] : memref<2x8x1000000xf32, #tpu.memory_space<hbm>> -> memref<2x8x16xf32, #tpu.memory_space<hbm>>
        tpu.enqueue_dma source(%dma_start3A_1648 : memref<2x8x16xf32, #tpu.memory_space<hbm>>) target(%dma_start3A_1645 : memref<2x8x16xf32, #tpu.memory_space<vmem>>) target_semaphore(%arg13 : memref<!tpu.dma_semaphore, #tpu.memory_space<semaphore_mem>>)
        %slice3A_1649 = vector.extract_strided_slice %shift_right_arithmetic3A_1008 {offsets = [15], sizes = [1], strides = [1]} : vector<16xi32> to vector<1xi32>
        %squeeze3A_1650 = vector.extract %slice3A_1649[0] : i32 from vector<1xi32>
        %mul3A_1651 = arith.constant 16 : i32
        %mul3A_1652 = arith.muli %squeeze3A_1650, %mul3A_1651 : i32
        %dma_start3A_1653 = arith.constant 15 : i32
        %dma_start3A_1654 = arith.constant 0 : i32
        %dma_start3A_1655 = arith.constant 0 : i32
        %dma_start3A_1656 = arith.constant 0 : i32
        %dma_start3A_1657 = tpu.memref_slice %arg9[%sub3A_998, %dma_start3A_1653, %dma_start3A_1654, %dma_start3A_1655, %dma_start3A_1656] : memref<2x16x2x8x128xf32, #tpu.memory_space<vmem>> -> memref<1x1x2x8x16xf32, #tpu.memory_space<vmem>>
        %dma_start3A_1658 = tpu.memref_squeeze %dma_start3A_1657 : memref<1x1x2x8x16xf32, #tpu.memory_space<vmem>> -> memref<2x8x16xf32, #tpu.memory_space<vmem>>
        %dma_start3A_1659 = arith.constant 0 : i32
        %dma_start3A_1660 = arith.constant 0 : i32
        %dma_start3A_1661 = tpu.memref_slice %arg4[%dma_start3A_1659, %dma_start3A_1660, %mul3A_1652] : memref<2x8x1000000xf32, #tpu.memory_space<hbm>> -> memref<2x8x16xf32, #tpu.memory_space<hbm>>
        %dma_start3A_1662 = arith.constant 0 : i32
        %dma_start3A_1663 = arith.constant 0 : i32
        %dma_start3A_1664 = arith.constant 0 : i32
        %dma_start3A_1665 = tpu.memref_slice %arg9[%sub3A_998, %dma_start3A_1653, %dma_start3A_1662, %dma_start3A_1663, %dma_start3A_1664] : memref<2x16x2x8x128xf32, #tpu.memory_space<vmem>> -> memref<1x1x2x8x16xf32, #tpu.memory_space<vmem>>
        %dma_start3A_1666 = tpu.memref_squeeze %dma_start3A_1665 : memref<1x1x2x8x16xf32, #tpu.memory_space<vmem>> -> memref<2x8x16xf32, #tpu.memory_space<vmem>>
        %dma_start3A_1667 = arith.constant 0 : i32
        %dma_start3A_1668 = arith.constant 0 : i32
        %dma_start3A_1669 = tpu.memref_slice %arg4[%dma_start3A_1667, %dma_start3A_1668, %mul3A_1652] : memref<2x8x1000000xf32, #tpu.memory_space<hbm>> -> memref<2x8x16xf32, #tpu.memory_space<hbm>>
        tpu.enqueue_dma source(%dma_start3A_1669 : memref<2x8x16xf32, #tpu.memory_space<hbm>>) target(%dma_start3A_1666 : memref<2x8x16xf32, #tpu.memory_space<vmem>>) target_semaphore(%arg14 : memref<!tpu.dma_semaphore, #tpu.memory_space<semaphore_mem>>)
        %slice3A_1670 = vector.extract_strided_slice %shift_right_arithmetic3A_1018 {offsets = [15], sizes = [1], strides = [1]} : vector<16xi32> to vector<1xi32>
        %squeeze3A_1671 = vector.extract %slice3A_1670[0] : i32 from vector<1xi32>
        %mul3A_1672 = arith.constant 16 : i32
        %mul3A_1673 = arith.muli %squeeze3A_1671, %mul3A_1672 : i32
        %dma_start3A_1674 = arith.constant 15 : i32
        %dma_start3A_1675 = arith.constant 0 : i32
        %dma_start3A_1676 = arith.constant 0 : i32
        %dma_start3A_1677 = arith.constant 16 : i32
        %dma_start3A_1678 = tpu.memref_slice %arg9[%sub3A_998, %dma_start3A_1674, %dma_start3A_1675, %dma_start3A_1676, %dma_start3A_1677] : memref<2x16x2x8x128xf32, #tpu.memory_space<vmem>> -> memref<1x1x2x8x16xf32, #tpu.memory_space<vmem>>
        %dma_start3A_1679 = tpu.memref_squeeze %dma_start3A_1678 : memref<1x1x2x8x16xf32, #tpu.memory_space<vmem>> -> memref<2x8x16xf32, #tpu.memory_space<vmem>>
        %dma_start3A_1680 = arith.constant 0 : i32
        %dma_start3A_1681 = arith.constant 0 : i32
        %dma_start3A_1682 = tpu.memref_slice %arg5[%dma_start3A_1680, %dma_start3A_1681, %mul3A_1673] : memref<2x8x1000000xf32, #tpu.memory_space<hbm>> -> memref<2x8x16xf32, #tpu.memory_space<hbm>>
        %dma_start3A_1683 = arith.constant 0 : i32
        %dma_start3A_1684 = arith.constant 0 : i32
        %dma_start3A_1685 = arith.constant 16 : i32
        %dma_start3A_1686 = tpu.memref_slice %arg9[%sub3A_998, %dma_start3A_1674, %dma_start3A_1683, %dma_start3A_1684, %dma_start3A_1685] : memref<2x16x2x8x128xf32, #tpu.memory_space<vmem>> -> memref<1x1x2x8x16xf32, #tpu.memory_space<vmem>>
        %dma_start3A_1687 = tpu.memref_squeeze %dma_start3A_1686 : memref<1x1x2x8x16xf32, #tpu.memory_space<vmem>> -> memref<2x8x16xf32, #tpu.memory_space<vmem>>
        %dma_start3A_1688 = arith.constant 0 : i32
        %dma_start3A_1689 = arith.constant 0 : i32
        %dma_start3A_1690 = tpu.memref_slice %arg5[%dma_start3A_1688, %dma_start3A_1689, %mul3A_1673] : memref<2x8x1000000xf32, #tpu.memory_space<hbm>> -> memref<2x8x16xf32, #tpu.memory_space<hbm>>
        tpu.enqueue_dma source(%dma_start3A_1690 : memref<2x8x16xf32, #tpu.memory_space<hbm>>) target(%dma_start3A_1687 : memref<2x8x16xf32, #tpu.memory_space<vmem>>) target_semaphore(%arg15 : memref<!tpu.dma_semaphore, #tpu.memory_space<semaphore_mem>>)
      } else {
      }
      %dma_wait3A = arith.constant 0 : i32
      %dma_wait3A_728 = arith.constant 0 : i32
      %dma_wait3A_729 = arith.constant 0 : i32
      %dma_wait3A_730 = arith.constant 0 : i32
      %dma_wait3A_731 = tpu.memref_slice %arg9[%rem3A_725, %dma_wait3A, %dma_wait3A_728, %dma_wait3A_729, %dma_wait3A_730] : memref<2x16x2x8x128xf32, #tpu.memory_space<vmem>> -> memref<1x8x2x8x16xf32, #tpu.memory_space<vmem>>
      %dma_wait3A_732 = tpu.memref_squeeze %dma_wait3A_731 : memref<1x8x2x8x16xf32, #tpu.memory_space<vmem>> -> memref<8x2x8x16xf32, #tpu.memory_space<vmem>>
      %dma_wait3A_733 = arith.constant 0 : i32
      %dma_wait3A_734 = arith.constant 0 : i32
      %dma_wait3A_735 = arith.constant 0 : i32
      %dma_wait3A_736 = arith.constant 0 : i32
      %dma_wait3A_737 = tpu.memref_slice %arg11[%dma_wait3A_733, %dma_wait3A_734, %dma_wait3A_735, %dma_wait3A_736] : memref<16x2x8x128xf32, #tpu.memory_space<hbm>> -> memref<8x2x8x16xf32, #tpu.memory_space<hbm>>
      %dma_wait3A_738 = arith.constant 0 : i32
      %dma_wait3A_739 = arith.constant 0 : i32
      %dma_wait3A_740 = arith.constant 0 : i32
      %dma_wait3A_741 = arith.constant 0 : i32
      %dma_wait3A_742 = tpu.memref_slice %arg9[%rem3A_725, %dma_wait3A_738, %dma_wait3A_739, %dma_wait3A_740, %dma_wait3A_741] : memref<2x16x2x8x128xf32, #tpu.memory_space<vmem>> -> memref<1x8x2x8x16xf32, #tpu.memory_space<vmem>>
      %dma_wait3A_743 = tpu.memref_squeeze %dma_wait3A_742 : memref<1x8x2x8x16xf32, #tpu.memory_space<vmem>> -> memref<8x2x8x16xf32, #tpu.memory_space<vmem>>
      %dma_wait3A_744 = arith.constant 0 : i32
      %dma_wait3A_745 = arith.constant 0 : i32
      %dma_wait3A_746 = arith.constant 0 : i32
      %dma_wait3A_747 = arith.constant 0 : i32
      %dma_wait3A_748 = tpu.memref_slice %arg11[%dma_wait3A_744, %dma_wait3A_745, %dma_wait3A_746, %dma_wait3A_747] : memref<16x2x8x128xf32, #tpu.memory_space<hbm>> -> memref<8x2x8x16xf32, #tpu.memory_space<hbm>>
      tpu.wait_dma2 semaphore(%arg12 : memref<!tpu.dma_semaphore, #tpu.memory_space<semaphore_mem>>) src(%dma_wait3A_748 : memref<8x2x8x16xf32, #tpu.memory_space<hbm>>) dst(%dma_wait3A_743 : memref<8x2x8x16xf32, #tpu.memory_space<vmem>>)
      %dma_wait3A_749 = arith.constant 0 : i32
      %dma_wait3A_750 = arith.constant 0 : i32
      %dma_wait3A_751 = arith.constant 0 : i32
      %dma_wait3A_752 = arith.constant 0 : i32
      %dma_wait3A_753 = tpu.memref_slice %arg9[%rem3A_725, %dma_wait3A_749, %dma_wait3A_750, %dma_wait3A_751, %dma_wait3A_752] : memref<2x16x2x8x128xf32, #tpu.memory_space<vmem>> -> memref<1x8x2x8x16xf32, #tpu.memory_space<vmem>>
      %dma_wait3A_754 = tpu.memref_squeeze %dma_wait3A_753 : memref<1x8x2x8x16xf32, #tpu.memory_space<vmem>> -> memref<8x2x8x16xf32, #tpu.memory_space<vmem>>
      %dma_wait3A_755 = arith.constant 0 : i32
      %dma_wait3A_756 = arith.constant 0 : i32
      %dma_wait3A_757 = arith.constant 0 : i32
      %dma_wait3A_758 = arith.constant 0 : i32
      %dma_wait3A_759 = tpu.memref_slice %arg11[%dma_wait3A_755, %dma_wait3A_756, %dma_wait3A_757, %dma_wait3A_758] : memref<16x2x8x128xf32, #tpu.memory_space<hbm>> -> memref<8x2x8x16xf32, #tpu.memory_space<hbm>>
      %dma_wait3A_760 = arith.constant 0 : i32
      %dma_wait3A_761 = arith.constant 0 : i32
      %dma_wait3A_762 = arith.constant 0 : i32
      %dma_wait3A_763 = arith.constant 0 : i32
      %dma_wait3A_764 = tpu.memref_slice %arg9[%rem3A_725, %dma_wait3A_760, %dma_wait3A_761, %dma_wait3A_762, %dma_wait3A_763] : memref<2x16x2x8x128xf32, #tpu.memory_space<vmem>> -> memref<1x8x2x8x16xf32, #tpu.memory_space<vmem>>
      %dma_wait3A_765 = tpu.memref_squeeze %dma_wait3A_764 : memref<1x8x2x8x16xf32, #tpu.memory_space<vmem>> -> memref<8x2x8x16xf32, #tpu.memory_space<vmem>>
      %dma_wait3A_766 = arith.constant 0 : i32
      %dma_wait3A_767 = arith.constant 0 : i32
      %dma_wait3A_768 = arith.constant 0 : i32
      %dma_wait3A_769 = arith.constant 0 : i32
      %dma_wait3A_770 = tpu.memref_slice %arg11[%dma_wait3A_766, %dma_wait3A_767, %dma_wait3A_768, %dma_wait3A_769] : memref<16x2x8x128xf32, #tpu.memory_space<hbm>> -> memref<8x2x8x16xf32, #tpu.memory_space<hbm>>
      tpu.wait_dma2 semaphore(%arg14 : memref<!tpu.dma_semaphore, #tpu.memory_space<semaphore_mem>>) src(%dma_wait3A_770 : memref<8x2x8x16xf32, #tpu.memory_space<hbm>>) dst(%dma_wait3A_765 : memref<8x2x8x16xf32, #tpu.memory_space<vmem>>)
      %dma_wait3A_771 = arith.constant 0 : i32
      %dma_wait3A_772 = arith.constant 0 : i32
      %dma_wait3A_773 = arith.constant 0 : i32
      %dma_wait3A_774 = arith.constant 16 : i32
      %dma_wait3A_775 = tpu.memref_slice %arg9[%rem3A_725, %dma_wait3A_771, %dma_wait3A_772, %dma_wait3A_773, %dma_wait3A_774] : memref<2x16x2x8x128xf32, #tpu.memory_space<vmem>> -> memref<1x8x2x8x16xf32, #tpu.memory_space<vmem>>
      %dma_wait3A_776 = tpu.memref_squeeze %dma_wait3A_775 : memref<1x8x2x8x16xf32, #tpu.memory_space<vmem>> -> memref<8x2x8x16xf32, #tpu.memory_space<vmem>>
      %dma_wait3A_777 = arith.constant 0 : i32
      %dma_wait3A_778 = arith.constant 0 : i32
      %dma_wait3A_779 = arith.constant 0 : i32
      %dma_wait3A_780 = arith.constant 16 : i32
      %dma_wait3A_781 = tpu.memref_slice %arg11[%dma_wait3A_777, %dma_wait3A_778, %dma_wait3A_779, %dma_wait3A_780] : memref<16x2x8x128xf32, #tpu.memory_space<hbm>> -> memref<8x2x8x16xf32, #tpu.memory_space<hbm>>
      %dma_wait3A_782 = arith.constant 0 : i32
      %dma_wait3A_783 = arith.constant 0 : i32
      %dma_wait3A_784 = arith.constant 0 : i32
      %dma_wait3A_785 = arith.constant 16 : i32
      %dma_wait3A_786 = tpu.memref_slice %arg9[%rem3A_725, %dma_wait3A_782, %dma_wait3A_783, %dma_wait3A_784, %dma_wait3A_785] : memref<2x16x2x8x128xf32, #tpu.memory_space<vmem>> -> memref<1x8x2x8x16xf32, #tpu.memory_space<vmem>>
      %dma_wait3A_787 = tpu.memref_squeeze %dma_wait3A_786 : memref<1x8x2x8x16xf32, #tpu.memory_space<vmem>> -> memref<8x2x8x16xf32, #tpu.memory_space<vmem>>
      %dma_wait3A_788 = arith.constant 0 : i32
      %dma_wait3A_789 = arith.constant 0 : i32
      %dma_wait3A_790 = arith.constant 0 : i32
      %dma_wait3A_791 = arith.constant 16 : i32
      %dma_wait3A_792 = tpu.memref_slice %arg11[%dma_wait3A_788, %dma_wait3A_789, %dma_wait3A_790, %dma_wait3A_791] : memref<16x2x8x128xf32, #tpu.memory_space<hbm>> -> memref<8x2x8x16xf32, #tpu.memory_space<hbm>>
      tpu.wait_dma2 semaphore(%arg13 : memref<!tpu.dma_semaphore, #tpu.memory_space<semaphore_mem>>) src(%dma_wait3A_792 : memref<8x2x8x16xf32, #tpu.memory_space<hbm>>) dst(%dma_wait3A_787 : memref<8x2x8x16xf32, #tpu.memory_space<vmem>>)
      %dma_wait3A_793 = arith.constant 0 : i32
      %dma_wait3A_794 = arith.constant 0 : i32
      %dma_wait3A_795 = arith.constant 0 : i32
      %dma_wait3A_796 = arith.constant 16 : i32
      %dma_wait3A_797 = tpu.memref_slice %arg9[%rem3A_725, %dma_wait3A_793, %dma_wait3A_794, %dma_wait3A_795, %dma_wait3A_796] : memref<2x16x2x8x128xf32, #tpu.memory_space<vmem>> -> memref<1x8x2x8x16xf32, #tpu.memory_space<vmem>>
      %dma_wait3A_798 = tpu.memref_squeeze %dma_wait3A_797 : memref<1x8x2x8x16xf32, #tpu.memory_space<vmem>> -> memref<8x2x8x16xf32, #tpu.memory_space<vmem>>
      %dma_wait3A_799 = arith.constant 0 : i32
      %dma_wait3A_800 = arith.constant 0 : i32
      %dma_wait3A_801 = arith.constant 0 : i32
      %dma_wait3A_802 = arith.constant 16 : i32
      %dma_wait3A_803 = tpu.memref_slice %arg11[%dma_wait3A_799, %dma_wait3A_800, %dma_wait3A_801, %dma_wait3A_802] : memref<16x2x8x128xf32, #tpu.memory_space<hbm>> -> memref<8x2x8x16xf32, #tpu.memory_space<hbm>>
      %dma_wait3A_804 = arith.constant 0 : i32
      %dma_wait3A_805 = arith.constant 0 : i32
      %dma_wait3A_806 = arith.constant 0 : i32
      %dma_wait3A_807 = arith.constant 16 : i32
      %dma_wait3A_808 = tpu.memref_slice %arg9[%rem3A_725, %dma_wait3A_804, %dma_wait3A_805, %dma_wait3A_806, %dma_wait3A_807] : memref<2x16x2x8x128xf32, #tpu.memory_space<vmem>> -> memref<1x8x2x8x16xf32, #tpu.memory_space<vmem>>
      %dma_wait3A_809 = tpu.memref_squeeze %dma_wait3A_808 : memref<1x8x2x8x16xf32, #tpu.memory_space<vmem>> -> memref<8x2x8x16xf32, #tpu.memory_space<vmem>>
      %dma_wait3A_810 = arith.constant 0 : i32
      %dma_wait3A_811 = arith.constant 0 : i32
      %dma_wait3A_812 = arith.constant 0 : i32
      %dma_wait3A_813 = arith.constant 16 : i32
      %dma_wait3A_814 = tpu.memref_slice %arg11[%dma_wait3A_810, %dma_wait3A_811, %dma_wait3A_812, %dma_wait3A_813] : memref<16x2x8x128xf32, #tpu.memory_space<hbm>> -> memref<8x2x8x16xf32, #tpu.memory_space<hbm>>
      tpu.wait_dma2 semaphore(%arg15 : memref<!tpu.dma_semaphore, #tpu.memory_space<semaphore_mem>>) src(%dma_wait3A_814 : memref<8x2x8x16xf32, #tpu.memory_space<hbm>>) dst(%dma_wait3A_809 : memref<8x2x8x16xf32, #tpu.memory_space<vmem>>)
      %mul3A_815 = arith.constant 16 : i32
      %mul3A_816 = arith.muli %scan3A_723, %mul3A_815 : i32
      %get3A_817 = arith.index_cast %mul3A_816 : i32 to index
      %get3A_818 = tpu.vector_load %arg7[%get3A_817] {strides = array<i32>} : memref<512xi32, #tpu.memory_space<vmem>>, vector<16xi32>,
      %sub3A_819 = arith.constant 1 : i32
      %sub3A_820 = vector.broadcast %sub3A_819 : i32 to vector<16xi32>
      %sub3A_821 = arith.subi %get3A_818, %sub3A_820 : vector<16xi32>
      %and3A = arith.constant 15 : i32
      %and3A_822 = vector.broadcast %and3A : i32 to vector<16xi32>
      %and3A_823 = arith.andi %sub3A_821, %and3A_822 : vector<16xi32>
      %mul3A_824 = arith.constant 16 : i32
      %mul3A_825 = arith.muli %scan3A_723, %mul3A_824 : i32
      %get3A_826 = arith.index_cast %mul3A_825 : i32 to index
      %get3A_827 = tpu.vector_load %arg8[%get3A_826] {strides = array<i32>} : memref<512xi32, #tpu.memory_space<vmem>>, vector<16xi32>,
      %sub3A_828 = arith.constant 1 : i32
      %sub3A_829 = vector.broadcast %sub3A_828 : i32 to vector<16xi32>
      %sub3A_830 = arith.subi %get3A_827, %sub3A_829 : vector<16xi32>
      %and3A_831 = arith.constant 15 : i32
      %and3A_832 = vector.broadcast %and3A_831 : i32 to vector<16xi32>
      %and3A_833 = arith.andi %sub3A_830, %and3A_832 : vector<16xi32>
      %add3A_834 = arith.constant 16 : i32
      %add3A_835 = vector.broadcast %add3A_834 : i32 to vector<16xi32>
      %add3A_836 = arith.addi %and3A_833, %add3A_835 : vector<16xi32>
      %mul3A_837 = arith.constant 16 : i32
      %mul3A_838 = arith.muli %rem3A_725, %mul3A_837 : i32
      %add3A_839 = vector.broadcast %mul3A_838 : i32 to vector<16xi32>
      %add3A_840 = arith.addi %add3A_839, %iota3A : vector<16xi32>
      %mul3A_841 = arith.constant 16 : i32
      %mul3A_842 = vector.broadcast %mul3A_841 : i32 to vector<16xi32>
      %mul3A_843 = arith.muli %add3A_840, %mul3A_842 : vector<16xi32>
      %broadcast_in_dim3A = arith.constant 0.000000e+00 : f32
      %broadcast_in_dim3A_844 = vector.broadcast %broadcast_in_dim3A : f32 to vector<16xf32>
      %add3A_845 = arith.constant 0 : i32
      %add3A_846 = vector.broadcast %add3A_845 : i32 to vector<16xi32>
      %add3A_847 = arith.addi %mul3A_843, %add3A_846 : vector<16xi32>
      %gather3A = tpu.memref_reshape %arg9 : memref<2x16x2x8x128xf32, #tpu.memory_space<vmem>> -> memref<512x128xf32, #tpu.memory_space<vmem>>
      %gather3A_848 = tpu.vector_load_idx %gather3A[%add3A_847, %and3A_823] : memref<512x128xf32, #tpu.memory_space<vmem>>[vector<16xi32>, vector<16xi32>], vector<16xf32>,
      %gather3A_849 = tpu.memref_reshape %arg9 : memref<2x16x2x8x128xf32, #tpu.memory_space<vmem>> -> memref<512x128xf32, #tpu.memory_space<vmem>>
      %gather3A_850 = tpu.vector_load_idx %gather3A_849[%add3A_847, %add3A_836] : memref<512x128xf32, #tpu.memory_space<vmem>>[vector<16xi32>, vector<16xi32>], vector<16xf32>,
      %mul3A_851 = arith.mulf %gather3A_848, %gather3A_850 : vector<16xf32>
      %add3A_852 = arith.addf %broadcast_in_dim3A_844, %mul3A_851 : vector<16xf32>
      %add3A_853 = arith.constant 1 : i32
      %add3A_854 = vector.broadcast %add3A_853 : i32 to vector<16xi32>
      %add3A_855 = arith.addi %mul3A_843, %add3A_854 : vector<16xi32>
      %gather3A_856 = tpu.memref_reshape %arg9 : memref<2x16x2x8x128xf32, #tpu.memory_space<vmem>> -> memref<512x128xf32, #tpu.memory_space<vmem>>
      %gather3A_857 = tpu.vector_load_idx %gather3A_856[%add3A_855, %and3A_823] : memref<512x128xf32, #tpu.memory_space<vmem>>[vector<16xi32>, vector<16xi32>], vector<16xf32>,
      %gather3A_858 = tpu.memref_reshape %arg9 : memref<2x16x2x8x128xf32, #tpu.memory_space<vmem>> -> memref<512x128xf32, #tpu.memory_space<vmem>>
      %gather3A_859 = tpu.vector_load_idx %gather3A_858[%add3A_855, %add3A_836] : memref<512x128xf32, #tpu.memory_space<vmem>>[vector<16xi32>, vector<16xi32>], vector<16xf32>,
      %mul3A_860 = arith.mulf %gather3A_857, %gather3A_859 : vector<16xf32>
      %add3A_861 = arith.addf %add3A_852, %mul3A_860 : vector<16xf32>
      %add3A_862 = arith.constant 2 : i32
      %add3A_863 = vector.broadcast %add3A_862 : i32 to vector<16xi32>
      %add3A_864 = arith.addi %mul3A_843, %add3A_863 : vector<16xi32>
      %gather3A_865 = tpu.memref_reshape %arg9 : memref<2x16x2x8x128xf32, #tpu.memory_space<vmem>> -> memref<512x128xf32, #tpu.memory_space<vmem>>
      %gather3A_866 = tpu.vector_load_idx %gather3A_865[%add3A_864, %and3A_823] : memref<512x128xf32, #tpu.memory_space<vmem>>[vector<16xi32>, vector<16xi32>], vector<16xf32>,
      %gather3A_867 = tpu.memref_reshape %arg9 : memref<2x16x2x8x128xf32, #tpu.memory_space<vmem>> -> memref<512x128xf32, #tpu.memory_space<vmem>>
      %gather3A_868 = tpu.vector_load_idx %gather3A_867[%add3A_864, %add3A_836] : memref<512x128xf32, #tpu.memory_space<vmem>>[vector<16xi32>, vector<16xi32>], vector<16xf32>,
      %mul3A_869 = arith.mulf %gather3A_866, %gather3A_868 : vector<16xf32>
      %add3A_870 = arith.addf %add3A_861, %mul3A_869 : vector<16xf32>
      %add3A_871 = arith.constant 3 : i32
      %add3A_872 = vector.broadcast %add3A_871 : i32 to vector<16xi32>
      %add3A_873 = arith.addi %mul3A_843, %add3A_872 : vector<16xi32>
      %gather3A_874 = tpu.memref_reshape %arg9 : memref<2x16x2x8x128xf32, #tpu.memory_space<vmem>> -> memref<512x128xf32, #tpu.memory_space<vmem>>
      %gather3A_875 = tpu.vector_load_idx %gather3A_874[%add3A_873, %and3A_823] : memref<512x128xf32, #tpu.memory_space<vmem>>[vector<16xi32>, vector<16xi32>], vector<16xf32>,
      %gather3A_876 = tpu.memref_reshape %arg9 : memref<2x16x2x8x128xf32, #tpu.memory_space<vmem>> -> memref<512x128xf32, #tpu.memory_space<vmem>>
      %gather3A_877 = tpu.vector_load_idx %gather3A_876[%add3A_873, %add3A_836] : memref<512x128xf32, #tpu.memory_space<vmem>>[vector<16xi32>, vector<16xi32>], vector<16xf32>,
      %mul3A_878 = arith.mulf %gather3A_875, %gather3A_877 : vector<16xf32>
      %add3A_879 = arith.addf %add3A_870, %mul3A_878 : vector<16xf32>
      %add3A_880 = arith.constant 4 : i32
      %add3A_881 = vector.broadcast %add3A_880 : i32 to vector<16xi32>
      %add3A_882 = arith.addi %mul3A_843, %add3A_881 : vector<16xi32>
      %gather3A_883 = tpu.memref_reshape %arg9 : memref<2x16x2x8x128xf32, #tpu.memory_space<vmem>> -> memref<512x128xf32, #tpu.memory_space<vmem>>
      %gather3A_884 = tpu.vector_load_idx %gather3A_883[%add3A_882, %and3A_823] : memref<512x128xf32, #tpu.memory_space<vmem>>[vector<16xi32>, vector<16xi32>], vector<16xf32>,
      %gather3A_885 = tpu.memref_reshape %arg9 : memref<2x16x2x8x128xf32, #tpu.memory_space<vmem>> -> memref<512x128xf32, #tpu.memory_space<vmem>>
      %gather3A_886 = tpu.vector_load_idx %gather3A_885[%add3A_882, %add3A_836] : memref<512x128xf32, #tpu.memory_space<vmem>>[vector<16xi32>, vector<16xi32>], vector<16xf32>,
      %mul3A_887 = arith.mulf %gather3A_884, %gather3A_886 : vector<16xf32>
      %add3A_888 = arith.addf %add3A_879, %mul3A_887 : vector<16xf32>
      %add3A_889 = arith.constant 5 : i32
      %add3A_890 = vector.broadcast %add3A_889 : i32 to vector<16xi32>
      %add3A_891 = arith.addi %mul3A_843, %add3A_890 : vector<16xi32>
      %gather3A_892 = tpu.memref_reshape %arg9 : memref<2x16x2x8x128xf32, #tpu.memory_space<vmem>> -> memref<512x128xf32, #tpu.memory_space<vmem>>
      %gather3A_893 = tpu.vector_load_idx %gather3A_892[%add3A_891, %and3A_823] : memref<512x128xf32, #tpu.memory_space<vmem>>[vector<16xi32>, vector<16xi32>], vector<16xf32>,
      %gather3A_894 = tpu.memref_reshape %arg9 : memref<2x16x2x8x128xf32, #tpu.memory_space<vmem>> -> memref<512x128xf32, #tpu.memory_space<vmem>>
      %gather3A_895 = tpu.vector_load_idx %gather3A_894[%add3A_891, %add3A_836] : memref<512x128xf32, #tpu.memory_space<vmem>>[vector<16xi32>, vector<16xi32>], vector<16xf32>,
      %mul3A_896 = arith.mulf %gather3A_893, %gather3A_895 : vector<16xf32>
      %add3A_897 = arith.addf %add3A_888, %mul3A_896 : vector<16xf32>
      %add3A_898 = arith.constant 6 : i32
      %add3A_899 = vector.broadcast %add3A_898 : i32 to vector<16xi32>
      %add3A_900 = arith.addi %mul3A_843, %add3A_899 : vector<16xi32>
      %gather3A_901 = tpu.memref_reshape %arg9 : memref<2x16x2x8x128xf32, #tpu.memory_space<vmem>> -> memref<512x128xf32, #tpu.memory_space<vmem>>
      %gather3A_902 = tpu.vector_load_idx %gather3A_901[%add3A_900, %and3A_823] : memref<512x128xf32, #tpu.memory_space<vmem>>[vector<16xi32>, vector<16xi32>], vector<16xf32>,
      %gather3A_903 = tpu.memref_reshape %arg9 : memref<2x16x2x8x128xf32, #tpu.memory_space<vmem>> -> memref<512x128xf32, #tpu.memory_space<vmem>>
      %gather3A_904 = tpu.vector_load_idx %gather3A_903[%add3A_900, %add3A_836] : memref<512x128xf32, #tpu.memory_space<vmem>>[vector<16xi32>, vector<16xi32>], vector<16xf32>,
      %mul3A_905 = arith.mulf %gather3A_902, %gather3A_904 : vector<16xf32>
      %add3A_906 = arith.addf %add3A_897, %mul3A_905 : vector<16xf32>
      %add3A_907 = arith.constant 7 : i32
      %add3A_908 = vector.broadcast %add3A_907 : i32 to vector<16xi32>
      %add3A_909 = arith.addi %mul3A_843, %add3A_908 : vector<16xi32>
      %gather3A_910 = tpu.memref_reshape %arg9 : memref<2x16x2x8x128xf32, #tpu.memory_space<vmem>> -> memref<512x128xf32, #tpu.memory_space<vmem>>
      %gather3A_911 = tpu.vector_load_idx %gather3A_910[%add3A_909, %and3A_823] : memref<512x128xf32, #tpu.memory_space<vmem>>[vector<16xi32>, vector<16xi32>], vector<16xf32>,
      %gather3A_912 = tpu.memref_reshape %arg9 : memref<2x16x2x8x128xf32, #tpu.memory_space<vmem>> -> memref<512x128xf32, #tpu.memory_space<vmem>>
      %gather3A_913 = tpu.vector_load_idx %gather3A_912[%add3A_909, %add3A_836] : memref<512x128xf32, #tpu.memory_space<vmem>>[vector<16xi32>, vector<16xi32>], vector<16xf32>,
      %mul3A_914 = arith.mulf %gather3A_911, %gather3A_913 : vector<16xf32>
      %add3A_915 = arith.addf %add3A_906, %mul3A_914 : vector<16xf32>
      %add3A_916 = arith.constant 8 : i32
      %add3A_917 = vector.broadcast %add3A_916 : i32 to vector<16xi32>
      %add3A_918 = arith.addi %mul3A_843, %add3A_917 : vector<16xi32>
      %gather3A_919 = tpu.memref_reshape %arg9 : memref<2x16x2x8x128xf32, #tpu.memory_space<vmem>> -> memref<512x128xf32, #tpu.memory_space<vmem>>
      %gather3A_920 = tpu.vector_load_idx %gather3A_919[%add3A_918, %and3A_823] : memref<512x128xf32, #tpu.memory_space<vmem>>[vector<16xi32>, vector<16xi32>], vector<16xf32>,
      %gather3A_921 = tpu.memref_reshape %arg9 : memref<2x16x2x8x128xf32, #tpu.memory_space<vmem>> -> memref<512x128xf32, #tpu.memory_space<vmem>>
      %gather3A_922 = tpu.vector_load_idx %gather3A_921[%add3A_918, %add3A_836] : memref<512x128xf32, #tpu.memory_space<vmem>>[vector<16xi32>, vector<16xi32>], vector<16xf32>,
      %mul3A_923 = arith.mulf %gather3A_920, %gather3A_922 : vector<16xf32>
      %add3A_924 = arith.addf %add3A_915, %mul3A_923 : vector<16xf32>
      %add3A_925 = arith.constant 9 : i32
      %add3A_926 = vector.broadcast %add3A_925 : i32 to vector<16xi32>
      %add3A_927 = arith.addi %mul3A_843, %add3A_926 : vector<16xi32>
      %gather3A_928 = tpu.memref_reshape %arg9 : memref<2x16x2x8x128xf32, #tpu.memory_space<vmem>> -> memref<512x128xf32, #tpu.memory_space<vmem>>
      %gather3A_929 = tpu.vector_load_idx %gather3A_928[%add3A_927, %and3A_823] : memref<512x128xf32, #tpu.memory_space<vmem>>[vector<16xi32>, vector<16xi32>], vector<16xf32>,
      %gather3A_930 = tpu.memref_reshape %arg9 : memref<2x16x2x8x128xf32, #tpu.memory_space<vmem>> -> memref<512x128xf32, #tpu.memory_space<vmem>>
      %gather3A_931 = tpu.vector_load_idx %gather3A_930[%add3A_927, %add3A_836] : memref<512x128xf32, #tpu.memory_space<vmem>>[vector<16xi32>, vector<16xi32>], vector<16xf32>,
      %mul3A_932 = arith.mulf %gather3A_929, %gather3A_931 : vector<16xf32>
      %add3A_933 = arith.addf %add3A_924, %mul3A_932 : vector<16xf32>
      %add3A_934 = arith.constant 10 : i32
      %add3A_935 = vector.broadcast %add3A_934 : i32 to vector<16xi32>
      %add3A_936 = arith.addi %mul3A_843, %add3A_935 : vector<16xi32>
      %gather3A_937 = tpu.memref_reshape %arg9 : memref<2x16x2x8x128xf32, #tpu.memory_space<vmem>> -> memref<512x128xf32, #tpu.memory_space<vmem>>
      %gather3A_938 = tpu.vector_load_idx %gather3A_937[%add3A_936, %and3A_823] : memref<512x128xf32, #tpu.memory_space<vmem>>[vector<16xi32>, vector<16xi32>], vector<16xf32>,
      %gather3A_939 = tpu.memref_reshape %arg9 : memref<2x16x2x8x128xf32, #tpu.memory_space<vmem>> -> memref<512x128xf32, #tpu.memory_space<vmem>>
      %gather3A_940 = tpu.vector_load_idx %gather3A_939[%add3A_936, %add3A_836] : memref<512x128xf32, #tpu.memory_space<vmem>>[vector<16xi32>, vector<16xi32>], vector<16xf32>,
      %mul3A_941 = arith.mulf %gather3A_938, %gather3A_940 : vector<16xf32>
      %add3A_942 = arith.addf %add3A_933, %mul3A_941 : vector<16xf32>
      %add3A_943 = arith.constant 11 : i32
      %add3A_944 = vector.broadcast %add3A_943 : i32 to vector<16xi32>
      %add3A_945 = arith.addi %mul3A_843, %add3A_944 : vector<16xi32>
      %gather3A_946 = tpu.memref_reshape %arg9 : memref<2x16x2x8x128xf32, #tpu.memory_space<vmem>> -> memref<512x128xf32, #tpu.memory_space<vmem>>
      %gather3A_947 = tpu.vector_load_idx %gather3A_946[%add3A_945, %and3A_823] : memref<512x128xf32, #tpu.memory_space<vmem>>[vector<16xi32>, vector<16xi32>], vector<16xf32>,
      %gather3A_948 = tpu.memref_reshape %arg9 : memref<2x16x2x8x128xf32, #tpu.memory_space<vmem>> -> memref<512x128xf32, #tpu.memory_space<vmem>>
      %gather3A_949 = tpu.vector_load_idx %gather3A_948[%add3A_945, %add3A_836] : memref<512x128xf32, #tpu.memory_space<vmem>>[vector<16xi32>, vector<16xi32>], vector<16xf32>,
      %mul3A_950 = arith.mulf %gather3A_947, %gather3A_949 : vector<16xf32>
      %add3A_951 = arith.addf %add3A_942, %mul3A_950 : vector<16xf32>
      %add3A_952 = arith.constant 12 : i32
      %add3A_953 = vector.broadcast %add3A_952 : i32 to vector<16xi32>
      %add3A_954 = arith.addi %mul3A_843, %add3A_953 : vector<16xi32>
      %gather3A_955 = tpu.memref_reshape %arg9 : memref<2x16x2x8x128xf32, #tpu.memory_space<vmem>> -> memref<512x128xf32, #tpu.memory_space<vmem>>
      %gather3A_956 = tpu.vector_load_idx %gather3A_955[%add3A_954, %and3A_823] : memref<512x128xf32, #tpu.memory_space<vmem>>[vector<16xi32>, vector<16xi32>], vector<16xf32>,
      %gather3A_957 = tpu.memref_reshape %arg9 : memref<2x16x2x8x128xf32, #tpu.memory_space<vmem>> -> memref<512x128xf32, #tpu.memory_space<vmem>>
      %gather3A_958 = tpu.vector_load_idx %gather3A_957[%add3A_954, %add3A_836] : memref<512x128xf32, #tpu.memory_space<vmem>>[vector<16xi32>, vector<16xi32>], vector<16xf32>,
      %mul3A_959 = arith.mulf %gather3A_956, %gather3A_958 : vector<16xf32>
      %add3A_960 = arith.addf %add3A_951, %mul3A_959 : vector<16xf32>
      %add3A_961 = arith.constant 13 : i32
      %add3A_962 = vector.broadcast %add3A_961 : i32 to vector<16xi32>
      %add3A_963 = arith.addi %mul3A_843, %add3A_962 : vector<16xi32>
      %gather3A_964 = tpu.memref_reshape %arg9 : memref<2x16x2x8x128xf32, #tpu.memory_space<vmem>> -> memref<512x128xf32, #tpu.memory_space<vmem>>
      %gather3A_965 = tpu.vector_load_idx %gather3A_964[%add3A_963, %and3A_823] : memref<512x128xf32, #tpu.memory_space<vmem>>[vector<16xi32>, vector<16xi32>], vector<16xf32>,
      %gather3A_966 = tpu.memref_reshape %arg9 : memref<2x16x2x8x128xf32, #tpu.memory_space<vmem>> -> memref<512x128xf32, #tpu.memory_space<vmem>>
      %gather3A_967 = tpu.vector_load_idx %gather3A_966[%add3A_963, %add3A_836] : memref<512x128xf32, #tpu.memory_space<vmem>>[vector<16xi32>, vector<16xi32>], vector<16xf32>,
      %mul3A_968 = arith.mulf %gather3A_965, %gather3A_967 : vector<16xf32>
      %add3A_969 = arith.addf %add3A_960, %mul3A_968 : vector<16xf32>
      %add3A_970 = arith.constant 14 : i32
      %add3A_971 = vector.broadcast %add3A_970 : i32 to vector<16xi32>
      %add3A_972 = arith.addi %mul3A_843, %add3A_971 : vector<16xi32>
      %gather3A_973 = tpu.memref_reshape %arg9 : memref<2x16x2x8x128xf32, #tpu.memory_space<vmem>> -> memref<512x128xf32, #tpu.memory_space<vmem>>
      %gather3A_974 = tpu.vector_load_idx %gather3A_973[%add3A_972, %and3A_823] : memref<512x128xf32, #tpu.memory_space<vmem>>[vector<16xi32>, vector<16xi32>], vector<16xf32>,
      %gather3A_975 = tpu.memref_reshape %arg9 : memref<2x16x2x8x128xf32, #tpu.memory_space<vmem>> -> memref<512x128xf32, #tpu.memory_space<vmem>>
      %gather3A_976 = tpu.vector_load_idx %gather3A_975[%add3A_972, %add3A_836] : memref<512x128xf32, #tpu.memory_space<vmem>>[vector<16xi32>, vector<16xi32>], vector<16xf32>,
      %mul3A_977 = arith.mulf %gather3A_974, %gather3A_976 : vector<16xf32>
      %add3A_978 = arith.addf %add3A_969, %mul3A_977 : vector<16xf32>
      %add3A_979 = arith.constant 15 : i32
      %add3A_980 = vector.broadcast %add3A_979 : i32 to vector<16xi32>
      %add3A_981 = arith.addi %mul3A_843, %add3A_980 : vector<16xi32>
      %gather3A_982 = tpu.memref_reshape %arg9 : memref<2x16x2x8x128xf32, #tpu.memory_space<vmem>> -> memref<512x128xf32, #tpu.memory_space<vmem>>
      %gather3A_983 = tpu.vector_load_idx %gather3A_982[%add3A_981, %and3A_823] : memref<512x128xf32, #tpu.memory_space<vmem>>[vector<16xi32>, vector<16xi32>], vector<16xf32>,
      %gather3A_984 = tpu.memref_reshape %arg9 : memref<2x16x2x8x128xf32, #tpu.memory_space<vmem>> -> memref<512x128xf32, #tpu.memory_space<vmem>>
      %gather3A_985 = tpu.vector_load_idx %gather3A_984[%add3A_981, %add3A_836] : memref<512x128xf32, #tpu.memory_space<vmem>>[vector<16xi32>, vector<16xi32>], vector<16xf32>,
      %mul3A_986 = arith.mulf %gather3A_983, %gather3A_985 : vector<16xf32>
      %add3A_987 = arith.addf %add3A_978, %mul3A_986 : vector<16xf32>
      %mul3A_988 = arith.constant 5.000000e+00 : f32
      %mul3A_989 = vector.broadcast %mul3A_988 : f32 to vector<16xf32>
      %mul3A_990 = arith.mulf %add3A_987, %mul3A_989 : vector<16xf32>
      %mul3A_991 = arith.constant 16 : i32
      %mul3A_992 = arith.muli %scan3A_723, %mul3A_991 : i32
      %swap3A = arith.index_cast %mul3A_992 : i32 to index
      %swap3A_993 = tpu.vector_load %arg10[%swap3A] {strides = array<i32>} : memref<512xf32, #tpu.memory_space<vmem>>, vector<16xf32>,
      tpu.vector_store %arg10[%swap3A], %mul3A_990 {strides = array<i32>} : memref<512xf32, #tpu.memory_space<vmem>>, vector<16xf32>,
      %scan3A_994 = arith.constant 0 : i32
      scf.yield %scan3A_994 : i32
    }
    %scan3A_722 = arith.constant 32 : i32
    "tpu.region"() ({
      %run_scoped3A = tpu.sem_alloc : memref<!tpu.dma_semaphore, #tpu.memory_space<semaphore_mem>>
      %dma_start3A_723 = tpu.memref_slice %arg6[%mul3A_2] : memref<16384xf32, #tpu.memory_space<hbm>> -> memref<512xf32, #tpu.memory_space<hbm>>
      %dma_start3A_724 = tpu.memref_slice %arg6[%mul3A_2] : memref<16384xf32, #tpu.memory_space<hbm>> -> memref<512xf32, #tpu.memory_space<hbm>>
      tpu.enqueue_dma source(%arg10 : memref<512xf32, #tpu.memory_space<vmem>>) target(%dma_start3A_724 : memref<512xf32, #tpu.memory_space<hbm>>) target_semaphore(%run_scoped3A : memref<!tpu.dma_semaphore, #tpu.memory_space<semaphore_mem>>)
      %dma_wait3A = tpu.memref_slice %arg6[%mul3A_2] : memref<16384xf32, #tpu.memory_space<hbm>> -> memref<512xf32, #tpu.memory_space<hbm>>
      %dma_wait3A_725 = tpu.memref_slice %arg6[%mul3A_2] : memref<16384xf32, #tpu.memory_space<hbm>> -> memref<512xf32, #tpu.memory_space<hbm>>
      tpu.wait_dma2 semaphore(%run_scoped3A : memref<!tpu.dma_semaphore, #tpu.memory_space<semaphore_mem>>) src(%arg10 : memref<512xf32, #tpu.memory_space<vmem>>) dst(%dma_wait3A_725 : memref<512xf32, #tpu.memory_space<hbm>>)
      tpu.yield
    }) : () -> ()
    return
  }
}

</mosaic_0001>

<sc_bundles>
// kernel: _mf_kernel.3.cloned.1.call-start
scs
__scs_entry_jumppad:
0x0: {  	(pc) =	sbr.rel $0x88, $3  }
0x1: {  	(tag) =	ssettag $0x0;
	lr =	simm.s32 $0x1  }
0x2: {  	[smem:$0x3F9D] =	sst lr;
	_ =	strace $0xD0000000  }
0x3: {  	_ = 	snop  }
0x4: {  	_ = 	snop  }
0x5: {  	_ = 	snop  }
0x6: {  	_ = 	snop  }
0x7: {  	_ = 	snop  }
__scs_overlays_trampoline_lowered:
0x8: {  	[smem:$0x3FAC] =	sst s0  }
0x9: {  	[smem:$0x3FAD] =	sst s1  }
0xa: {  	[smem:$0x3FAE] =	sst s2  }
0xb: {  	[smem:$0x3FAF] =	sst s3  }
0xc: {  	[smem:$0x3FB0] =	sst s4  }
0xd: {  	[smem:$0x3FB1] =	sst s5  }
0xe: {  	[smem:$0x3FB2] =	sst s6  }
0xf: {  	[smem:$0x3FB3] =	sst s7  }
0x10: {  	[smem:$0x3FB4] =	sst s8  }
0x11: {  	[smem:$0x3FB5] =	sst s9;
	s0 =	simm.s32 @!p0 $0x0  }
0x12: {  	s1 =	sld [smem:$0x3F9B];
	s0 =	simm.s32 @p0 $0x1  }
0x13: {  	[smem:$0x3FB6] =	sst s0;
	s0 =	simm.s32 @!p1 $0x0  }
0x14: {  	s2 =	sld [smem:$0x3F9A];
	s0 =	simm.s32 @p1 $0x1  }
0x15: {  	[smem:$0x3FB7] =	sst s0;
	s0 =	simm.s32 @!p2 $0x0  }
0x16: {  	s3 =	sld [smem:$0x3FDB];
	s0 =	simm.s32 @p2 $0x1  }
0x17: {  	s4 =	simm.s32 $0x1BF5;
	[smem:$0x3FB9] =	sst s0  }
0x18: {  	s0 =	sld [smem:$0x3F9C];
	_ =	swait.ge [sflag:s4], $0x0  }
0x19: {  	s7 =	sld [smem:$0x3F9D]  }
0x1a: {  	s8 =	sadd.s32 $0xFFFFE003, lr  }
0x1b: {  	s9 =	sadd.s32 $0xFFFFFEF7, lr;
	s5 =	simm.s32 $0xFFFFFFFF;
	p2 =	slt.u32 s8, $0xFFFFF086  }
0x1c: {  	p1 =	slt.u32 s9, $0xF7A;
	s5 =	simm.s32 @!p2 $0x0  }
0x1d: {  	s5 =	simm.s32 @p1 $0x1;
	p0 =	seq.s32 s7, s2  }
0x1e: {  	s7 =	smul.u32 @!p0 $0xF7A, s2;
	p2 =	seq.s32 @!p0 s5, $0x0  }
0x1f: {  	s9 =	smul.u32 $0xF7A, s1;
	s8 =	simm.s32 @!p0 $0x1BF5;
	p2 =	por !p2, p0  }
0x20: {  	[sflag:s8] =	ssyncset.s32 @!p0 $0xFFFFF086;
	s6 =	sadd.s32 @!p0 s3, s7;
	s7 =	simm.s32 @!p0 $0x108  }
0x21: {  	s3 =	sadd.s32 s3, s9;
	s6 =	sadd.s32 @!p0 $0x88, s6;
	s7 =	simm.s32 @p2 $0x1082  }
0x22: {  	[simem:s7], [sflag:s8] =	dma.local @!p0 [hbm:s6], $0xF7A  }
0x23: {  	s9 =	sor.u32 $0xD0000000, s2;
	s6 =	simm.s32 $0x108;
	_ =	swait.ge @!p0 [sflag:s8], $0x0  }
0x24: {  	s3 =	sadd.s32 $0x88, s3;
	s6 =	simm.s32 @!p1 $0x1082;
	[sflag:s4] =	ssyncset.s32 $0xFFFFF086  }
0x25: {  	[simem:s6], [sflag:s4] =	dma.local [hbm:s3], $0xF7A  }
0x26: {  	[smem:$0x3F9D] =	sst s1;
	(tag) =	ssettag s2;
	_ =	strace s9  }
0x27: {  	s1 =	sld [smem:$0x3FAD]  }
0x28: {  	s2 =	sld [smem:$0x3FAE]  }
0x29: {  	s4 =	sld [smem:$0x3FB0]  }
0x2a: {  	p0 =	seq.s32 s5, $0x0;
	s5 =	sld [smem:$0x3FB1]  }
0x2b: {  	s6 =	sld [smem:$0x3FB2]  }
0x2c: {  	s7 =	sld [smem:$0x3FB3]  }
0x2d: {  	s3 =	simm.s32 $0x108;
	s8 =	sld [smem:$0x3FB4]  }
0x2e: {  	s3 =	simm.s32 @!p0 $0x1082;
	s9 =	sld [smem:$0x3FB5]  }
0x2f: {  	lr =	sadd.s32 s0, s3;
	s0 =	sld [smem:$0x3FAC]  }
0x30: {  	s3 =	sld [smem:$0x3FAF]  }
0x31: {  	[smem:$0x3FB8] =	sst s10  }
0x32: {  	s10 =	sld [smem:$0x3FB6];
	_ =	sdelay $0x3  }
0x33: {  	p0 =	seq.s32 s10, $0x1;
	s10 =	sld [smem:$0x3FB8];
	_ =	sdelay $0x3  }
0x34: {  	[smem:$0x3FB8] =	sst s10  }
0x35: {  	s10 =	sld [smem:$0x3FB7];
	_ =	sdelay $0x3  }
0x36: {  	p1 =	seq.s32 s10, $0x1;
	s10 =	sld [smem:$0x3FB8];
	_ =	sdelay $0x3  }
0x37: {  	[smem:$0x3FB8] =	sst s10  }
0x38: {  	s10 =	sld [smem:$0x3FB9]  }
0x39: {  	_ = 	snop;
	(pc) =	sbr.ind lr, $3  }
0x3a: {  	_ = 	snop  }
0x3b: {  	_ = 	snop  }
0x3c: {  	p2 =	seq.s32 s10, $0x1;
	s10 =	sld [smem:$0x3FB8]  }
0x3d: {  	_ =	shalt  }
0x3e: {  	_ =	shalt  }
0x3f: {  	_ =	shalt  }
0x40: {  	_ =	shalt  }
0x41: {  	_ =	shalt  }
0x42: {  	_ =	shalt  }
0x43: {  	_ =	shalt  }
0x44: {  	_ =	shalt  }
0x45: {  	_ =	shalt  }
0x46: {  	_ =	shalt  }
0x47: {  	_ =	shalt  }
0x48: {  	_ =	shalt  }
0x49: {  	_ =	shalt  }
0x4a: {  	_ =	shalt  }
0x4b: {  	_ =	shalt  }
0x4c: {  	_ =	shalt  }
0x4d: {  	_ =	shalt  }
0x4e: {  	_ =	shalt  }
0x4f: {  	_ =	shalt  }
0x50: {  	_ =	shalt  }
0x51: {  	_ =	shalt  }
0x52: {  	_ =	shalt  }
0x53: {  	_ =	shalt  }
0x54: {  	_ =	shalt  }
0x55: {  	_ =	shalt  }
0x56: {  	_ =	shalt  }
0x57: {  	_ =	shalt  }
0x58: {  	_ =	shalt  }
0x59: {  	_ =	shalt  }
0x5a: {  	_ =	shalt  }
0x5b: {  	_ =	shalt  }
0x5c: {  	_ =	shalt  }
0x5d: {  	_ =	shalt  }
0x5e: {  	_ =	shalt  }
0x5f: {  	_ =	shalt  }
0x60: {  	_ =	shalt  }
0x61: {  	_ =	shalt  }
0x62: {  	_ =	shalt  }
0x63: {  	_ =	shalt  }
0x64: {  	_ =	shalt  }
0x65: {  	_ =	shalt  }
0x66: {  	_ =	shalt  }
0x67: {  	_ =	shalt  }
0x68: {  	_ =	shalt  }
0x69: {  	_ =	shalt  }
0x6a: {  	_ =	shalt  }
0x6b: {  	_ =	shalt  }
0x6c: {  	_ =	shalt  }
0x6d: {  	_ =	shalt  }
0x6e: {  	_ =	shalt  }
0x6f: {  	_ =	shalt  }
0x70: {  	_ =	shalt  }
0x71: {  	_ =	shalt  }
0x72: {  	_ =	shalt  }
0x73: {  	_ =	shalt  }
0x74: {  	_ =	shalt  }
0x75: {  	_ =	shalt  }
0x76: {  	_ =	shalt  }
0x77: {  	_ =	shalt  }
0x78: {  	_ =	shalt  }
0x79: {  	_ =	shalt  }
0x7a: {  	_ =	shalt  }
0x7b: {  	_ =	shalt  }
0x7c: {  	_ =	shalt  }
0x7d: {  	_ =	shalt  }
0x7e: {  	_ =	shalt  }
0x7f: {  	_ =	shalt  }
0x80: {  	_ =	shalt  }
0x81: {  	_ =	shalt  }
0x82: {  	_ =	shalt  }
0x83: {  	_ =	shalt  }
0x84: {  	_ =	shalt  }
0x85: {  	_ =	shalt  }
0x86: {  	_ =	shalt  }
0x87: {  	_ =	shalt  }
.Lfunc_end0:
.L_simem_size_0:
called_computation_lowered:
.L_overlay_start_0:
0x88: {  	s2 =	sld [smem:$0x3FD9]  }
0x89: {  	s3 =	sld [smem:$0x3FFE];
	_ =	sdelay $0x1  }
0x8a: {  	s1 =	srdreg.scid  }
0x8b: {  	s0 =	sand.u32 $0x1, s1  }
0x8c: {  	s18 =	sshll.u32 s0, $0xA;
	s2 =	sadd.s32 s3, s2  }
0x8d: {  	s2 =	sadd.s32 s2, s18  }
0x8e: {  	[smem:$0x3FC4] =	sst s2  }
0x8f: {  	_ = 	snop  }
0x90: {  	s2 =	sld [smem:$0x3FC9]  }
0x91: {  	s19 =	sld [smem:$0x3FC8]  }
0x92: {  	s4 =	sld [smem:$0x3FC7]  }
0x93: {  	s5 =	sld [smem:$0x3FC6]  }
0x94: {  	s6 =	sld [smem:$0x3FD0];
	(tm) =	ssettm $0x1  }
0x95: {  	s7 =	sld [smem:$0x3FFB];
	_ =	sdelay $0x3  }
0x96: {  	_ =	strace s7  }
0x97: {  	s7 =	sld [smem:$0x3FFC];
	_ =	sdelay $0x3  }
0x98: {  	_ =	strace s7  }
0x99: {  	s7 =	sld [smem:$0x3FFD];
	_ =	sdelay $0x3  }
0x9a: {  	_ =	strace s7  }
0x9b: {  	_ =	strace $0x8FFFFFFF  }
0x9c: {  	s20 =	sld [smem:$0x3FDB];
	_ =	sdelay $0x1  }
0x9d: {  	s8 =	simm.s32 $_scs_section_size  }
0x9e: {  	s9 =	simm.s32 $_size__tile_overlayer_lowered;
	s10 =	simm.s32 $_tile_overlayer_lowered  }
0x9f: {  	s23 =	simm.s32 $0x1BFF;
	s22 =	sshll.u32 s10, $0x1;
	s7 =	sadd.s32 s8, s20  }
0xa0: {  	s11 =	simm.s32 $0x0;
	s21 =	sshll.u32 s9, $0x1;
	s9 =	sadd.s32 s22, s7  }
0xa1: {  	[timem:s11], [sflag:s23] =	dma.local [hbm:s9], s21  }
0xa2: {  	_ =	swait.ge [sflag:s23], s21  }
0xa3: {  	s8 =	ssub.s32 $0x0, s21;
	[sflag:s23] =	ssyncset.done $0x0  }
0xa4: {  	[sflag:s23] =	ssyncadd.s32 s8;
	_ =	sdelay $0x1  }
0xa5: {  	s24 =	simm.s32 $0x1B8B  }
0xa6: {  	_ =	swait.ge [sflag:s24], $0x1  }
0xa7: {  	[sflag:s24] =	ssyncset.done $0x0  }
0xa8: {  	s25 =	simm.s32 $0x1B8E;
	[sflag:s24] =	ssyncadd.s32 $0xFFFFFFFF  }
0xa9: {  	s26 =	simm.s32 $execute0_lowered;
	[smem:$0x3FD2] =	sst s25  }
0xaa: {  	s8 =	sshll.u32 s26, $0x1;
	_ =	strace $0x80000046;
	[dreg:$0x1] =	wrdreg $0xFFFFFFFF  }
0xab: {  	s28 =	simm.s32 $_size_execute0_lowered;
	s7 =	sadd.s32 s7, s8;
	[dreg:$0x0] =	wrdreg $0x0  }
0xac: {  	s8 =	sshll.u32 s28, $0x1;
	[dreg:$0x2] =	wrdreg s7  }
0xad: {  	[dreg:$0x3] =	wrdreg s8  }
0xae: {  	[dreg:$0x4] =	wrdreg $0xC0  }
0xaf: {  	_ =	task [dreg:s11], $0x5FFFF  }
0xb0: {  	[dreg:$0x1] =	wrdreg $0xFFFFFFFF  }
0xb1: {  	[dreg:$0x0] =	wrdreg $0x60  }
0xb2: {  	[dreg:$0x2] =	wrdreg s2  }
0xb3: {  	[dreg:$0x3] =	wrdreg s19  }
0xb4: {  	[dreg:$0x4] =	wrdreg s4  }
0xb5: {  	[dreg:$0x5] =	wrdreg s5  }
0xb6: {  	[dreg:$0x6] =	wrdreg s6  }
0xb7: {  	[dreg:$0x7] =	wrdreg $0x9  }
0xb8: {  	_ =	task.clear_ibuf [dreg:s11], $0x8FFFF;
	_ =	strace $0x90000046  }
0xb9: {  	s29 =	simm.s32 $0x9;
	_ =	strace $0x80000048  }
0xba: {  	_ =	swait.ge [sflag:s29], $0x1  }
0xbb: {  	[sflag:s29] =	ssyncadd.s32 $0xFFFFFFFF  }
0xbc: {  	_ =	strace $0x90000048  }
0xbd: {  	_ =	sfence  }
0xbe: {  	s30 =	sld [smem:$0x0];
	_ =	sdelay $0x2  }
0xbf: {  	s31 =	sshll.u32 s1, $0xD;
	s1 =	sshrl.u32 s1, $0x2  }
0xc0: {  	s3 =	sand.u32 $0x4000, s31;
	s1 =	sadd.s32 s1, s30  }
0xc1: {  	s0 =	sor.u32 s3, s0;
	s1 =	sshll.u32 s1, $0x11  }
0xc2: {  	s0 =	sor.u32 s1, s0  }
0xc3: {  	s0 =	sadd.s32 $0x8F2B, s0  }
0xc4: {  	[sflag:s0] =	ssyncadd.remote.s32 $0x1  }
0xc5: {  	_ =	sfence.sel $0xFFFF  }
0xc6: {  	[dreg:$0x0] =	wrdreg $0xFFFFFFFF;
	(pc) =	sbr.abs _section_cstart, $3  }
0xc7: {  	[dreg:$0x1] =	wrdreg $0xFFFFFFFF  }
0xc8: {  	_ =	task.clear_ibuf [dreg:s11], $0x2FFFF;
	_ =	strace $0x9FFFFFFF  }
0xc9: {  	(tm) =	ssettm $0x7FFFFFFF  }
tec
execute0_lowered:
.L_overlay_start_1:
0x0: {  	(tag) =	ssettag $0x1  }
0x1: {  	s0 =	rddreg [dreg:$0x0]  }
0x2: {  	s3 =	rddreg [dreg:$0x1]  }
0x3: {  	s1 =	rddreg [dreg:$0x2]  }
0x4: {  	s2 =	rddreg [dreg:$0x3]  }
0x5: {  	s7 =	rddreg [dreg:$0x4];
	s4 =	simm.s32 $0x0;
	s5 =	srdreg.scid  }
0x6: {  	s8 =	stileid.u32;
	s11 =	simm.s32 $0x400;
	s10 =	simm.s32 $0x8110  }
0x7: {  	s12 =	simm.s32 $0x8190;
	s13 =	simm.s32 $0x8210;
	s14 =	simm.s32 $0x8290  }
0x8: {  	s15 =	simm.s32 $0x8310;
	s16 =	simm.s32 $0x8390;
	s17 =	simm.s32 $0x1  }
0x9: {  	s18 =	simm.s32 $0x3;
	s19 =	simm.s32 $0x2;
	s20 =	simm.s32 $0x4  }
0xa: {  	s21 =	simm.s32 $0x10400;
	s22 =	simm.s32 $0x0;
	s5 =	sand.u32 $0x1, s5  }
.Ltmp0:
0xb: {  	[smem:$0x7FF] =	sst s4;
	s6 =	ssub.s32 $0x2, s5;
	(pc) =	sbr.rel .LBB2_1-.Ltmp0, $4  }
0xc: {  	s8 =	sshll.u32 s8, $0x7;
	s5 =	sshll.u32 s5, $0x6;
	s9 =	sshrl.u32 s6, $0x1  }
0xd: {  	_ =	strace $0x80000047;
	s8 =	sor.u32 s5, s8;
	s9 =	ssub.s32 s6, s9  }
0xe: {  	v0 =	vlaneseq.u32;
	s5 =	sadd.s32 s0, s8;
	s6 =	sadd.s32 s3, s8;
	s7 =	sadd.s32 s7, s8  }
0xf: {  	v0 =	vmul.u32 $0x800, v0;
	s3 =	simm.s32 $0x8090;
	s8 =	smax.u32 s9, $0x1;
	s9 =	simm.s32 $0x5  }
.LBB2_5:
0x10: {  	s22 =	sadd.s32 $0x1, s22  }
0x11: {  	p0 =	sne.s32 s22, s8  }
.Ltmp1:
0x12: {  	_ = 	snop;
	(pc) =	sbr.rel @!p0 .LBB2_6-.Ltmp1, $4  }
0x13: {  	[hbm4b:s7+s4] =	stream.linear.scatter [tilespmem:s21], [sflag:$0x5], $0x200, $0x38;
	[tilespmem:$0x10600] =	vst v63  }
0x14: {  	_ =	swait.ge [sflag:s9], $0x200  }
0x15: {  	[sflag:s9] =	ssyncset.done $0x0  }
0x16: {  	[sflag:s9] =	ssyncadd.s32 $0xFFFFFE00  }
.LBB2_1:
0x17: {  	[tilespmem:s4], [sflag:$0x5] =	stream.linear.gather [hbm4b:s5+s4], $0x200, $0x38;
	[tilespmem:$0x10600] =	vst v63  }
0x18: {  	_ =	swait.ge [sflag:s9], $0x200  }
0x19: {  	[sflag:s9] =	ssyncset.done $0x0  }
0x1a: {  	s0 =	simm.s32 $0x200;
	[sflag:s9] =	ssyncadd.s32 $0xFFFFFE00  }
0x1b: {  	[tilespmem:s0], [sflag:$0x5] =	stream.linear.gather [hbm4b:s6+s4], $0x200, $0x38;
	[tilespmem:$0x10600] =	vst v63  }
0x1c: {  	_ =	swait.ge [sflag:s9], $0x200  }
0x1d: {  	[sflag:s9] =	ssyncset.done $0x0  }
0x1e: {  	[sflag:s9] =	ssyncadd.s32 $0xFFFFFE00  }
0x1f: {  	v1 =	vld [tilespmem:$0x0];
	_ =	sdelay $0x4  }
0x20: {  	v1 =	vadd.s32 $0xFFFFFFFF, v1  }
0x21: {  	v2 =	vshra.s32 v1, $0x4  }
0x22: {  	(v2sf) =	vpush v2, $0x0;
	_ =	sdelay $0xe  }
0x23: {  	s23 =	spop (v2sf)  }
0x24: {  	s24 =	sshll.u32 s23, $0x7;
	s23 =	sshll.u32 s23, $0x4  }
0x25: {  	s24 =	sand.u32 $0xFFFFFC00, s24;
	s23 =	sand.u32 $0x70, s23  }
0x26: {  	s23 =	sor.u32 s23, s24  }
0x27: {  	s23 =	sshrl.u32 s23, $0x3  }
0x28: {  	s23 =	sadd.s32 s1, s23  }
0x29: {  	v1 =	vld [tilespmem:$0x200];
	[tilespmem:s11], [sflag:$0x1] =	stream.linear.gather [hbm4b:s23+s4], $0x10, $0x38  }
0x2a: {  	s31 =	simm.s32 $0x480;
	s30 =	sadd.s32 $0x10, s23  }
0x2b: {  	[tilespmem:s31], [sflag:$0x1] =	stream.linear.gather [hbm4b:s30+s4], $0x10, $0x38;
	[tilespmem:$0x10600] =	vst v63  }
0x2c: {  	s26 =	simm.s32 $0x500;
	s25 =	sadd.s32 $0x20, s23  }
0x2d: {  	[tilespmem:s26], [sflag:$0x1] =	stream.linear.gather [hbm4b:s25+s4], $0x10, $0x38;
	[tilespmem:$0x10600] =	vst v63  }
0x2e: {  	s29 =	simm.s32 $0x580;
	s28 =	sadd.s32 $0x30, s23  }
0x2f: {  	[tilespmem:s29], [sflag:$0x1] =	stream.linear.gather [hbm4b:s28+s4], $0x10, $0x38;
	[tilespmem:$0x10600] =	vst v63  }
0x30: {  	s30 =	sadd.s32 $0x40, s23;
	s31 =	simm.s32 $0x600  }
0x31: {  	[tilespmem:s31], [sflag:$0x1] =	stream.linear.gather [hbm4b:s30+s4], $0x10, $0x38;
	[tilespmem:$0x10600] =	vst v63  }
0x32: {  	s25 =	sadd.s32 $0x50, s23;
	s26 =	simm.s32 $0x680  }
0x33: {  	[tilespmem:s26], [sflag:$0x1] =	stream.linear.gather [hbm4b:s25+s4], $0x10, $0x38;
	[tilespmem:$0x10600] =	vst v63  }
0x34: {  	s28 =	sadd.s32 $0x60, s23;
	s29 =	simm.s32 $0x700  }
0x35: {  	v1 =	vadd.s32 $0xFFFFFFFF, v1;
	[tilespmem:s29], [sflag:$0x1] =	stream.linear.gather [hbm4b:s28+s4], $0x10, $0x38;
	[tilespmem:$0x10600] =	vst v63  }
0x36: {  	v1 =	vshra.s32 v1, $0x4;
	s30 =	sadd.s32 $0x70, s23;
	s31 =	simm.s32 $0x780  }
0x37: {  	(v2sf) =	vpush v1, $0x0;
	[tilespmem:s31], [sflag:$0x1] =	stream.linear.gather [hbm4b:s30+s4], $0x10, $0x38;
	[tilespmem:$0x10600] =	vst v63  }
0x38: {  	s24 =	simm.s32 $0x800;
	s23 =	sadd.s32 $0xF4280, s23  }
0x39: {  	[tilespmem:s24], [sflag:$0x1] =	stream.linear.gather [hbm4b:s23+s4], $0x10, $0x38;
	[tilespmem:$0x10600] =	vst v63  }
0x3a: {  	s25 =	sadd.s32 $0x10, s23;
	s26 =	simm.s32 $0x880  }
0x3b: {  	[tilespmem:s26], [sflag:$0x1] =	stream.linear.gather [hbm4b:s25+s4], $0x10, $0x38;
	[tilespmem:$0x10600] =	vst v63  }
0x3c: {  	s28 =	sadd.s32 $0x20, s23;
	s29 =	simm.s32 $0x900  }
0x3d: {  	[tilespmem:s29], [sflag:$0x1] =	stream.linear.gather [hbm4b:s28+s4], $0x10, $0x38;
	[tilespmem:$0x10600] =	vst v63  }
0x3e: {  	s30 =	sadd.s32 $0x30, s23;
	s31 =	simm.s32 $0x980  }
0x3f: {  	[tilespmem:s31], [sflag:$0x1] =	stream.linear.gather [hbm4b:s30+s4], $0x10, $0x38;
	[tilespmem:$0x10600] =	vst v63  }
0x40: {  	s25 =	sadd.s32 $0x40, s23;
	s26 =	simm.s32 $0xA00  }
0x41: {  	[tilespmem:s26], [sflag:$0x1] =	stream.linear.gather [hbm4b:s25+s4], $0x10, $0x38;
	[tilespmem:$0x10600] =	vst v63  }
0x42: {  	s28 =	sadd.s32 $0x50, s23;
	s29 =	simm.s32 $0xA80  }
0x43: {  	[tilespmem:s29], [sflag:$0x1] =	stream.linear.gather [hbm4b:s28+s4], $0x10, $0x38;
	[tilespmem:$0x10600] =	vst v63  }
0x44: {  	s30 =	sadd.s32 $0x60, s23;
	s31 =	simm.s32 $0xB00  }
0x45: {  	[tilespmem:s31], [sflag:$0x1] =	stream.linear.gather [hbm4b:s30+s4], $0x10, $0x38;
	[tilespmem:$0x10600] =	vst v63  }
0x46: {  	s23 =	sadd.s32 $0x70, s23;
	s25 =	simm.s32 $0xB80;
	s26 =	spop (v2sf)  }
0x47: {  	[tilespmem:s25], [sflag:$0x1] =	stream.linear.gather [hbm4b:s23+s4], $0x10, $0x38;
	[tilespmem:$0x10600] =	vst v63  }
0x48: {  	s28 =	sshll.u32 s26, $0x7;
	s23 =	sshll.u32 s26, $0x4  }
0x49: {  	s24 =	sand.u32 $0xFFFFFC00, s28;
	s23 =	sand.u32 $0x70, s23  }
0x4a: {  	s23 =	sor.u32 s23, s24  }
0x4b: {  	s23 =	sshrl.u32 s23, $0x3  }
0x4c: {  	s29 =	simm.s32 $0x410;
	s23 =	sadd.s32 s2, s23  }
0x4d: {  	[tilespmem:s29], [sflag:$0x2] =	stream.linear.gather [hbm4b:s23+s4], $0x10, $0x38;
	[tilespmem:$0x10600] =	vst v63  }
0x4e: {  	s31 =	simm.s32 $0x490;
	s30 =	sadd.s32 $0x10, s23  }
0x4f: {  	[tilespmem:s31], [sflag:$0x2] =	stream.linear.gather [hbm4b:s30+s4], $0x10, $0x38;
	[tilespmem:$0x10600] =	vst v63  }
0x50: {  	s26 =	simm.s32 $0x510;
	s25 =	sadd.s32 $0x20, s23  }
0x51: {  	[tilespmem:s26], [sflag:$0x2] =	stream.linear.gather [hbm4b:s25+s4], $0x10, $0x38;
	[tilespmem:$0x10600] =	vst v63  }
0x52: {  	s28 =	sadd.s32 $0x30, s23;
	s29 =	simm.s32 $0x590  }
0x53: {  	[tilespmem:s29], [sflag:$0x2] =	stream.linear.gather [hbm4b:s28+s4], $0x10, $0x38;
	[tilespmem:$0x10600] =	vst v63  }
0x54: {  	s30 =	sadd.s32 $0x40, s23;
	s31 =	simm.s32 $0x610  }
0x55: {  	[tilespmem:s31], [sflag:$0x2] =	stream.linear.gather [hbm4b:s30+s4], $0x10, $0x38;
	[tilespmem:$0x10600] =	vst v63  }
0x56: {  	s25 =	sadd.s32 $0x50, s23;
	s26 =	simm.s32 $0x690  }
0x57: {  	[tilespmem:s26], [sflag:$0x2] =	stream.linear.gather [hbm4b:s25+s4], $0x10, $0x38;
	[tilespmem:$0x10600] =	vst v63  }
0x58: {  	s28 =	sadd.s32 $0x60, s23;
	s29 =	simm.s32 $0x710  }
0x59: {  	[tilespmem:s29], [sflag:$0x2] =	stream.linear.gather [hbm4b:s28+s4], $0x10, $0x38;
	[tilespmem:$0x10600] =	vst v63  }
0x5a: {  	s30 =	sadd.s32 $0x70, s23;
	s31 =	simm.s32 $0x790  }
0x5b: {  	(v2sf) =	vpush v2, $0x1;
	[tilespmem:s31], [sflag:$0x2] =	stream.linear.gather [hbm4b:s30+s4], $0x10, $0x38;
	[tilespmem:$0x10600] =	vst v63  }
0x5c: {  	s24 =	simm.s32 $0x810;
	s23 =	sadd.s32 $0xF4280, s23  }
0x5d: {  	[tilespmem:s24], [sflag:$0x2] =	stream.linear.gather [hbm4b:s23+s4], $0x10, $0x38;
	[tilespmem:$0x10600] =	vst v63  }
0x5e: {  	s25 =	sadd.s32 $0x10, s23;
	s26 =	simm.s32 $0x890  }
0x5f: {  	[tilespmem:s26], [sflag:$0x2] =	stream.linear.gather [hbm4b:s25+s4], $0x10, $0x38;
	[tilespmem:$0x10600] =	vst v63  }
0x60: {  	s28 =	sadd.s32 $0x20, s23;
	s29 =	simm.s32 $0x910  }
0x61: {  	[tilespmem:s29], [sflag:$0x2] =	stream.linear.gather [hbm4b:s28+s4], $0x10, $0x38;
	[tilespmem:$0x10600] =	vst v63  }
0x62: {  	s30 =	sadd.s32 $0x30, s23;
	s31 =	simm.s32 $0x990  }
0x63: {  	[tilespmem:s31], [sflag:$0x2] =	stream.linear.gather [hbm4b:s30+s4], $0x10, $0x38;
	[tilespmem:$0x10600] =	vst v63  }
0x64: {  	s25 =	sadd.s32 $0x40, s23;
	s26 =	simm.s32 $0xA10  }
0x65: {  	[tilespmem:s26], [sflag:$0x2] =	stream.linear.gather [hbm4b:s25+s4], $0x10, $0x38;
	[tilespmem:$0x10600] =	vst v63  }
0x66: {  	s28 =	sadd.s32 $0x50, s23;
	s29 =	simm.s32 $0xA90  }
0x67: {  	[tilespmem:s29], [sflag:$0x2] =	stream.linear.gather [hbm4b:s28+s4], $0x10, $0x38;
	[tilespmem:$0x10600] =	vst v63  }
0x68: {  	s30 =	sadd.s32 $0x60, s23;
	s31 =	simm.s32 $0xB10  }
0x69: {  	[tilespmem:s31], [sflag:$0x2] =	stream.linear.gather [hbm4b:s30+s4], $0x10, $0x38;
	[tilespmem:$0x10600] =	vst v63  }
0x6a: {  	s23 =	sadd.s32 $0x70, s23;
	s25 =	simm.s32 $0xB90;
	s26 =	spop (v2sf)  }
0x6b: {  	[tilespmem:s25], [sflag:$0x2] =	stream.linear.gather [hbm4b:s23+s4], $0x10, $0x38;
	[tilespmem:$0x10600] =	vst v63  }
0x6c: {  	s28 =	sshll.u32 s26, $0x7;
	s23 =	sshll.u32 s26, $0x4  }
0x6d: {  	s24 =	sand.u32 $0xFFFFFC00, s28;
	s23 =	sand.u32 $0x70, s23  }
0x6e: {  	s23 =	sor.u32 s23, s24  }
0x6f: {  	s23 =	sshrl.u32 s23, $0x3  }
0x70: {  	s29 =	simm.s32 $0xC00;
	s23 =	sadd.s32 s1, s23  }
0x71: {  	[tilespmem:s29], [sflag:$0x3] =	stream.linear.gather [hbm4b:s23+s4], $0x10, $0x38;
	[tilespmem:$0x10600] =	vst v63  }
0x72: {  	s31 =	simm.s32 $0xC80;
	s30 =	sadd.s32 $0x10, s23  }
0x73: {  	[tilespmem:s31], [sflag:$0x3] =	stream.linear.gather [hbm4b:s30+s4], $0x10, $0x38;
	[tilespmem:$0x10600] =	vst v63  }
0x74: {  	s26 =	simm.s32 $0xD00;
	s25 =	sadd.s32 $0x20, s23  }
0x75: {  	[tilespmem:s26], [sflag:$0x3] =	stream.linear.gather [hbm4b:s25+s4], $0x10, $0x38;
	[tilespmem:$0x10600] =	vst v63  }
0x76: {  	s28 =	sadd.s32 $0x30, s23;
	s29 =	simm.s32 $0xD80  }
0x77: {  	[tilespmem:s29], [sflag:$0x3] =	stream.linear.gather [hbm4b:s28+s4], $0x10, $0x38;
	[tilespmem:$0x10600] =	vst v63  }
0x78: {  	s30 =	sadd.s32 $0x40, s23;
	s31 =	simm.s32 $0xE00  }
0x79: {  	[tilespmem:s31], [sflag:$0x3] =	stream.linear.gather [hbm4b:s30+s4], $0x10, $0x38;
	[tilespmem:$0x10600] =	vst v63  }
0x7a: {  	s25 =	sadd.s32 $0x50, s23;
	s26 =	simm.s32 $0xE80  }
0x7b: {  	[tilespmem:s26], [sflag:$0x3] =	stream.linear.gather [hbm4b:s25+s4], $0x10, $0x38;
	[tilespmem:$0x10600] =	vst v63  }
0x7c: {  	s28 =	sadd.s32 $0x60, s23;
	s29 =	simm.s32 $0xF00  }
0x7d: {  	[tilespmem:s29], [sflag:$0x3] =	stream.linear.gather [hbm4b:s28+s4], $0x10, $0x38;
	[tilespmem:$0x10600] =	vst v63  }
0x7e: {  	s30 =	sadd.s32 $0x70, s23;
	s31 =	simm.s32 $0xF80  }
0x7f: {  	(v2sf) =	vpush v1, $0x1;
	[tilespmem:s31], [sflag:$0x3] =	stream.linear.gather [hbm4b:s30+s4], $0x10, $0x38;
	[tilespmem:$0x10600] =	vst v63  }
0x80: {  	s24 =	simm.s32 $0x1000;
	s23 =	sadd.s32 $0xF4280, s23  }
0x81: {  	[tilespmem:s24], [sflag:$0x3] =	stream.linear.gather [hbm4b:s23+s4], $0x10, $0x38;
	[tilespmem:$0x10600] =	vst v63  }
0x82: {  	s25 =	sadd.s32 $0x10, s23;
	s26 =	simm.s32 $0x1080  }
0x83: {  	[tilespmem:s26], [sflag:$0x3] =	stream.linear.gather [hbm4b:s25+s4], $0x10, $0x38;
	[tilespmem:$0x10600] =	vst v63  }
0x84: {  	s28 =	sadd.s32 $0x20, s23;
	s29 =	simm.s32 $0x1100  }
0x85: {  	[tilespmem:s29], [sflag:$0x3] =	stream.linear.gather [hbm4b:s28+s4], $0x10, $0x38;
	[tilespmem:$0x10600] =	vst v63  }
0x86: {  	s30 =	sadd.s32 $0x30, s23;
	s31 =	simm.s32 $0x1180  }
0x87: {  	[tilespmem:s31], [sflag:$0x3] =	stream.linear.gather [hbm4b:s30+s4], $0x10, $0x38;
	[tilespmem:$0x10600] =	vst v63  }
0x88: {  	s25 =	sadd.s32 $0x40, s23;
	s26 =	simm.s32 $0x1200  }
0x89: {  	[tilespmem:s26], [sflag:$0x3] =	stream.linear.gather [hbm4b:s25+s4], $0x10, $0x38;
	[tilespmem:$0x10600] =	vst v63  }
0x8a: {  	s28 =	sadd.s32 $0x50, s23;
	s29 =	simm.s32 $0x1280  }
0x8b: {  	[tilespmem:s29], [sflag:$0x3] =	stream.linear.gather [hbm4b:s28+s4], $0x10, $0x38;
	[tilespmem:$0x10600] =	vst v63  }
0x8c: {  	s30 =	sadd.s32 $0x60, s23;
	s31 =	simm.s32 $0x1300  }
0x8d: {  	[tilespmem:s31], [sflag:$0x3] =	stream.linear.gather [hbm4b:s30+s4], $0x10, $0x38;
	[tilespmem:$0x10600] =	vst v63  }
0x8e: {  	s23 =	sadd.s32 $0x70, s23;
	s25 =	simm.s32 $0x1380;
	s26 =	spop (v2sf)  }
0x8f: {  	[tilespmem:s25], [sflag:$0x3] =	stream.linear.gather [hbm4b:s23+s4], $0x10, $0x38;
	[tilespmem:$0x10600] =	vst v63  }
0x90: {  	s28 =	sshll.u32 s26, $0x7;
	s23 =	sshll.u32 s26, $0x4  }
0x91: {  	s24 =	sand.u32 $0xFFFFFC00, s28;
	s23 =	sand.u32 $0x70, s23  }
0x92: {  	s23 =	sor.u32 s23, s24  }
0x93: {  	s23 =	sshrl.u32 s23, $0x3  }
0x94: {  	s29 =	simm.s32 $0xC10;
	s23 =	sadd.s32 s2, s23  }
0x95: {  	[tilespmem:s29], [sflag:$0x4] =	stream.linear.gather [hbm4b:s23+s4], $0x10, $0x38;
	[tilespmem:$0x10600] =	vst v63  }
0x96: {  	s31 =	simm.s32 $0xC90;
	s30 =	sadd.s32 $0x10, s23  }
0x97: {  	[tilespmem:s31], [sflag:$0x4] =	stream.linear.gather [hbm4b:s30+s4], $0x10, $0x38;
	[tilespmem:$0x10600] =	vst v63  }
0x98: {  	s26 =	simm.s32 $0xD10;
	s25 =	sadd.s32 $0x20, s23  }
0x99: {  	[tilespmem:s26], [sflag:$0x4] =	stream.linear.gather [hbm4b:s25+s4], $0x10, $0x38;
	[tilespmem:$0x10600] =	vst v63  }
0x9a: {  	s28 =	sadd.s32 $0x30, s23;
	s29 =	simm.s32 $0xD90  }
0x9b: {  	[tilespmem:s29], [sflag:$0x4] =	stream.linear.gather [hbm4b:s28+s4], $0x10, $0x38;
	[tilespmem:$0x10600] =	vst v63  }
0x9c: {  	s30 =	sadd.s32 $0x40, s23;
	s31 =	simm.s32 $0xE10  }
0x9d: {  	[tilespmem:s31], [sflag:$0x4] =	stream.linear.gather [hbm4b:s30+s4], $0x10, $0x38;
	[tilespmem:$0x10600] =	vst v63  }
0x9e: {  	s25 =	sadd.s32 $0x50, s23;
	s26 =	simm.s32 $0xE90  }
0x9f: {  	[tilespmem:s26], [sflag:$0x4] =	stream.linear.gather [hbm4b:s25+s4], $0x10, $0x38;
	[tilespmem:$0x10600] =	vst v63  }
0xa0: {  	s28 =	sadd.s32 $0x60, s23;
	s29 =	simm.s32 $0xF10  }
0xa1: {  	[tilespmem:s29], [sflag:$0x4] =	stream.linear.gather [hbm4b:s28+s4], $0x10, $0x38;
	[tilespmem:$0x10600] =	vst v63  }
0xa2: {  	s30 =	sadd.s32 $0x70, s23;
	s31 =	simm.s32 $0xF90  }
0xa3: {  	(v2sf) =	vpush v2, $0x2;
	[tilespmem:s31], [sflag:$0x4] =	stream.linear.gather [hbm4b:s30+s4], $0x10, $0x38;
	[tilespmem:$0x10600] =	vst v63  }
0xa4: {  	s24 =	simm.s32 $0x1010;
	s23 =	sadd.s32 $0xF4280, s23  }
0xa5: {  	[tilespmem:s24], [sflag:$0x4] =	stream.linear.gather [hbm4b:s23+s4], $0x10, $0x38;
	[tilespmem:$0x10600] =	vst v63  }
0xa6: {  	s25 =	sadd.s32 $0x10, s23;
	s26 =	simm.s32 $0x1090  }
0xa7: {  	[tilespmem:s26], [sflag:$0x4] =	stream.linear.gather [hbm4b:s25+s4], $0x10, $0x38;
	[tilespmem:$0x10600] =	vst v63  }
0xa8: {  	s28 =	sadd.s32 $0x20, s23;
	s29 =	simm.s32 $0x1110  }
0xa9: {  	[tilespmem:s29], [sflag:$0x4] =	stream.linear.gather [hbm4b:s28+s4], $0x10, $0x38;
	[tilespmem:$0x10600] =	vst v63  }
0xaa: {  	s30 =	sadd.s32 $0x30, s23;
	s31 =	simm.s32 $0x1190  }
0xab: {  	[tilespmem:s31], [sflag:$0x4] =	stream.linear.gather [hbm4b:s30+s4], $0x10, $0x38;
	[tilespmem:$0x10600] =	vst v63  }
0xac: {  	s25 =	sadd.s32 $0x40, s23;
	s26 =	simm.s32 $0x1210  }
0xad: {  	[tilespmem:s26], [sflag:$0x4] =	stream.linear.gather [hbm4b:s25+s4], $0x10, $0x38;
	[tilespmem:$0x10600] =	vst v63  }
0xae: {  	s28 =	sadd.s32 $0x50, s23;
	s29 =	simm.s32 $0x1290  }
0xaf: {  	[tilespmem:s29], [sflag:$0x4] =	stream.linear.gather [hbm4b:s28+s4], $0x10, $0x38;
	[tilespmem:$0x10600] =	vst v63  }
0xb0: {  	s30 =	sadd.s32 $0x60, s23;
	s31 =	simm.s32 $0x1310  }
0xb1: {  	[tilespmem:s31], [sflag:$0x4] =	stream.linear.gather [hbm4b:s30+s4], $0x10, $0x38;
	[tilespmem:$0x10600] =	vst v63  }
0xb2: {  	s23 =	sadd.s32 $0x70, s23;
	s25 =	simm.s32 $0x1390;
	s26 =	spop (v2sf)  }
0xb3: {  	[tilespmem:s25], [sflag:$0x4] =	stream.linear.gather [hbm4b:s23+s4], $0x10, $0x38;
	[tilespmem:$0x10600] =	vst v63  }
0xb4: {  	s28 =	sshll.u32 s26, $0x7;
	s23 =	sshll.u32 s26, $0x4  }
0xb5: {  	s24 =	sand.u32 $0xFFFFFC00, s28;
	s23 =	sand.u32 $0x70, s23  }
0xb6: {  	s23 =	sor.u32 s23, s24  }
0xb7: {  	s23 =	sshrl.u32 s23, $0x3  }
0xb8: {  	s29 =	simm.s32 $0x1400;
	s23 =	sadd.s32 s1, s23  }
0xb9: {  	[tilespmem:s29], [sflag:$0x1] =	stream.linear.gather [hbm4b:s23+s4], $0x10, $0x38;
	[tilespmem:$0x10600] =	vst v63  }
0xba: {  	s31 =	simm.s32 $0x1480;
	s30 =	sadd.s32 $0x10, s23  }
0xbb: {  	[tilespmem:s31], [sflag:$0x1] =	stream.linear.gather [hbm4b:s30+s4], $0x10, $0x38;
	[tilespmem:$0x10600] =	vst v63  }
0xbc: {  	s26 =	simm.s32 $0x1500;
	s25 =	sadd.s32 $0x20, s23  }
0xbd: {  	[tilespmem:s26], [sflag:$0x1] =	stream.linear.gather [hbm4b:s25+s4], $0x10, $0x38;
	[tilespmem:$0x10600] =	vst v63  }
0xbe: {  	s28 =	sadd.s32 $0x30, s23;
	s29 =	simm.s32 $0x1580  }
0xbf: {  	[tilespmem:s29], [sflag:$0x1] =	stream.linear.gather [hbm4b:s28+s4], $0x10, $0x38;
	[tilespmem:$0x10600] =	vst v63  }
0xc0: {  	s30 =	sadd.s32 $0x40, s23;
	s31 =	simm.s32 $0x1600  }
0xc1: {  	[tilespmem:s31], [sflag:$0x1] =	stream.linear.gather [hbm4b:s30+s4], $0x10, $0x38;
	[tilespmem:$0x10600] =	vst v63  }
0xc2: {  	s25 =	sadd.s32 $0x50, s23;
	s26 =	simm.s32 $0x1680  }
0xc3: {  	[tilespmem:s26], [sflag:$0x1] =	stream.linear.gather [hbm4b:s25+s4], $0x10, $0x38;
	[tilespmem:$0x10600] =	vst v63  }
0xc4: {  	s28 =	sadd.s32 $0x60, s23;
	s29 =	simm.s32 $0x1700  }
0xc5: {  	[tilespmem:s29], [sflag:$0x1] =	stream.linear.gather [hbm4b:s28+s4], $0x10, $0x38;
	[tilespmem:$0x10600] =	vst v63  }
0xc6: {  	s30 =	sadd.s32 $0x70, s23;
	s31 =	simm.s32 $0x1780  }
0xc7: {  	(v2sf) =	vpush v1, $0x2;
	[tilespmem:s31], [sflag:$0x1] =	stream.linear.gather [hbm4b:s30+s4], $0x10, $0x38;
	[tilespmem:$0x10600] =	vst v63  }
0xc8: {  	s24 =	simm.s32 $0x1800;
	s23 =	sadd.s32 $0xF4280, s23  }
0xc9: {  	[tilespmem:s24], [sflag:$0x1] =	stream.linear.gather [hbm4b:s23+s4], $0x10, $0x38;
	[tilespmem:$0x10600] =	vst v63  }
0xca: {  	s25 =	sadd.s32 $0x10, s23;
	s26 =	simm.s32 $0x1880  }
0xcb: {  	[tilespmem:s26], [sflag:$0x1] =	stream.linear.gather [hbm4b:s25+s4], $0x10, $0x38;
	[tilespmem:$0x10600] =	vst v63  }
0xcc: {  	s28 =	sadd.s32 $0x20, s23;
	s29 =	simm.s32 $0x1900  }
0xcd: {  	[tilespmem:s29], [sflag:$0x1] =	stream.linear.gather [hbm4b:s28+s4], $0x10, $0x38;
	[tilespmem:$0x10600] =	vst v63  }
0xce: {  	s30 =	sadd.s32 $0x30, s23;
	s31 =	simm.s32 $0x1980  }
0xcf: {  	[tilespmem:s31], [sflag:$0x1] =	stream.linear.gather [hbm4b:s30+s4], $0x10, $0x38;
	[tilespmem:$0x10600] =	vst v63  }
0xd0: {  	s25 =	sadd.s32 $0x40, s23;
	s26 =	simm.s32 $0x1A00  }
0xd1: {  	[tilespmem:s26], [sflag:$0x1] =	stream.linear.gather [hbm4b:s25+s4], $0x10, $0x38;
	[tilespmem:$0x10600] =	vst v63  }
0xd2: {  	s28 =	sadd.s32 $0x50, s23;
	s29 =	simm.s32 $0x1A80  }
0xd3: {  	[tilespmem:s29], [sflag:$0x1] =	stream.linear.gather [hbm4b:s28+s4], $0x10, $0x38;
	[tilespmem:$0x10600] =	vst v63  }
0xd4: {  	s30 =	sadd.s32 $0x60, s23;
	s31 =	simm.s32 $0x1B00  }
0xd5: {  	[tilespmem:s31], [sflag:$0x1] =	stream.linear.gather [hbm4b:s30+s4], $0x10, $0x38;
	[tilespmem:$0x10600] =	vst v63  }
0xd6: {  	s23 =	sadd.s32 $0x70, s23;
	s25 =	simm.s32 $0x1B80;
	s26 =	spop (v2sf)  }
0xd7: {  	[tilespmem:s25], [sflag:$0x1] =	stream.linear.gather [hbm4b:s23+s4], $0x10, $0x38;
	[tilespmem:$0x10600] =	vst v63  }
0xd8: {  	s28 =	sshll.u32 s26, $0x7;
	s23 =	sshll.u32 s26, $0x4  }
0xd9: {  	s24 =	sand.u32 $0xFFFFFC00, s28;
	s23 =	sand.u32 $0x70, s23  }
0xda: {  	s23 =	sor.u32 s23, s24  }
0xdb: {  	s23 =	sshrl.u32 s23, $0x3  }
0xdc: {  	s29 =	simm.s32 $0x1410;
	s23 =	sadd.s32 s2, s23  }
0xdd: {  	[tilespmem:s29], [sflag:$0x2] =	stream.linear.gather [hbm4b:s23+s4], $0x10, $0x38;
	[tilespmem:$0x10600] =	vst v63  }
0xde: {  	s31 =	simm.s32 $0x1490;
	s30 =	sadd.s32 $0x10, s23  }
0xdf: {  	[tilespmem:s31], [sflag:$0x2] =	stream.linear.gather [hbm4b:s30+s4], $0x10, $0x38;
	[tilespmem:$0x10600] =	vst v63  }
0xe0: {  	s26 =	simm.s32 $0x1510;
	s25 =	sadd.s32 $0x20, s23  }
0xe1: {  	[tilespmem:s26], [sflag:$0x2] =	stream.linear.gather [hbm4b:s25+s4], $0x10, $0x38;
	[tilespmem:$0x10600] =	vst v63  }
0xe2: {  	s28 =	sadd.s32 $0x30, s23;
	s29 =	simm.s32 $0x1590  }
0xe3: {  	[tilespmem:s29], [sflag:$0x2] =	stream.linear.gather [hbm4b:s28+s4], $0x10, $0x38;
	[tilespmem:$0x10600] =	vst v63  }
0xe4: {  	s30 =	sadd.s32 $0x40, s23;
	s31 =	simm.s32 $0x1610  }
0xe5: {  	[tilespmem:s31], [sflag:$0x2] =	stream.linear.gather [hbm4b:s30+s4], $0x10, $0x38;
	[tilespmem:$0x10600] =	vst v63  }
0xe6: {  	s25 =	sadd.s32 $0x50, s23;
	s26 =	simm.s32 $0x1690  }
0xe7: {  	[tilespmem:s26], [sflag:$0x2] =	stream.linear.gather [hbm4b:s25+s4], $0x10, $0x38;
	[tilespmem:$0x10600] =	vst v63  }
0xe8: {  	s28 =	sadd.s32 $0x60, s23;
	s29 =	simm.s32 $0x1710  }
0xe9: {  	[tilespmem:s29], [sflag:$0x2] =	stream.linear.gather [hbm4b:s28+s4], $0x10, $0x38;
	[tilespmem:$0x10600] =	vst v63  }
0xea: {  	s30 =	sadd.s32 $0x70, s23;
	s31 =	simm.s32 $0x1790  }
0xeb: {  	(v2sf) =	vpush v2, $0x3;
	[tilespmem:s31], [sflag:$0x2] =	stream.linear.gather [hbm4b:s30+s4], $0x10, $0x38;
	[tilespmem:$0x10600] =	vst v63  }
0xec: {  	s24 =	simm.s32 $0x1810;
	s23 =	sadd.s32 $0xF4280, s23  }
0xed: {  	[tilespmem:s24], [sflag:$0x2] =	stream.linear.gather [hbm4b:s23+s4], $0x10, $0x38;
	[tilespmem:$0x10600] =	vst v63  }
0xee: {  	s25 =	sadd.s32 $0x10, s23;
	s26 =	simm.s32 $0x1890  }
0xef: {  	[tilespmem:s26], [sflag:$0x2] =	stream.linear.gather [hbm4b:s25+s4], $0x10, $0x38;
	[tilespmem:$0x10600] =	vst v63  }
0xf0: {  	s28 =	sadd.s32 $0x20, s23;
	s29 =	simm.s32 $0x1910  }
0xf1: {  	[tilespmem:s29], [sflag:$0x2] =	stream.linear.gather [hbm4b:s28+s4], $0x10, $0x38;
	[tilespmem:$0x10600] =	vst v63  }
0xf2: {  	s30 =	sadd.s32 $0x30, s23;
	s31 =	simm.s32 $0x1990  }
0xf3: {  	[tilespmem:s31], [sflag:$0x2] =	stream.linear.gather [hbm4b:s30+s4], $0x10, $0x38;
	[tilespmem:$0x10600] =	vst v63  }
0xf4: {  	s25 =	sadd.s32 $0x40, s23;
	s26 =	simm.s32 $0x1A10  }
0xf5: {  	[tilespmem:s26], [sflag:$0x2] =	stream.linear.gather [hbm4b:s25+s4], $0x10, $0x38;
	[tilespmem:$0x10600] =	vst v63  }
0xf6: {  	s28 =	sadd.s32 $0x50, s23;
	s29 =	simm.s32 $0x1A90  }
0xf7: {  	[tilespmem:s29], [sflag:$0x2] =	stream.linear.gather [hbm4b:s28+s4], $0x10, $0x38;
	[tilespmem:$0x10600] =	vst v63  }
0xf8: {  	s30 =	sadd.s32 $0x60, s23;
	s31 =	simm.s32 $0x1B10  }
0xf9: {  	[tilespmem:s31], [sflag:$0x2] =	stream.linear.gather [hbm4b:s30+s4], $0x10, $0x38;
	[tilespmem:$0x10600] =	vst v63  }
0xfa: {  	s23 =	sadd.s32 $0x70, s23;
	s25 =	simm.s32 $0x1B90;
	s26 =	spop (v2sf)  }
0xfb: {  	[tilespmem:s25], [sflag:$0x2] =	stream.linear.gather [hbm4b:s23+s4], $0x10, $0x38;
	[tilespmem:$0x10600] =	vst v63  }
0xfc: {  	s28 =	sshll.u32 s26, $0x7;
	s23 =	sshll.u32 s26, $0x4  }
0xfd: {  	s24 =	sand.u32 $0xFFFFFC00, s28;
	s23 =	sand.u32 $0x70, s23  }
0xfe: {  	s23 =	sor.u32 s23, s24  }
0xff: {  	s23 =	sshrl.u32 s23, $0x3  }
0x100: {  	s29 =	simm.s32 $0x1C00;
	s23 =	sadd.s32 s1, s23  }
0x101: {  	[tilespmem:s29], [sflag:$0x3] =	stream.linear.gather [hbm4b:s23+s4], $0x10, $0x38;
	[tilespmem:$0x10600] =	vst v63  }
0x102: {  	s31 =	simm.s32 $0x1C80;
	s30 =	sadd.s32 $0x10, s23  }
0x103: {  	[tilespmem:s31], [sflag:$0x3] =	stream.linear.gather [hbm4b:s30+s4], $0x10, $0x38;
	[tilespmem:$0x10600] =	vst v63  }
0x104: {  	s26 =	simm.s32 $0x1D00;
	s25 =	sadd.s32 $0x20, s23  }
0x105: {  	[tilespmem:s26], [sflag:$0x3] =	stream.linear.gather [hbm4b:s25+s4], $0x10, $0x38;
	[tilespmem:$0x10600] =	vst v63  }
0x106: {  	s28 =	sadd.s32 $0x30, s23;
	s29 =	simm.s32 $0x1D80  }
0x107: {  	[tilespmem:s29], [sflag:$0x3] =	stream.linear.gather [hbm4b:s28+s4], $0x10, $0x38;
	[tilespmem:$0x10600] =	vst v63  }
0x108: {  	s30 =	sadd.s32 $0x40, s23;
	s31 =	simm.s32 $0x1E00  }
0x109: {  	[tilespmem:s31], [sflag:$0x3] =	stream.linear.gather [hbm4b:s30+s4], $0x10, $0x38;
	[tilespmem:$0x10600] =	vst v63  }
0x10a: {  	s25 =	sadd.s32 $0x50, s23;
	s26 =	simm.s32 $0x1E80  }
0x10b: {  	[tilespmem:s26], [sflag:$0x3] =	stream.linear.gather [hbm4b:s25+s4], $0x10, $0x38;
	[tilespmem:$0x10600] =	vst v63  }
0x10c: {  	s28 =	sadd.s32 $0x60, s23;
	s29 =	simm.s32 $0x1F00  }
0x10d: {  	[tilespmem:s29], [sflag:$0x3] =	stream.linear.gather [hbm4b:s28+s4], $0x10, $0x38;
	[tilespmem:$0x10600] =	vst v63  }
0x10e: {  	s30 =	sadd.s32 $0x70, s23;
	s31 =	simm.s32 $0x1F80  }
0x10f: {  	(v2sf) =	vpush v1, $0x3;
	[tilespmem:s31], [sflag:$0x3] =	stream.linear.gather [hbm4b:s30+s4], $0x10, $0x38;
	[tilespmem:$0x10600] =	vst v63  }
0x110: {  	s24 =	simm.s32 $0x2000;
	s23 =	sadd.s32 $0xF4280, s23  }
0x111: {  	[tilespmem:s24], [sflag:$0x3] =	stream.linear.gather [hbm4b:s23+s4], $0x10, $0x38;
	[tilespmem:$0x10600] =	vst v63  }
0x112: {  	s25 =	sadd.s32 $0x10, s23;
	s26 =	simm.s32 $0x2080  }
0x113: {  	[tilespmem:s26], [sflag:$0x3] =	stream.linear.gather [hbm4b:s25+s4], $0x10, $0x38;
	[tilespmem:$0x10600] =	vst v63  }
0x114: {  	s28 =	sadd.s32 $0x20, s23;
	s29 =	simm.s32 $0x2100  }
0x115: {  	[tilespmem:s29], [sflag:$0x3] =	stream.linear.gather [hbm4b:s28+s4], $0x10, $0x38;
	[tilespmem:$0x10600] =	vst v63  }
0x116: {  	s30 =	sadd.s32 $0x30, s23;
	s31 =	simm.s32 $0x2180  }
0x117: {  	[tilespmem:s31], [sflag:$0x3] =	stream.linear.gather [hbm4b:s30+s4], $0x10, $0x38;
	[tilespmem:$0x10600] =	vst v63  }
0x118: {  	s25 =	sadd.s32 $0x40, s23;
	s26 =	simm.s32 $0x2200  }
0x119: {  	[tilespmem:s26], [sflag:$0x3] =	stream.linear.gather [hbm4b:s25+s4], $0x10, $0x38;
	[tilespmem:$0x10600] =	vst v63  }
0x11a: {  	s28 =	sadd.s32 $0x50, s23;
	s29 =	simm.s32 $0x2280  }
0x11b: {  	[tilespmem:s29], [sflag:$0x3] =	stream.linear.gather [hbm4b:s28+s4], $0x10, $0x38;
	[tilespmem:$0x10600] =	vst v63  }
0x11c: {  	s30 =	sadd.s32 $0x60, s23;
	s31 =	simm.s32 $0x2300  }
0x11d: {  	[tilespmem:s31], [sflag:$0x3] =	stream.linear.gather [hbm4b:s30+s4], $0x10, $0x38;
	[tilespmem:$0x10600] =	vst v63  }
0x11e: {  	s23 =	sadd.s32 $0x70, s23;
	s25 =	simm.s32 $0x2380;
	s26 =	spop (v2sf)  }
0x11f: {  	[tilespmem:s25], [sflag:$0x3] =	stream.linear.gather [hbm4b:s23+s4], $0x10, $0x38;
	[tilespmem:$0x10600] =	vst v63  }
0x120: {  	s28 =	sshll.u32 s26, $0x7;
	s23 =	sshll.u32 s26, $0x4  }
0x121: {  	s24 =	sand.u32 $0xFFFFFC00, s28;
	s23 =	sand.u32 $0x70, s23  }
0x122: {  	s23 =	sor.u32 s23, s24  }
0x123: {  	s23 =	sshrl.u32 s23, $0x3  }
0x124: {  	s29 =	simm.s32 $0x1C10;
	s23 =	sadd.s32 s2, s23  }
0x125: {  	[tilespmem:s29], [sflag:$0x4] =	stream.linear.gather [hbm4b:s23+s4], $0x10, $0x38;
	[tilespmem:$0x10600] =	vst v63  }
0x126: {  	s31 =	simm.s32 $0x1C90;
	s30 =	sadd.s32 $0x10, s23  }
0x127: {  	[tilespmem:s31], [sflag:$0x4] =	stream.linear.gather [hbm4b:s30+s4], $0x10, $0x38;
	[tilespmem:$0x10600] =	vst v63  }
0x128: {  	s26 =	simm.s32 $0x1D10;
	s25 =	sadd.s32 $0x20, s23  }
0x129: {  	[tilespmem:s26], [sflag:$0x4] =	stream.linear.gather [hbm4b:s25+s4], $0x10, $0x38;
	[tilespmem:$0x10600] =	vst v63  }
0x12a: {  	s28 =	sadd.s32 $0x30, s23;
	s29 =	simm.s32 $0x1D90  }
0x12b: {  	[tilespmem:s29], [sflag:$0x4] =	stream.linear.gather [hbm4b:s28+s4], $0x10, $0x38;
	[tilespmem:$0x10600] =	vst v63  }
0x12c: {  	s30 =	sadd.s32 $0x40, s23;
	s31 =	simm.s32 $0x1E10  }
0x12d: {  	[tilespmem:s31], [sflag:$0x4] =	stream.linear.gather [hbm4b:s30+s4], $0x10, $0x38;
	[tilespmem:$0x10600] =	vst v63  }
0x12e: {  	s25 =	sadd.s32 $0x50, s23;
	s26 =	simm.s32 $0x1E90  }
0x12f: {  	[tilespmem:s26], [sflag:$0x4] =	stream.linear.gather [hbm4b:s25+s4], $0x10, $0x38;
	[tilespmem:$0x10600] =	vst v63  }
0x130: {  	s28 =	sadd.s32 $0x60, s23;
	s29 =	simm.s32 $0x1F10  }
0x131: {  	[tilespmem:s29], [sflag:$0x4] =	stream.linear.gather [hbm4b:s28+s4], $0x10, $0x38;
	[tilespmem:$0x10600] =	vst v63  }
0x132: {  	s30 =	sadd.s32 $0x70, s23;
	s31 =	simm.s32 $0x1F90  }
0x133: {  	(v2sf) =	vpush v2, $0x4;
	[tilespmem:s31], [sflag:$0x4] =	stream.linear.gather [hbm4b:s30+s4], $0x10, $0x38;
	[tilespmem:$0x10600] =	vst v63  }
0x134: {  	s24 =	simm.s32 $0x2010;
	s23 =	sadd.s32 $0xF4280, s23  }
0x135: {  	[tilespmem:s24], [sflag:$0x4] =	stream.linear.gather [hbm4b:s23+s4], $0x10, $0x38;
	[tilespmem:$0x10600] =	vst v63  }
0x136: {  	s25 =	sadd.s32 $0x10, s23;
	s26 =	simm.s32 $0x2090  }
0x137: {  	[tilespmem:s26], [sflag:$0x4] =	stream.linear.gather [hbm4b:s25+s4], $0x10, $0x38;
	[tilespmem:$0x10600] =	vst v63  }
0x138: {  	s28 =	sadd.s32 $0x20, s23;
	s29 =	simm.s32 $0x2110  }
0x139: {  	[tilespmem:s29], [sflag:$0x4] =	stream.linear.gather [hbm4b:s28+s4], $0x10, $0x38;
	[tilespmem:$0x10600] =	vst v63  }
0x13a: {  	s30 =	sadd.s32 $0x30, s23;
	s31 =	simm.s32 $0x2190  }
0x13b: {  	[tilespmem:s31], [sflag:$0x4] =	stream.linear.gather [hbm4b:s30+s4], $0x10, $0x38;
	[tilespmem:$0x10600] =	vst v63  }
0x13c: {  	s25 =	sadd.s32 $0x40, s23;
	s26 =	simm.s32 $0x2210  }
0x13d: {  	[tilespmem:s26], [sflag:$0x4] =	stream.linear.gather [hbm4b:s25+s4], $0x10, $0x38;
	[tilespmem:$0x10600] =	vst v63  }
0x13e: {  	s28 =	sadd.s32 $0x50, s23;
	s29 =	simm.s32 $0x2290  }
0x13f: {  	[tilespmem:s29], [sflag:$0x4] =	stream.linear.gather [hbm4b:s28+s4], $0x10, $0x38;
	[tilespmem:$0x10600] =	vst v63  }
0x140: {  	s30 =	sadd.s32 $0x60, s23;
	s31 =	simm.s32 $0x2310  }
0x141: {  	[tilespmem:s31], [sflag:$0x4] =	stream.linear.gather [hbm4b:s30+s4], $0x10, $0x38;
	[tilespmem:$0x10600] =	vst v63  }
0x142: {  	s23 =	sadd.s32 $0x70, s23;
	s25 =	simm.s32 $0x2390;
	s26 =	spop (v2sf)  }
0x143: {  	[tilespmem:s25], [sflag:$0x4] =	stream.linear.gather [hbm4b:s23+s4], $0x10, $0x38;
	[tilespmem:$0x10600] =	vst v63  }
0x144: {  	s28 =	sshll.u32 s26, $0x7;
	s23 =	sshll.u32 s26, $0x4  }
0x145: {  	s24 =	sand.u32 $0xFFFFFC00, s28;
	s23 =	sand.u32 $0x70, s23  }
0x146: {  	s23 =	sor.u32 s23, s24  }
0x147: {  	s23 =	sshrl.u32 s23, $0x3  }
0x148: {  	s29 =	simm.s32 $0x2400;
	s23 =	sadd.s32 s1, s23  }
0x149: {  	[tilespmem:s29], [sflag:$0x1] =	stream.linear.gather [hbm4b:s23+s4], $0x10, $0x38;
	[tilespmem:$0x10600] =	vst v63  }
0x14a: {  	s31 =	simm.s32 $0x2480;
	s30 =	sadd.s32 $0x10, s23  }
0x14b: {  	[tilespmem:s31], [sflag:$0x1] =	stream.linear.gather [hbm4b:s30+s4], $0x10, $0x38;
	[tilespmem:$0x10600] =	vst v63  }
0x14c: {  	s26 =	simm.s32 $0x2500;
	s25 =	sadd.s32 $0x20, s23  }
0x14d: {  	[tilespmem:s26], [sflag:$0x1] =	stream.linear.gather [hbm4b:s25+s4], $0x10, $0x38;
	[tilespmem:$0x10600] =	vst v63  }
0x14e: {  	s28 =	sadd.s32 $0x30, s23;
	s29 =	simm.s32 $0x2580  }
0x14f: {  	[tilespmem:s29], [sflag:$0x1] =	stream.linear.gather [hbm4b:s28+s4], $0x10, $0x38;
	[tilespmem:$0x10600] =	vst v63  }
0x150: {  	s30 =	sadd.s32 $0x40, s23;
	s31 =	simm.s32 $0x2600  }
0x151: {  	[tilespmem:s31], [sflag:$0x1] =	stream.linear.gather [hbm4b:s30+s4], $0x10, $0x38;
	[tilespmem:$0x10600] =	vst v63  }
0x152: {  	s25 =	sadd.s32 $0x50, s23;
	s26 =	simm.s32 $0x2680  }
0x153: {  	[tilespmem:s26], [sflag:$0x1] =	stream.linear.gather [hbm4b:s25+s4], $0x10, $0x38;
	[tilespmem:$0x10600] =	vst v63  }
0x154: {  	s28 =	sadd.s32 $0x60, s23;
	s29 =	simm.s32 $0x2700  }
0x155: {  	[tilespmem:s29], [sflag:$0x1] =	stream.linear.gather [hbm4b:s28+s4], $0x10, $0x38;
	[tilespmem:$0x10600] =	vst v63  }
0x156: {  	s30 =	sadd.s32 $0x70, s23;
	s31 =	simm.s32 $0x2780  }
0x157: {  	(v2sf) =	vpush v1, $0x4;
	[tilespmem:s31], [sflag:$0x1] =	stream.linear.gather [hbm4b:s30+s4], $0x10, $0x38;
	[tilespmem:$0x10600] =	vst v63  }
0x158: {  	s24 =	simm.s32 $0x2800;
	s23 =	sadd.s32 $0xF4280, s23  }
0x159: {  	[tilespmem:s24], [sflag:$0x1] =	stream.linear.gather [hbm4b:s23+s4], $0x10, $0x38;
	[tilespmem:$0x10600] =	vst v63  }
0x15a: {  	s25 =	sadd.s32 $0x10, s23;
	s26 =	simm.s32 $0x2880  }
0x15b: {  	[tilespmem:s26], [sflag:$0x1] =	stream.linear.gather [hbm4b:s25+s4], $0x10, $0x38;
	[tilespmem:$0x10600] =	vst v63  }
0x15c: {  	s28 =	sadd.s32 $0x20, s23;
	s29 =	simm.s32 $0x2900  }
0x15d: {  	[tilespmem:s29], [sflag:$0x1] =	stream.linear.gather [hbm4b:s28+s4], $0x10, $0x38;
	[tilespmem:$0x10600] =	vst v63  }
0x15e: {  	s30 =	sadd.s32 $0x30, s23;
	s31 =	simm.s32 $0x2980  }
0x15f: {  	[tilespmem:s31], [sflag:$0x1] =	stream.linear.gather [hbm4b:s30+s4], $0x10, $0x38;
	[tilespmem:$0x10600] =	vst v63  }
0x160: {  	s25 =	sadd.s32 $0x40, s23;
	s26 =	simm.s32 $0x2A00  }
0x161: {  	[tilespmem:s26], [sflag:$0x1] =	stream.linear.gather [hbm4b:s25+s4], $0x10, $0x38;
	[tilespmem:$0x10600] =	vst v63  }
0x162: {  	s28 =	sadd.s32 $0x50, s23;
	s29 =	simm.s32 $0x2A80  }
0x163: {  	[tilespmem:s29], [sflag:$0x1] =	stream.linear.gather [hbm4b:s28+s4], $0x10, $0x38;
	[tilespmem:$0x10600] =	vst v63  }
0x164: {  	s30 =	sadd.s32 $0x60, s23;
	s31 =	simm.s32 $0x2B00  }
0x165: {  	[tilespmem:s31], [sflag:$0x1] =	stream.linear.gather [hbm4b:s30+s4], $0x10, $0x38;
	[tilespmem:$0x10600] =	vst v63  }
0x166: {  	s23 =	sadd.s32 $0x70, s23;
	s25 =	simm.s32 $0x2B80;
	s26 =	spop (v2sf)  }
0x167: {  	[tilespmem:s25], [sflag:$0x1] =	stream.linear.gather [hbm4b:s23+s4], $0x10, $0x38;
	[tilespmem:$0x10600] =	vst v63  }
0x168: {  	s28 =	sshll.u32 s26, $0x7;
	s23 =	sshll.u32 s26, $0x4  }
0x169: {  	s24 =	sand.u32 $0xFFFFFC00, s28;
	s23 =	sand.u32 $0x70, s23  }
0x16a: {  	s23 =	sor.u32 s23, s24  }
0x16b: {  	s23 =	sshrl.u32 s23, $0x3  }
0x16c: {  	s29 =	simm.s32 $0x2410;
	s23 =	sadd.s32 s2, s23  }
0x16d: {  	[tilespmem:s29], [sflag:$0x2] =	stream.linear.gather [hbm4b:s23+s4], $0x10, $0x38;
	[tilespmem:$0x10600] =	vst v63  }
0x16e: {  	s31 =	simm.s32 $0x2490;
	s30 =	sadd.s32 $0x10, s23  }
0x16f: {  	[tilespmem:s31], [sflag:$0x2] =	stream.linear.gather [hbm4b:s30+s4], $0x10, $0x38;
	[tilespmem:$0x10600] =	vst v63  }
0x170: {  	s26 =	simm.s32 $0x2510;
	s25 =	sadd.s32 $0x20, s23  }
0x171: {  	[tilespmem:s26], [sflag:$0x2] =	stream.linear.gather [hbm4b:s25+s4], $0x10, $0x38;
	[tilespmem:$0x10600] =	vst v63  }
0x172: {  	s28 =	sadd.s32 $0x30, s23;
	s29 =	simm.s32 $0x2590  }
0x173: {  	[tilespmem:s29], [sflag:$0x2] =	stream.linear.gather [hbm4b:s28+s4], $0x10, $0x38;
	[tilespmem:$0x10600] =	vst v63  }
0x174: {  	s30 =	sadd.s32 $0x40, s23;
	s31 =	simm.s32 $0x2610  }
0x175: {  	[tilespmem:s31], [sflag:$0x2] =	stream.linear.gather [hbm4b:s30+s4], $0x10, $0x38;
	[tilespmem:$0x10600] =	vst v63  }
0x176: {  	s25 =	sadd.s32 $0x50, s23;
	s26 =	simm.s32 $0x2690  }
0x177: {  	[tilespmem:s26], [sflag:$0x2] =	stream.linear.gather [hbm4b:s25+s4], $0x10, $0x38;
	[tilespmem:$0x10600] =	vst v63  }
0x178: {  	s28 =	sadd.s32 $0x60, s23;
	s29 =	simm.s32 $0x2710  }
0x179: {  	[tilespmem:s29], [sflag:$0x2] =	stream.linear.gather [hbm4b:s28+s4], $0x10, $0x38;
	[tilespmem:$0x10600] =	vst v63  }
0x17a: {  	s30 =	sadd.s32 $0x70, s23;
	s31 =	simm.s32 $0x2790  }
0x17b: {  	(v2sf) =	vpush v2, $0x5;
	[tilespmem:s31], [sflag:$0x2] =	stream.linear.gather [hbm4b:s30+s4], $0x10, $0x38;
	[tilespmem:$0x10600] =	vst v63  }
0x17c: {  	s24 =	simm.s32 $0x2810;
	s23 =	sadd.s32 $0xF4280, s23  }
0x17d: {  	[tilespmem:s24], [sflag:$0x2] =	stream.linear.gather [hbm4b:s23+s4], $0x10, $0x38;
	[tilespmem:$0x10600] =	vst v63  }
0x17e: {  	s25 =	sadd.s32 $0x10, s23;
	s26 =	simm.s32 $0x2890  }
0x17f: {  	[tilespmem:s26], [sflag:$0x2] =	stream.linear.gather [hbm4b:s25+s4], $0x10, $0x38;
	[tilespmem:$0x10600] =	vst v63  }
0x180: {  	s28 =	sadd.s32 $0x20, s23;
	s29 =	simm.s32 $0x2910  }
0x181: {  	[tilespmem:s29], [sflag:$0x2] =	stream.linear.gather [hbm4b:s28+s4], $0x10, $0x38;
	[tilespmem:$0x10600] =	vst v63  }
0x182: {  	s30 =	sadd.s32 $0x30, s23;
	s31 =	simm.s32 $0x2990  }
0x183: {  	[tilespmem:s31], [sflag:$0x2] =	stream.linear.gather [hbm4b:s30+s4], $0x10, $0x38;
	[tilespmem:$0x10600] =	vst v63  }
0x184: {  	s25 =	sadd.s32 $0x40, s23;
	s26 =	simm.s32 $0x2A10  }
0x185: {  	[tilespmem:s26], [sflag:$0x2] =	stream.linear.gather [hbm4b:s25+s4], $0x10, $0x38;
	[tilespmem:$0x10600] =	vst v63  }
0x186: {  	s28 =	sadd.s32 $0x50, s23;
	s29 =	simm.s32 $0x2A90  }
0x187: {  	[tilespmem:s29], [sflag:$0x2] =	stream.linear.gather [hbm4b:s28+s4], $0x10, $0x38;
	[tilespmem:$0x10600] =	vst v63  }
0x188: {  	s30 =	sadd.s32 $0x60, s23;
	s31 =	simm.s32 $0x2B10  }
0x189: {  	[tilespmem:s31], [sflag:$0x2] =	stream.linear.gather [hbm4b:s30+s4], $0x10, $0x38;
	[tilespmem:$0x10600] =	vst v63  }
0x18a: {  	s23 =	sadd.s32 $0x70, s23;
	s25 =	simm.s32 $0x2B90;
	s26 =	spop (v2sf)  }
0x18b: {  	[tilespmem:s25], [sflag:$0x2] =	stream.linear.gather [hbm4b:s23+s4], $0x10, $0x38;
	[tilespmem:$0x10600] =	vst v63  }
0x18c: {  	s28 =	sshll.u32 s26, $0x7;
	s23 =	sshll.u32 s26, $0x4  }
0x18d: {  	s24 =	sand.u32 $0xFFFFFC00, s28;
	s23 =	sand.u32 $0x70, s23  }
0x18e: {  	s23 =	sor.u32 s23, s24  }
0x18f: {  	s23 =	sshrl.u32 s23, $0x3  }
0x190: {  	s29 =	simm.s32 $0x2C00;
	s23 =	sadd.s32 s1, s23  }
0x191: {  	[tilespmem:s29], [sflag:$0x3] =	stream.linear.gather [hbm4b:s23+s4], $0x10, $0x38;
	[tilespmem:$0x10600] =	vst v63  }
0x192: {  	s31 =	simm.s32 $0x2C80;
	s30 =	sadd.s32 $0x10, s23  }
0x193: {  	[tilespmem:s31], [sflag:$0x3] =	stream.linear.gather [hbm4b:s30+s4], $0x10, $0x38;
	[tilespmem:$0x10600] =	vst v63  }
0x194: {  	s26 =	simm.s32 $0x2D00;
	s25 =	sadd.s32 $0x20, s23  }
0x195: {  	[tilespmem:s26], [sflag:$0x3] =	stream.linear.gather [hbm4b:s25+s4], $0x10, $0x38;
	[tilespmem:$0x10600] =	vst v63  }
0x196: {  	s28 =	sadd.s32 $0x30, s23;
	s29 =	simm.s32 $0x2D80  }
0x197: {  	[tilespmem:s29], [sflag:$0x3] =	stream.linear.gather [hbm4b:s28+s4], $0x10, $0x38;
	[tilespmem:$0x10600] =	vst v63  }
0x198: {  	s30 =	sadd.s32 $0x40, s23;
	s31 =	simm.s32 $0x2E00  }
0x199: {  	[tilespmem:s31], [sflag:$0x3] =	stream.linear.gather [hbm4b:s30+s4], $0x10, $0x38;
	[tilespmem:$0x10600] =	vst v63  }
0x19a: {  	s25 =	sadd.s32 $0x50, s23;
	s26 =	simm.s32 $0x2E80  }
0x19b: {  	[tilespmem:s26], [sflag:$0x3] =	stream.linear.gather [hbm4b:s25+s4], $0x10, $0x38;
	[tilespmem:$0x10600] =	vst v63  }
0x19c: {  	s28 =	sadd.s32 $0x60, s23;
	s29 =	simm.s32 $0x2F00  }
0x19d: {  	[tilespmem:s29], [sflag:$0x3] =	stream.linear.gather [hbm4b:s28+s4], $0x10, $0x38;
	[tilespmem:$0x10600] =	vst v63  }
0x19e: {  	s30 =	sadd.s32 $0x70, s23;
	s31 =	simm.s32 $0x2F80  }
0x19f: {  	(v2sf) =	vpush v1, $0x5;
	[tilespmem:s31], [sflag:$0x3] =	stream.linear.gather [hbm4b:s30+s4], $0x10, $0x38;
	[tilespmem:$0x10600] =	vst v63  }
0x1a0: {  	s24 =	simm.s32 $0x3000;
	s23 =	sadd.s32 $0xF4280, s23  }
0x1a1: {  	[tilespmem:s24], [sflag:$0x3] =	stream.linear.gather [hbm4b:s23+s4], $0x10, $0x38;
	[tilespmem:$0x10600] =	vst v63  }
0x1a2: {  	s25 =	sadd.s32 $0x10, s23;
	s26 =	simm.s32 $0x3080  }
0x1a3: {  	[tilespmem:s26], [sflag:$0x3] =	stream.linear.gather [hbm4b:s25+s4], $0x10, $0x38;
	[tilespmem:$0x10600] =	vst v63  }
0x1a4: {  	s28 =	sadd.s32 $0x20, s23;
	s29 =	simm.s32 $0x3100  }
0x1a5: {  	[tilespmem:s29], [sflag:$0x3] =	stream.linear.gather [hbm4b:s28+s4], $0x10, $0x38;
	[tilespmem:$0x10600] =	vst v63  }
0x1a6: {  	s30 =	sadd.s32 $0x30, s23;
	s31 =	simm.s32 $0x3180  }
0x1a7: {  	[tilespmem:s31], [sflag:$0x3] =	stream.linear.gather [hbm4b:s30+s4], $0x10, $0x38;
	[tilespmem:$0x10600] =	vst v63  }
0x1a8: {  	s25 =	sadd.s32 $0x40, s23;
	s26 =	simm.s32 $0x3200  }
0x1a9: {  	[tilespmem:s26], [sflag:$0x3] =	stream.linear.gather [hbm4b:s25+s4], $0x10, $0x38;
	[tilespmem:$0x10600] =	vst v63  }
0x1aa: {  	s28 =	sadd.s32 $0x50, s23;
	s29 =	simm.s32 $0x3280  }
0x1ab: {  	[tilespmem:s29], [sflag:$0x3] =	stream.linear.gather [hbm4b:s28+s4], $0x10, $0x38;
	[tilespmem:$0x10600] =	vst v63  }
0x1ac: {  	s30 =	sadd.s32 $0x60, s23;
	s31 =	simm.s32 $0x3300  }
0x1ad: {  	[tilespmem:s31], [sflag:$0x3] =	stream.linear.gather [hbm4b:s30+s4], $0x10, $0x38;
	[tilespmem:$0x10600] =	vst v63  }
0x1ae: {  	s23 =	sadd.s32 $0x70, s23;
	s25 =	simm.s32 $0x3380;
	s26 =	spop (v2sf)  }
0x1af: {  	[tilespmem:s25], [sflag:$0x3] =	stream.linear.gather [hbm4b:s23+s4], $0x10, $0x38;
	[tilespmem:$0x10600] =	vst v63  }
0x1b0: {  	s28 =	sshll.u32 s26, $0x7;
	s23 =	sshll.u32 s26, $0x4  }
0x1b1: {  	s24 =	sand.u32 $0xFFFFFC00, s28;
	s23 =	sand.u32 $0x70, s23  }
0x1b2: {  	s23 =	sor.u32 s23, s24  }
0x1b3: {  	s23 =	sshrl.u32 s23, $0x3  }
0x1b4: {  	s29 =	simm.s32 $0x2C10;
	s23 =	sadd.s32 s2, s23  }
0x1b5: {  	[tilespmem:s29], [sflag:$0x4] =	stream.linear.gather [hbm4b:s23+s4], $0x10, $0x38;
	[tilespmem:$0x10600] =	vst v63  }
0x1b6: {  	s31 =	simm.s32 $0x2C90;
	s30 =	sadd.s32 $0x10, s23  }
0x1b7: {  	[tilespmem:s31], [sflag:$0x4] =	stream.linear.gather [hbm4b:s30+s4], $0x10, $0x38;
	[tilespmem:$0x10600] =	vst v63  }
0x1b8: {  	s26 =	simm.s32 $0x2D10;
	s25 =	sadd.s32 $0x20, s23  }
0x1b9: {  	[tilespmem:s26], [sflag:$0x4] =	stream.linear.gather [hbm4b:s25+s4], $0x10, $0x38;
	[tilespmem:$0x10600] =	vst v63  }
0x1ba: {  	s28 =	sadd.s32 $0x30, s23;
	s29 =	simm.s32 $0x2D90  }
0x1bb: {  	[tilespmem:s29], [sflag:$0x4] =	stream.linear.gather [hbm4b:s28+s4], $0x10, $0x38;
	[tilespmem:$0x10600] =	vst v63  }
0x1bc: {  	s30 =	sadd.s32 $0x40, s23;
	s31 =	simm.s32 $0x2E10  }
0x1bd: {  	[tilespmem:s31], [sflag:$0x4] =	stream.linear.gather [hbm4b:s30+s4], $0x10, $0x38;
	[tilespmem:$0x10600] =	vst v63  }
0x1be: {  	s25 =	sadd.s32 $0x50, s23;
	s26 =	simm.s32 $0x2E90  }
0x1bf: {  	[tilespmem:s26], [sflag:$0x4] =	stream.linear.gather [hbm4b:s25+s4], $0x10, $0x38;
	[tilespmem:$0x10600] =	vst v63  }
0x1c0: {  	s28 =	sadd.s32 $0x60, s23;
	s29 =	simm.s32 $0x2F10  }
0x1c1: {  	[tilespmem:s29], [sflag:$0x4] =	stream.linear.gather [hbm4b:s28+s4], $0x10, $0x38;
	[tilespmem:$0x10600] =	vst v63  }
0x1c2: {  	s30 =	sadd.s32 $0x70, s23;
	s31 =	simm.s32 $0x2F90  }
0x1c3: {  	(v2sf) =	vpush v2, $0x6;
	[tilespmem:s31], [sflag:$0x4] =	stream.linear.gather [hbm4b:s30+s4], $0x10, $0x38;
	[tilespmem:$0x10600] =	vst v63  }
0x1c4: {  	s24 =	simm.s32 $0x3010;
	s23 =	sadd.s32 $0xF4280, s23  }
0x1c5: {  	[tilespmem:s24], [sflag:$0x4] =	stream.linear.gather [hbm4b:s23+s4], $0x10, $0x38;
	[tilespmem:$0x10600] =	vst v63  }
0x1c6: {  	s25 =	sadd.s32 $0x10, s23;
	s26 =	simm.s32 $0x3090  }
0x1c7: {  	[tilespmem:s26], [sflag:$0x4] =	stream.linear.gather [hbm4b:s25+s4], $0x10, $0x38;
	[tilespmem:$0x10600] =	vst v63  }
0x1c8: {  	s28 =	sadd.s32 $0x20, s23;
	s29 =	simm.s32 $0x3110  }
0x1c9: {  	[tilespmem:s29], [sflag:$0x4] =	stream.linear.gather [hbm4b:s28+s4], $0x10, $0x38;
	[tilespmem:$0x10600] =	vst v63  }
0x1ca: {  	s30 =	sadd.s32 $0x30, s23;
	s31 =	simm.s32 $0x3190  }
0x1cb: {  	[tilespmem:s31], [sflag:$0x4] =	stream.linear.gather [hbm4b:s30+s4], $0x10, $0x38;
	[tilespmem:$0x10600] =	vst v63  }
0x1cc: {  	s25 =	sadd.s32 $0x40, s23;
	s26 =	simm.s32 $0x3210  }
0x1cd: {  	[tilespmem:s26], [sflag:$0x4] =	stream.linear.gather [hbm4b:s25+s4], $0x10, $0x38;
	[tilespmem:$0x10600] =	vst v63  }
0x1ce: {  	s28 =	sadd.s32 $0x50, s23;
	s29 =	simm.s32 $0x3290  }
0x1cf: {  	[tilespmem:s29], [sflag:$0x4] =	stream.linear.gather [hbm4b:s28+s4], $0x10, $0x38;
	[tilespmem:$0x10600] =	vst v63  }
0x1d0: {  	s30 =	sadd.s32 $0x60, s23;
	s31 =	simm.s32 $0x3310  }
0x1d1: {  	[tilespmem:s31], [sflag:$0x4] =	stream.linear.gather [hbm4b:s30+s4], $0x10, $0x38;
	[tilespmem:$0x10600] =	vst v63  }
0x1d2: {  	s23 =	sadd.s32 $0x70, s23;
	s25 =	simm.s32 $0x3390;
	s26 =	spop (v2sf)  }
0x1d3: {  	[tilespmem:s25], [sflag:$0x4] =	stream.linear.gather [hbm4b:s23+s4], $0x10, $0x38;
	[tilespmem:$0x10600] =	vst v63  }
0x1d4: {  	s28 =	sshll.u32 s26, $0x7;
	s23 =	sshll.u32 s26, $0x4  }
0x1d5: {  	s24 =	sand.u32 $0xFFFFFC00, s28;
	s23 =	sand.u32 $0x70, s23  }
0x1d6: {  	s23 =	sor.u32 s23, s24  }
0x1d7: {  	s23 =	sshrl.u32 s23, $0x3  }
0x1d8: {  	s29 =	simm.s32 $0x3400;
	s23 =	sadd.s32 s1, s23  }
0x1d9: {  	[tilespmem:s29], [sflag:$0x1] =	stream.linear.gather [hbm4b:s23+s4], $0x10, $0x38;
	[tilespmem:$0x10600] =	vst v63  }
0x1da: {  	s31 =	simm.s32 $0x3480;
	s30 =	sadd.s32 $0x10, s23  }
0x1db: {  	[tilespmem:s31], [sflag:$0x1] =	stream.linear.gather [hbm4b:s30+s4], $0x10, $0x38;
	[tilespmem:$0x10600] =	vst v63  }
0x1dc: {  	s26 =	simm.s32 $0x3500;
	s25 =	sadd.s32 $0x20, s23  }
0x1dd: {  	[tilespmem:s26], [sflag:$0x1] =	stream.linear.gather [hbm4b:s25+s4], $0x10, $0x38;
	[tilespmem:$0x10600] =	vst v63  }
0x1de: {  	s28 =	sadd.s32 $0x30, s23;
	s29 =	simm.s32 $0x3580  }
0x1df: {  	[tilespmem:s29], [sflag:$0x1] =	stream.linear.gather [hbm4b:s28+s4], $0x10, $0x38;
	[tilespmem:$0x10600] =	vst v63  }
0x1e0: {  	s30 =	sadd.s32 $0x40, s23;
	s31 =	simm.s32 $0x3600  }
0x1e1: {  	[tilespmem:s31], [sflag:$0x1] =	stream.linear.gather [hbm4b:s30+s4], $0x10, $0x38;
	[tilespmem:$0x10600] =	vst v63  }
0x1e2: {  	s25 =	sadd.s32 $0x50, s23;
	s26 =	simm.s32 $0x3680  }
0x1e3: {  	[tilespmem:s26], [sflag:$0x1] =	stream.linear.gather [hbm4b:s25+s4], $0x10, $0x38;
	[tilespmem:$0x10600] =	vst v63  }
0x1e4: {  	s28 =	sadd.s32 $0x60, s23;
	s29 =	simm.s32 $0x3700  }
0x1e5: {  	[tilespmem:s29], [sflag:$0x1] =	stream.linear.gather [hbm4b:s28+s4], $0x10, $0x38;
	[tilespmem:$0x10600] =	vst v63  }
0x1e6: {  	s30 =	sadd.s32 $0x70, s23;
	s31 =	simm.s32 $0x3780  }
0x1e7: {  	(v2sf) =	vpush v1, $0x6;
	[tilespmem:s31], [sflag:$0x1] =	stream.linear.gather [hbm4b:s30+s4], $0x10, $0x38;
	[tilespmem:$0x10600] =	vst v63  }
0x1e8: {  	s24 =	simm.s32 $0x3800;
	s23 =	sadd.s32 $0xF4280, s23  }
0x1e9: {  	[tilespmem:s24], [sflag:$0x1] =	stream.linear.gather [hbm4b:s23+s4], $0x10, $0x38;
	[tilespmem:$0x10600] =	vst v63  }
0x1ea: {  	s25 =	sadd.s32 $0x10, s23;
	s26 =	simm.s32 $0x3880  }
0x1eb: {  	[tilespmem:s26], [sflag:$0x1] =	stream.linear.gather [hbm4b:s25+s4], $0x10, $0x38;
	[tilespmem:$0x10600] =	vst v63  }
0x1ec: {  	s28 =	sadd.s32 $0x20, s23;
	s29 =	simm.s32 $0x3900  }
0x1ed: {  	[tilespmem:s29], [sflag:$0x1] =	stream.linear.gather [hbm4b:s28+s4], $0x10, $0x38;
	[tilespmem:$0x10600] =	vst v63  }
0x1ee: {  	s30 =	sadd.s32 $0x30, s23;
	s31 =	simm.s32 $0x3980  }
0x1ef: {  	[tilespmem:s31], [sflag:$0x1] =	stream.linear.gather [hbm4b:s30+s4], $0x10, $0x38;
	[tilespmem:$0x10600] =	vst v63  }
0x1f0: {  	s25 =	sadd.s32 $0x40, s23;
	s26 =	simm.s32 $0x3A00  }
0x1f1: {  	[tilespmem:s26], [sflag:$0x1] =	stream.linear.gather [hbm4b:s25+s4], $0x10, $0x38;
	[tilespmem:$0x10600] =	vst v63  }
0x1f2: {  	s28 =	sadd.s32 $0x50, s23;
	s29 =	simm.s32 $0x3A80  }
0x1f3: {  	[tilespmem:s29], [sflag:$0x1] =	stream.linear.gather [hbm4b:s28+s4], $0x10, $0x38;
	[tilespmem:$0x10600] =	vst v63  }
0x1f4: {  	s30 =	sadd.s32 $0x60, s23;
	s31 =	simm.s32 $0x3B00  }
0x1f5: {  	[tilespmem:s31], [sflag:$0x1] =	stream.linear.gather [hbm4b:s30+s4], $0x10, $0x38;
	[tilespmem:$0x10600] =	vst v63  }
0x1f6: {  	s23 =	sadd.s32 $0x70, s23;
	s25 =	simm.s32 $0x3B80;
	s26 =	spop (v2sf)  }
0x1f7: {  	[tilespmem:s25], [sflag:$0x1] =	stream.linear.gather [hbm4b:s23+s4], $0x10, $0x38;
	[tilespmem:$0x10600] =	vst v63  }
0x1f8: {  	s28 =	sshll.u32 s26, $0x7;
	s23 =	sshll.u32 s26, $0x4  }
0x1f9: {  	s24 =	sand.u32 $0xFFFFFC00, s28;
	s23 =	sand.u32 $0x70, s23  }
0x1fa: {  	s23 =	sor.u32 s23, s24  }
0x1fb: {  	s23 =	sshrl.u32 s23, $0x3  }
0x1fc: {  	s29 =	simm.s32 $0x3410;
	s23 =	sadd.s32 s2, s23  }
0x1fd: {  	[tilespmem:s29], [sflag:$0x2] =	stream.linear.gather [hbm4b:s23+s4], $0x10, $0x38;
	[tilespmem:$0x10600] =	vst v63  }
0x1fe: {  	s31 =	simm.s32 $0x3490;
	s30 =	sadd.s32 $0x10, s23  }
0x1ff: {  	[tilespmem:s31], [sflag:$0x2] =	stream.linear.gather [hbm4b:s30+s4], $0x10, $0x38;
	[tilespmem:$0x10600] =	vst v63  }
0x200: {  	s26 =	simm.s32 $0x3510;
	s25 =	sadd.s32 $0x20, s23  }
0x201: {  	[tilespmem:s26], [sflag:$0x2] =	stream.linear.gather [hbm4b:s25+s4], $0x10, $0x38;
	[tilespmem:$0x10600] =	vst v63  }
0x202: {  	s28 =	sadd.s32 $0x30, s23;
	s29 =	simm.s32 $0x3590  }
0x203: {  	[tilespmem:s29], [sflag:$0x2] =	stream.linear.gather [hbm4b:s28+s4], $0x10, $0x38;
	[tilespmem:$0x10600] =	vst v63  }
0x204: {  	s30 =	sadd.s32 $0x40, s23;
	s31 =	simm.s32 $0x3610  }
0x205: {  	[tilespmem:s31], [sflag:$0x2] =	stream.linear.gather [hbm4b:s30+s4], $0x10, $0x38;
	[tilespmem:$0x10600] =	vst v63  }
0x206: {  	s25 =	sadd.s32 $0x50, s23;
	s26 =	simm.s32 $0x3690  }
0x207: {  	[tilespmem:s26], [sflag:$0x2] =	stream.linear.gather [hbm4b:s25+s4], $0x10, $0x38;
	[tilespmem:$0x10600] =	vst v63  }
0x208: {  	s28 =	sadd.s32 $0x60, s23;
	s29 =	simm.s32 $0x3710  }
0x209: {  	[tilespmem:s29], [sflag:$0x2] =	stream.linear.gather [hbm4b:s28+s4], $0x10, $0x38;
	[tilespmem:$0x10600] =	vst v63  }
0x20a: {  	s30 =	sadd.s32 $0x70, s23;
	s31 =	simm.s32 $0x3790  }
0x20b: {  	(v2sf) =	vpush v2, $0x7;
	[tilespmem:s31], [sflag:$0x2] =	stream.linear.gather [hbm4b:s30+s4], $0x10, $0x38;
	[tilespmem:$0x10600] =	vst v63  }
0x20c: {  	s24 =	simm.s32 $0x3810;
	s23 =	sadd.s32 $0xF4280, s23  }
0x20d: {  	[tilespmem:s24], [sflag:$0x2] =	stream.linear.gather [hbm4b:s23+s4], $0x10, $0x38;
	[tilespmem:$0x10600] =	vst v63  }
0x20e: {  	s25 =	sadd.s32 $0x10, s23;
	s26 =	simm.s32 $0x3890  }
0x20f: {  	[tilespmem:s26], [sflag:$0x2] =	stream.linear.gather [hbm4b:s25+s4], $0x10, $0x38;
	[tilespmem:$0x10600] =	vst v63  }
0x210: {  	s28 =	sadd.s32 $0x20, s23;
	s29 =	simm.s32 $0x3910  }
0x211: {  	[tilespmem:s29], [sflag:$0x2] =	stream.linear.gather [hbm4b:s28+s4], $0x10, $0x38;
	[tilespmem:$0x10600] =	vst v63  }
0x212: {  	s30 =	sadd.s32 $0x30, s23;
	s31 =	simm.s32 $0x3990  }
0x213: {  	[tilespmem:s31], [sflag:$0x2] =	stream.linear.gather [hbm4b:s30+s4], $0x10, $0x38;
	[tilespmem:$0x10600] =	vst v63  }
0x214: {  	s25 =	sadd.s32 $0x40, s23;
	s26 =	simm.s32 $0x3A10  }
0x215: {  	[tilespmem:s26], [sflag:$0x2] =	stream.linear.gather [hbm4b:s25+s4], $0x10, $0x38;
	[tilespmem:$0x10600] =	vst v63  }
0x216: {  	s28 =	sadd.s32 $0x50, s23;
	s29 =	simm.s32 $0x3A90  }
0x217: {  	[tilespmem:s29], [sflag:$0x2] =	stream.linear.gather [hbm4b:s28+s4], $0x10, $0x38;
	[tilespmem:$0x10600] =	vst v63  }
0x218: {  	s30 =	sadd.s32 $0x60, s23;
	s31 =	simm.s32 $0x3B10  }
0x219: {  	[tilespmem:s31], [sflag:$0x2] =	stream.linear.gather [hbm4b:s30+s4], $0x10, $0x38;
	[tilespmem:$0x10600] =	vst v63  }
0x21a: {  	s23 =	sadd.s32 $0x70, s23;
	s25 =	simm.s32 $0x3B90;
	s26 =	spop (v2sf)  }
0x21b: {  	[tilespmem:s25], [sflag:$0x2] =	stream.linear.gather [hbm4b:s23+s4], $0x10, $0x38;
	[tilespmem:$0x10600] =	vst v63  }
0x21c: {  	s28 =	sshll.u32 s26, $0x7;
	s23 =	sshll.u32 s26, $0x4  }
0x21d: {  	s24 =	sand.u32 $0xFFFFFC00, s28;
	s23 =	sand.u32 $0x70, s23  }
0x21e: {  	s23 =	sor.u32 s23, s24  }
0x21f: {  	s23 =	sshrl.u32 s23, $0x3  }
0x220: {  	s29 =	simm.s32 $0x3C00;
	s23 =	sadd.s32 s1, s23  }
0x221: {  	[tilespmem:s29], [sflag:$0x3] =	stream.linear.gather [hbm4b:s23+s4], $0x10, $0x38;
	[tilespmem:$0x10600] =	vst v63  }
0x222: {  	s31 =	simm.s32 $0x3C80;
	s30 =	sadd.s32 $0x10, s23  }
0x223: {  	[tilespmem:s31], [sflag:$0x3] =	stream.linear.gather [hbm4b:s30+s4], $0x10, $0x38;
	[tilespmem:$0x10600] =	vst v63  }
0x224: {  	s26 =	simm.s32 $0x3D00;
	s25 =	sadd.s32 $0x20, s23  }
0x225: {  	[tilespmem:s26], [sflag:$0x3] =	stream.linear.gather [hbm4b:s25+s4], $0x10, $0x38;
	[tilespmem:$0x10600] =	vst v63  }
0x226: {  	s28 =	sadd.s32 $0x30, s23;
	s29 =	simm.s32 $0x3D80  }
0x227: {  	[tilespmem:s29], [sflag:$0x3] =	stream.linear.gather [hbm4b:s28+s4], $0x10, $0x38;
	[tilespmem:$0x10600] =	vst v63  }
0x228: {  	s30 =	sadd.s32 $0x40, s23;
	s31 =	simm.s32 $0x3E00  }
0x229: {  	[tilespmem:s31], [sflag:$0x3] =	stream.linear.gather [hbm4b:s30+s4], $0x10, $0x38;
	[tilespmem:$0x10600] =	vst v63  }
0x22a: {  	s25 =	sadd.s32 $0x50, s23;
	s26 =	simm.s32 $0x3E80  }
0x22b: {  	[tilespmem:s26], [sflag:$0x3] =	stream.linear.gather [hbm4b:s25+s4], $0x10, $0x38;
	[tilespmem:$0x10600] =	vst v63  }
0x22c: {  	s28 =	sadd.s32 $0x60, s23;
	s29 =	simm.s32 $0x3F00  }
0x22d: {  	[tilespmem:s29], [sflag:$0x3] =	stream.linear.gather [hbm4b:s28+s4], $0x10, $0x38;
	[tilespmem:$0x10600] =	vst v63  }
0x22e: {  	s30 =	sadd.s32 $0x70, s23;
	s31 =	simm.s32 $0x3F80  }
0x22f: {  	(v2sf) =	vpush v1, $0x7;
	[tilespmem:s31], [sflag:$0x3] =	stream.linear.gather [hbm4b:s30+s4], $0x10, $0x38;
	[tilespmem:$0x10600] =	vst v63  }
0x230: {  	s24 =	simm.s32 $0x4000;
	s23 =	sadd.s32 $0xF4280, s23  }
0x231: {  	[tilespmem:s24], [sflag:$0x3] =	stream.linear.gather [hbm4b:s23+s4], $0x10, $0x38;
	[tilespmem:$0x10600] =	vst v63  }
0x232: {  	s25 =	sadd.s32 $0x10, s23;
	s26 =	simm.s32 $0x4080  }
0x233: {  	[tilespmem:s26], [sflag:$0x3] =	stream.linear.gather [hbm4b:s25+s4], $0x10, $0x38;
	[tilespmem:$0x10600] =	vst v63  }
0x234: {  	s28 =	sadd.s32 $0x20, s23;
	s29 =	simm.s32 $0x4100  }
0x235: {  	[tilespmem:s29], [sflag:$0x3] =	stream.linear.gather [hbm4b:s28+s4], $0x10, $0x38;
	[tilespmem:$0x10600] =	vst v63  }
0x236: {  	s30 =	sadd.s32 $0x30, s23;
	s31 =	simm.s32 $0x4180  }
0x237: {  	[tilespmem:s31], [sflag:$0x3] =	stream.linear.gather [hbm4b:s30+s4], $0x10, $0x38;
	[tilespmem:$0x10600] =	vst v63  }
0x238: {  	s25 =	sadd.s32 $0x40, s23;
	s26 =	simm.s32 $0x4200  }
0x239: {  	[tilespmem:s26], [sflag:$0x3] =	stream.linear.gather [hbm4b:s25+s4], $0x10, $0x38;
	[tilespmem:$0x10600] =	vst v63  }
0x23a: {  	s28 =	sadd.s32 $0x50, s23;
	s29 =	simm.s32 $0x4280  }
0x23b: {  	[tilespmem:s29], [sflag:$0x3] =	stream.linear.gather [hbm4b:s28+s4], $0x10, $0x38;
	[tilespmem:$0x10600] =	vst v63  }
0x23c: {  	s30 =	sadd.s32 $0x60, s23;
	s31 =	simm.s32 $0x4300  }
0x23d: {  	[tilespmem:s31], [sflag:$0x3] =	stream.linear.gather [hbm4b:s30+s4], $0x10, $0x38;
	[tilespmem:$0x10600] =	vst v63  }
0x23e: {  	s23 =	sadd.s32 $0x70, s23;
	s25 =	simm.s32 $0x4380;
	s26 =	spop (v2sf)  }
0x23f: {  	[tilespmem:s25], [sflag:$0x3] =	stream.linear.gather [hbm4b:s23+s4], $0x10, $0x38;
	[tilespmem:$0x10600] =	vst v63  }
0x240: {  	s28 =	sshll.u32 s26, $0x7;
	s23 =	sshll.u32 s26, $0x4  }
0x241: {  	s24 =	sand.u32 $0xFFFFFC00, s28;
	s23 =	sand.u32 $0x70, s23  }
0x242: {  	s23 =	sor.u32 s23, s24  }
0x243: {  	s23 =	sshrl.u32 s23, $0x3  }
0x244: {  	s29 =	simm.s32 $0x3C10;
	s23 =	sadd.s32 s2, s23  }
0x245: {  	[tilespmem:s29], [sflag:$0x4] =	stream.linear.gather [hbm4b:s23+s4], $0x10, $0x38;
	[tilespmem:$0x10600] =	vst v63  }
0x246: {  	s31 =	simm.s32 $0x3C90;
	s30 =	sadd.s32 $0x10, s23  }
0x247: {  	[tilespmem:s31], [sflag:$0x4] =	stream.linear.gather [hbm4b:s30+s4], $0x10, $0x38;
	[tilespmem:$0x10600] =	vst v63  }
0x248: {  	s26 =	simm.s32 $0x3D10;
	s25 =	sadd.s32 $0x20, s23  }
0x249: {  	[tilespmem:s26], [sflag:$0x4] =	stream.linear.gather [hbm4b:s25+s4], $0x10, $0x38;
	[tilespmem:$0x10600] =	vst v63  }
0x24a: {  	s28 =	sadd.s32 $0x30, s23;
	s29 =	simm.s32 $0x3D90  }
0x24b: {  	[tilespmem:s29], [sflag:$0x4] =	stream.linear.gather [hbm4b:s28+s4], $0x10, $0x38;
	[tilespmem:$0x10600] =	vst v63  }
0x24c: {  	s30 =	sadd.s32 $0x40, s23;
	s31 =	simm.s32 $0x3E10  }
0x24d: {  	[tilespmem:s31], [sflag:$0x4] =	stream.linear.gather [hbm4b:s30+s4], $0x10, $0x38;
	[tilespmem:$0x10600] =	vst v63  }
0x24e: {  	s25 =	sadd.s32 $0x50, s23;
	s26 =	simm.s32 $0x3E90  }
0x24f: {  	[tilespmem:s26], [sflag:$0x4] =	stream.linear.gather [hbm4b:s25+s4], $0x10, $0x38;
	[tilespmem:$0x10600] =	vst v63  }
0x250: {  	s28 =	sadd.s32 $0x60, s23;
	s29 =	simm.s32 $0x3F10  }
0x251: {  	[tilespmem:s29], [sflag:$0x4] =	stream.linear.gather [hbm4b:s28+s4], $0x10, $0x38;
	[tilespmem:$0x10600] =	vst v63  }
0x252: {  	s30 =	sadd.s32 $0x70, s23;
	s31 =	simm.s32 $0x3F90  }
0x253: {  	(v2sf) =	vpush v2, $0x8;
	[tilespmem:s31], [sflag:$0x4] =	stream.linear.gather [hbm4b:s30+s4], $0x10, $0x38;
	[tilespmem:$0x10600] =	vst v63  }
0x254: {  	s24 =	simm.s32 $0x4010;
	s23 =	sadd.s32 $0xF4280, s23  }
0x255: {  	[tilespmem:s24], [sflag:$0x4] =	stream.linear.gather [hbm4b:s23+s4], $0x10, $0x38;
	[tilespmem:$0x10600] =	vst v63  }
0x256: {  	s25 =	sadd.s32 $0x10, s23;
	s26 =	simm.s32 $0x4090  }
0x257: {  	[tilespmem:s26], [sflag:$0x4] =	stream.linear.gather [hbm4b:s25+s4], $0x10, $0x38;
	[tilespmem:$0x10600] =	vst v63  }
0x258: {  	s28 =	sadd.s32 $0x20, s23;
	s29 =	simm.s32 $0x4110  }
0x259: {  	[tilespmem:s29], [sflag:$0x4] =	stream.linear.gather [hbm4b:s28+s4], $0x10, $0x38;
	[tilespmem:$0x10600] =	vst v63  }
0x25a: {  	s30 =	sadd.s32 $0x30, s23;
	s31 =	simm.s32 $0x4190  }
0x25b: {  	[tilespmem:s31], [sflag:$0x4] =	stream.linear.gather [hbm4b:s30+s4], $0x10, $0x38;
	[tilespmem:$0x10600] =	vst v63  }
0x25c: {  	s25 =	sadd.s32 $0x40, s23;
	s26 =	simm.s32 $0x4210  }
0x25d: {  	[tilespmem:s26], [sflag:$0x4] =	stream.linear.gather [hbm4b:s25+s4], $0x10, $0x38;
	[tilespmem:$0x10600] =	vst v63  }
0x25e: {  	s28 =	sadd.s32 $0x50, s23;
	s29 =	simm.s32 $0x4290  }
0x25f: {  	[tilespmem:s29], [sflag:$0x4] =	stream.linear.gather [hbm4b:s28+s4], $0x10, $0x38;
	[tilespmem:$0x10600] =	vst v63  }
0x260: {  	s30 =	sadd.s32 $0x60, s23;
	s31 =	simm.s32 $0x4310  }
0x261: {  	[tilespmem:s31], [sflag:$0x4] =	stream.linear.gather [hbm4b:s30+s4], $0x10, $0x38;
	[tilespmem:$0x10600] =	vst v63  }
0x262: {  	s23 =	sadd.s32 $0x70, s23;
	s25 =	simm.s32 $0x4390;
	s26 =	spop (v2sf)  }
0x263: {  	[tilespmem:s25], [sflag:$0x4] =	stream.linear.gather [hbm4b:s23+s4], $0x10, $0x38;
	[tilespmem:$0x10600] =	vst v63  }
0x264: {  	s28 =	sshll.u32 s26, $0x7;
	s23 =	sshll.u32 s26, $0x4  }
0x265: {  	s24 =	sand.u32 $0xFFFFFC00, s28;
	s23 =	sand.u32 $0x70, s23  }
0x266: {  	s23 =	sor.u32 s23, s24  }
0x267: {  	s23 =	sshrl.u32 s23, $0x3  }
0x268: {  	s29 =	simm.s32 $0x4400;
	s23 =	sadd.s32 s1, s23  }
0x269: {  	[tilespmem:s29], [sflag:$0x1] =	stream.linear.gather [hbm4b:s23+s4], $0x10, $0x38;
	[tilespmem:$0x10600] =	vst v63  }
0x26a: {  	s31 =	simm.s32 $0x4480;
	s30 =	sadd.s32 $0x10, s23  }
0x26b: {  	[tilespmem:s31], [sflag:$0x1] =	stream.linear.gather [hbm4b:s30+s4], $0x10, $0x38;
	[tilespmem:$0x10600] =	vst v63  }
0x26c: {  	s26 =	simm.s32 $0x4500;
	s25 =	sadd.s32 $0x20, s23  }
0x26d: {  	[tilespmem:s26], [sflag:$0x1] =	stream.linear.gather [hbm4b:s25+s4], $0x10, $0x38;
	[tilespmem:$0x10600] =	vst v63  }
0x26e: {  	s28 =	sadd.s32 $0x30, s23;
	s29 =	simm.s32 $0x4580  }
0x26f: {  	[tilespmem:s29], [sflag:$0x1] =	stream.linear.gather [hbm4b:s28+s4], $0x10, $0x38;
	[tilespmem:$0x10600] =	vst v63  }
0x270: {  	s30 =	sadd.s32 $0x40, s23;
	s31 =	simm.s32 $0x4600  }
0x271: {  	[tilespmem:s31], [sflag:$0x1] =	stream.linear.gather [hbm4b:s30+s4], $0x10, $0x38;
	[tilespmem:$0x10600] =	vst v63  }
0x272: {  	s25 =	sadd.s32 $0x50, s23;
	s26 =	simm.s32 $0x4680  }
0x273: {  	[tilespmem:s26], [sflag:$0x1] =	stream.linear.gather [hbm4b:s25+s4], $0x10, $0x38;
	[tilespmem:$0x10600] =	vst v63  }
0x274: {  	s28 =	sadd.s32 $0x60, s23;
	s29 =	simm.s32 $0x4700  }
0x275: {  	[tilespmem:s29], [sflag:$0x1] =	stream.linear.gather [hbm4b:s28+s4], $0x10, $0x38;
	[tilespmem:$0x10600] =	vst v63  }
0x276: {  	s30 =	sadd.s32 $0x70, s23;
	s31 =	simm.s32 $0x4780  }
0x277: {  	(v2sf) =	vpush v1, $0x8;
	[tilespmem:s31], [sflag:$0x1] =	stream.linear.gather [hbm4b:s30+s4], $0x10, $0x38;
	[tilespmem:$0x10600] =	vst v63  }
0x278: {  	s24 =	simm.s32 $0x4800;
	s23 =	sadd.s32 $0xF4280, s23  }
0x279: {  	[tilespmem:s24], [sflag:$0x1] =	stream.linear.gather [hbm4b:s23+s4], $0x10, $0x38;
	[tilespmem:$0x10600] =	vst v63  }
0x27a: {  	s25 =	sadd.s32 $0x10, s23;
	s26 =	simm.s32 $0x4880  }
0x27b: {  	[tilespmem:s26], [sflag:$0x1] =	stream.linear.gather [hbm4b:s25+s4], $0x10, $0x38;
	[tilespmem:$0x10600] =	vst v63  }
0x27c: {  	s28 =	sadd.s32 $0x20, s23;
	s29 =	simm.s32 $0x4900  }
0x27d: {  	[tilespmem:s29], [sflag:$0x1] =	stream.linear.gather [hbm4b:s28+s4], $0x10, $0x38;
	[tilespmem:$0x10600] =	vst v63  }
0x27e: {  	s30 =	sadd.s32 $0x30, s23;
	s31 =	simm.s32 $0x4980  }
0x27f: {  	[tilespmem:s31], [sflag:$0x1] =	stream.linear.gather [hbm4b:s30+s4], $0x10, $0x38;
	[tilespmem:$0x10600] =	vst v63  }
0x280: {  	s25 =	sadd.s32 $0x40, s23;
	s26 =	simm.s32 $0x4A00  }
0x281: {  	[tilespmem:s26], [sflag:$0x1] =	stream.linear.gather [hbm4b:s25+s4], $0x10, $0x38;
	[tilespmem:$0x10600] =	vst v63  }
0x282: {  	s28 =	sadd.s32 $0x50, s23;
	s29 =	simm.s32 $0x4A80  }
0x283: {  	[tilespmem:s29], [sflag:$0x1] =	stream.linear.gather [hbm4b:s28+s4], $0x10, $0x38;
	[tilespmem:$0x10600] =	vst v63  }
0x284: {  	s30 =	sadd.s32 $0x60, s23;
	s31 =	simm.s32 $0x4B00  }
0x285: {  	[tilespmem:s31], [sflag:$0x1] =	stream.linear.gather [hbm4b:s30+s4], $0x10, $0x38;
	[tilespmem:$0x10600] =	vst v63  }
0x286: {  	s23 =	sadd.s32 $0x70, s23;
	s25 =	simm.s32 $0x4B80;
	s26 =	spop (v2sf)  }
0x287: {  	[tilespmem:s25], [sflag:$0x1] =	stream.linear.gather [hbm4b:s23+s4], $0x10, $0x38;
	[tilespmem:$0x10600] =	vst v63  }
0x288: {  	s28 =	sshll.u32 s26, $0x7;
	s23 =	sshll.u32 s26, $0x4  }
0x289: {  	s24 =	sand.u32 $0xFFFFFC00, s28;
	s23 =	sand.u32 $0x70, s23  }
0x28a: {  	s23 =	sor.u32 s23, s24  }
0x28b: {  	s23 =	sshrl.u32 s23, $0x3  }
0x28c: {  	s29 =	simm.s32 $0x4410;
	s23 =	sadd.s32 s2, s23  }
0x28d: {  	[tilespmem:s29], [sflag:$0x2] =	stream.linear.gather [hbm4b:s23+s4], $0x10, $0x38;
	[tilespmem:$0x10600] =	vst v63  }
0x28e: {  	s31 =	simm.s32 $0x4490;
	s30 =	sadd.s32 $0x10, s23  }
0x28f: {  	[tilespmem:s31], [sflag:$0x2] =	stream.linear.gather [hbm4b:s30+s4], $0x10, $0x38;
	[tilespmem:$0x10600] =	vst v63  }
0x290: {  	s26 =	simm.s32 $0x4510;
	s25 =	sadd.s32 $0x20, s23  }
0x291: {  	[tilespmem:s26], [sflag:$0x2] =	stream.linear.gather [hbm4b:s25+s4], $0x10, $0x38;
	[tilespmem:$0x10600] =	vst v63  }
0x292: {  	s28 =	sadd.s32 $0x30, s23;
	s29 =	simm.s32 $0x4590  }
0x293: {  	[tilespmem:s29], [sflag:$0x2] =	stream.linear.gather [hbm4b:s28+s4], $0x10, $0x38;
	[tilespmem:$0x10600] =	vst v63  }
0x294: {  	s30 =	sadd.s32 $0x40, s23;
	s31 =	simm.s32 $0x4610  }
0x295: {  	[tilespmem:s31], [sflag:$0x2] =	stream.linear.gather [hbm4b:s30+s4], $0x10, $0x38;
	[tilespmem:$0x10600] =	vst v63  }
0x296: {  	s25 =	sadd.s32 $0x50, s23;
	s26 =	simm.s32 $0x4690  }
0x297: {  	[tilespmem:s26], [sflag:$0x2] =	stream.linear.gather [hbm4b:s25+s4], $0x10, $0x38;
	[tilespmem:$0x10600] =	vst v63  }
0x298: {  	s28 =	sadd.s32 $0x60, s23;
	s29 =	simm.s32 $0x4710  }
0x299: {  	[tilespmem:s29], [sflag:$0x2] =	stream.linear.gather [hbm4b:s28+s4], $0x10, $0x38;
	[tilespmem:$0x10600] =	vst v63  }
0x29a: {  	s30 =	sadd.s32 $0x70, s23;
	s31 =	simm.s32 $0x4790  }
0x29b: {  	(v2sf) =	vpush v2, $0x9;
	[tilespmem:s31], [sflag:$0x2] =	stream.linear.gather [hbm4b:s30+s4], $0x10, $0x38;
	[tilespmem:$0x10600] =	vst v63  }
0x29c: {  	s24 =	simm.s32 $0x4810;
	s23 =	sadd.s32 $0xF4280, s23  }
0x29d: {  	[tilespmem:s24], [sflag:$0x2] =	stream.linear.gather [hbm4b:s23+s4], $0x10, $0x38;
	[tilespmem:$0x10600] =	vst v63  }
0x29e: {  	s25 =	sadd.s32 $0x10, s23;
	s26 =	simm.s32 $0x4890  }
0x29f: {  	[tilespmem:s26], [sflag:$0x2] =	stream.linear.gather [hbm4b:s25+s4], $0x10, $0x38;
	[tilespmem:$0x10600] =	vst v63  }
0x2a0: {  	s28 =	sadd.s32 $0x20, s23;
	s29 =	simm.s32 $0x4910  }
0x2a1: {  	[tilespmem:s29], [sflag:$0x2] =	stream.linear.gather [hbm4b:s28+s4], $0x10, $0x38;
	[tilespmem:$0x10600] =	vst v63  }
0x2a2: {  	s30 =	sadd.s32 $0x30, s23;
	s31 =	simm.s32 $0x4990  }
0x2a3: {  	[tilespmem:s31], [sflag:$0x2] =	stream.linear.gather [hbm4b:s30+s4], $0x10, $0x38;
	[tilespmem:$0x10600] =	vst v63  }
0x2a4: {  	s25 =	sadd.s32 $0x40, s23;
	s26 =	simm.s32 $0x4A10  }
0x2a5: {  	[tilespmem:s26], [sflag:$0x2] =	stream.linear.gather [hbm4b:s25+s4], $0x10, $0x38;
	[tilespmem:$0x10600] =	vst v63  }
0x2a6: {  	s28 =	sadd.s32 $0x50, s23;
	s29 =	simm.s32 $0x4A90  }
0x2a7: {  	[tilespmem:s29], [sflag:$0x2] =	stream.linear.gather [hbm4b:s28+s4], $0x10, $0x38;
	[tilespmem:$0x10600] =	vst v63  }
0x2a8: {  	s30 =	sadd.s32 $0x60, s23;
	s31 =	simm.s32 $0x4B10  }
0x2a9: {  	[tilespmem:s31], [sflag:$0x2] =	stream.linear.gather [hbm4b:s30+s4], $0x10, $0x38;
	[tilespmem:$0x10600] =	vst v63  }
0x2aa: {  	s23 =	sadd.s32 $0x70, s23;
	s25 =	simm.s32 $0x4B90;
	s26 =	spop (v2sf)  }
0x2ab: {  	[tilespmem:s25], [sflag:$0x2] =	stream.linear.gather [hbm4b:s23+s4], $0x10, $0x38;
	[tilespmem:$0x10600] =	vst v63  }
0x2ac: {  	s28 =	sshll.u32 s26, $0x7;
	s23 =	sshll.u32 s26, $0x4  }
0x2ad: {  	s24 =	sand.u32 $0xFFFFFC00, s28;
	s23 =	sand.u32 $0x70, s23  }
0x2ae: {  	s23 =	sor.u32 s23, s24  }
0x2af: {  	s23 =	sshrl.u32 s23, $0x3  }
0x2b0: {  	s29 =	simm.s32 $0x4C00;
	s23 =	sadd.s32 s1, s23  }
0x2b1: {  	[tilespmem:s29], [sflag:$0x3] =	stream.linear.gather [hbm4b:s23+s4], $0x10, $0x38;
	[tilespmem:$0x10600] =	vst v63  }
0x2b2: {  	s31 =	simm.s32 $0x4C80;
	s30 =	sadd.s32 $0x10, s23  }
0x2b3: {  	[tilespmem:s31], [sflag:$0x3] =	stream.linear.gather [hbm4b:s30+s4], $0x10, $0x38;
	[tilespmem:$0x10600] =	vst v63  }
0x2b4: {  	s26 =	simm.s32 $0x4D00;
	s25 =	sadd.s32 $0x20, s23  }
0x2b5: {  	[tilespmem:s26], [sflag:$0x3] =	stream.linear.gather [hbm4b:s25+s4], $0x10, $0x38;
	[tilespmem:$0x10600] =	vst v63  }
0x2b6: {  	s28 =	sadd.s32 $0x30, s23;
	s29 =	simm.s32 $0x4D80  }
0x2b7: {  	[tilespmem:s29], [sflag:$0x3] =	stream.linear.gather [hbm4b:s28+s4], $0x10, $0x38;
	[tilespmem:$0x10600] =	vst v63  }
0x2b8: {  	s30 =	sadd.s32 $0x40, s23;
	s31 =	simm.s32 $0x4E00  }
0x2b9: {  	[tilespmem:s31], [sflag:$0x3] =	stream.linear.gather [hbm4b:s30+s4], $0x10, $0x38;
	[tilespmem:$0x10600] =	vst v63  }
0x2ba: {  	s25 =	sadd.s32 $0x50, s23;
	s26 =	simm.s32 $0x4E80  }
0x2bb: {  	[tilespmem:s26], [sflag:$0x3] =	stream.linear.gather [hbm4b:s25+s4], $0x10, $0x38;
	[tilespmem:$0x10600] =	vst v63  }
0x2bc: {  	s28 =	sadd.s32 $0x60, s23;
	s29 =	simm.s32 $0x4F00  }
0x2bd: {  	[tilespmem:s29], [sflag:$0x3] =	stream.linear.gather [hbm4b:s28+s4], $0x10, $0x38;
	[tilespmem:$0x10600] =	vst v63  }
0x2be: {  	s30 =	sadd.s32 $0x70, s23;
	s31 =	simm.s32 $0x4F80  }
0x2bf: {  	(v2sf) =	vpush v1, $0x9;
	[tilespmem:s31], [sflag:$0x3] =	stream.linear.gather [hbm4b:s30+s4], $0x10, $0x38;
	[tilespmem:$0x10600] =	vst v63  }
0x2c0: {  	s24 =	simm.s32 $0x5000;
	s23 =	sadd.s32 $0xF4280, s23  }
0x2c1: {  	[tilespmem:s24], [sflag:$0x3] =	stream.linear.gather [hbm4b:s23+s4], $0x10, $0x38;
	[tilespmem:$0x10600] =	vst v63  }
0x2c2: {  	s25 =	sadd.s32 $0x10, s23;
	s26 =	simm.s32 $0x5080  }
0x2c3: {  	[tilespmem:s26], [sflag:$0x3] =	stream.linear.gather [hbm4b:s25+s4], $0x10, $0x38;
	[tilespmem:$0x10600] =	vst v63  }
0x2c4: {  	s28 =	sadd.s32 $0x20, s23;
	s29 =	simm.s32 $0x5100  }
0x2c5: {  	[tilespmem:s29], [sflag:$0x3] =	stream.linear.gather [hbm4b:s28+s4], $0x10, $0x38;
	[tilespmem:$0x10600] =	vst v63  }
0x2c6: {  	s30 =	sadd.s32 $0x30, s23;
	s31 =	simm.s32 $0x5180  }
0x2c7: {  	[tilespmem:s31], [sflag:$0x3] =	stream.linear.gather [hbm4b:s30+s4], $0x10, $0x38;
	[tilespmem:$0x10600] =	vst v63  }
0x2c8: {  	s25 =	sadd.s32 $0x40, s23;
	s26 =	simm.s32 $0x5200  }
0x2c9: {  	[tilespmem:s26], [sflag:$0x3] =	stream.linear.gather [hbm4b:s25+s4], $0x10, $0x38;
	[tilespmem:$0x10600] =	vst v63  }
0x2ca: {  	s28 =	sadd.s32 $0x50, s23;
	s29 =	simm.s32 $0x5280  }
0x2cb: {  	[tilespmem:s29], [sflag:$0x3] =	stream.linear.gather [hbm4b:s28+s4], $0x10, $0x38;
	[tilespmem:$0x10600] =	vst v63  }
0x2cc: {  	s30 =	sadd.s32 $0x60, s23;
	s31 =	simm.s32 $0x5300  }
0x2cd: {  	[tilespmem:s31], [sflag:$0x3] =	stream.linear.gather [hbm4b:s30+s4], $0x10, $0x38;
	[tilespmem:$0x10600] =	vst v63  }
0x2ce: {  	s23 =	sadd.s32 $0x70, s23;
	s25 =	simm.s32 $0x5380;
	s26 =	spop (v2sf)  }
0x2cf: {  	[tilespmem:s25], [sflag:$0x3] =	stream.linear.gather [hbm4b:s23+s4], $0x10, $0x38;
	[tilespmem:$0x10600] =	vst v63  }
0x2d0: {  	s28 =	sshll.u32 s26, $0x7;
	s23 =	sshll.u32 s26, $0x4  }
0x2d1: {  	s24 =	sand.u32 $0xFFFFFC00, s28;
	s23 =	sand.u32 $0x70, s23  }
0x2d2: {  	s23 =	sor.u32 s23, s24  }
0x2d3: {  	s23 =	sshrl.u32 s23, $0x3  }
0x2d4: {  	s29 =	simm.s32 $0x4C10;
	s23 =	sadd.s32 s2, s23  }
0x2d5: {  	[tilespmem:s29], [sflag:$0x4] =	stream.linear.gather [hbm4b:s23+s4], $0x10, $0x38;
	[tilespmem:$0x10600] =	vst v63  }
0x2d6: {  	s31 =	simm.s32 $0x4C90;
	s30 =	sadd.s32 $0x10, s23  }
0x2d7: {  	[tilespmem:s31], [sflag:$0x4] =	stream.linear.gather [hbm4b:s30+s4], $0x10, $0x38;
	[tilespmem:$0x10600] =	vst v63  }
0x2d8: {  	s26 =	simm.s32 $0x4D10;
	s25 =	sadd.s32 $0x20, s23  }
0x2d9: {  	[tilespmem:s26], [sflag:$0x4] =	stream.linear.gather [hbm4b:s25+s4], $0x10, $0x38;
	[tilespmem:$0x10600] =	vst v63  }
0x2da: {  	s28 =	sadd.s32 $0x30, s23;
	s29 =	simm.s32 $0x4D90  }
0x2db: {  	[tilespmem:s29], [sflag:$0x4] =	stream.linear.gather [hbm4b:s28+s4], $0x10, $0x38;
	[tilespmem:$0x10600] =	vst v63  }
0x2dc: {  	s30 =	sadd.s32 $0x40, s23;
	s31 =	simm.s32 $0x4E10  }
0x2dd: {  	[tilespmem:s31], [sflag:$0x4] =	stream.linear.gather [hbm4b:s30+s4], $0x10, $0x38;
	[tilespmem:$0x10600] =	vst v63  }
0x2de: {  	s25 =	sadd.s32 $0x50, s23;
	s26 =	simm.s32 $0x4E90  }
0x2df: {  	[tilespmem:s26], [sflag:$0x4] =	stream.linear.gather [hbm4b:s25+s4], $0x10, $0x38;
	[tilespmem:$0x10600] =	vst v63  }
0x2e0: {  	s28 =	sadd.s32 $0x60, s23;
	s29 =	simm.s32 $0x4F10  }
0x2e1: {  	[tilespmem:s29], [sflag:$0x4] =	stream.linear.gather [hbm4b:s28+s4], $0x10, $0x38;
	[tilespmem:$0x10600] =	vst v63  }
0x2e2: {  	s30 =	sadd.s32 $0x70, s23;
	s31 =	simm.s32 $0x4F90  }
0x2e3: {  	(v2sf) =	vpush v2, $0xA;
	[tilespmem:s31], [sflag:$0x4] =	stream.linear.gather [hbm4b:s30+s4], $0x10, $0x38;
	[tilespmem:$0x10600] =	vst v63  }
0x2e4: {  	s24 =	simm.s32 $0x5010;
	s23 =	sadd.s32 $0xF4280, s23  }
0x2e5: {  	[tilespmem:s24], [sflag:$0x4] =	stream.linear.gather [hbm4b:s23+s4], $0x10, $0x38;
	[tilespmem:$0x10600] =	vst v63  }
0x2e6: {  	s25 =	sadd.s32 $0x10, s23;
	s26 =	simm.s32 $0x5090  }
0x2e7: {  	[tilespmem:s26], [sflag:$0x4] =	stream.linear.gather [hbm4b:s25+s4], $0x10, $0x38;
	[tilespmem:$0x10600] =	vst v63  }
0x2e8: {  	s28 =	sadd.s32 $0x20, s23;
	s29 =	simm.s32 $0x5110  }
0x2e9: {  	[tilespmem:s29], [sflag:$0x4] =	stream.linear.gather [hbm4b:s28+s4], $0x10, $0x38;
	[tilespmem:$0x10600] =	vst v63  }
0x2ea: {  	s30 =	sadd.s32 $0x30, s23;
	s31 =	simm.s32 $0x5190  }
0x2eb: {  	[tilespmem:s31], [sflag:$0x4] =	stream.linear.gather [hbm4b:s30+s4], $0x10, $0x38;
	[tilespmem:$0x10600] =	vst v63  }
0x2ec: {  	s25 =	sadd.s32 $0x40, s23;
	s26 =	simm.s32 $0x5210  }
0x2ed: {  	[tilespmem:s26], [sflag:$0x4] =	stream.linear.gather [hbm4b:s25+s4], $0x10, $0x38;
	[tilespmem:$0x10600] =	vst v63  }
0x2ee: {  	s28 =	sadd.s32 $0x50, s23;
	s29 =	simm.s32 $0x5290  }
0x2ef: {  	[tilespmem:s29], [sflag:$0x4] =	stream.linear.gather [hbm4b:s28+s4], $0x10, $0x38;
	[tilespmem:$0x10600] =	vst v63  }
0x2f0: {  	s30 =	sadd.s32 $0x60, s23;
	s31 =	simm.s32 $0x5310  }
0x2f1: {  	[tilespmem:s31], [sflag:$0x4] =	stream.linear.gather [hbm4b:s30+s4], $0x10, $0x38;
	[tilespmem:$0x10600] =	vst v63  }
0x2f2: {  	s23 =	sadd.s32 $0x70, s23;
	s25 =	simm.s32 $0x5390;
	s26 =	spop (v2sf)  }
0x2f3: {  	[tilespmem:s25], [sflag:$0x4] =	stream.linear.gather [hbm4b:s23+s4], $0x10, $0x38;
	[tilespmem:$0x10600] =	vst v63  }
0x2f4: {  	s28 =	sshll.u32 s26, $0x7;
	s23 =	sshll.u32 s26, $0x4  }
0x2f5: {  	s24 =	sand.u32 $0xFFFFFC00, s28;
	s23 =	sand.u32 $0x70, s23  }
0x2f6: {  	s23 =	sor.u32 s23, s24  }
0x2f7: {  	s23 =	sshrl.u32 s23, $0x3  }
0x2f8: {  	s29 =	simm.s32 $0x5400;
	s23 =	sadd.s32 s1, s23  }
0x2f9: {  	[tilespmem:s29], [sflag:$0x1] =	stream.linear.gather [hbm4b:s23+s4], $0x10, $0x38;
	[tilespmem:$0x10600] =	vst v63  }
0x2fa: {  	s31 =	simm.s32 $0x5480;
	s30 =	sadd.s32 $0x10, s23  }
0x2fb: {  	[tilespmem:s31], [sflag:$0x1] =	stream.linear.gather [hbm4b:s30+s4], $0x10, $0x38;
	[tilespmem:$0x10600] =	vst v63  }
0x2fc: {  	s26 =	simm.s32 $0x5500;
	s25 =	sadd.s32 $0x20, s23  }
0x2fd: {  	[tilespmem:s26], [sflag:$0x1] =	stream.linear.gather [hbm4b:s25+s4], $0x10, $0x38;
	[tilespmem:$0x10600] =	vst v63  }
0x2fe: {  	s28 =	sadd.s32 $0x30, s23;
	s29 =	simm.s32 $0x5580  }
0x2ff: {  	[tilespmem:s29], [sflag:$0x1] =	stream.linear.gather [hbm4b:s28+s4], $0x10, $0x38;
	[tilespmem:$0x10600] =	vst v63  }
0x300: {  	s30 =	sadd.s32 $0x40, s23;
	s31 =	simm.s32 $0x5600  }
0x301: {  	[tilespmem:s31], [sflag:$0x1] =	stream.linear.gather [hbm4b:s30+s4], $0x10, $0x38;
	[tilespmem:$0x10600] =	vst v63  }
0x302: {  	s25 =	sadd.s32 $0x50, s23;
	s26 =	simm.s32 $0x5680  }
0x303: {  	[tilespmem:s26], [sflag:$0x1] =	stream.linear.gather [hbm4b:s25+s4], $0x10, $0x38;
	[tilespmem:$0x10600] =	vst v63  }
0x304: {  	s28 =	sadd.s32 $0x60, s23;
	s29 =	simm.s32 $0x5700  }
0x305: {  	[tilespmem:s29], [sflag:$0x1] =	stream.linear.gather [hbm4b:s28+s4], $0x10, $0x38;
	[tilespmem:$0x10600] =	vst v63  }
0x306: {  	s30 =	sadd.s32 $0x70, s23;
	s31 =	simm.s32 $0x5780  }
0x307: {  	(v2sf) =	vpush v1, $0xA;
	[tilespmem:s31], [sflag:$0x1] =	stream.linear.gather [hbm4b:s30+s4], $0x10, $0x38;
	[tilespmem:$0x10600] =	vst v63  }
0x308: {  	s24 =	simm.s32 $0x5800;
	s23 =	sadd.s32 $0xF4280, s23  }
0x309: {  	[tilespmem:s24], [sflag:$0x1] =	stream.linear.gather [hbm4b:s23+s4], $0x10, $0x38;
	[tilespmem:$0x10600] =	vst v63  }
0x30a: {  	s25 =	sadd.s32 $0x10, s23;
	s26 =	simm.s32 $0x5880  }
0x30b: {  	[tilespmem:s26], [sflag:$0x1] =	stream.linear.gather [hbm4b:s25+s4], $0x10, $0x38;
	[tilespmem:$0x10600] =	vst v63  }
0x30c: {  	s28 =	sadd.s32 $0x20, s23;
	s29 =	simm.s32 $0x5900  }
0x30d: {  	[tilespmem:s29], [sflag:$0x1] =	stream.linear.gather [hbm4b:s28+s4], $0x10, $0x38;
	[tilespmem:$0x10600] =	vst v63  }
0x30e: {  	s30 =	sadd.s32 $0x30, s23;
	s31 =	simm.s32 $0x5980  }
0x30f: {  	[tilespmem:s31], [sflag:$0x1] =	stream.linear.gather [hbm4b:s30+s4], $0x10, $0x38;
	[tilespmem:$0x10600] =	vst v63  }
0x310: {  	s25 =	sadd.s32 $0x40, s23;
	s26 =	simm.s32 $0x5A00  }
0x311: {  	[tilespmem:s26], [sflag:$0x1] =	stream.linear.gather [hbm4b:s25+s4], $0x10, $0x38;
	[tilespmem:$0x10600] =	vst v63  }
0x312: {  	s28 =	sadd.s32 $0x50, s23;
	s29 =	simm.s32 $0x5A80  }
0x313: {  	[tilespmem:s29], [sflag:$0x1] =	stream.linear.gather [hbm4b:s28+s4], $0x10, $0x38;
	[tilespmem:$0x10600] =	vst v63  }
0x314: {  	s30 =	sadd.s32 $0x60, s23;
	s31 =	simm.s32 $0x5B00  }
0x315: {  	[tilespmem:s31], [sflag:$0x1] =	stream.linear.gather [hbm4b:s30+s4], $0x10, $0x38;
	[tilespmem:$0x10600] =	vst v63  }
0x316: {  	s23 =	sadd.s32 $0x70, s23;
	s25 =	simm.s32 $0x5B80;
	s26 =	spop (v2sf)  }
0x317: {  	[tilespmem:s25], [sflag:$0x1] =	stream.linear.gather [hbm4b:s23+s4], $0x10, $0x38;
	[tilespmem:$0x10600] =	vst v63  }
0x318: {  	s28 =	sshll.u32 s26, $0x7;
	s23 =	sshll.u32 s26, $0x4  }
0x319: {  	s24 =	sand.u32 $0xFFFFFC00, s28;
	s23 =	sand.u32 $0x70, s23  }
0x31a: {  	s23 =	sor.u32 s23, s24  }
0x31b: {  	s23 =	sshrl.u32 s23, $0x3  }
0x31c: {  	s29 =	simm.s32 $0x5410;
	s23 =	sadd.s32 s2, s23  }
0x31d: {  	[tilespmem:s29], [sflag:$0x2] =	stream.linear.gather [hbm4b:s23+s4], $0x10, $0x38;
	[tilespmem:$0x10600] =	vst v63  }
0x31e: {  	s31 =	simm.s32 $0x5490;
	s30 =	sadd.s32 $0x10, s23  }
0x31f: {  	[tilespmem:s31], [sflag:$0x2] =	stream.linear.gather [hbm4b:s30+s4], $0x10, $0x38;
	[tilespmem:$0x10600] =	vst v63  }
0x320: {  	s26 =	simm.s32 $0x5510;
	s25 =	sadd.s32 $0x20, s23  }
0x321: {  	[tilespmem:s26], [sflag:$0x2] =	stream.linear.gather [hbm4b:s25+s4], $0x10, $0x38;
	[tilespmem:$0x10600] =	vst v63  }
0x322: {  	s28 =	sadd.s32 $0x30, s23;
	s29 =	simm.s32 $0x5590  }
0x323: {  	[tilespmem:s29], [sflag:$0x2] =	stream.linear.gather [hbm4b:s28+s4], $0x10, $0x38;
	[tilespmem:$0x10600] =	vst v63  }
0x324: {  	s30 =	sadd.s32 $0x40, s23;
	s31 =	simm.s32 $0x5610  }
0x325: {  	[tilespmem:s31], [sflag:$0x2] =	stream.linear.gather [hbm4b:s30+s4], $0x10, $0x38;
	[tilespmem:$0x10600] =	vst v63  }
0x326: {  	s25 =	sadd.s32 $0x50, s23;
	s26 =	simm.s32 $0x5690  }
0x327: {  	[tilespmem:s26], [sflag:$0x2] =	stream.linear.gather [hbm4b:s25+s4], $0x10, $0x38;
	[tilespmem:$0x10600] =	vst v63  }
0x328: {  	s28 =	sadd.s32 $0x60, s23;
	s29 =	simm.s32 $0x5710  }
0x329: {  	[tilespmem:s29], [sflag:$0x2] =	stream.linear.gather [hbm4b:s28+s4], $0x10, $0x38;
	[tilespmem:$0x10600] =	vst v63  }
0x32a: {  	s30 =	sadd.s32 $0x70, s23;
	s31 =	simm.s32 $0x5790  }
0x32b: {  	(v2sf) =	vpush v2, $0xB;
	[tilespmem:s31], [sflag:$0x2] =	stream.linear.gather [hbm4b:s30+s4], $0x10, $0x38;
	[tilespmem:$0x10600] =	vst v63  }
0x32c: {  	s24 =	simm.s32 $0x5810;
	s23 =	sadd.s32 $0xF4280, s23  }
0x32d: {  	[tilespmem:s24], [sflag:$0x2] =	stream.linear.gather [hbm4b:s23+s4], $0x10, $0x38;
	[tilespmem:$0x10600] =	vst v63  }
0x32e: {  	s25 =	sadd.s32 $0x10, s23;
	s26 =	simm.s32 $0x5890  }
0x32f: {  	[tilespmem:s26], [sflag:$0x2] =	stream.linear.gather [hbm4b:s25+s4], $0x10, $0x38;
	[tilespmem:$0x10600] =	vst v63  }
0x330: {  	s28 =	sadd.s32 $0x20, s23;
	s29 =	simm.s32 $0x5910  }
0x331: {  	[tilespmem:s29], [sflag:$0x2] =	stream.linear.gather [hbm4b:s28+s4], $0x10, $0x38;
	[tilespmem:$0x10600] =	vst v63  }
0x332: {  	s30 =	sadd.s32 $0x30, s23;
	s31 =	simm.s32 $0x5990  }
0x333: {  	[tilespmem:s31], [sflag:$0x2] =	stream.linear.gather [hbm4b:s30+s4], $0x10, $0x38;
	[tilespmem:$0x10600] =	vst v63  }
0x334: {  	s25 =	sadd.s32 $0x40, s23;
	s26 =	simm.s32 $0x5A10  }
0x335: {  	[tilespmem:s26], [sflag:$0x2] =	stream.linear.gather [hbm4b:s25+s4], $0x10, $0x38;
	[tilespmem:$0x10600] =	vst v63  }
0x336: {  	s28 =	sadd.s32 $0x50, s23;
	s29 =	simm.s32 $0x5A90  }
0x337: {  	[tilespmem:s29], [sflag:$0x2] =	stream.linear.gather [hbm4b:s28+s4], $0x10, $0x38;
	[tilespmem:$0x10600] =	vst v63  }
0x338: {  	s30 =	sadd.s32 $0x60, s23;
	s31 =	simm.s32 $0x5B10  }
0x339: {  	[tilespmem:s31], [sflag:$0x2] =	stream.linear.gather [hbm4b:s30+s4], $0x10, $0x38;
	[tilespmem:$0x10600] =	vst v63  }
0x33a: {  	s23 =	sadd.s32 $0x70, s23;
	s25 =	simm.s32 $0x5B90;
	s26 =	spop (v2sf)  }
0x33b: {  	[tilespmem:s25], [sflag:$0x2] =	stream.linear.gather [hbm4b:s23+s4], $0x10, $0x38;
	[tilespmem:$0x10600] =	vst v63  }
0x33c: {  	s28 =	sshll.u32 s26, $0x7;
	s23 =	sshll.u32 s26, $0x4  }
0x33d: {  	s24 =	sand.u32 $0xFFFFFC00, s28;
	s23 =	sand.u32 $0x70, s23  }
0x33e: {  	s23 =	sor.u32 s23, s24  }
0x33f: {  	s23 =	sshrl.u32 s23, $0x3  }
0x340: {  	s29 =	simm.s32 $0x5C00;
	s23 =	sadd.s32 s1, s23  }
0x341: {  	[tilespmem:s29], [sflag:$0x3] =	stream.linear.gather [hbm4b:s23+s4], $0x10, $0x38;
	[tilespmem:$0x10600] =	vst v63  }
0x342: {  	s31 =	simm.s32 $0x5C80;
	s30 =	sadd.s32 $0x10, s23  }
0x343: {  	[tilespmem:s31], [sflag:$0x3] =	stream.linear.gather [hbm4b:s30+s4], $0x10, $0x38;
	[tilespmem:$0x10600] =	vst v63  }
0x344: {  	s26 =	simm.s32 $0x5D00;
	s25 =	sadd.s32 $0x20, s23  }
0x345: {  	[tilespmem:s26], [sflag:$0x3] =	stream.linear.gather [hbm4b:s25+s4], $0x10, $0x38;
	[tilespmem:$0x10600] =	vst v63  }
0x346: {  	s28 =	sadd.s32 $0x30, s23;
	s29 =	simm.s32 $0x5D80  }
0x347: {  	[tilespmem:s29], [sflag:$0x3] =	stream.linear.gather [hbm4b:s28+s4], $0x10, $0x38;
	[tilespmem:$0x10600] =	vst v63  }
0x348: {  	s30 =	sadd.s32 $0x40, s23;
	s31 =	simm.s32 $0x5E00  }
0x349: {  	[tilespmem:s31], [sflag:$0x3] =	stream.linear.gather [hbm4b:s30+s4], $0x10, $0x38;
	[tilespmem:$0x10600] =	vst v63  }
0x34a: {  	s25 =	sadd.s32 $0x50, s23;
	s26 =	simm.s32 $0x5E80  }
0x34b: {  	[tilespmem:s26], [sflag:$0x3] =	stream.linear.gather [hbm4b:s25+s4], $0x10, $0x38;
	[tilespmem:$0x10600] =	vst v63  }
0x34c: {  	s28 =	sadd.s32 $0x60, s23;
	s29 =	simm.s32 $0x5F00  }
0x34d: {  	[tilespmem:s29], [sflag:$0x3] =	stream.linear.gather [hbm4b:s28+s4], $0x10, $0x38;
	[tilespmem:$0x10600] =	vst v63  }
0x34e: {  	s30 =	sadd.s32 $0x70, s23;
	s31 =	simm.s32 $0x5F80  }
0x34f: {  	(v2sf) =	vpush v1, $0xB;
	[tilespmem:s31], [sflag:$0x3] =	stream.linear.gather [hbm4b:s30+s4], $0x10, $0x38;
	[tilespmem:$0x10600] =	vst v63  }
0x350: {  	s24 =	simm.s32 $0x6000;
	s23 =	sadd.s32 $0xF4280, s23  }
0x351: {  	[tilespmem:s24], [sflag:$0x3] =	stream.linear.gather [hbm4b:s23+s4], $0x10, $0x38;
	[tilespmem:$0x10600] =	vst v63  }
0x352: {  	s25 =	sadd.s32 $0x10, s23;
	s26 =	simm.s32 $0x6080  }
0x353: {  	[tilespmem:s26], [sflag:$0x3] =	stream.linear.gather [hbm4b:s25+s4], $0x10, $0x38;
	[tilespmem:$0x10600] =	vst v63  }
0x354: {  	s28 =	sadd.s32 $0x20, s23;
	s29 =	simm.s32 $0x6100  }
0x355: {  	[tilespmem:s29], [sflag:$0x3] =	stream.linear.gather [hbm4b:s28+s4], $0x10, $0x38;
	[tilespmem:$0x10600] =	vst v63  }
0x356: {  	s30 =	sadd.s32 $0x30, s23;
	s31 =	simm.s32 $0x6180  }
0x357: {  	[tilespmem:s31], [sflag:$0x3] =	stream.linear.gather [hbm4b:s30+s4], $0x10, $0x38;
	[tilespmem:$0x10600] =	vst v63  }
0x358: {  	s25 =	sadd.s32 $0x40, s23;
	s26 =	simm.s32 $0x6200  }
0x359: {  	[tilespmem:s26], [sflag:$0x3] =	stream.linear.gather [hbm4b:s25+s4], $0x10, $0x38;
	[tilespmem:$0x10600] =	vst v63  }
0x35a: {  	s28 =	sadd.s32 $0x50, s23;
	s29 =	simm.s32 $0x6280  }
0x35b: {  	[tilespmem:s29], [sflag:$0x3] =	stream.linear.gather [hbm4b:s28+s4], $0x10, $0x38;
	[tilespmem:$0x10600] =	vst v63  }
0x35c: {  	s30 =	sadd.s32 $0x60, s23;
	s31 =	simm.s32 $0x6300  }
0x35d: {  	[tilespmem:s31], [sflag:$0x3] =	stream.linear.gather [hbm4b:s30+s4], $0x10, $0x38;
	[tilespmem:$0x10600] =	vst v63  }
0x35e: {  	s23 =	sadd.s32 $0x70, s23;
	s25 =	simm.s32 $0x6380;
	s26 =	spop (v2sf)  }
0x35f: {  	[tilespmem:s25], [sflag:$0x3] =	stream.linear.gather [hbm4b:s23+s4], $0x10, $0x38;
	[tilespmem:$0x10600] =	vst v63  }
0x360: {  	s28 =	sshll.u32 s26, $0x7;
	s23 =	sshll.u32 s26, $0x4  }
0x361: {  	s24 =	sand.u32 $0xFFFFFC00, s28;
	s23 =	sand.u32 $0x70, s23  }
0x362: {  	s23 =	sor.u32 s23, s24  }
0x363: {  	s23 =	sshrl.u32 s23, $0x3  }
0x364: {  	s29 =	simm.s32 $0x5C10;
	s23 =	sadd.s32 s2, s23  }
0x365: {  	[tilespmem:s29], [sflag:$0x4] =	stream.linear.gather [hbm4b:s23+s4], $0x10, $0x38;
	[tilespmem:$0x10600] =	vst v63  }
0x366: {  	s31 =	simm.s32 $0x5C90;
	s30 =	sadd.s32 $0x10, s23  }
0x367: {  	[tilespmem:s31], [sflag:$0x4] =	stream.linear.gather [hbm4b:s30+s4], $0x10, $0x38;
	[tilespmem:$0x10600] =	vst v63  }
0x368: {  	s26 =	simm.s32 $0x5D10;
	s25 =	sadd.s32 $0x20, s23  }
0x369: {  	[tilespmem:s26], [sflag:$0x4] =	stream.linear.gather [hbm4b:s25+s4], $0x10, $0x38;
	[tilespmem:$0x10600] =	vst v63  }
0x36a: {  	s28 =	sadd.s32 $0x30, s23;
	s29 =	simm.s32 $0x5D90  }
0x36b: {  	[tilespmem:s29], [sflag:$0x4] =	stream.linear.gather [hbm4b:s28+s4], $0x10, $0x38;
	[tilespmem:$0x10600] =	vst v63  }
0x36c: {  	s30 =	sadd.s32 $0x40, s23;
	s31 =	simm.s32 $0x5E10  }
0x36d: {  	[tilespmem:s31], [sflag:$0x4] =	stream.linear.gather [hbm4b:s30+s4], $0x10, $0x38;
	[tilespmem:$0x10600] =	vst v63  }
0x36e: {  	s25 =	sadd.s32 $0x50, s23;
	s26 =	simm.s32 $0x5E90  }
0x36f: {  	[tilespmem:s26], [sflag:$0x4] =	stream.linear.gather [hbm4b:s25+s4], $0x10, $0x38;
	[tilespmem:$0x10600] =	vst v63  }
0x370: {  	s28 =	sadd.s32 $0x60, s23;
	s29 =	simm.s32 $0x5F10  }
0x371: {  	[tilespmem:s29], [sflag:$0x4] =	stream.linear.gather [hbm4b:s28+s4], $0x10, $0x38;
	[tilespmem:$0x10600] =	vst v63  }
0x372: {  	s30 =	sadd.s32 $0x70, s23;
	s31 =	simm.s32 $0x5F90  }
0x373: {  	(v2sf) =	vpush v2, $0xC;
	[tilespmem:s31], [sflag:$0x4] =	stream.linear.gather [hbm4b:s30+s4], $0x10, $0x38;
	[tilespmem:$0x10600] =	vst v63  }
0x374: {  	s24 =	simm.s32 $0x6010;
	s23 =	sadd.s32 $0xF4280, s23  }
0x375: {  	[tilespmem:s24], [sflag:$0x4] =	stream.linear.gather [hbm4b:s23+s4], $0x10, $0x38;
	[tilespmem:$0x10600] =	vst v63  }
0x376: {  	s25 =	sadd.s32 $0x10, s23;
	s26 =	simm.s32 $0x6090  }
0x377: {  	[tilespmem:s26], [sflag:$0x4] =	stream.linear.gather [hbm4b:s25+s4], $0x10, $0x38;
	[tilespmem:$0x10600] =	vst v63  }
0x378: {  	s28 =	sadd.s32 $0x20, s23;
	s29 =	simm.s32 $0x6110  }
0x379: {  	[tilespmem:s29], [sflag:$0x4] =	stream.linear.gather [hbm4b:s28+s4], $0x10, $0x38;
	[tilespmem:$0x10600] =	vst v63  }
0x37a: {  	s30 =	sadd.s32 $0x30, s23;
	s31 =	simm.s32 $0x6190  }
0x37b: {  	[tilespmem:s31], [sflag:$0x4] =	stream.linear.gather [hbm4b:s30+s4], $0x10, $0x38;
	[tilespmem:$0x10600] =	vst v63  }
0x37c: {  	s25 =	sadd.s32 $0x40, s23;
	s26 =	simm.s32 $0x6210  }
0x37d: {  	[tilespmem:s26], [sflag:$0x4] =	stream.linear.gather [hbm4b:s25+s4], $0x10, $0x38;
	[tilespmem:$0x10600] =	vst v63  }
0x37e: {  	s28 =	sadd.s32 $0x50, s23;
	s29 =	simm.s32 $0x6290  }
0x37f: {  	[tilespmem:s29], [sflag:$0x4] =	stream.linear.gather [hbm4b:s28+s4], $0x10, $0x38;
	[tilespmem:$0x10600] =	vst v63  }
0x380: {  	s30 =	sadd.s32 $0x60, s23;
	s31 =	simm.s32 $0x6310  }
0x381: {  	[tilespmem:s31], [sflag:$0x4] =	stream.linear.gather [hbm4b:s30+s4], $0x10, $0x38;
	[tilespmem:$0x10600] =	vst v63  }
0x382: {  	s23 =	sadd.s32 $0x70, s23;
	s25 =	simm.s32 $0x6390;
	s26 =	spop (v2sf)  }
0x383: {  	[tilespmem:s25], [sflag:$0x4] =	stream.linear.gather [hbm4b:s23+s4], $0x10, $0x38;
	[tilespmem:$0x10600] =	vst v63  }
0x384: {  	s28 =	sshll.u32 s26, $0x7;
	s23 =	sshll.u32 s26, $0x4  }
0x385: {  	s24 =	sand.u32 $0xFFFFFC00, s28;
	s23 =	sand.u32 $0x70, s23  }
0x386: {  	s23 =	sor.u32 s23, s24  }
0x387: {  	s23 =	sshrl.u32 s23, $0x3  }
0x388: {  	s29 =	simm.s32 $0x6400;
	s23 =	sadd.s32 s1, s23  }
0x389: {  	[tilespmem:s29], [sflag:$0x1] =	stream.linear.gather [hbm4b:s23+s4], $0x10, $0x38;
	[tilespmem:$0x10600] =	vst v63  }
0x38a: {  	s31 =	simm.s32 $0x6480;
	s30 =	sadd.s32 $0x10, s23  }
0x38b: {  	[tilespmem:s31], [sflag:$0x1] =	stream.linear.gather [hbm4b:s30+s4], $0x10, $0x38;
	[tilespmem:$0x10600] =	vst v63  }
0x38c: {  	s26 =	simm.s32 $0x6500;
	s25 =	sadd.s32 $0x20, s23  }
0x38d: {  	[tilespmem:s26], [sflag:$0x1] =	stream.linear.gather [hbm4b:s25+s4], $0x10, $0x38;
	[tilespmem:$0x10600] =	vst v63  }
0x38e: {  	s28 =	sadd.s32 $0x30, s23;
	s29 =	simm.s32 $0x6580  }
0x38f: {  	[tilespmem:s29], [sflag:$0x1] =	stream.linear.gather [hbm4b:s28+s4], $0x10, $0x38;
	[tilespmem:$0x10600] =	vst v63  }
0x390: {  	s30 =	sadd.s32 $0x40, s23;
	s31 =	simm.s32 $0x6600  }
0x391: {  	[tilespmem:s31], [sflag:$0x1] =	stream.linear.gather [hbm4b:s30+s4], $0x10, $0x38;
	[tilespmem:$0x10600] =	vst v63  }
0x392: {  	s25 =	sadd.s32 $0x50, s23;
	s26 =	simm.s32 $0x6680  }
0x393: {  	[tilespmem:s26], [sflag:$0x1] =	stream.linear.gather [hbm4b:s25+s4], $0x10, $0x38;
	[tilespmem:$0x10600] =	vst v63  }
0x394: {  	s28 =	sadd.s32 $0x60, s23;
	s29 =	simm.s32 $0x6700  }
0x395: {  	[tilespmem:s29], [sflag:$0x1] =	stream.linear.gather [hbm4b:s28+s4], $0x10, $0x38;
	[tilespmem:$0x10600] =	vst v63  }
0x396: {  	s30 =	sadd.s32 $0x70, s23;
	s31 =	simm.s32 $0x6780  }
0x397: {  	(v2sf) =	vpush v1, $0xC;
	[tilespmem:s31], [sflag:$0x1] =	stream.linear.gather [hbm4b:s30+s4], $0x10, $0x38;
	[tilespmem:$0x10600] =	vst v63  }
0x398: {  	s24 =	simm.s32 $0x6800;
	s23 =	sadd.s32 $0xF4280, s23  }
0x399: {  	[tilespmem:s24], [sflag:$0x1] =	stream.linear.gather [hbm4b:s23+s4], $0x10, $0x38;
	[tilespmem:$0x10600] =	vst v63  }
0x39a: {  	s25 =	sadd.s32 $0x10, s23;
	s26 =	simm.s32 $0x6880  }
0x39b: {  	[tilespmem:s26], [sflag:$0x1] =	stream.linear.gather [hbm4b:s25+s4], $0x10, $0x38;
	[tilespmem:$0x10600] =	vst v63  }
0x39c: {  	s28 =	sadd.s32 $0x20, s23;
	s29 =	simm.s32 $0x6900  }
0x39d: {  	[tilespmem:s29], [sflag:$0x1] =	stream.linear.gather [hbm4b:s28+s4], $0x10, $0x38;
	[tilespmem:$0x10600] =	vst v63  }
0x39e: {  	s30 =	sadd.s32 $0x30, s23;
	s31 =	simm.s32 $0x6980  }
0x39f: {  	[tilespmem:s31], [sflag:$0x1] =	stream.linear.gather [hbm4b:s30+s4], $0x10, $0x38;
	[tilespmem:$0x10600] =	vst v63  }
0x3a0: {  	s25 =	sadd.s32 $0x40, s23;
	s26 =	simm.s32 $0x6A00  }
0x3a1: {  	[tilespmem:s26], [sflag:$0x1] =	stream.linear.gather [hbm4b:s25+s4], $0x10, $0x38;
	[tilespmem:$0x10600] =	vst v63  }
0x3a2: {  	s28 =	sadd.s32 $0x50, s23;
	s29 =	simm.s32 $0x6A80  }
0x3a3: {  	[tilespmem:s29], [sflag:$0x1] =	stream.linear.gather [hbm4b:s28+s4], $0x10, $0x38;
	[tilespmem:$0x10600] =	vst v63  }
0x3a4: {  	s30 =	sadd.s32 $0x60, s23;
	s31 =	simm.s32 $0x6B00  }
0x3a5: {  	[tilespmem:s31], [sflag:$0x1] =	stream.linear.gather [hbm4b:s30+s4], $0x10, $0x38;
	[tilespmem:$0x10600] =	vst v63  }
0x3a6: {  	s23 =	sadd.s32 $0x70, s23;
	s25 =	simm.s32 $0x6B80;
	s26 =	spop (v2sf)  }
0x3a7: {  	[tilespmem:s25], [sflag:$0x1] =	stream.linear.gather [hbm4b:s23+s4], $0x10, $0x38;
	[tilespmem:$0x10600] =	vst v63  }
0x3a8: {  	s28 =	sshll.u32 s26, $0x7;
	s23 =	sshll.u32 s26, $0x4  }
0x3a9: {  	s24 =	sand.u32 $0xFFFFFC00, s28;
	s23 =	sand.u32 $0x70, s23  }
0x3aa: {  	s23 =	sor.u32 s23, s24  }
0x3ab: {  	s23 =	sshrl.u32 s23, $0x3  }
0x3ac: {  	s29 =	simm.s32 $0x6410;
	s23 =	sadd.s32 s2, s23  }
0x3ad: {  	[tilespmem:s29], [sflag:$0x2] =	stream.linear.gather [hbm4b:s23+s4], $0x10, $0x38;
	[tilespmem:$0x10600] =	vst v63  }
0x3ae: {  	s31 =	simm.s32 $0x6490;
	s30 =	sadd.s32 $0x10, s23  }
0x3af: {  	[tilespmem:s31], [sflag:$0x2] =	stream.linear.gather [hbm4b:s30+s4], $0x10, $0x38;
	[tilespmem:$0x10600] =	vst v63  }
0x3b0: {  	s26 =	simm.s32 $0x6510;
	s25 =	sadd.s32 $0x20, s23  }
0x3b1: {  	[tilespmem:s26], [sflag:$0x2] =	stream.linear.gather [hbm4b:s25+s4], $0x10, $0x38;
	[tilespmem:$0x10600] =	vst v63  }
0x3b2: {  	s28 =	sadd.s32 $0x30, s23;
	s29 =	simm.s32 $0x6590  }
0x3b3: {  	[tilespmem:s29], [sflag:$0x2] =	stream.linear.gather [hbm4b:s28+s4], $0x10, $0x38;
	[tilespmem:$0x10600] =	vst v63  }
0x3b4: {  	s30 =	sadd.s32 $0x40, s23;
	s31 =	simm.s32 $0x6610  }
0x3b5: {  	[tilespmem:s31], [sflag:$0x2] =	stream.linear.gather [hbm4b:s30+s4], $0x10, $0x38;
	[tilespmem:$0x10600] =	vst v63  }
0x3b6: {  	s25 =	sadd.s32 $0x50, s23;
	s26 =	simm.s32 $0x6690  }
0x3b7: {  	[tilespmem:s26], [sflag:$0x2] =	stream.linear.gather [hbm4b:s25+s4], $0x10, $0x38;
	[tilespmem:$0x10600] =	vst v63  }
0x3b8: {  	s28 =	sadd.s32 $0x60, s23;
	s29 =	simm.s32 $0x6710  }
0x3b9: {  	[tilespmem:s29], [sflag:$0x2] =	stream.linear.gather [hbm4b:s28+s4], $0x10, $0x38;
	[tilespmem:$0x10600] =	vst v63  }
0x3ba: {  	s30 =	sadd.s32 $0x70, s23;
	s31 =	simm.s32 $0x6790  }
0x3bb: {  	(v2sf) =	vpush v2, $0xD;
	[tilespmem:s31], [sflag:$0x2] =	stream.linear.gather [hbm4b:s30+s4], $0x10, $0x38;
	[tilespmem:$0x10600] =	vst v63  }
0x3bc: {  	s24 =	simm.s32 $0x6810;
	s23 =	sadd.s32 $0xF4280, s23  }
0x3bd: {  	[tilespmem:s24], [sflag:$0x2] =	stream.linear.gather [hbm4b:s23+s4], $0x10, $0x38;
	[tilespmem:$0x10600] =	vst v63  }
0x3be: {  	s25 =	sadd.s32 $0x10, s23;
	s26 =	simm.s32 $0x6890  }
0x3bf: {  	[tilespmem:s26], [sflag:$0x2] =	stream.linear.gather [hbm4b:s25+s4], $0x10, $0x38;
	[tilespmem:$0x10600] =	vst v63  }
0x3c0: {  	s28 =	sadd.s32 $0x20, s23;
	s29 =	simm.s32 $0x6910  }
0x3c1: {  	[tilespmem:s29], [sflag:$0x2] =	stream.linear.gather [hbm4b:s28+s4], $0x10, $0x38;
	[tilespmem:$0x10600] =	vst v63  }
0x3c2: {  	s30 =	sadd.s32 $0x30, s23;
	s31 =	simm.s32 $0x6990  }
0x3c3: {  	[tilespmem:s31], [sflag:$0x2] =	stream.linear.gather [hbm4b:s30+s4], $0x10, $0x38;
	[tilespmem:$0x10600] =	vst v63  }
0x3c4: {  	s25 =	sadd.s32 $0x40, s23;
	s26 =	simm.s32 $0x6A10  }
0x3c5: {  	[tilespmem:s26], [sflag:$0x2] =	stream.linear.gather [hbm4b:s25+s4], $0x10, $0x38;
	[tilespmem:$0x10600] =	vst v63  }
0x3c6: {  	s28 =	sadd.s32 $0x50, s23;
	s29 =	simm.s32 $0x6A90  }
0x3c7: {  	[tilespmem:s29], [sflag:$0x2] =	stream.linear.gather [hbm4b:s28+s4], $0x10, $0x38;
	[tilespmem:$0x10600] =	vst v63  }
0x3c8: {  	s30 =	sadd.s32 $0x60, s23;
	s31 =	simm.s32 $0x6B10  }
0x3c9: {  	[tilespmem:s31], [sflag:$0x2] =	stream.linear.gather [hbm4b:s30+s4], $0x10, $0x38;
	[tilespmem:$0x10600] =	vst v63  }
0x3ca: {  	s23 =	sadd.s32 $0x70, s23;
	s25 =	simm.s32 $0x6B90;
	s26 =	spop (v2sf)  }
0x3cb: {  	[tilespmem:s25], [sflag:$0x2] =	stream.linear.gather [hbm4b:s23+s4], $0x10, $0x38;
	[tilespmem:$0x10600] =	vst v63  }
0x3cc: {  	s28 =	sshll.u32 s26, $0x7;
	s23 =	sshll.u32 s26, $0x4  }
0x3cd: {  	s24 =	sand.u32 $0xFFFFFC00, s28;
	s23 =	sand.u32 $0x70, s23  }
0x3ce: {  	s23 =	sor.u32 s23, s24  }
0x3cf: {  	s23 =	sshrl.u32 s23, $0x3  }
0x3d0: {  	s29 =	simm.s32 $0x6C00;
	s23 =	sadd.s32 s1, s23  }
0x3d1: {  	[tilespmem:s29], [sflag:$0x3] =	stream.linear.gather [hbm4b:s23+s4], $0x10, $0x38;
	[tilespmem:$0x10600] =	vst v63  }
0x3d2: {  	s31 =	simm.s32 $0x6C80;
	s30 =	sadd.s32 $0x10, s23  }
0x3d3: {  	[tilespmem:s31], [sflag:$0x3] =	stream.linear.gather [hbm4b:s30+s4], $0x10, $0x38;
	[tilespmem:$0x10600] =	vst v63  }
0x3d4: {  	s26 =	simm.s32 $0x6D00;
	s25 =	sadd.s32 $0x20, s23  }
0x3d5: {  	[tilespmem:s26], [sflag:$0x3] =	stream.linear.gather [hbm4b:s25+s4], $0x10, $0x38;
	[tilespmem:$0x10600] =	vst v63  }
0x3d6: {  	s28 =	sadd.s32 $0x30, s23;
	s29 =	simm.s32 $0x6D80  }
0x3d7: {  	[tilespmem:s29], [sflag:$0x3] =	stream.linear.gather [hbm4b:s28+s4], $0x10, $0x38;
	[tilespmem:$0x10600] =	vst v63  }
0x3d8: {  	s30 =	sadd.s32 $0x40, s23;
	s31 =	simm.s32 $0x6E00  }
0x3d9: {  	[tilespmem:s31], [sflag:$0x3] =	stream.linear.gather [hbm4b:s30+s4], $0x10, $0x38;
	[tilespmem:$0x10600] =	vst v63  }
0x3da: {  	s25 =	sadd.s32 $0x50, s23;
	s26 =	simm.s32 $0x6E80  }
0x3db: {  	[tilespmem:s26], [sflag:$0x3] =	stream.linear.gather [hbm4b:s25+s4], $0x10, $0x38;
	[tilespmem:$0x10600] =	vst v63  }
0x3dc: {  	s28 =	sadd.s32 $0x60, s23;
	s29 =	simm.s32 $0x6F00  }
0x3dd: {  	[tilespmem:s29], [sflag:$0x3] =	stream.linear.gather [hbm4b:s28+s4], $0x10, $0x38;
	[tilespmem:$0x10600] =	vst v63  }
0x3de: {  	s30 =	sadd.s32 $0x70, s23;
	s31 =	simm.s32 $0x6F80  }
0x3df: {  	(v2sf) =	vpush v1, $0xD;
	[tilespmem:s31], [sflag:$0x3] =	stream.linear.gather [hbm4b:s30+s4], $0x10, $0x38;
	[tilespmem:$0x10600] =	vst v63  }
0x3e0: {  	s24 =	simm.s32 $0x7000;
	s23 =	sadd.s32 $0xF4280, s23  }
0x3e1: {  	[tilespmem:s24], [sflag:$0x3] =	stream.linear.gather [hbm4b:s23+s4], $0x10, $0x38;
	[tilespmem:$0x10600] =	vst v63  }
0x3e2: {  	s25 =	sadd.s32 $0x10, s23;
	s26 =	simm.s32 $0x7080  }
0x3e3: {  	[tilespmem:s26], [sflag:$0x3] =	stream.linear.gather [hbm4b:s25+s4], $0x10, $0x38;
	[tilespmem:$0x10600] =	vst v63  }
0x3e4: {  	s28 =	sadd.s32 $0x20, s23;
	s29 =	simm.s32 $0x7100  }
0x3e5: {  	[tilespmem:s29], [sflag:$0x3] =	stream.linear.gather [hbm4b:s28+s4], $0x10, $0x38;
	[tilespmem:$0x10600] =	vst v63  }
0x3e6: {  	s30 =	sadd.s32 $0x30, s23;
	s31 =	simm.s32 $0x7180  }
0x3e7: {  	[tilespmem:s31], [sflag:$0x3] =	stream.linear.gather [hbm4b:s30+s4], $0x10, $0x38;
	[tilespmem:$0x10600] =	vst v63  }
0x3e8: {  	s25 =	sadd.s32 $0x40, s23;
	s26 =	simm.s32 $0x7200  }
0x3e9: {  	[tilespmem:s26], [sflag:$0x3] =	stream.linear.gather [hbm4b:s25+s4], $0x10, $0x38;
	[tilespmem:$0x10600] =	vst v63  }
0x3ea: {  	s28 =	sadd.s32 $0x50, s23;
	s29 =	simm.s32 $0x7280  }
0x3eb: {  	[tilespmem:s29], [sflag:$0x3] =	stream.linear.gather [hbm4b:s28+s4], $0x10, $0x38;
	[tilespmem:$0x10600] =	vst v63  }
0x3ec: {  	s30 =	sadd.s32 $0x60, s23;
	s31 =	simm.s32 $0x7300  }
0x3ed: {  	[tilespmem:s31], [sflag:$0x3] =	stream.linear.gather [hbm4b:s30+s4], $0x10, $0x38;
	[tilespmem:$0x10600] =	vst v63  }
0x3ee: {  	s23 =	sadd.s32 $0x70, s23;
	s25 =	simm.s32 $0x7380;
	s26 =	spop (v2sf)  }
0x3ef: {  	[tilespmem:s25], [sflag:$0x3] =	stream.linear.gather [hbm4b:s23+s4], $0x10, $0x38;
	[tilespmem:$0x10600] =	vst v63  }
0x3f0: {  	s28 =	sshll.u32 s26, $0x7;
	s23 =	sshll.u32 s26, $0x4  }
0x3f1: {  	s24 =	sand.u32 $0xFFFFFC00, s28;
	s23 =	sand.u32 $0x70, s23  }
0x3f2: {  	s23 =	sor.u32 s23, s24  }
0x3f3: {  	s23 =	sshrl.u32 s23, $0x3  }
0x3f4: {  	s29 =	simm.s32 $0x6C10;
	s23 =	sadd.s32 s2, s23  }
0x3f5: {  	[tilespmem:s29], [sflag:$0x4] =	stream.linear.gather [hbm4b:s23+s4], $0x10, $0x38;
	[tilespmem:$0x10600] =	vst v63  }
0x3f6: {  	s31 =	simm.s32 $0x6C90;
	s30 =	sadd.s32 $0x10, s23  }
0x3f7: {  	[tilespmem:s31], [sflag:$0x4] =	stream.linear.gather [hbm4b:s30+s4], $0x10, $0x38;
	[tilespmem:$0x10600] =	vst v63  }
0x3f8: {  	s26 =	simm.s32 $0x6D10;
	s25 =	sadd.s32 $0x20, s23  }
0x3f9: {  	[tilespmem:s26], [sflag:$0x4] =	stream.linear.gather [hbm4b:s25+s4], $0x10, $0x38;
	[tilespmem:$0x10600] =	vst v63  }
0x3fa: {  	s28 =	sadd.s32 $0x30, s23;
	s29 =	simm.s32 $0x6D90  }
0x3fb: {  	[tilespmem:s29], [sflag:$0x4] =	stream.linear.gather [hbm4b:s28+s4], $0x10, $0x38;
	[tilespmem:$0x10600] =	vst v63  }
0x3fc: {  	s30 =	sadd.s32 $0x40, s23;
	s31 =	simm.s32 $0x6E10  }
0x3fd: {  	[tilespmem:s31], [sflag:$0x4] =	stream.linear.gather [hbm4b:s30+s4], $0x10, $0x38;
	[tilespmem:$0x10600] =	vst v63  }
0x3fe: {  	s25 =	sadd.s32 $0x50, s23;
	s26 =	simm.s32 $0x6E90  }
0x3ff: {  	[tilespmem:s26], [sflag:$0x4] =	stream.linear.gather [hbm4b:s25+s4], $0x10, $0x38;
	[tilespmem:$0x10600] =	vst v63  }
0x400: {  	s28 =	sadd.s32 $0x60, s23;
	s29 =	simm.s32 $0x6F10  }
0x401: {  	[tilespmem:s29], [sflag:$0x4] =	stream.linear.gather [hbm4b:s28+s4], $0x10, $0x38;
	[tilespmem:$0x10600] =	vst v63  }
0x402: {  	s30 =	sadd.s32 $0x70, s23;
	s31 =	simm.s32 $0x6F90  }
0x403: {  	(v2sf) =	vpush v2, $0xE;
	[tilespmem:s31], [sflag:$0x4] =	stream.linear.gather [hbm4b:s30+s4], $0x10, $0x38;
	[tilespmem:$0x10600] =	vst v63  }
0x404: {  	s24 =	simm.s32 $0x7010;
	s23 =	sadd.s32 $0xF4280, s23  }
0x405: {  	[tilespmem:s24], [sflag:$0x4] =	stream.linear.gather [hbm4b:s23+s4], $0x10, $0x38;
	[tilespmem:$0x10600] =	vst v63  }
0x406: {  	s25 =	sadd.s32 $0x10, s23;
	s26 =	simm.s32 $0x7090  }
0x407: {  	[tilespmem:s26], [sflag:$0x4] =	stream.linear.gather [hbm4b:s25+s4], $0x10, $0x38;
	[tilespmem:$0x10600] =	vst v63  }
0x408: {  	s28 =	sadd.s32 $0x20, s23;
	s29 =	simm.s32 $0x7110  }
0x409: {  	[tilespmem:s29], [sflag:$0x4] =	stream.linear.gather [hbm4b:s28+s4], $0x10, $0x38;
	[tilespmem:$0x10600] =	vst v63  }
0x40a: {  	s30 =	sadd.s32 $0x30, s23;
	s31 =	simm.s32 $0x7190  }
0x40b: {  	[tilespmem:s31], [sflag:$0x4] =	stream.linear.gather [hbm4b:s30+s4], $0x10, $0x38;
	[tilespmem:$0x10600] =	vst v63  }
0x40c: {  	s25 =	sadd.s32 $0x40, s23;
	s26 =	simm.s32 $0x7210  }
0x40d: {  	[tilespmem:s26], [sflag:$0x4] =	stream.linear.gather [hbm4b:s25+s4], $0x10, $0x38;
	[tilespmem:$0x10600] =	vst v63  }
0x40e: {  	s28 =	sadd.s32 $0x50, s23;
	s29 =	simm.s32 $0x7290  }
0x40f: {  	[tilespmem:s29], [sflag:$0x4] =	stream.linear.gather [hbm4b:s28+s4], $0x10, $0x38;
	[tilespmem:$0x10600] =	vst v63  }
0x410: {  	s30 =	sadd.s32 $0x60, s23;
	s31 =	simm.s32 $0x7310  }
0x411: {  	[tilespmem:s31], [sflag:$0x4] =	stream.linear.gather [hbm4b:s30+s4], $0x10, $0x38;
	[tilespmem:$0x10600] =	vst v63  }
0x412: {  	s23 =	sadd.s32 $0x70, s23;
	s25 =	simm.s32 $0x7390;
	s26 =	spop (v2sf)  }
0x413: {  	[tilespmem:s25], [sflag:$0x4] =	stream.linear.gather [hbm4b:s23+s4], $0x10, $0x38;
	[tilespmem:$0x10600] =	vst v63  }
0x414: {  	s28 =	sshll.u32 s26, $0x7;
	s23 =	sshll.u32 s26, $0x4  }
0x415: {  	s24 =	sand.u32 $0xFFFFFC00, s28;
	s23 =	sand.u32 $0x70, s23  }
0x416: {  	s23 =	sor.u32 s23, s24  }
0x417: {  	s23 =	sshrl.u32 s23, $0x3  }
0x418: {  	s29 =	simm.s32 $0x7400;
	s23 =	sadd.s32 s1, s23  }
0x419: {  	[tilespmem:s29], [sflag:$0x1] =	stream.linear.gather [hbm4b:s23+s4], $0x10, $0x38;
	[tilespmem:$0x10600] =	vst v63  }
0x41a: {  	s31 =	simm.s32 $0x7480;
	s30 =	sadd.s32 $0x10, s23  }
0x41b: {  	[tilespmem:s31], [sflag:$0x1] =	stream.linear.gather [hbm4b:s30+s4], $0x10, $0x38;
	[tilespmem:$0x10600] =	vst v63  }
0x41c: {  	s26 =	simm.s32 $0x7500;
	s25 =	sadd.s32 $0x20, s23  }
0x41d: {  	[tilespmem:s26], [sflag:$0x1] =	stream.linear.gather [hbm4b:s25+s4], $0x10, $0x38;
	[tilespmem:$0x10600] =	vst v63  }
0x41e: {  	s28 =	sadd.s32 $0x30, s23;
	s29 =	simm.s32 $0x7580  }
0x41f: {  	[tilespmem:s29], [sflag:$0x1] =	stream.linear.gather [hbm4b:s28+s4], $0x10, $0x38;
	[tilespmem:$0x10600] =	vst v63  }
0x420: {  	s30 =	sadd.s32 $0x40, s23;
	s31 =	simm.s32 $0x7600  }
0x421: {  	[tilespmem:s31], [sflag:$0x1] =	stream.linear.gather [hbm4b:s30+s4], $0x10, $0x38;
	[tilespmem:$0x10600] =	vst v63  }
0x422: {  	s25 =	sadd.s32 $0x50, s23;
	s26 =	simm.s32 $0x7680  }
0x423: {  	[tilespmem:s26], [sflag:$0x1] =	stream.linear.gather [hbm4b:s25+s4], $0x10, $0x38;
	[tilespmem:$0x10600] =	vst v63  }
0x424: {  	s28 =	sadd.s32 $0x60, s23;
	s29 =	simm.s32 $0x7700  }
0x425: {  	[tilespmem:s29], [sflag:$0x1] =	stream.linear.gather [hbm4b:s28+s4], $0x10, $0x38;
	[tilespmem:$0x10600] =	vst v63  }
0x426: {  	s30 =	sadd.s32 $0x70, s23;
	s31 =	simm.s32 $0x7780  }
0x427: {  	(v2sf) =	vpush v1, $0xE;
	[tilespmem:s31], [sflag:$0x1] =	stream.linear.gather [hbm4b:s30+s4], $0x10, $0x38;
	[tilespmem:$0x10600] =	vst v63  }
0x428: {  	s24 =	simm.s32 $0x7800;
	s23 =	sadd.s32 $0xF4280, s23  }
0x429: {  	[tilespmem:s24], [sflag:$0x1] =	stream.linear.gather [hbm4b:s23+s4], $0x10, $0x38;
	[tilespmem:$0x10600] =	vst v63  }
0x42a: {  	s25 =	sadd.s32 $0x10, s23;
	s26 =	simm.s32 $0x7880  }
0x42b: {  	[tilespmem:s26], [sflag:$0x1] =	stream.linear.gather [hbm4b:s25+s4], $0x10, $0x38;
	[tilespmem:$0x10600] =	vst v63  }
0x42c: {  	s28 =	sadd.s32 $0x20, s23;
	s29 =	simm.s32 $0x7900  }
0x42d: {  	[tilespmem:s29], [sflag:$0x1] =	stream.linear.gather [hbm4b:s28+s4], $0x10, $0x38;
	[tilespmem:$0x10600] =	vst v63  }
0x42e: {  	s30 =	sadd.s32 $0x30, s23;
	s31 =	simm.s32 $0x7980  }
0x42f: {  	[tilespmem:s31], [sflag:$0x1] =	stream.linear.gather [hbm4b:s30+s4], $0x10, $0x38;
	[tilespmem:$0x10600] =	vst v63  }
0x430: {  	s25 =	sadd.s32 $0x40, s23;
	s26 =	simm.s32 $0x7A00  }
0x431: {  	[tilespmem:s26], [sflag:$0x1] =	stream.linear.gather [hbm4b:s25+s4], $0x10, $0x38;
	[tilespmem:$0x10600] =	vst v63  }
0x432: {  	s28 =	sadd.s32 $0x50, s23;
	s29 =	simm.s32 $0x7A80  }
0x433: {  	[tilespmem:s29], [sflag:$0x1] =	stream.linear.gather [hbm4b:s28+s4], $0x10, $0x38;
	[tilespmem:$0x10600] =	vst v63  }
0x434: {  	s30 =	sadd.s32 $0x60, s23;
	s31 =	simm.s32 $0x7B00  }
0x435: {  	[tilespmem:s31], [sflag:$0x1] =	stream.linear.gather [hbm4b:s30+s4], $0x10, $0x38;
	[tilespmem:$0x10600] =	vst v63  }
0x436: {  	s23 =	sadd.s32 $0x70, s23;
	s25 =	simm.s32 $0x7B80;
	s26 =	spop (v2sf)  }
0x437: {  	[tilespmem:s25], [sflag:$0x1] =	stream.linear.gather [hbm4b:s23+s4], $0x10, $0x38;
	[tilespmem:$0x10600] =	vst v63  }
0x438: {  	s28 =	sshll.u32 s26, $0x7;
	s23 =	sshll.u32 s26, $0x4  }
0x439: {  	s24 =	sand.u32 $0xFFFFFC00, s28;
	s23 =	sand.u32 $0x70, s23  }
0x43a: {  	s23 =	sor.u32 s23, s24  }
0x43b: {  	s23 =	sshrl.u32 s23, $0x3  }
0x43c: {  	s29 =	simm.s32 $0x7410;
	s23 =	sadd.s32 s2, s23  }
0x43d: {  	[tilespmem:s29], [sflag:$0x2] =	stream.linear.gather [hbm4b:s23+s4], $0x10, $0x38;
	[tilespmem:$0x10600] =	vst v63  }
0x43e: {  	s31 =	simm.s32 $0x7490;
	s30 =	sadd.s32 $0x10, s23  }
0x43f: {  	[tilespmem:s31], [sflag:$0x2] =	stream.linear.gather [hbm4b:s30+s4], $0x10, $0x38;
	[tilespmem:$0x10600] =	vst v63  }
0x440: {  	s26 =	simm.s32 $0x7510;
	s25 =	sadd.s32 $0x20, s23  }
0x441: {  	[tilespmem:s26], [sflag:$0x2] =	stream.linear.gather [hbm4b:s25+s4], $0x10, $0x38;
	[tilespmem:$0x10600] =	vst v63  }
0x442: {  	s28 =	sadd.s32 $0x30, s23;
	s29 =	simm.s32 $0x7590  }
0x443: {  	[tilespmem:s29], [sflag:$0x2] =	stream.linear.gather [hbm4b:s28+s4], $0x10, $0x38;
	[tilespmem:$0x10600] =	vst v63  }
0x444: {  	s30 =	sadd.s32 $0x40, s23;
	s31 =	simm.s32 $0x7610  }
0x445: {  	[tilespmem:s31], [sflag:$0x2] =	stream.linear.gather [hbm4b:s30+s4], $0x10, $0x38;
	[tilespmem:$0x10600] =	vst v63  }
0x446: {  	s25 =	sadd.s32 $0x50, s23;
	s26 =	simm.s32 $0x7690  }
0x447: {  	[tilespmem:s26], [sflag:$0x2] =	stream.linear.gather [hbm4b:s25+s4], $0x10, $0x38;
	[tilespmem:$0x10600] =	vst v63  }
0x448: {  	s28 =	sadd.s32 $0x60, s23;
	s29 =	simm.s32 $0x7710  }
0x449: {  	[tilespmem:s29], [sflag:$0x2] =	stream.linear.gather [hbm4b:s28+s4], $0x10, $0x38;
	[tilespmem:$0x10600] =	vst v63  }
0x44a: {  	s30 =	sadd.s32 $0x70, s23;
	s31 =	simm.s32 $0x7790  }
0x44b: {  	(v2sf) =	vpush v2, $0xF;
	[tilespmem:s31], [sflag:$0x2] =	stream.linear.gather [hbm4b:s30+s4], $0x10, $0x38;
	[tilespmem:$0x10600] =	vst v63  }
0x44c: {  	s24 =	simm.s32 $0x7810;
	s23 =	sadd.s32 $0xF4280, s23  }
0x44d: {  	[tilespmem:s24], [sflag:$0x2] =	stream.linear.gather [hbm4b:s23+s4], $0x10, $0x38;
	[tilespmem:$0x10600] =	vst v63  }
0x44e: {  	s25 =	sadd.s32 $0x10, s23;
	s26 =	simm.s32 $0x7890  }
0x44f: {  	[tilespmem:s26], [sflag:$0x2] =	stream.linear.gather [hbm4b:s25+s4], $0x10, $0x38;
	[tilespmem:$0x10600] =	vst v63  }
0x450: {  	s28 =	sadd.s32 $0x20, s23;
	s29 =	simm.s32 $0x7910  }
0x451: {  	[tilespmem:s29], [sflag:$0x2] =	stream.linear.gather [hbm4b:s28+s4], $0x10, $0x38;
	[tilespmem:$0x10600] =	vst v63  }
0x452: {  	s30 =	sadd.s32 $0x30, s23;
	s31 =	simm.s32 $0x7990  }
0x453: {  	[tilespmem:s31], [sflag:$0x2] =	stream.linear.gather [hbm4b:s30+s4], $0x10, $0x38;
	[tilespmem:$0x10600] =	vst v63  }
0x454: {  	s25 =	sadd.s32 $0x40, s23;
	s26 =	simm.s32 $0x7A10  }
0x455: {  	[tilespmem:s26], [sflag:$0x2] =	stream.linear.gather [hbm4b:s25+s4], $0x10, $0x38;
	[tilespmem:$0x10600] =	vst v63  }
0x456: {  	s28 =	sadd.s32 $0x50, s23;
	s29 =	simm.s32 $0x7A90  }
0x457: {  	[tilespmem:s29], [sflag:$0x2] =	stream.linear.gather [hbm4b:s28+s4], $0x10, $0x38;
	[tilespmem:$0x10600] =	vst v63  }
0x458: {  	s30 =	sadd.s32 $0x60, s23;
	s31 =	simm.s32 $0x7B10  }
0x459: {  	[tilespmem:s31], [sflag:$0x2] =	stream.linear.gather [hbm4b:s30+s4], $0x10, $0x38;
	[tilespmem:$0x10600] =	vst v63  }
0x45a: {  	s23 =	sadd.s32 $0x70, s23;
	s25 =	simm.s32 $0x7B90;
	s26 =	spop (v2sf)  }
0x45b: {  	[tilespmem:s25], [sflag:$0x2] =	stream.linear.gather [hbm4b:s23+s4], $0x10, $0x38;
	[tilespmem:$0x10600] =	vst v63  }
0x45c: {  	s28 =	sshll.u32 s26, $0x7;
	s23 =	sshll.u32 s26, $0x4  }
0x45d: {  	s24 =	sand.u32 $0xFFFFFC00, s28;
	s23 =	sand.u32 $0x70, s23  }
0x45e: {  	s23 =	sor.u32 s23, s24  }
0x45f: {  	s23 =	sshrl.u32 s23, $0x3  }
0x460: {  	s29 =	simm.s32 $0x7C00;
	s23 =	sadd.s32 s1, s23  }
0x461: {  	[tilespmem:s29], [sflag:$0x3] =	stream.linear.gather [hbm4b:s23+s4], $0x10, $0x38;
	[tilespmem:$0x10600] =	vst v63  }
0x462: {  	s31 =	simm.s32 $0x7C80;
	s30 =	sadd.s32 $0x10, s23  }
0x463: {  	[tilespmem:s31], [sflag:$0x3] =	stream.linear.gather [hbm4b:s30+s4], $0x10, $0x38;
	[tilespmem:$0x10600] =	vst v63  }
0x464: {  	s26 =	simm.s32 $0x7D00;
	s25 =	sadd.s32 $0x20, s23  }
0x465: {  	[tilespmem:s26], [sflag:$0x3] =	stream.linear.gather [hbm4b:s25+s4], $0x10, $0x38;
	[tilespmem:$0x10600] =	vst v63  }
0x466: {  	s28 =	sadd.s32 $0x30, s23;
	s29 =	simm.s32 $0x7D80  }
0x467: {  	[tilespmem:s29], [sflag:$0x3] =	stream.linear.gather [hbm4b:s28+s4], $0x10, $0x38;
	[tilespmem:$0x10600] =	vst v63  }
0x468: {  	s30 =	sadd.s32 $0x40, s23;
	s31 =	simm.s32 $0x7E00  }
0x469: {  	[tilespmem:s31], [sflag:$0x3] =	stream.linear.gather [hbm4b:s30+s4], $0x10, $0x38;
	[tilespmem:$0x10600] =	vst v63  }
0x46a: {  	s25 =	sadd.s32 $0x50, s23;
	s26 =	simm.s32 $0x7E80  }
0x46b: {  	[tilespmem:s26], [sflag:$0x3] =	stream.linear.gather [hbm4b:s25+s4], $0x10, $0x38;
	[tilespmem:$0x10600] =	vst v63  }
0x46c: {  	s28 =	sadd.s32 $0x60, s23;
	s29 =	simm.s32 $0x7F00  }
0x46d: {  	[tilespmem:s29], [sflag:$0x3] =	stream.linear.gather [hbm4b:s28+s4], $0x10, $0x38;
	[tilespmem:$0x10600] =	vst v63  }
0x46e: {  	s30 =	sadd.s32 $0x70, s23;
	s31 =	simm.s32 $0x7F80  }
0x46f: {  	(v2sf) =	vpush v1, $0xF;
	[tilespmem:s31], [sflag:$0x3] =	stream.linear.gather [hbm4b:s30+s4], $0x10, $0x38;
	[tilespmem:$0x10600] =	vst v63  }
0x470: {  	s24 =	simm.s32 $0x8000;
	s23 =	sadd.s32 $0xF4280, s23  }
0x471: {  	[tilespmem:s24], [sflag:$0x3] =	stream.linear.gather [hbm4b:s23+s4], $0x10, $0x38;
	[tilespmem:$0x10600] =	vst v63  }
0x472: {  	s25 =	sadd.s32 $0x10, s23;
	s26 =	simm.s32 $0x8080  }
0x473: {  	[tilespmem:s26], [sflag:$0x3] =	stream.linear.gather [hbm4b:s25+s4], $0x10, $0x38;
	[tilespmem:$0x10600] =	vst v63  }
0x474: {  	s28 =	sadd.s32 $0x20, s23;
	s29 =	simm.s32 $0x8100  }
0x475: {  	[tilespmem:s29], [sflag:$0x3] =	stream.linear.gather [hbm4b:s28+s4], $0x10, $0x38;
	[tilespmem:$0x10600] =	vst v63  }
0x476: {  	s30 =	sadd.s32 $0x30, s23;
	s31 =	simm.s32 $0x8180  }
0x477: {  	[tilespmem:s31], [sflag:$0x3] =	stream.linear.gather [hbm4b:s30+s4], $0x10, $0x38;
	[tilespmem:$0x10600] =	vst v63  }
0x478: {  	s25 =	sadd.s32 $0x40, s23;
	s26 =	simm.s32 $0x8200  }
0x479: {  	[tilespmem:s26], [sflag:$0x3] =	stream.linear.gather [hbm4b:s25+s4], $0x10, $0x38;
	[tilespmem:$0x10600] =	vst v63  }
0x47a: {  	s28 =	sadd.s32 $0x50, s23;
	s29 =	simm.s32 $0x8280  }
0x47b: {  	[tilespmem:s29], [sflag:$0x3] =	stream.linear.gather [hbm4b:s28+s4], $0x10, $0x38;
	[tilespmem:$0x10600] =	vst v63  }
0x47c: {  	s30 =	sadd.s32 $0x60, s23;
	s31 =	simm.s32 $0x8300  }
0x47d: {  	[tilespmem:s31], [sflag:$0x3] =	stream.linear.gather [hbm4b:s30+s4], $0x10, $0x38;
	[tilespmem:$0x10600] =	vst v63  }
0x47e: {  	s23 =	sadd.s32 $0x70, s23;
	s25 =	simm.s32 $0x8380;
	s26 =	spop (v2sf)  }
0x47f: {  	[tilespmem:s25], [sflag:$0x3] =	stream.linear.gather [hbm4b:s23+s4], $0x10, $0x38;
	[tilespmem:$0x10600] =	vst v63  }
0x480: {  	s28 =	sshll.u32 s26, $0x7;
	s23 =	sshll.u32 s26, $0x4  }
0x481: {  	s24 =	sand.u32 $0xFFFFFC00, s28;
	s23 =	sand.u32 $0x70, s23  }
0x482: {  	s23 =	sor.u32 s23, s24  }
0x483: {  	s23 =	sshrl.u32 s23, $0x3  }
0x484: {  	s29 =	simm.s32 $0x7C10;
	s23 =	sadd.s32 s2, s23  }
0x485: {  	[tilespmem:s29], [sflag:$0x4] =	stream.linear.gather [hbm4b:s23+s4], $0x10, $0x38;
	[tilespmem:$0x10600] =	vst v63  }
0x486: {  	s31 =	simm.s32 $0x7C90;
	s30 =	sadd.s32 $0x10, s23  }
0x487: {  	[tilespmem:s31], [sflag:$0x4] =	stream.linear.gather [hbm4b:s30+s4], $0x10, $0x38;
	[tilespmem:$0x10600] =	vst v63  }
0x488: {  	s26 =	simm.s32 $0x7D10;
	s25 =	sadd.s32 $0x20, s23  }
0x489: {  	[tilespmem:s26], [sflag:$0x4] =	stream.linear.gather [hbm4b:s25+s4], $0x10, $0x38;
	[tilespmem:$0x10600] =	vst v63  }
0x48a: {  	s28 =	sadd.s32 $0x30, s23;
	s29 =	simm.s32 $0x7D90  }
0x48b: {  	[tilespmem:s29], [sflag:$0x4] =	stream.linear.gather [hbm4b:s28+s4], $0x10, $0x38;
	[tilespmem:$0x10600] =	vst v63  }
0x48c: {  	s30 =	sadd.s32 $0x40, s23;
	s31 =	simm.s32 $0x7E10  }
0x48d: {  	[tilespmem:s31], [sflag:$0x4] =	stream.linear.gather [hbm4b:s30+s4], $0x10, $0x38;
	[tilespmem:$0x10600] =	vst v63  }
0x48e: {  	s25 =	sadd.s32 $0x50, s23;
	s26 =	simm.s32 $0x7E90  }
0x48f: {  	[tilespmem:s26], [sflag:$0x4] =	stream.linear.gather [hbm4b:s25+s4], $0x10, $0x38;
	[tilespmem:$0x10600] =	vst v63  }
0x490: {  	s28 =	sadd.s32 $0x60, s23;
	s29 =	simm.s32 $0x7F10  }
0x491: {  	[tilespmem:s29], [sflag:$0x4] =	stream.linear.gather [hbm4b:s28+s4], $0x10, $0x38;
	[tilespmem:$0x10600] =	vst v63  }
0x492: {  	s30 =	sadd.s32 $0x70, s23;
	s31 =	simm.s32 $0x7F90  }
0x493: {  	[tilespmem:s31], [sflag:$0x4] =	stream.linear.gather [hbm4b:s30+s4], $0x10, $0x38;
	[tilespmem:$0x10600] =	vst v63  }
0x494: {  	s24 =	simm.s32 $0x8010;
	s23 =	sadd.s32 $0xF4280, s23  }
0x495: {  	[tilespmem:s24], [sflag:$0x4] =	stream.linear.gather [hbm4b:s23+s4], $0x10, $0x38;
	[tilespmem:$0x10600] =	vst v63  }
0x496: {  	s25 =	sadd.s32 $0x10, s23  }
0x497: {  	[tilespmem:s3], [sflag:$0x4] =	stream.linear.gather [hbm4b:s25+s4], $0x10, $0x38;
	[tilespmem:$0x10600] =	vst v63  }
0x498: {  	s26 =	sadd.s32 $0x20, s23  }
0x499: {  	[tilespmem:s10], [sflag:$0x4] =	stream.linear.gather [hbm4b:s26+s4], $0x10, $0x38;
	[tilespmem:$0x10600] =	vst v63  }
0x49a: {  	s28 =	sadd.s32 $0x30, s23  }
0x49b: {  	[tilespmem:s12], [sflag:$0x4] =	stream.linear.gather [hbm4b:s28+s4], $0x10, $0x38;
	[tilespmem:$0x10600] =	vst v63  }
0x49c: {  	s29 =	sadd.s32 $0x40, s23  }
0x49d: {  	[tilespmem:s13], [sflag:$0x4] =	stream.linear.gather [hbm4b:s29+s4], $0x10, $0x38;
	[tilespmem:$0x10600] =	vst v63  }
0x49e: {  	s30 =	sadd.s32 $0x50, s23  }
0x49f: {  	[tilespmem:s14], [sflag:$0x4] =	stream.linear.gather [hbm4b:s30+s4], $0x10, $0x38;
	[tilespmem:$0x10600] =	vst v63  }
.Ltmp2:
0x4a0: {  	s31 =	sadd.s32 $0x60, s23;
	(pc) =	sbr.rel .LBB2_2-.Ltmp2, $4  }
0x4a1: {  	[tilespmem:s15], [sflag:$0x4] =	stream.linear.gather [hbm4b:s31+s4], $0x10, $0x38;
	[tilespmem:$0x10600] =	vst v63  }
0x4a2: {  	s23 =	sadd.s32 $0x70, s23;
	s24 =	simm.s32 $0x210  }
0x4a3: {  	[tilespmem:s16], [sflag:$0x4] =	stream.linear.gather [hbm4b:s23+s4], $0x10, $0x38;
	[tilespmem:$0x10600] =	vst v63  }
0x4a4: {  	s25 =	simm.s32 $0x0;
	s26 =	simm.s32 $0x0;
	s23 =	simm.s32 $0x10  }
.LBB2_4:
0x4a5: {  	_ =	swait.ge [sflag:s17], $0x800  }
0x4a6: {  	[sflag:s17] =	ssyncset.done $0x0  }
0x4a7: {  	[sflag:s17] =	ssyncadd.s32 $0xFFFFF800  }
0x4a8: {  	_ =	swait.ge [sflag:s18], $0x800  }
0x4a9: {  	[sflag:s18] =	ssyncset.done $0x0  }
0x4aa: {  	[sflag:s18] =	ssyncadd.s32 $0xFFFFF800  }
0x4ab: {  	_ =	swait.ge [sflag:s19], $0x800  }
0x4ac: {  	[sflag:s19] =	ssyncset.done $0x0  }
0x4ad: {  	[sflag:s19] =	ssyncadd.s32 $0xFFFFF800  }
0x4ae: {  	_ =	swait.ge [sflag:s20], $0x800  }
0x4af: {  	[sflag:s20] =	ssyncset.done $0x0  }
0x4b0: {  	[sflag:s20] =	ssyncadd.s32 $0xFFFFF800  }
0x4b1: {  	v1 =	vld [tilespmem:s29+$0x0]  }
0x4b2: {  	v2 =	vld [tilespmem:s29+$0x200];
	_ =	sdelay $0x2  }
0x4b3: {  	s0 =	sshll.u32 s28, $0x4  }
0x4b4: {  	v3 =	vmov s0  }
0x4b5: {  	v3 =	vshll.u32 v3, $0xB;
	v1 =	vadd.s32 $0xFFFFFFFF, v1;
	v2 =	vadd.s32 $0xFFFFFFFF, v2  }
0x4b6: {  	v3 =	vor.u32 v0, v3;
	v1 =	vand.u32 $0xF, v1;
	v2 =	vand.u32 $0xF, v2  }
0x4b7: {  	v2 =	vor.u32 $0x10, v2;
	v4 =	vor.u32 v3, v1  }
0x4b8: {  	v6 =	vor.u32 $0x80, v3;
	v5 =	vor.u32 v3, v2  }
0x4b9: {  	v7 =	vor.u32 v6, v1  }
0x4ba: {  	v8 =	vor.u32 $0x100, v3;
	v6 =	vor.u32 v6, v2  }
0x4bb: {  	v9 =	vor.u32 v8, v1  }
0x4bc: {  	v10 =	vor.u32 $0x180, v3;
	v8 =	vor.u32 v8, v2;
	v4 =	vld.idx.msk [tilespmem:v4+s11+$0x0], $0xffff  }
0x4bd: {  	v11 =	vor.u32 v10, v1;
	v5 =	vld.idx.msk [tilespmem:v5+s11+$0x0], $0xffff  }
0x4be: {  	v12 =	vor.u32 $0x200, v3;
	v10 =	vor.u32 v10, v2;
	v7 =	vld.idx.msk [tilespmem:v7+s11+$0x0], $0xffff  }
0x4bf: {  	v13 =	vor.u32 v12, v1;
	v6 =	vld.idx.msk [tilespmem:v6+s11+$0x0], $0xffff  }
0x4c0: {  	v14 =	vor.u32 $0x280, v3;
	v12 =	vor.u32 v12, v2;
	v9 =	vld.idx.msk [tilespmem:v9+s11+$0x0], $0xffff  }
0x4c1: {  	v62 =	vor.u32 v14, v1;
	v61 =	vld.idx.msk [tilespmem:v8+s11+$0x0], $0xffff  }
0x4c2: {  	v15 =	vor.u32 $0x300, v3;
	v14 =	vor.u32 v14, v2;
	v11 =	vld.idx.msk [tilespmem:v11+s11+$0x0], $0xffff;
	v4 =	vmul.f32 v5, v4  }
0x4c3: {  	v16 =	vor.u32 $0x380, v3;
	v20 =	vor.u32 v15, v1;
	v63 =	vld.idx.msk [tilespmem:v10+s11+$0x0], $0xffff  }
0x4c4: {  	v15 =	vor.u32 v15, v2;
	v13 =	vld.idx.msk [tilespmem:v13+s11+$0x0], $0xffff;
	v6 =	vmul.f32 v6, v7;
	v4 =	vadd.f32 $0.0e+00, v4  }
0x4c5: {  	v24 =	vor.u32 $0x400, v3;
	v22 =	vor.u32 v16, v1;
	v21 =	vld.idx.msk [tilespmem:v12+s11+$0x0], $0xffff  }
0x4c6: {  	v23 =	vor.u32 v16, v2;
	v8 =	vld.idx.msk [tilespmem:v62+s11+$0x0], $0xffff;
	v5 =	vmul.f32 v61, v9;
	v4 =	vadd.f32 v6, v4  }
0x4c7: {  	v29 =	vor.u32 $0x480, v3;
	v17 =	vor.u32 v24, v1;
	v14 =	vld.idx.msk [tilespmem:v14+s11+$0x0], $0xffff  }
0x4c8: {  	v27 =	vor.u32 v24, v2;
	v26 =	vld.idx.msk [tilespmem:v20+s11+$0x0], $0xffff;
	v25 =	vmul.f32 v63, v11;
	v4 =	vadd.f32 v5, v4  }
0x4c9: {  	v34 =	vor.u32 $0x500, v3;
	v32 =	vor.u32 v29, v1;
	v28 =	vld.idx.msk [tilespmem:v15+s11+$0x0], $0xffff  }
0x4ca: {  	v33 =	vor.u32 v29, v2;
	v31 =	vld.idx.msk [tilespmem:v22+s11+$0x0], $0xffff;
	v30 =	vmul.f32 v21, v13;
	v4 =	vadd.f32 v25, v4  }
0x4cb: {  	v38 =	vor.u32 $0x580, v3;
	v37 =	vor.u32 v34, v1;
	v9 =	vld.idx.msk [tilespmem:v23+s11+$0x0], $0xffff  }
0x4cc: {  	v36 =	vld.idx.msk [tilespmem:v17+s11+$0x0], $0xffff;
	v15 =	vor.u32 v34, v2;
	v35 =	vmul.f32 v14, v8;
	v4 =	vadd.f32 v30, v4  }
0x4cd: {  	v43 =	vor.u32 $0x600, v3;
	v42 =	vor.u32 v38, v2;
	v10 =	vld.idx.msk [tilespmem:v27+s11+$0x0], $0xffff  }
0x4ce: {  	v40 =	vor.u32 v38, v1;
	v41 =	vld.idx.msk [tilespmem:v32+s11+$0x0], $0xffff;
	v39 =	vmul.f32 v28, v26;
	v4 =	vadd.f32 v35, v4  }
0x4cf: {  	v49 =	vor.u32 $0x680, v3;
	v48 =	vor.u32 v43, v2;
	v45 =	vld.idx.msk [tilespmem:v33+s11+$0x0], $0xffff  }
0x4d0: {  	v46 =	vor.u32 v43, v1;
	v47 =	vld.idx.msk [tilespmem:v37+s11+$0x0], $0xffff;
	v44 =	vmul.f32 v9, v31;
	v4 =	vadd.f32 v39, v4  }
0x4d1: {  	v54 =	vor.u32 $0x700, v3;
	v52 =	vor.u32 v49, v1;
	v51 =	vld.idx.msk [tilespmem:v15+s11+$0x0], $0xffff  }
0x4d2: {  	v53 =	vor.u32 v49, v2;
	v55 =	vld.idx.msk [tilespmem:v42+s11+$0x0], $0xffff;
	v50 =	vmul.f32 v10, v36;
	v4 =	vadd.f32 v44, v4  }
0x4d3: {  	v56 =	vor.u32 v54, v1;
	v57 =	vor.u32 v54, v2;
	v7 =	vld.idx.msk [tilespmem:v40+s11+$0x0], $0xffff  }
0x4d4: {  	v3 =	vor.u32 $0x780, v3;
	v14 =	vld.idx.msk [tilespmem:v48+s11+$0x0], $0xffff;
	v6 =	vmul.f32 v45, v41;
	v4 =	vadd.f32 v50, v4  }
0x4d5: {  	v1 =	vor.u32 v3, v1;
	v9 =	vld.idx.msk [tilespmem:v46+s11+$0x0], $0xffff  }
0x4d6: {  	v2 =	vor.u32 v3, v2;
	v3 =	vld.idx.msk [tilespmem:v52+s11+$0x0], $0xffff;
	v58 =	vmul.f32 v51, v47;
	v4 =	vadd.f32 v6, v4  }
0x4d7: {  	v59 =	vld.idx.msk [tilespmem:v53+s11+$0x0], $0xffff  }
0x4d8: {  	v60 =	vld.idx.msk [tilespmem:v56+s11+$0x0], $0xffff;
	v5 =	vmul.f32 v55, v7;
	v4 =	vadd.f32 v58, v4  }
0x4d9: {  	v61 =	vld.idx.msk [tilespmem:v57+s11+$0x0], $0xffff  }
0x4da: {  	v1 =	vld.idx.msk [tilespmem:v1+s11+$0x0], $0xffff;
	v62 =	vmul.f32 v14, v9;
	v4 =	vadd.f32 v5, v4  }
0x4db: {  	v2 =	vld.idx.msk [tilespmem:v2+s11+$0x0], $0xffff  }
0x4dc: {  	v3 =	vmul.f32 v59, v3;
	v4 =	vadd.f32 v62, v4;
	_ =	sdelay $0x1  }
0x4dd: {  	v63 =	vmul.f32 v61, v60;
	v3 =	vadd.f32 v3, v4;
	_ =	sdelay $0x1  }
0x4de: {  	s25 =	sadd.s32 $0x10, s25;
	v1 =	vmul.f32 v2, v1;
	v3 =	vadd.f32 v63, v3  }
0x4df: {  	p0 =	sne.s32 s25, $0x200  }
.Ltmp3:
0x4e0: {  	v1 =	vadd.f32 v1, v3;
	(pc) =	sbr.rel @!p0 .LBB2_5-.Ltmp3, $3  }
0x4e1: {  	_ = 	snop  }
0x4e2: {  	v1 =	vmul.f32 $5.000000000e+00, v1;
	_ =	sdelay $0x1  }
0x4e3: {  	s26 =	sadd.s32 $0x1, s26;
	s23 =	sadd.s32 $0x10, s23;
	s24 =	sadd.s32 $0x10, s24;
	[tilespmem:s29+$0x10400] =	vst v1  }
.LBB2_2:
0x4e4: {  	p0 =	seq.s32 s25, $0x1F0  }
.Ltmp4:
0x4e5: {  	_ = 	snop;
	(pc) =	sbr.rel @p0 .LBB2_4-.Ltmp4, $2  }
0x4e6: {  	_ =	sdelay $0x2  }
0x4e7: {  	s28 =	sand.u32 $0x1, s26;
	s29 =	simm.s32 $0x1F0  }
0x4e8: {  	v1 =	vld [tilespmem:s23+$0x0];
	_ =	sdelay $0x4  }
0x4e9: {  	v1 =	vadd.s32 $0xFFFFFFFF, v1  }
0x4ea: {  	v2 =	vshra.s32 v1, $0x4  }
0x4eb: {  	(v2sf) =	vpush v2, $0x0;
	_ =	sdelay $0xe  }
0x4ec: {  	s29 =	spop (v2sf)  }
0x4ed: {  	s30 =	sshll.u32 s29, $0x7;
	s29 =	sshll.u32 s29, $0x4  }
0x4ee: {  	s30 =	sand.u32 $0xFFFFFC00, s30;
	s29 =	sand.u32 $0x70, s29  }
0x4ef: {  	s30 =	sor.u32 s29, s30  }
0x4f0: {  	s29 =	sshll.u32 s28, $0xF;
	s30 =	sshrl.u32 s30, $0x3  }
0x4f1: {  	s31 =	sxor.u32 $0x8400, s29;
	s30 =	sadd.s32 s1, s30  }
0x4f2: {  	v1 =	vld [tilespmem:s24+$0x0];
	[tilespmem:s31], [sflag:$0x1] =	stream.linear.gather [hbm4b:s30+s4], $0x10, $0x38  }
0x4f3: {  	s0 =	sxor.u32 $0x8480, s29;
	s31 =	sadd.s32 $0x10, s30  }
0x4f4: {  	[tilespmem:s0], [sflag:$0x1] =	stream.linear.gather [hbm4b:s31+s4], $0x10, $0x38;
	[tilespmem:$0x10600] =	vst v63  }
0x4f5: {  	s0 =	sadd.s32 $0x20, s30;
	s31 =	sxor.u32 $0x8500, s29  }
0x4f6: {  	[tilespmem:s31], [sflag:$0x1] =	stream.linear.gather [hbm4b:s0+s4], $0x10, $0x38;
	[tilespmem:$0x10600] =	vst v63  }
0x4f7: {  	s0 =	sadd.s32 $0x30, s30;
	s31 =	sxor.u32 $0x8580, s29  }
0x4f8: {  	[tilespmem:s31], [sflag:$0x1] =	stream.linear.gather [hbm4b:s0+s4], $0x10, $0x38;
	[tilespmem:$0x10600] =	vst v63  }
0x4f9: {  	s0 =	sadd.s32 $0x40, s30;
	s31 =	sxor.u32 $0x8600, s29  }
0x4fa: {  	[tilespmem:s31], [sflag:$0x1] =	stream.linear.gather [hbm4b:s0+s4], $0x10, $0x38;
	[tilespmem:$0x10600] =	vst v63  }
0x4fb: {  	s0 =	sadd.s32 $0x50, s30;
	s31 =	sxor.u32 $0x8680, s29  }
0x4fc: {  	[tilespmem:s31], [sflag:$0x1] =	stream.linear.gather [hbm4b:s0+s4], $0x10, $0x38;
	[tilespmem:$0x10600] =	vst v63  }
0x4fd: {  	s0 =	sadd.s32 $0x60, s30;
	s31 =	sxor.u32 $0x8700, s29  }
0x4fe: {  	[tilespmem:s31], [sflag:$0x1] =	stream.linear.gather [hbm4b:s0+s4], $0x10, $0x38;
	[tilespmem:$0x10600] =	vst v63  }
0x4ff: {  	s0 =	sadd.s32 $0x70, s30;
	s31 =	sxor.u32 $0x8780, s29  }
0x500: {  	v1 =	vadd.s32 $0xFFFFFFFF, v1;
	[tilespmem:s31], [sflag:$0x1] =	stream.linear.gather [hbm4b:s0+s4], $0x10, $0x38;
	[tilespmem:$0x10600] =	vst v63  }
0x501: {  	v1 =	vshra.s32 v1, $0x4;
	s0 =	sadd.s32 $0xF4280, s30;
	s31 =	sxor.u32 $0x8800, s29  }
0x502: {  	(v2sf) =	vpush v1, $0x0;
	[tilespmem:s31], [sflag:$0x1] =	stream.linear.gather [hbm4b:s0+s4], $0x10, $0x38;
	[tilespmem:$0x10600] =	vst v63  }
0x503: {  	s30 =	sadd.s32 $0x10, s0;
	s31 =	sxor.u32 $0x8880, s29  }
0x504: {  	[tilespmem:s31], [sflag:$0x1] =	stream.linear.gather [hbm4b:s30+s4], $0x10, $0x38;
	[tilespmem:$0x10600] =	vst v63  }
0x505: {  	s30 =	sadd.s32 $0x20, s0;
	s31 =	sxor.u32 $0x8900, s29  }
0x506: {  	[tilespmem:s31], [sflag:$0x1] =	stream.linear.gather [hbm4b:s30+s4], $0x10, $0x38;
	[tilespmem:$0x10600] =	vst v63  }
0x507: {  	s30 =	sadd.s32 $0x30, s0;
	s31 =	sxor.u32 $0x8980, s29  }
0x508: {  	[tilespmem:s31], [sflag:$0x1] =	stream.linear.gather [hbm4b:s30+s4], $0x10, $0x38;
	[tilespmem:$0x10600] =	vst v63  }
0x509: {  	s30 =	sadd.s32 $0x40, s0;
	s31 =	sxor.u32 $0x8A00, s29  }
0x50a: {  	[tilespmem:s31], [sflag:$0x1] =	stream.linear.gather [hbm4b:s30+s4], $0x10, $0x38;
	[tilespmem:$0x10600] =	vst v63  }
0x50b: {  	s30 =	sadd.s32 $0x50, s0;
	s31 =	sxor.u32 $0x8A80, s29  }
0x50c: {  	[tilespmem:s31], [sflag:$0x1] =	stream.linear.gather [hbm4b:s30+s4], $0x10, $0x38;
	[tilespmem:$0x10600] =	vst v63  }
0x50d: {  	s30 =	sadd.s32 $0x60, s0;
	s31 =	sxor.u32 $0x8B00, s29  }
0x50e: {  	[tilespmem:s31], [sflag:$0x1] =	stream.linear.gather [hbm4b:s30+s4], $0x10, $0x38;
	[tilespmem:$0x10600] =	vst v63  }
0x50f: {  	s0 =	sadd.s32 $0x70, s0;
	s31 =	sxor.u32 $0x8B80, s29  }
0x510: {  	[tilespmem:s31], [sflag:$0x1] =	stream.linear.gather [hbm4b:s0+s4], $0x10, $0x38;
	[tilespmem:$0x10600] =	vst v63  }
0x511: {  	s0 =	spop (v2sf)  }
0x512: {  	s31 =	sshll.u32 s0, $0x7;
	s0 =	sshll.u32 s0, $0x4  }
0x513: {  	s30 =	sand.u32 $0xFFFFFC00, s31;
	s0 =	sand.u32 $0x70, s0  }
0x514: {  	s0 =	sor.u32 s0, s30  }
0x515: {  	s0 =	sshrl.u32 s0, $0x3  }
0x516: {  	s31 =	sxor.u32 $0x8410, s29;
	s0 =	sadd.s32 s2, s0  }
0x517: {  	[tilespmem:s31], [sflag:$0x2] =	stream.linear.gather [hbm4b:s0+s4], $0x10, $0x38;
	[tilespmem:$0x10600] =	vst v63  }
0x518: {  	s30 =	sadd.s32 $0x10, s0;
	s31 =	sxor.u32 $0x8490, s29  }
0x519: {  	[tilespmem:s31], [sflag:$0x2] =	stream.linear.gather [hbm4b:s30+s4], $0x10, $0x38;
	[tilespmem:$0x10600] =	vst v63  }
0x51a: {  	s30 =	sadd.s32 $0x20, s0;
	s31 =	sxor.u32 $0x8510, s29  }
0x51b: {  	[tilespmem:s31], [sflag:$0x2] =	stream.linear.gather [hbm4b:s30+s4], $0x10, $0x38;
	[tilespmem:$0x10600] =	vst v63  }
0x51c: {  	s30 =	sadd.s32 $0x30, s0;
	s31 =	sxor.u32 $0x8590, s29  }
0x51d: {  	[tilespmem:s31], [sflag:$0x2] =	stream.linear.gather [hbm4b:s30+s4], $0x10, $0x38;
	[tilespmem:$0x10600] =	vst v63  }
0x51e: {  	s30 =	sadd.s32 $0x40, s0;
	s31 =	sxor.u32 $0x8610, s29  }
0x51f: {  	[tilespmem:s31], [sflag:$0x2] =	stream.linear.gather [hbm4b:s30+s4], $0x10, $0x38;
	[tilespmem:$0x10600] =	vst v63  }
0x520: {  	s30 =	sadd.s32 $0x50, s0;
	s31 =	sxor.u32 $0x8690, s29  }
0x521: {  	[tilespmem:s31], [sflag:$0x2] =	stream.linear.gather [hbm4b:s30+s4], $0x10, $0x38;
	[tilespmem:$0x10600] =	vst v63  }
0x522: {  	s30 =	sadd.s32 $0x60, s0;
	s31 =	sxor.u32 $0x8710, s29  }
0x523: {  	[tilespmem:s31], [sflag:$0x2] =	stream.linear.gather [hbm4b:s30+s4], $0x10, $0x38;
	[tilespmem:$0x10600] =	vst v63  }
0x524: {  	s30 =	sadd.s32 $0x70, s0;
	s31 =	sxor.u32 $0x8790, s29  }
0x525: {  	[tilespmem:s31], [sflag:$0x2] =	stream.linear.gather [hbm4b:s30+s4], $0x10, $0x38;
	[tilespmem:$0x10600] =	vst v63  }
0x526: {  	s0 =	sadd.s32 $0xF4280, s0;
	s31 =	sxor.u32 $0x8810, s29  }
0x527: {  	(v2sf) =	vpush v2, $0x1;
	[tilespmem:s31], [sflag:$0x2] =	stream.linear.gather [hbm4b:s0+s4], $0x10, $0x38;
	[tilespmem:$0x10600] =	vst v63  }
0x528: {  	s30 =	sadd.s32 $0x10, s0;
	s31 =	sxor.u32 $0x8890, s29  }
0x529: {  	[tilespmem:s31], [sflag:$0x2] =	stream.linear.gather [hbm4b:s30+s4], $0x10, $0x38;
	[tilespmem:$0x10600] =	vst v63  }
0x52a: {  	s30 =	sadd.s32 $0x20, s0;
	s31 =	sxor.u32 $0x8910, s29  }
0x52b: {  	[tilespmem:s31], [sflag:$0x2] =	stream.linear.gather [hbm4b:s30+s4], $0x10, $0x38;
	[tilespmem:$0x10600] =	vst v63  }
0x52c: {  	s30 =	sadd.s32 $0x30, s0;
	s31 =	sxor.u32 $0x8990, s29  }
0x52d: {  	[tilespmem:s31], [sflag:$0x2] =	stream.linear.gather [hbm4b:s30+s4], $0x10, $0x38;
	[tilespmem:$0x10600] =	vst v63  }
0x52e: {  	s30 =	sadd.s32 $0x40, s0;
	s31 =	sxor.u32 $0x8A10, s29  }
0x52f: {  	[tilespmem:s31], [sflag:$0x2] =	stream.linear.gather [hbm4b:s30+s4], $0x10, $0x38;
	[tilespmem:$0x10600] =	vst v63  }
0x530: {  	s30 =	sadd.s32 $0x50, s0;
	s31 =	sxor.u32 $0x8A90, s29  }
0x531: {  	[tilespmem:s31], [sflag:$0x2] =	stream.linear.gather [hbm4b:s30+s4], $0x10, $0x38;
	[tilespmem:$0x10600] =	vst v63  }
0x532: {  	s30 =	sadd.s32 $0x60, s0;
	s31 =	sxor.u32 $0x8B10, s29  }
0x533: {  	[tilespmem:s31], [sflag:$0x2] =	stream.linear.gather [hbm4b:s30+s4], $0x10, $0x38;
	[tilespmem:$0x10600] =	vst v63  }
0x534: {  	s0 =	sadd.s32 $0x70, s0;
	s31 =	sxor.u32 $0x8B90, s29  }
0x535: {  	[tilespmem:s31], [sflag:$0x2] =	stream.linear.gather [hbm4b:s0+s4], $0x10, $0x38;
	[tilespmem:$0x10600] =	vst v63  }
0x536: {  	s0 =	spop (v2sf)  }
0x537: {  	s31 =	sshll.u32 s0, $0x7;
	s0 =	sshll.u32 s0, $0x4  }
0x538: {  	s30 =	sand.u32 $0xFFFFFC00, s31;
	s0 =	sand.u32 $0x70, s0  }
0x539: {  	s0 =	sor.u32 s0, s30  }
0x53a: {  	s0 =	sshrl.u32 s0, $0x3  }
0x53b: {  	s31 =	sxor.u32 $0x8C00, s29;
	s0 =	sadd.s32 s1, s0  }
0x53c: {  	[tilespmem:s31], [sflag:$0x3] =	stream.linear.gather [hbm4b:s0+s4], $0x10, $0x38;
	[tilespmem:$0x10600] =	vst v63  }
0x53d: {  	s30 =	sadd.s32 $0x10, s0;
	s31 =	sxor.u32 $0x8C80, s29  }
0x53e: {  	[tilespmem:s31], [sflag:$0x3] =	stream.linear.gather [hbm4b:s30+s4], $0x10, $0x38;
	[tilespmem:$0x10600] =	vst v63  }
0x53f: {  	s30 =	sadd.s32 $0x20, s0;
	s31 =	sxor.u32 $0x8D00, s29  }
0x540: {  	[tilespmem:s31], [sflag:$0x3] =	stream.linear.gather [hbm4b:s30+s4], $0x10, $0x38;
	[tilespmem:$0x10600] =	vst v63  }
0x541: {  	s30 =	sadd.s32 $0x30, s0;
	s31 =	sxor.u32 $0x8D80, s29  }
0x542: {  	[tilespmem:s31], [sflag:$0x3] =	stream.linear.gather [hbm4b:s30+s4], $0x10, $0x38;
	[tilespmem:$0x10600] =	vst v63  }
0x543: {  	s30 =	sadd.s32 $0x40, s0;
	s31 =	sxor.u32 $0x8E00, s29  }
0x544: {  	[tilespmem:s31], [sflag:$0x3] =	stream.linear.gather [hbm4b:s30+s4], $0x10, $0x38;
	[tilespmem:$0x10600] =	vst v63  }
0x545: {  	s30 =	sadd.s32 $0x50, s0;
	s31 =	sxor.u32 $0x8E80, s29  }
0x546: {  	[tilespmem:s31], [sflag:$0x3] =	stream.linear.gather [hbm4b:s30+s4], $0x10, $0x38;
	[tilespmem:$0x10600] =	vst v63  }
0x547: {  	s30 =	sadd.s32 $0x60, s0;
	s31 =	sxor.u32 $0x8F00, s29  }
0x548: {  	[tilespmem:s31], [sflag:$0x3] =	stream.linear.gather [hbm4b:s30+s4], $0x10, $0x38;
	[tilespmem:$0x10600] =	vst v63  }
0x549: {  	s30 =	sadd.s32 $0x70, s0;
	s31 =	sxor.u32 $0x8F80, s29  }
0x54a: {  	[tilespmem:s31], [sflag:$0x3] =	stream.linear.gather [hbm4b:s30+s4], $0x10, $0x38;
	[tilespmem:$0x10600] =	vst v63  }
0x54b: {  	s0 =	sadd.s32 $0xF4280, s0;
	s31 =	sxor.u32 $0x9000, s29  }
0x54c: {  	(v2sf) =	vpush v1, $0x1;
	[tilespmem:s31], [sflag:$0x3] =	stream.linear.gather [hbm4b:s0+s4], $0x10, $0x38;
	[tilespmem:$0x10600] =	vst v63  }
0x54d: {  	s30 =	sadd.s32 $0x10, s0;
	s31 =	sxor.u32 $0x9080, s29  }
0x54e: {  	[tilespmem:s31], [sflag:$0x3] =	stream.linear.gather [hbm4b:s30+s4], $0x10, $0x38;
	[tilespmem:$0x10600] =	vst v63  }
0x54f: {  	s30 =	sadd.s32 $0x20, s0;
	s31 =	sxor.u32 $0x9100, s29  }
0x550: {  	[tilespmem:s31], [sflag:$0x3] =	stream.linear.gather [hbm4b:s30+s4], $0x10, $0x38;
	[tilespmem:$0x10600] =	vst v63  }
0x551: {  	s30 =	sadd.s32 $0x30, s0;
	s31 =	sxor.u32 $0x9180, s29  }
0x552: {  	[tilespmem:s31], [sflag:$0x3] =	stream.linear.gather [hbm4b:s30+s4], $0x10, $0x38;
	[tilespmem:$0x10600] =	vst v63  }
0x553: {  	s30 =	sadd.s32 $0x40, s0;
	s31 =	sxor.u32 $0x9200, s29  }
0x554: {  	[tilespmem:s31], [sflag:$0x3] =	stream.linear.gather [hbm4b:s30+s4], $0x10, $0x38;
	[tilespmem:$0x10600] =	vst v63  }
0x555: {  	s30 =	sadd.s32 $0x50, s0;
	s31 =	sxor.u32 $0x9280, s29  }
0x556: {  	[tilespmem:s31], [sflag:$0x3] =	stream.linear.gather [hbm4b:s30+s4], $0x10, $0x38;
	[tilespmem:$0x10600] =	vst v63  }
0x557: {  	s30 =	sadd.s32 $0x60, s0;
	s31 =	sxor.u32 $0x9300, s29  }
0x558: {  	[tilespmem:s31], [sflag:$0x3] =	stream.linear.gather [hbm4b:s30+s4], $0x10, $0x38;
	[tilespmem:$0x10600] =	vst v63  }
0x559: {  	s0 =	sadd.s32 $0x70, s0;
	s31 =	sxor.u32 $0x9380, s29  }
0x55a: {  	[tilespmem:s31], [sflag:$0x3] =	stream.linear.gather [hbm4b:s0+s4], $0x10, $0x38;
	[tilespmem:$0x10600] =	vst v63  }
0x55b: {  	s0 =	spop (v2sf)  }
0x55c: {  	s31 =	sshll.u32 s0, $0x7;
	s0 =	sshll.u32 s0, $0x4  }
0x55d: {  	s30 =	sand.u32 $0xFFFFFC00, s31;
	s0 =	sand.u32 $0x70, s0  }
0x55e: {  	s0 =	sor.u32 s0, s30  }
0x55f: {  	s0 =	sshrl.u32 s0, $0x3  }
0x560: {  	s31 =	sxor.u32 $0x8C10, s29;
	s0 =	sadd.s32 s2, s0  }
0x561: {  	[tilespmem:s31], [sflag:$0x4] =	stream.linear.gather [hbm4b:s0+s4], $0x10, $0x38;
	[tilespmem:$0x10600] =	vst v63  }
0x562: {  	s30 =	sadd.s32 $0x10, s0;
	s31 =	sxor.u32 $0x8C90, s29  }
0x563: {  	[tilespmem:s31], [sflag:$0x4] =	stream.linear.gather [hbm4b:s30+s4], $0x10, $0x38;
	[tilespmem:$0x10600] =	vst v63  }
0x564: {  	s30 =	sadd.s32 $0x20, s0;
	s31 =	sxor.u32 $0x8D10, s29  }
0x565: {  	[tilespmem:s31], [sflag:$0x4] =	stream.linear.gather [hbm4b:s30+s4], $0x10, $0x38;
	[tilespmem:$0x10600] =	vst v63  }
0x566: {  	s30 =	sadd.s32 $0x30, s0;
	s31 =	sxor.u32 $0x8D90, s29  }
0x567: {  	[tilespmem:s31], [sflag:$0x4] =	stream.linear.gather [hbm4b:s30+s4], $0x10, $0x38;
	[tilespmem:$0x10600] =	vst v63  }
0x568: {  	s30 =	sadd.s32 $0x40, s0;
	s31 =	sxor.u32 $0x8E10, s29  }
0x569: {  	[tilespmem:s31], [sflag:$0x4] =	stream.linear.gather [hbm4b:s30+s4], $0x10, $0x38;
	[tilespmem:$0x10600] =	vst v63  }
0x56a: {  	s30 =	sadd.s32 $0x50, s0;
	s31 =	sxor.u32 $0x8E90, s29  }
0x56b: {  	[tilespmem:s31], [sflag:$0x4] =	stream.linear.gather [hbm4b:s30+s4], $0x10, $0x38;
	[tilespmem:$0x10600] =	vst v63  }
0x56c: {  	s30 =	sadd.s32 $0x60, s0;
	s31 =	sxor.u32 $0x8F10, s29  }
0x56d: {  	[tilespmem:s31], [sflag:$0x4] =	stream.linear.gather [hbm4b:s30+s4], $0x10, $0x38;
	[tilespmem:$0x10600] =	vst v63  }
0x56e: {  	s30 =	sadd.s32 $0x70, s0;
	s31 =	sxor.u32 $0x8F90, s29  }
0x56f: {  	[tilespmem:s31], [sflag:$0x4] =	stream.linear.gather [hbm4b:s30+s4], $0x10, $0x38;
	[tilespmem:$0x10600] =	vst v63  }
0x570: {  	s0 =	sadd.s32 $0xF4280, s0;
	s31 =	sxor.u32 $0x9010, s29  }
0x571: {  	(v2sf) =	vpush v2, $0x2;
	[tilespmem:s31], [sflag:$0x4] =	stream.linear.gather [hbm4b:s0+s4], $0x10, $0x38;
	[tilespmem:$0x10600] =	vst v63  }
0x572: {  	s30 =	sadd.s32 $0x10, s0;
	s31 =	sxor.u32 $0x9090, s29  }
0x573: {  	[tilespmem:s31], [sflag:$0x4] =	stream.linear.gather [hbm4b:s30+s4], $0x10, $0x38;
	[tilespmem:$0x10600] =	vst v63  }
0x574: {  	s30 =	sadd.s32 $0x20, s0;
	s31 =	sxor.u32 $0x9110, s29  }
0x575: {  	[tilespmem:s31], [sflag:$0x4] =	stream.linear.gather [hbm4b:s30+s4], $0x10, $0x38;
	[tilespmem:$0x10600] =	vst v63  }
0x576: {  	s30 =	sadd.s32 $0x30, s0;
	s31 =	sxor.u32 $0x9190, s29  }
0x577: {  	[tilespmem:s31], [sflag:$0x4] =	stream.linear.gather [hbm4b:s30+s4], $0x10, $0x38;
	[tilespmem:$0x10600] =	vst v63  }
0x578: {  	s30 =	sadd.s32 $0x40, s0;
	s31 =	sxor.u32 $0x9210, s29  }
0x579: {  	[tilespmem:s31], [sflag:$0x4] =	stream.linear.gather [hbm4b:s30+s4], $0x10, $0x38;
	[tilespmem:$0x10600] =	vst v63  }
0x57a: {  	s30 =	sadd.s32 $0x50, s0;
	s31 =	sxor.u32 $0x9290, s29  }
0x57b: {  	[tilespmem:s31], [sflag:$0x4] =	stream.linear.gather [hbm4b:s30+s4], $0x10, $0x38;
	[tilespmem:$0x10600] =	vst v63  }
0x57c: {  	s30 =	sadd.s32 $0x60, s0;
	s31 =	sxor.u32 $0x9310, s29  }
0x57d: {  	[tilespmem:s31], [sflag:$0x4] =	stream.linear.gather [hbm4b:s30+s4], $0x10, $0x38;
	[tilespmem:$0x10600] =	vst v63  }
0x57e: {  	s0 =	sadd.s32 $0x70, s0;
	s31 =	sxor.u32 $0x9390, s29  }
0x57f: {  	[tilespmem:s31], [sflag:$0x4] =	stream.linear.gather [hbm4b:s0+s4], $0x10, $0x38;
	[tilespmem:$0x10600] =	vst v63  }
0x580: {  	s0 =	spop (v2sf)  }
0x581: {  	s31 =	sshll.u32 s0, $0x7;
	s0 =	sshll.u32 s0, $0x4  }
0x582: {  	s30 =	sand.u32 $0xFFFFFC00, s31;
	s0 =	sand.u32 $0x70, s0  }
0x583: {  	s0 =	sor.u32 s0, s30  }
0x584: {  	s0 =	sshrl.u32 s0, $0x3  }
0x585: {  	s31 =	sxor.u32 $0x9400, s29;
	s0 =	sadd.s32 s1, s0  }
0x586: {  	[tilespmem:s31], [sflag:$0x1] =	stream.linear.gather [hbm4b:s0+s4], $0x10, $0x38;
	[tilespmem:$0x10600] =	vst v63  }
0x587: {  	s30 =	sadd.s32 $0x10, s0;
	s31 =	sxor.u32 $0x9480, s29  }
0x588: {  	[tilespmem:s31], [sflag:$0x1] =	stream.linear.gather [hbm4b:s30+s4], $0x10, $0x38;
	[tilespmem:$0x10600] =	vst v63  }
0x589: {  	s30 =	sadd.s32 $0x20, s0;
	s31 =	sxor.u32 $0x9500, s29  }
0x58a: {  	[tilespmem:s31], [sflag:$0x1] =	stream.linear.gather [hbm4b:s30+s4], $0x10, $0x38;
	[tilespmem:$0x10600] =	vst v63  }
0x58b: {  	s30 =	sadd.s32 $0x30, s0;
	s31 =	sxor.u32 $0x9580, s29  }
0x58c: {  	[tilespmem:s31], [sflag:$0x1] =	stream.linear.gather [hbm4b:s30+s4], $0x10, $0x38;
	[tilespmem:$0x10600] =	vst v63  }
0x58d: {  	s30 =	sadd.s32 $0x40, s0;
	s31 =	sxor.u32 $0x9600, s29  }
0x58e: {  	[tilespmem:s31], [sflag:$0x1] =	stream.linear.gather [hbm4b:s30+s4], $0x10, $0x38;
	[tilespmem:$0x10600] =	vst v63  }
0x58f: {  	s30 =	sadd.s32 $0x50, s0;
	s31 =	sxor.u32 $0x9680, s29  }
0x590: {  	[tilespmem:s31], [sflag:$0x1] =	stream.linear.gather [hbm4b:s30+s4], $0x10, $0x38;
	[tilespmem:$0x10600] =	vst v63  }
0x591: {  	s30 =	sadd.s32 $0x60, s0;
	s31 =	sxor.u32 $0x9700, s29  }
0x592: {  	[tilespmem:s31], [sflag:$0x1] =	stream.linear.gather [hbm4b:s30+s4], $0x10, $0x38;
	[tilespmem:$0x10600] =	vst v63  }
0x593: {  	s30 =	sadd.s32 $0x70, s0;
	s31 =	sxor.u32 $0x9780, s29  }
0x594: {  	[tilespmem:s31], [sflag:$0x1] =	stream.linear.gather [hbm4b:s30+s4], $0x10, $0x38;
	[tilespmem:$0x10600] =	vst v63  }
0x595: {  	s0 =	sadd.s32 $0xF4280, s0;
	s31 =	sxor.u32 $0x9800, s29  }
0x596: {  	(v2sf) =	vpush v1, $0x2;
	[tilespmem:s31], [sflag:$0x1] =	stream.linear.gather [hbm4b:s0+s4], $0x10, $0x38;
	[tilespmem:$0x10600] =	vst v63  }
0x597: {  	s30 =	sadd.s32 $0x10, s0;
	s31 =	sxor.u32 $0x9880, s29  }
0x598: {  	[tilespmem:s31], [sflag:$0x1] =	stream.linear.gather [hbm4b:s30+s4], $0x10, $0x38;
	[tilespmem:$0x10600] =	vst v63  }
0x599: {  	s30 =	sadd.s32 $0x20, s0;
	s31 =	sxor.u32 $0x9900, s29  }
0x59a: {  	[tilespmem:s31], [sflag:$0x1] =	stream.linear.gather [hbm4b:s30+s4], $0x10, $0x38;
	[tilespmem:$0x10600] =	vst v63  }
0x59b: {  	s30 =	sadd.s32 $0x30, s0;
	s31 =	sxor.u32 $0x9980, s29  }
0x59c: {  	[tilespmem:s31], [sflag:$0x1] =	stream.linear.gather [hbm4b:s30+s4], $0x10, $0x38;
	[tilespmem:$0x10600] =	vst v63  }
0x59d: {  	s30 =	sadd.s32 $0x40, s0;
	s31 =	sxor.u32 $0x9A00, s29  }
0x59e: {  	[tilespmem:s31], [sflag:$0x1] =	stream.linear.gather [hbm4b:s30+s4], $0x10, $0x38;
	[tilespmem:$0x10600] =	vst v63  }
0x59f: {  	s30 =	sadd.s32 $0x50, s0;
	s31 =	sxor.u32 $0x9A80, s29  }
0x5a0: {  	[tilespmem:s31], [sflag:$0x1] =	stream.linear.gather [hbm4b:s30+s4], $0x10, $0x38;
	[tilespmem:$0x10600] =	vst v63  }
0x5a1: {  	s30 =	sadd.s32 $0x60, s0;
	s31 =	sxor.u32 $0x9B00, s29  }
0x5a2: {  	[tilespmem:s31], [sflag:$0x1] =	stream.linear.gather [hbm4b:s30+s4], $0x10, $0x38;
	[tilespmem:$0x10600] =	vst v63  }
0x5a3: {  	s0 =	sadd.s32 $0x70, s0;
	s31 =	sxor.u32 $0x9B80, s29  }
0x5a4: {  	[tilespmem:s31], [sflag:$0x1] =	stream.linear.gather [hbm4b:s0+s4], $0x10, $0x38;
	[tilespmem:$0x10600] =	vst v63  }
0x5a5: {  	s0 =	spop (v2sf)  }
0x5a6: {  	s31 =	sshll.u32 s0, $0x7;
	s0 =	sshll.u32 s0, $0x4  }
0x5a7: {  	s30 =	sand.u32 $0xFFFFFC00, s31;
	s0 =	sand.u32 $0x70, s0  }
0x5a8: {  	s0 =	sor.u32 s0, s30  }
0x5a9: {  	s0 =	sshrl.u32 s0, $0x3  }
0x5aa: {  	s31 =	sxor.u32 $0x9410, s29;
	s0 =	sadd.s32 s2, s0  }
0x5ab: {  	[tilespmem:s31], [sflag:$0x2] =	stream.linear.gather [hbm4b:s0+s4], $0x10, $0x38;
	[tilespmem:$0x10600] =	vst v63  }
0x5ac: {  	s30 =	sadd.s32 $0x10, s0;
	s31 =	sxor.u32 $0x9490, s29  }
0x5ad: {  	[tilespmem:s31], [sflag:$0x2] =	stream.linear.gather [hbm4b:s30+s4], $0x10, $0x38;
	[tilespmem:$0x10600] =	vst v63  }
0x5ae: {  	s30 =	sadd.s32 $0x20, s0;
	s31 =	sxor.u32 $0x9510, s29  }
0x5af: {  	[tilespmem:s31], [sflag:$0x2] =	stream.linear.gather [hbm4b:s30+s4], $0x10, $0x38;
	[tilespmem:$0x10600] =	vst v63  }
0x5b0: {  	s30 =	sadd.s32 $0x30, s0;
	s31 =	sxor.u32 $0x9590, s29  }
0x5b1: {  	[tilespmem:s31], [sflag:$0x2] =	stream.linear.gather [hbm4b:s30+s4], $0x10, $0x38;
	[tilespmem:$0x10600] =	vst v63  }
0x5b2: {  	s30 =	sadd.s32 $0x40, s0;
	s31 =	sxor.u32 $0x9610, s29  }
0x5b3: {  	[tilespmem:s31], [sflag:$0x2] =	stream.linear.gather [hbm4b:s30+s4], $0x10, $0x38;
	[tilespmem:$0x10600] =	vst v63  }
0x5b4: {  	s30 =	sadd.s32 $0x50, s0;
	s31 =	sxor.u32 $0x9690, s29  }
0x5b5: {  	[tilespmem:s31], [sflag:$0x2] =	stream.linear.gather [hbm4b:s30+s4], $0x10, $0x38;
	[tilespmem:$0x10600] =	vst v63  }
0x5b6: {  	s30 =	sadd.s32 $0x60, s0;
	s31 =	sxor.u32 $0x9710, s29  }
0x5b7: {  	[tilespmem:s31], [sflag:$0x2] =	stream.linear.gather [hbm4b:s30+s4], $0x10, $0x38;
	[tilespmem:$0x10600] =	vst v63  }
0x5b8: {  	s30 =	sadd.s32 $0x70, s0;
	s31 =	sxor.u32 $0x9790, s29  }
0x5b9: {  	[tilespmem:s31], [sflag:$0x2] =	stream.linear.gather [hbm4b:s30+s4], $0x10, $0x38;
	[tilespmem:$0x10600] =	vst v63  }
0x5ba: {  	s0 =	sadd.s32 $0xF4280, s0;
	s31 =	sxor.u32 $0x9810, s29  }
0x5bb: {  	(v2sf) =	vpush v2, $0x3;
	[tilespmem:s31], [sflag:$0x2] =	stream.linear.gather [hbm4b:s0+s4], $0x10, $0x38;
	[tilespmem:$0x10600] =	vst v63  }
0x5bc: {  	s30 =	sadd.s32 $0x10, s0;
	s31 =	sxor.u32 $0x9890, s29  }
0x5bd: {  	[tilespmem:s31], [sflag:$0x2] =	stream.linear.gather [hbm4b:s30+s4], $0x10, $0x38;
	[tilespmem:$0x10600] =	vst v63  }
0x5be: {  	s30 =	sadd.s32 $0x20, s0;
	s31 =	sxor.u32 $0x9910, s29  }
0x5bf: {  	[tilespmem:s31], [sflag:$0x2] =	stream.linear.gather [hbm4b:s30+s4], $0x10, $0x38;
	[tilespmem:$0x10600] =	vst v63  }
0x5c0: {  	s30 =	sadd.s32 $0x30, s0;
	s31 =	sxor.u32 $0x9990, s29  }
0x5c1: {  	[tilespmem:s31], [sflag:$0x2] =	stream.linear.gather [hbm4b:s30+s4], $0x10, $0x38;
	[tilespmem:$0x10600] =	vst v63  }
0x5c2: {  	s30 =	sadd.s32 $0x40, s0;
	s31 =	sxor.u32 $0x9A10, s29  }
0x5c3: {  	[tilespmem:s31], [sflag:$0x2] =	stream.linear.gather [hbm4b:s30+s4], $0x10, $0x38;
	[tilespmem:$0x10600] =	vst v63  }
0x5c4: {  	s30 =	sadd.s32 $0x50, s0;
	s31 =	sxor.u32 $0x9A90, s29  }
0x5c5: {  	[tilespmem:s31], [sflag:$0x2] =	stream.linear.gather [hbm4b:s30+s4], $0x10, $0x38;
	[tilespmem:$0x10600] =	vst v63  }
0x5c6: {  	s30 =	sadd.s32 $0x60, s0;
	s31 =	sxor.u32 $0x9B10, s29  }
0x5c7: {  	[tilespmem:s31], [sflag:$0x2] =	stream.linear.gather [hbm4b:s30+s4], $0x10, $0x38;
	[tilespmem:$0x10600] =	vst v63  }
0x5c8: {  	s0 =	sadd.s32 $0x70, s0;
	s31 =	sxor.u32 $0x9B90, s29  }
0x5c9: {  	[tilespmem:s31], [sflag:$0x2] =	stream.linear.gather [hbm4b:s0+s4], $0x10, $0x38;
	[tilespmem:$0x10600] =	vst v63  }
0x5ca: {  	s0 =	spop (v2sf)  }
0x5cb: {  	s31 =	sshll.u32 s0, $0x7;
	s0 =	sshll.u32 s0, $0x4  }
0x5cc: {  	s30 =	sand.u32 $0xFFFFFC00, s31;
	s0 =	sand.u32 $0x70, s0  }
0x5cd: {  	s0 =	sor.u32 s0, s30  }
0x5ce: {  	s0 =	sshrl.u32 s0, $0x3  }
0x5cf: {  	s31 =	sxor.u32 $0x9C00, s29;
	s0 =	sadd.s32 s1, s0  }
0x5d0: {  	[tilespmem:s31], [sflag:$0x3] =	stream.linear.gather [hbm4b:s0+s4], $0x10, $0x38;
	[tilespmem:$0x10600] =	vst v63  }
0x5d1: {  	s30 =	sadd.s32 $0x10, s0;
	s31 =	sxor.u32 $0x9C80, s29  }
0x5d2: {  	[tilespmem:s31], [sflag:$0x3] =	stream.linear.gather [hbm4b:s30+s4], $0x10, $0x38;
	[tilespmem:$0x10600] =	vst v63  }
0x5d3: {  	s30 =	sadd.s32 $0x20, s0;
	s31 =	sxor.u32 $0x9D00, s29  }
0x5d4: {  	[tilespmem:s31], [sflag:$0x3] =	stream.linear.gather [hbm4b:s30+s4], $0x10, $0x38;
	[tilespmem:$0x10600] =	vst v63  }
0x5d5: {  	s30 =	sadd.s32 $0x30, s0;
	s31 =	sxor.u32 $0x9D80, s29  }
0x5d6: {  	[tilespmem:s31], [sflag:$0x3] =	stream.linear.gather [hbm4b:s30+s4], $0x10, $0x38;
	[tilespmem:$0x10600] =	vst v63  }
0x5d7: {  	s30 =	sadd.s32 $0x40, s0;
	s31 =	sxor.u32 $0x9E00, s29  }
0x5d8: {  	[tilespmem:s31], [sflag:$0x3] =	stream.linear.gather [hbm4b:s30+s4], $0x10, $0x38;
	[tilespmem:$0x10600] =	vst v63  }
0x5d9: {  	s30 =	sadd.s32 $0x50, s0;
	s31 =	sxor.u32 $0x9E80, s29  }
0x5da: {  	[tilespmem:s31], [sflag:$0x3] =	stream.linear.gather [hbm4b:s30+s4], $0x10, $0x38;
	[tilespmem:$0x10600] =	vst v63  }
0x5db: {  	s30 =	sadd.s32 $0x60, s0;
	s31 =	sxor.u32 $0x9F00, s29  }
0x5dc: {  	[tilespmem:s31], [sflag:$0x3] =	stream.linear.gather [hbm4b:s30+s4], $0x10, $0x38;
	[tilespmem:$0x10600] =	vst v63  }
0x5dd: {  	s30 =	sadd.s32 $0x70, s0;
	s31 =	sxor.u32 $0x9F80, s29  }
0x5de: {  	[tilespmem:s31], [sflag:$0x3] =	stream.linear.gather [hbm4b:s30+s4], $0x10, $0x38;
	[tilespmem:$0x10600] =	vst v63  }
0x5df: {  	s0 =	sadd.s32 $0xF4280, s0;
	s31 =	sxor.u32 $0xA000, s29  }
0x5e0: {  	(v2sf) =	vpush v1, $0x3;
	[tilespmem:s31], [sflag:$0x3] =	stream.linear.gather [hbm4b:s0+s4], $0x10, $0x38;
	[tilespmem:$0x10600] =	vst v63  }
0x5e1: {  	s30 =	sadd.s32 $0x10, s0;
	s31 =	sxor.u32 $0xA080, s29  }
0x5e2: {  	[tilespmem:s31], [sflag:$0x3] =	stream.linear.gather [hbm4b:s30+s4], $0x10, $0x38;
	[tilespmem:$0x10600] =	vst v63  }
0x5e3: {  	s30 =	sadd.s32 $0x20, s0;
	s31 =	sxor.u32 $0xA100, s29  }
0x5e4: {  	[tilespmem:s31], [sflag:$0x3] =	stream.linear.gather [hbm4b:s30+s4], $0x10, $0x38;
	[tilespmem:$0x10600] =	vst v63  }
0x5e5: {  	s30 =	sadd.s32 $0x30, s0;
	s31 =	sxor.u32 $0xA180, s29  }
0x5e6: {  	[tilespmem:s31], [sflag:$0x3] =	stream.linear.gather [hbm4b:s30+s4], $0x10, $0x38;
	[tilespmem:$0x10600] =	vst v63  }
0x5e7: {  	s30 =	sadd.s32 $0x40, s0;
	s31 =	sxor.u32 $0xA200, s29  }
0x5e8: {  	[tilespmem:s31], [sflag:$0x3] =	stream.linear.gather [hbm4b:s30+s4], $0x10, $0x38;
	[tilespmem:$0x10600] =	vst v63  }
0x5e9: {  	s30 =	sadd.s32 $0x50, s0;
	s31 =	sxor.u32 $0xA280, s29  }
0x5ea: {  	[tilespmem:s31], [sflag:$0x3] =	stream.linear.gather [hbm4b:s30+s4], $0x10, $0x38;
	[tilespmem:$0x10600] =	vst v63  }
0x5eb: {  	s30 =	sadd.s32 $0x60, s0;
	s31 =	sxor.u32 $0xA300, s29  }
0x5ec: {  	[tilespmem:s31], [sflag:$0x3] =	stream.linear.gather [hbm4b:s30+s4], $0x10, $0x38;
	[tilespmem:$0x10600] =	vst v63  }
0x5ed: {  	s0 =	sadd.s32 $0x70, s0;
	s31 =	sxor.u32 $0xA380, s29  }
0x5ee: {  	[tilespmem:s31], [sflag:$0x3] =	stream.linear.gather [hbm4b:s0+s4], $0x10, $0x38;
	[tilespmem:$0x10600] =	vst v63  }
0x5ef: {  	s0 =	spop (v2sf)  }
0x5f0: {  	s31 =	sshll.u32 s0, $0x7;
	s0 =	sshll.u32 s0, $0x4  }
0x5f1: {  	s30 =	sand.u32 $0xFFFFFC00, s31;
	s0 =	sand.u32 $0x70, s0  }
0x5f2: {  	s0 =	sor.u32 s0, s30  }
0x5f3: {  	s0 =	sshrl.u32 s0, $0x3  }
0x5f4: {  	s31 =	sxor.u32 $0x9C10, s29;
	s0 =	sadd.s32 s2, s0  }
0x5f5: {  	[tilespmem:s31], [sflag:$0x4] =	stream.linear.gather [hbm4b:s0+s4], $0x10, $0x38;
	[tilespmem:$0x10600] =	vst v63  }
0x5f6: {  	s30 =	sadd.s32 $0x10, s0;
	s31 =	sxor.u32 $0x9C90, s29  }
0x5f7: {  	[tilespmem:s31], [sflag:$0x4] =	stream.linear.gather [hbm4b:s30+s4], $0x10, $0x38;
	[tilespmem:$0x10600] =	vst v63  }
0x5f8: {  	s30 =	sadd.s32 $0x20, s0;
	s31 =	sxor.u32 $0x9D10, s29  }
0x5f9: {  	[tilespmem:s31], [sflag:$0x4] =	stream.linear.gather [hbm4b:s30+s4], $0x10, $0x38;
	[tilespmem:$0x10600] =	vst v63  }
0x5fa: {  	s30 =	sadd.s32 $0x30, s0;
	s31 =	sxor.u32 $0x9D90, s29  }
0x5fb: {  	[tilespmem:s31], [sflag:$0x4] =	stream.linear.gather [hbm4b:s30+s4], $0x10, $0x38;
	[tilespmem:$0x10600] =	vst v63  }
0x5fc: {  	s30 =	sadd.s32 $0x40, s0;
	s31 =	sxor.u32 $0x9E10, s29  }
0x5fd: {  	[tilespmem:s31], [sflag:$0x4] =	stream.linear.gather [hbm4b:s30+s4], $0x10, $0x38;
	[tilespmem:$0x10600] =	vst v63  }
0x5fe: {  	s30 =	sadd.s32 $0x50, s0;
	s31 =	sxor.u32 $0x9E90, s29  }
0x5ff: {  	[tilespmem:s31], [sflag:$0x4] =	stream.linear.gather [hbm4b:s30+s4], $0x10, $0x38;
	[tilespmem:$0x10600] =	vst v63  }
0x600: {  	s30 =	sadd.s32 $0x60, s0;
	s31 =	sxor.u32 $0x9F10, s29  }
0x601: {  	[tilespmem:s31], [sflag:$0x4] =	stream.linear.gather [hbm4b:s30+s4], $0x10, $0x38;
	[tilespmem:$0x10600] =	vst v63  }
0x602: {  	s30 =	sadd.s32 $0x70, s0;
	s31 =	sxor.u32 $0x9F90, s29  }
0x603: {  	[tilespmem:s31], [sflag:$0x4] =	stream.linear.gather [hbm4b:s30+s4], $0x10, $0x38;
	[tilespmem:$0x10600] =	vst v63  }
0x604: {  	s0 =	sadd.s32 $0xF4280, s0;
	s31 =	sxor.u32 $0xA010, s29  }
0x605: {  	(v2sf) =	vpush v2, $0x4;
	[tilespmem:s31], [sflag:$0x4] =	stream.linear.gather [hbm4b:s0+s4], $0x10, $0x38;
	[tilespmem:$0x10600] =	vst v63  }
0x606: {  	s30 =	sadd.s32 $0x10, s0;
	s31 =	sxor.u32 $0xA090, s29  }
0x607: {  	[tilespmem:s31], [sflag:$0x4] =	stream.linear.gather [hbm4b:s30+s4], $0x10, $0x38;
	[tilespmem:$0x10600] =	vst v63  }
0x608: {  	s30 =	sadd.s32 $0x20, s0;
	s31 =	sxor.u32 $0xA110, s29  }
0x609: {  	[tilespmem:s31], [sflag:$0x4] =	stream.linear.gather [hbm4b:s30+s4], $0x10, $0x38;
	[tilespmem:$0x10600] =	vst v63  }
0x60a: {  	s30 =	sadd.s32 $0x30, s0;
	s31 =	sxor.u32 $0xA190, s29  }
0x60b: {  	[tilespmem:s31], [sflag:$0x4] =	stream.linear.gather [hbm4b:s30+s4], $0x10, $0x38;
	[tilespmem:$0x10600] =	vst v63  }
0x60c: {  	s30 =	sadd.s32 $0x40, s0;
	s31 =	sxor.u32 $0xA210, s29  }
0x60d: {  	[tilespmem:s31], [sflag:$0x4] =	stream.linear.gather [hbm4b:s30+s4], $0x10, $0x38;
	[tilespmem:$0x10600] =	vst v63  }
0x60e: {  	s30 =	sadd.s32 $0x50, s0;
	s31 =	sxor.u32 $0xA290, s29  }
0x60f: {  	[tilespmem:s31], [sflag:$0x4] =	stream.linear.gather [hbm4b:s30+s4], $0x10, $0x38;
	[tilespmem:$0x10600] =	vst v63  }
0x610: {  	s30 =	sadd.s32 $0x60, s0;
	s31 =	sxor.u32 $0xA310, s29  }
0x611: {  	[tilespmem:s31], [sflag:$0x4] =	stream.linear.gather [hbm4b:s30+s4], $0x10, $0x38;
	[tilespmem:$0x10600] =	vst v63  }
0x612: {  	s0 =	sadd.s32 $0x70, s0;
	s31 =	sxor.u32 $0xA390, s29  }
0x613: {  	[tilespmem:s31], [sflag:$0x4] =	stream.linear.gather [hbm4b:s0+s4], $0x10, $0x38;
	[tilespmem:$0x10600] =	vst v63  }
0x614: {  	s0 =	spop (v2sf)  }
0x615: {  	s31 =	sshll.u32 s0, $0x7;
	s0 =	sshll.u32 s0, $0x4  }
0x616: {  	s30 =	sand.u32 $0xFFFFFC00, s31;
	s0 =	sand.u32 $0x70, s0  }
0x617: {  	s0 =	sor.u32 s0, s30  }
0x618: {  	s0 =	sshrl.u32 s0, $0x3  }
0x619: {  	s31 =	sxor.u32 $0xA400, s29;
	s0 =	sadd.s32 s1, s0  }
0x61a: {  	[tilespmem:s31], [sflag:$0x1] =	stream.linear.gather [hbm4b:s0+s4], $0x10, $0x38;
	[tilespmem:$0x10600] =	vst v63  }
0x61b: {  	s30 =	sadd.s32 $0x10, s0;
	s31 =	sxor.u32 $0xA480, s29  }
0x61c: {  	[tilespmem:s31], [sflag:$0x1] =	stream.linear.gather [hbm4b:s30+s4], $0x10, $0x38;
	[tilespmem:$0x10600] =	vst v63  }
0x61d: {  	s30 =	sadd.s32 $0x20, s0;
	s31 =	sxor.u32 $0xA500, s29  }
0x61e: {  	[tilespmem:s31], [sflag:$0x1] =	stream.linear.gather [hbm4b:s30+s4], $0x10, $0x38;
	[tilespmem:$0x10600] =	vst v63  }
0x61f: {  	s30 =	sadd.s32 $0x30, s0;
	s31 =	sxor.u32 $0xA580, s29  }
0x620: {  	[tilespmem:s31], [sflag:$0x1] =	stream.linear.gather [hbm4b:s30+s4], $0x10, $0x38;
	[tilespmem:$0x10600] =	vst v63  }
0x621: {  	s30 =	sadd.s32 $0x40, s0;
	s31 =	sxor.u32 $0xA600, s29  }
0x622: {  	[tilespmem:s31], [sflag:$0x1] =	stream.linear.gather [hbm4b:s30+s4], $0x10, $0x38;
	[tilespmem:$0x10600] =	vst v63  }
0x623: {  	s30 =	sadd.s32 $0x50, s0;
	s31 =	sxor.u32 $0xA680, s29  }
0x624: {  	[tilespmem:s31], [sflag:$0x1] =	stream.linear.gather [hbm4b:s30+s4], $0x10, $0x38;
	[tilespmem:$0x10600] =	vst v63  }
0x625: {  	s30 =	sadd.s32 $0x60, s0;
	s31 =	sxor.u32 $0xA700, s29  }
0x626: {  	[tilespmem:s31], [sflag:$0x1] =	stream.linear.gather [hbm4b:s30+s4], $0x10, $0x38;
	[tilespmem:$0x10600] =	vst v63  }
0x627: {  	s30 =	sadd.s32 $0x70, s0;
	s31 =	sxor.u32 $0xA780, s29  }
0x628: {  	[tilespmem:s31], [sflag:$0x1] =	stream.linear.gather [hbm4b:s30+s4], $0x10, $0x38;
	[tilespmem:$0x10600] =	vst v63  }
0x629: {  	s0 =	sadd.s32 $0xF4280, s0;
	s31 =	sxor.u32 $0xA800, s29  }
0x62a: {  	(v2sf) =	vpush v1, $0x4;
	[tilespmem:s31], [sflag:$0x1] =	stream.linear.gather [hbm4b:s0+s4], $0x10, $0x38;
	[tilespmem:$0x10600] =	vst v63  }
0x62b: {  	s30 =	sadd.s32 $0x10, s0;
	s31 =	sxor.u32 $0xA880, s29  }
0x62c: {  	[tilespmem:s31], [sflag:$0x1] =	stream.linear.gather [hbm4b:s30+s4], $0x10, $0x38;
	[tilespmem:$0x10600] =	vst v63  }
0x62d: {  	s30 =	sadd.s32 $0x20, s0;
	s31 =	sxor.u32 $0xA900, s29  }
0x62e: {  	[tilespmem:s31], [sflag:$0x1] =	stream.linear.gather [hbm4b:s30+s4], $0x10, $0x38;
	[tilespmem:$0x10600] =	vst v63  }
0x62f: {  	s30 =	sadd.s32 $0x30, s0;
	s31 =	sxor.u32 $0xA980, s29  }
0x630: {  	[tilespmem:s31], [sflag:$0x1] =	stream.linear.gather [hbm4b:s30+s4], $0x10, $0x38;
	[tilespmem:$0x10600] =	vst v63  }
0x631: {  	s30 =	sadd.s32 $0x40, s0;
	s31 =	sxor.u32 $0xAA00, s29  }
0x632: {  	[tilespmem:s31], [sflag:$0x1] =	stream.linear.gather [hbm4b:s30+s4], $0x10, $0x38;
	[tilespmem:$0x10600] =	vst v63  }
0x633: {  	s30 =	sadd.s32 $0x50, s0;
	s31 =	sxor.u32 $0xAA80, s29  }
0x634: {  	[tilespmem:s31], [sflag:$0x1] =	stream.linear.gather [hbm4b:s30+s4], $0x10, $0x38;
	[tilespmem:$0x10600] =	vst v63  }
0x635: {  	s30 =	sadd.s32 $0x60, s0;
	s31 =	sxor.u32 $0xAB00, s29  }
0x636: {  	[tilespmem:s31], [sflag:$0x1] =	stream.linear.gather [hbm4b:s30+s4], $0x10, $0x38;
	[tilespmem:$0x10600] =	vst v63  }
0x637: {  	s0 =	sadd.s32 $0x70, s0;
	s31 =	sxor.u32 $0xAB80, s29  }
0x638: {  	[tilespmem:s31], [sflag:$0x1] =	stream.linear.gather [hbm4b:s0+s4], $0x10, $0x38;
	[tilespmem:$0x10600] =	vst v63  }
0x639: {  	s0 =	spop (v2sf)  }
0x63a: {  	s31 =	sshll.u32 s0, $0x7;
	s0 =	sshll.u32 s0, $0x4  }
0x63b: {  	s30 =	sand.u32 $0xFFFFFC00, s31;
	s0 =	sand.u32 $0x70, s0  }
0x63c: {  	s0 =	sor.u32 s0, s30  }
0x63d: {  	s0 =	sshrl.u32 s0, $0x3  }
0x63e: {  	s31 =	sxor.u32 $0xA410, s29;
	s0 =	sadd.s32 s2, s0  }
0x63f: {  	[tilespmem:s31], [sflag:$0x2] =	stream.linear.gather [hbm4b:s0+s4], $0x10, $0x38;
	[tilespmem:$0x10600] =	vst v63  }
0x640: {  	s30 =	sadd.s32 $0x10, s0;
	s31 =	sxor.u32 $0xA490, s29  }
0x641: {  	[tilespmem:s31], [sflag:$0x2] =	stream.linear.gather [hbm4b:s30+s4], $0x10, $0x38;
	[tilespmem:$0x10600] =	vst v63  }
0x642: {  	s30 =	sadd.s32 $0x20, s0;
	s31 =	sxor.u32 $0xA510, s29  }
0x643: {  	[tilespmem:s31], [sflag:$0x2] =	stream.linear.gather [hbm4b:s30+s4], $0x10, $0x38;
	[tilespmem:$0x10600] =	vst v63  }
0x644: {  	s30 =	sadd.s32 $0x30, s0;
	s31 =	sxor.u32 $0xA590, s29  }
0x645: {  	[tilespmem:s31], [sflag:$0x2] =	stream.linear.gather [hbm4b:s30+s4], $0x10, $0x38;
	[tilespmem:$0x10600] =	vst v63  }
0x646: {  	s30 =	sadd.s32 $0x40, s0;
	s31 =	sxor.u32 $0xA610, s29  }
0x647: {  	[tilespmem:s31], [sflag:$0x2] =	stream.linear.gather [hbm4b:s30+s4], $0x10, $0x38;
	[tilespmem:$0x10600] =	vst v63  }
0x648: {  	s30 =	sadd.s32 $0x50, s0;
	s31 =	sxor.u32 $0xA690, s29  }
0x649: {  	[tilespmem:s31], [sflag:$0x2] =	stream.linear.gather [hbm4b:s30+s4], $0x10, $0x38;
	[tilespmem:$0x10600] =	vst v63  }
0x64a: {  	s30 =	sadd.s32 $0x60, s0;
	s31 =	sxor.u32 $0xA710, s29  }
0x64b: {  	[tilespmem:s31], [sflag:$0x2] =	stream.linear.gather [hbm4b:s30+s4], $0x10, $0x38;
	[tilespmem:$0x10600] =	vst v63  }
0x64c: {  	s30 =	sadd.s32 $0x70, s0;
	s31 =	sxor.u32 $0xA790, s29  }
0x64d: {  	[tilespmem:s31], [sflag:$0x2] =	stream.linear.gather [hbm4b:s30+s4], $0x10, $0x38;
	[tilespmem:$0x10600] =	vst v63  }
0x64e: {  	s0 =	sadd.s32 $0xF4280, s0;
	s31 =	sxor.u32 $0xA810, s29  }
0x64f: {  	(v2sf) =	vpush v2, $0x5;
	[tilespmem:s31], [sflag:$0x2] =	stream.linear.gather [hbm4b:s0+s4], $0x10, $0x38;
	[tilespmem:$0x10600] =	vst v63  }
0x650: {  	s30 =	sadd.s32 $0x10, s0;
	s31 =	sxor.u32 $0xA890, s29  }
0x651: {  	[tilespmem:s31], [sflag:$0x2] =	stream.linear.gather [hbm4b:s30+s4], $0x10, $0x38;
	[tilespmem:$0x10600] =	vst v63  }
0x652: {  	s30 =	sadd.s32 $0x20, s0;
	s31 =	sxor.u32 $0xA910, s29  }
0x653: {  	[tilespmem:s31], [sflag:$0x2] =	stream.linear.gather [hbm4b:s30+s4], $0x10, $0x38;
	[tilespmem:$0x10600] =	vst v63  }
0x654: {  	s30 =	sadd.s32 $0x30, s0;
	s31 =	sxor.u32 $0xA990, s29  }
0x655: {  	[tilespmem:s31], [sflag:$0x2] =	stream.linear.gather [hbm4b:s30+s4], $0x10, $0x38;
	[tilespmem:$0x10600] =	vst v63  }
0x656: {  	s30 =	sadd.s32 $0x40, s0;
	s31 =	sxor.u32 $0xAA10, s29  }
0x657: {  	[tilespmem:s31], [sflag:$0x2] =	stream.linear.gather [hbm4b:s30+s4], $0x10, $0x38;
	[tilespmem:$0x10600] =	vst v63  }
0x658: {  	s30 =	sadd.s32 $0x50, s0;
	s31 =	sxor.u32 $0xAA90, s29  }
0x659: {  	[tilespmem:s31], [sflag:$0x2] =	stream.linear.gather [hbm4b:s30+s4], $0x10, $0x38;
	[tilespmem:$0x10600] =	vst v63  }
0x65a: {  	s30 =	sadd.s32 $0x60, s0;
	s31 =	sxor.u32 $0xAB10, s29  }
0x65b: {  	[tilespmem:s31], [sflag:$0x2] =	stream.linear.gather [hbm4b:s30+s4], $0x10, $0x38;
	[tilespmem:$0x10600] =	vst v63  }
0x65c: {  	s0 =	sadd.s32 $0x70, s0;
	s31 =	sxor.u32 $0xAB90, s29  }
0x65d: {  	[tilespmem:s31], [sflag:$0x2] =	stream.linear.gather [hbm4b:s0+s4], $0x10, $0x38;
	[tilespmem:$0x10600] =	vst v63  }
0x65e: {  	s0 =	spop (v2sf)  }
0x65f: {  	s31 =	sshll.u32 s0, $0x7;
	s0 =	sshll.u32 s0, $0x4  }
0x660: {  	s30 =	sand.u32 $0xFFFFFC00, s31;
	s0 =	sand.u32 $0x70, s0  }
0x661: {  	s0 =	sor.u32 s0, s30  }
0x662: {  	s0 =	sshrl.u32 s0, $0x3  }
0x663: {  	s31 =	sxor.u32 $0xAC00, s29;
	s0 =	sadd.s32 s1, s0  }
0x664: {  	[tilespmem:s31], [sflag:$0x3] =	stream.linear.gather [hbm4b:s0+s4], $0x10, $0x38;
	[tilespmem:$0x10600] =	vst v63  }
0x665: {  	s30 =	sadd.s32 $0x10, s0;
	s31 =	sxor.u32 $0xAC80, s29  }
0x666: {  	[tilespmem:s31], [sflag:$0x3] =	stream.linear.gather [hbm4b:s30+s4], $0x10, $0x38;
	[tilespmem:$0x10600] =	vst v63  }
0x667: {  	s30 =	sadd.s32 $0x20, s0;
	s31 =	sxor.u32 $0xAD00, s29  }
0x668: {  	[tilespmem:s31], [sflag:$0x3] =	stream.linear.gather [hbm4b:s30+s4], $0x10, $0x38;
	[tilespmem:$0x10600] =	vst v63  }
0x669: {  	s30 =	sadd.s32 $0x30, s0;
	s31 =	sxor.u32 $0xAD80, s29  }
0x66a: {  	[tilespmem:s31], [sflag:$0x3] =	stream.linear.gather [hbm4b:s30+s4], $0x10, $0x38;
	[tilespmem:$0x10600] =	vst v63  }
0x66b: {  	s30 =	sadd.s32 $0x40, s0;
	s31 =	sxor.u32 $0xAE00, s29  }
0x66c: {  	[tilespmem:s31], [sflag:$0x3] =	stream.linear.gather [hbm4b:s30+s4], $0x10, $0x38;
	[tilespmem:$0x10600] =	vst v63  }
0x66d: {  	s30 =	sadd.s32 $0x50, s0;
	s31 =	sxor.u32 $0xAE80, s29  }
0x66e: {  	[tilespmem:s31], [sflag:$0x3] =	stream.linear.gather [hbm4b:s30+s4], $0x10, $0x38;
	[tilespmem:$0x10600] =	vst v63  }
0x66f: {  	s30 =	sadd.s32 $0x60, s0;
	s31 =	sxor.u32 $0xAF00, s29  }
0x670: {  	[tilespmem:s31], [sflag:$0x3] =	stream.linear.gather [hbm4b:s30+s4], $0x10, $0x38;
	[tilespmem:$0x10600] =	vst v63  }
0x671: {  	s30 =	sadd.s32 $0x70, s0;
	s31 =	sxor.u32 $0xAF80, s29  }
0x672: {  	[tilespmem:s31], [sflag:$0x3] =	stream.linear.gather [hbm4b:s30+s4], $0x10, $0x38;
	[tilespmem:$0x10600] =	vst v63  }
0x673: {  	s0 =	sadd.s32 $0xF4280, s0;
	s31 =	sxor.u32 $0xB000, s29  }
0x674: {  	(v2sf) =	vpush v1, $0x5;
	[tilespmem:s31], [sflag:$0x3] =	stream.linear.gather [hbm4b:s0+s4], $0x10, $0x38;
	[tilespmem:$0x10600] =	vst v63  }
0x675: {  	s30 =	sadd.s32 $0x10, s0;
	s31 =	sxor.u32 $0xB080, s29  }
0x676: {  	[tilespmem:s31], [sflag:$0x3] =	stream.linear.gather [hbm4b:s30+s4], $0x10, $0x38;
	[tilespmem:$0x10600] =	vst v63  }
0x677: {  	s30 =	sadd.s32 $0x20, s0;
	s31 =	sxor.u32 $0xB100, s29  }
0x678: {  	[tilespmem:s31], [sflag:$0x3] =	stream.linear.gather [hbm4b:s30+s4], $0x10, $0x38;
	[tilespmem:$0x10600] =	vst v63  }
0x679: {  	s30 =	sadd.s32 $0x30, s0;
	s31 =	sxor.u32 $0xB180, s29  }
0x67a: {  	[tilespmem:s31], [sflag:$0x3] =	stream.linear.gather [hbm4b:s30+s4], $0x10, $0x38;
	[tilespmem:$0x10600] =	vst v63  }
0x67b: {  	s30 =	sadd.s32 $0x40, s0;
	s31 =	sxor.u32 $0xB200, s29  }
0x67c: {  	[tilespmem:s31], [sflag:$0x3] =	stream.linear.gather [hbm4b:s30+s4], $0x10, $0x38;
	[tilespmem:$0x10600] =	vst v63  }
0x67d: {  	s30 =	sadd.s32 $0x50, s0;
	s31 =	sxor.u32 $0xB280, s29  }
0x67e: {  	[tilespmem:s31], [sflag:$0x3] =	stream.linear.gather [hbm4b:s30+s4], $0x10, $0x38;
	[tilespmem:$0x10600] =	vst v63  }
0x67f: {  	s30 =	sadd.s32 $0x60, s0;
	s31 =	sxor.u32 $0xB300, s29  }
0x680: {  	[tilespmem:s31], [sflag:$0x3] =	stream.linear.gather [hbm4b:s30+s4], $0x10, $0x38;
	[tilespmem:$0x10600] =	vst v63  }
0x681: {  	s0 =	sadd.s32 $0x70, s0;
	s31 =	sxor.u32 $0xB380, s29  }
0x682: {  	[tilespmem:s31], [sflag:$0x3] =	stream.linear.gather [hbm4b:s0+s4], $0x10, $0x38;
	[tilespmem:$0x10600] =	vst v63  }
0x683: {  	s0 =	spop (v2sf)  }
0x684: {  	s31 =	sshll.u32 s0, $0x7;
	s0 =	sshll.u32 s0, $0x4  }
0x685: {  	s30 =	sand.u32 $0xFFFFFC00, s31;
	s0 =	sand.u32 $0x70, s0  }
0x686: {  	s0 =	sor.u32 s0, s30  }
0x687: {  	s0 =	sshrl.u32 s0, $0x3  }
0x688: {  	s31 =	sxor.u32 $0xAC10, s29;
	s0 =	sadd.s32 s2, s0  }
0x689: {  	[tilespmem:s31], [sflag:$0x4] =	stream.linear.gather [hbm4b:s0+s4], $0x10, $0x38;
	[tilespmem:$0x10600] =	vst v63  }
0x68a: {  	s30 =	sadd.s32 $0x10, s0;
	s31 =	sxor.u32 $0xAC90, s29  }
0x68b: {  	[tilespmem:s31], [sflag:$0x4] =	stream.linear.gather [hbm4b:s30+s4], $0x10, $0x38;
	[tilespmem:$0x10600] =	vst v63  }
0x68c: {  	s30 =	sadd.s32 $0x20, s0;
	s31 =	sxor.u32 $0xAD10, s29  }
0x68d: {  	[tilespmem:s31], [sflag:$0x4] =	stream.linear.gather [hbm4b:s30+s4], $0x10, $0x38;
	[tilespmem:$0x10600] =	vst v63  }
0x68e: {  	s30 =	sadd.s32 $0x30, s0;
	s31 =	sxor.u32 $0xAD90, s29  }
0x68f: {  	[tilespmem:s31], [sflag:$0x4] =	stream.linear.gather [hbm4b:s30+s4], $0x10, $0x38;
	[tilespmem:$0x10600] =	vst v63  }
0x690: {  	s30 =	sadd.s32 $0x40, s0;
	s31 =	sxor.u32 $0xAE10, s29  }
0x691: {  	[tilespmem:s31], [sflag:$0x4] =	stream.linear.gather [hbm4b:s30+s4], $0x10, $0x38;
	[tilespmem:$0x10600] =	vst v63  }
0x692: {  	s30 =	sadd.s32 $0x50, s0;
	s31 =	sxor.u32 $0xAE90, s29  }
0x693: {  	[tilespmem:s31], [sflag:$0x4] =	stream.linear.gather [hbm4b:s30+s4], $0x10, $0x38;
	[tilespmem:$0x10600] =	vst v63  }
0x694: {  	s30 =	sadd.s32 $0x60, s0;
	s31 =	sxor.u32 $0xAF10, s29  }
0x695: {  	[tilespmem:s31], [sflag:$0x4] =	stream.linear.gather [hbm4b:s30+s4], $0x10, $0x38;
	[tilespmem:$0x10600] =	vst v63  }
0x696: {  	s30 =	sadd.s32 $0x70, s0;
	s31 =	sxor.u32 $0xAF90, s29  }
0x697: {  	[tilespmem:s31], [sflag:$0x4] =	stream.linear.gather [hbm4b:s30+s4], $0x10, $0x38;
	[tilespmem:$0x10600] =	vst v63  }
0x698: {  	s0 =	sadd.s32 $0xF4280, s0;
	s31 =	sxor.u32 $0xB010, s29  }
0x699: {  	(v2sf) =	vpush v2, $0x6;
	[tilespmem:s31], [sflag:$0x4] =	stream.linear.gather [hbm4b:s0+s4], $0x10, $0x38;
	[tilespmem:$0x10600] =	vst v63  }
0x69a: {  	s30 =	sadd.s32 $0x10, s0;
	s31 =	sxor.u32 $0xB090, s29  }
0x69b: {  	[tilespmem:s31], [sflag:$0x4] =	stream.linear.gather [hbm4b:s30+s4], $0x10, $0x38;
	[tilespmem:$0x10600] =	vst v63  }
0x69c: {  	s30 =	sadd.s32 $0x20, s0;
	s31 =	sxor.u32 $0xB110, s29  }
0x69d: {  	[tilespmem:s31], [sflag:$0x4] =	stream.linear.gather [hbm4b:s30+s4], $0x10, $0x38;
	[tilespmem:$0x10600] =	vst v63  }
0x69e: {  	s30 =	sadd.s32 $0x30, s0;
	s31 =	sxor.u32 $0xB190, s29  }
0x69f: {  	[tilespmem:s31], [sflag:$0x4] =	stream.linear.gather [hbm4b:s30+s4], $0x10, $0x38;
	[tilespmem:$0x10600] =	vst v63  }
0x6a0: {  	s30 =	sadd.s32 $0x40, s0;
	s31 =	sxor.u32 $0xB210, s29  }
0x6a1: {  	[tilespmem:s31], [sflag:$0x4] =	stream.linear.gather [hbm4b:s30+s4], $0x10, $0x38;
	[tilespmem:$0x10600] =	vst v63  }
0x6a2: {  	s30 =	sadd.s32 $0x50, s0;
	s31 =	sxor.u32 $0xB290, s29  }
0x6a3: {  	[tilespmem:s31], [sflag:$0x4] =	stream.linear.gather [hbm4b:s30+s4], $0x10, $0x38;
	[tilespmem:$0x10600] =	vst v63  }
0x6a4: {  	s30 =	sadd.s32 $0x60, s0;
	s31 =	sxor.u32 $0xB310, s29  }
0x6a5: {  	[tilespmem:s31], [sflag:$0x4] =	stream.linear.gather [hbm4b:s30+s4], $0x10, $0x38;
	[tilespmem:$0x10600] =	vst v63  }
0x6a6: {  	s0 =	sadd.s32 $0x70, s0;
	s31 =	sxor.u32 $0xB390, s29  }
0x6a7: {  	[tilespmem:s31], [sflag:$0x4] =	stream.linear.gather [hbm4b:s0+s4], $0x10, $0x38;
	[tilespmem:$0x10600] =	vst v63  }
0x6a8: {  	s0 =	spop (v2sf)  }
0x6a9: {  	s31 =	sshll.u32 s0, $0x7;
	s0 =	sshll.u32 s0, $0x4  }
0x6aa: {  	s30 =	sand.u32 $0xFFFFFC00, s31;
	s0 =	sand.u32 $0x70, s0  }
0x6ab: {  	s0 =	sor.u32 s0, s30  }
0x6ac: {  	s0 =	sshrl.u32 s0, $0x3  }
0x6ad: {  	s31 =	sxor.u32 $0xB400, s29;
	s0 =	sadd.s32 s1, s0  }
0x6ae: {  	[tilespmem:s31], [sflag:$0x1] =	stream.linear.gather [hbm4b:s0+s4], $0x10, $0x38;
	[tilespmem:$0x10600] =	vst v63  }
0x6af: {  	s30 =	sadd.s32 $0x10, s0;
	s31 =	sxor.u32 $0xB480, s29  }
0x6b0: {  	[tilespmem:s31], [sflag:$0x1] =	stream.linear.gather [hbm4b:s30+s4], $0x10, $0x38;
	[tilespmem:$0x10600] =	vst v63  }
0x6b1: {  	s30 =	sadd.s32 $0x20, s0;
	s31 =	sxor.u32 $0xB500, s29  }
0x6b2: {  	[tilespmem:s31], [sflag:$0x1] =	stream.linear.gather [hbm4b:s30+s4], $0x10, $0x38;
	[tilespmem:$0x10600] =	vst v63  }
0x6b3: {  	s30 =	sadd.s32 $0x30, s0;
	s31 =	sxor.u32 $0xB580, s29  }
0x6b4: {  	[tilespmem:s31], [sflag:$0x1] =	stream.linear.gather [hbm4b:s30+s4], $0x10, $0x38;
	[tilespmem:$0x10600] =	vst v63  }
0x6b5: {  	s30 =	sadd.s32 $0x40, s0;
	s31 =	sxor.u32 $0xB600, s29  }
0x6b6: {  	[tilespmem:s31], [sflag:$0x1] =	stream.linear.gather [hbm4b:s30+s4], $0x10, $0x38;
	[tilespmem:$0x10600] =	vst v63  }
0x6b7: {  	s30 =	sadd.s32 $0x50, s0;
	s31 =	sxor.u32 $0xB680, s29  }
0x6b8: {  	[tilespmem:s31], [sflag:$0x1] =	stream.linear.gather [hbm4b:s30+s4], $0x10, $0x38;
	[tilespmem:$0x10600] =	vst v63  }
0x6b9: {  	s30 =	sadd.s32 $0x60, s0;
	s31 =	sxor.u32 $0xB700, s29  }
0x6ba: {  	[tilespmem:s31], [sflag:$0x1] =	stream.linear.gather [hbm4b:s30+s4], $0x10, $0x38;
	[tilespmem:$0x10600] =	vst v63  }
0x6bb: {  	s30 =	sadd.s32 $0x70, s0;
	s31 =	sxor.u32 $0xB780, s29  }
0x6bc: {  	[tilespmem:s31], [sflag:$0x1] =	stream.linear.gather [hbm4b:s30+s4], $0x10, $0x38;
	[tilespmem:$0x10600] =	vst v63  }
0x6bd: {  	s0 =	sadd.s32 $0xF4280, s0;
	s31 =	sxor.u32 $0xB800, s29  }
0x6be: {  	(v2sf) =	vpush v1, $0x6;
	[tilespmem:s31], [sflag:$0x1] =	stream.linear.gather [hbm4b:s0+s4], $0x10, $0x38;
	[tilespmem:$0x10600] =	vst v63  }
0x6bf: {  	s30 =	sadd.s32 $0x10, s0;
	s31 =	sxor.u32 $0xB880, s29  }
0x6c0: {  	[tilespmem:s31], [sflag:$0x1] =	stream.linear.gather [hbm4b:s30+s4], $0x10, $0x38;
	[tilespmem:$0x10600] =	vst v63  }
0x6c1: {  	s30 =	sadd.s32 $0x20, s0;
	s31 =	sxor.u32 $0xB900, s29  }
0x6c2: {  	[tilespmem:s31], [sflag:$0x1] =	stream.linear.gather [hbm4b:s30+s4], $0x10, $0x38;
	[tilespmem:$0x10600] =	vst v63  }
0x6c3: {  	s30 =	sadd.s32 $0x30, s0;
	s31 =	sxor.u32 $0xB980, s29  }
0x6c4: {  	[tilespmem:s31], [sflag:$0x1] =	stream.linear.gather [hbm4b:s30+s4], $0x10, $0x38;
	[tilespmem:$0x10600] =	vst v63  }
0x6c5: {  	s30 =	sadd.s32 $0x40, s0;
	s31 =	sxor.u32 $0xBA00, s29  }
0x6c6: {  	[tilespmem:s31], [sflag:$0x1] =	stream.linear.gather [hbm4b:s30+s4], $0x10, $0x38;
	[tilespmem:$0x10600] =	vst v63  }
0x6c7: {  	s30 =	sadd.s32 $0x50, s0;
	s31 =	sxor.u32 $0xBA80, s29  }
0x6c8: {  	[tilespmem:s31], [sflag:$0x1] =	stream.linear.gather [hbm4b:s30+s4], $0x10, $0x38;
	[tilespmem:$0x10600] =	vst v63  }
0x6c9: {  	s30 =	sadd.s32 $0x60, s0;
	s31 =	sxor.u32 $0xBB00, s29  }
0x6ca: {  	[tilespmem:s31], [sflag:$0x1] =	stream.linear.gather [hbm4b:s30+s4], $0x10, $0x38;
	[tilespmem:$0x10600] =	vst v63  }
0x6cb: {  	s0 =	sadd.s32 $0x70, s0;
	s31 =	sxor.u32 $0xBB80, s29  }
0x6cc: {  	[tilespmem:s31], [sflag:$0x1] =	stream.linear.gather [hbm4b:s0+s4], $0x10, $0x38;
	[tilespmem:$0x10600] =	vst v63  }
0x6cd: {  	s0 =	spop (v2sf)  }
0x6ce: {  	s31 =	sshll.u32 s0, $0x7;
	s0 =	sshll.u32 s0, $0x4  }
0x6cf: {  	s30 =	sand.u32 $0xFFFFFC00, s31;
	s0 =	sand.u32 $0x70, s0  }
0x6d0: {  	s0 =	sor.u32 s0, s30  }
0x6d1: {  	s0 =	sshrl.u32 s0, $0x3  }
0x6d2: {  	s31 =	sxor.u32 $0xB410, s29;
	s0 =	sadd.s32 s2, s0  }
0x6d3: {  	[tilespmem:s31], [sflag:$0x2] =	stream.linear.gather [hbm4b:s0+s4], $0x10, $0x38;
	[tilespmem:$0x10600] =	vst v63  }
0x6d4: {  	s30 =	sadd.s32 $0x10, s0;
	s31 =	sxor.u32 $0xB490, s29  }
0x6d5: {  	[tilespmem:s31], [sflag:$0x2] =	stream.linear.gather [hbm4b:s30+s4], $0x10, $0x38;
	[tilespmem:$0x10600] =	vst v63  }
0x6d6: {  	s30 =	sadd.s32 $0x20, s0;
	s31 =	sxor.u32 $0xB510, s29  }
0x6d7: {  	[tilespmem:s31], [sflag:$0x2] =	stream.linear.gather [hbm4b:s30+s4], $0x10, $0x38;
	[tilespmem:$0x10600] =	vst v63  }
0x6d8: {  	s30 =	sadd.s32 $0x30, s0;
	s31 =	sxor.u32 $0xB590, s29  }
0x6d9: {  	[tilespmem:s31], [sflag:$0x2] =	stream.linear.gather [hbm4b:s30+s4], $0x10, $0x38;
	[tilespmem:$0x10600] =	vst v63  }
0x6da: {  	s30 =	sadd.s32 $0x40, s0;
	s31 =	sxor.u32 $0xB610, s29  }
0x6db: {  	[tilespmem:s31], [sflag:$0x2] =	stream.linear.gather [hbm4b:s30+s4], $0x10, $0x38;
	[tilespmem:$0x10600] =	vst v63  }
0x6dc: {  	s30 =	sadd.s32 $0x50, s0;
	s31 =	sxor.u32 $0xB690, s29  }
0x6dd: {  	[tilespmem:s31], [sflag:$0x2] =	stream.linear.gather [hbm4b:s30+s4], $0x10, $0x38;
	[tilespmem:$0x10600] =	vst v63  }
0x6de: {  	s30 =	sadd.s32 $0x60, s0;
	s31 =	sxor.u32 $0xB710, s29  }
0x6df: {  	[tilespmem:s31], [sflag:$0x2] =	stream.linear.gather [hbm4b:s30+s4], $0x10, $0x38;
	[tilespmem:$0x10600] =	vst v63  }
0x6e0: {  	s30 =	sadd.s32 $0x70, s0;
	s31 =	sxor.u32 $0xB790, s29  }
0x6e1: {  	[tilespmem:s31], [sflag:$0x2] =	stream.linear.gather [hbm4b:s30+s4], $0x10, $0x38;
	[tilespmem:$0x10600] =	vst v63  }
0x6e2: {  	s0 =	sadd.s32 $0xF4280, s0;
	s31 =	sxor.u32 $0xB810, s29  }
0x6e3: {  	(v2sf) =	vpush v2, $0x7;
	[tilespmem:s31], [sflag:$0x2] =	stream.linear.gather [hbm4b:s0+s4], $0x10, $0x38;
	[tilespmem:$0x10600] =	vst v63  }
0x6e4: {  	s30 =	sadd.s32 $0x10, s0;
	s31 =	sxor.u32 $0xB890, s29  }
0x6e5: {  	[tilespmem:s31], [sflag:$0x2] =	stream.linear.gather [hbm4b:s30+s4], $0x10, $0x38;
	[tilespmem:$0x10600] =	vst v63  }
0x6e6: {  	s30 =	sadd.s32 $0x20, s0;
	s31 =	sxor.u32 $0xB910, s29  }
0x6e7: {  	[tilespmem:s31], [sflag:$0x2] =	stream.linear.gather [hbm4b:s30+s4], $0x10, $0x38;
	[tilespmem:$0x10600] =	vst v63  }
0x6e8: {  	s30 =	sadd.s32 $0x30, s0;
	s31 =	sxor.u32 $0xB990, s29  }
0x6e9: {  	[tilespmem:s31], [sflag:$0x2] =	stream.linear.gather [hbm4b:s30+s4], $0x10, $0x38;
	[tilespmem:$0x10600] =	vst v63  }
0x6ea: {  	s30 =	sadd.s32 $0x40, s0;
	s31 =	sxor.u32 $0xBA10, s29  }
0x6eb: {  	[tilespmem:s31], [sflag:$0x2] =	stream.linear.gather [hbm4b:s30+s4], $0x10, $0x38;
	[tilespmem:$0x10600] =	vst v63  }
0x6ec: {  	s30 =	sadd.s32 $0x50, s0;
	s31 =	sxor.u32 $0xBA90, s29  }
0x6ed: {  	[tilespmem:s31], [sflag:$0x2] =	stream.linear.gather [hbm4b:s30+s4], $0x10, $0x38;
	[tilespmem:$0x10600] =	vst v63  }
0x6ee: {  	s30 =	sadd.s32 $0x60, s0;
	s31 =	sxor.u32 $0xBB10, s29  }
0x6ef: {  	[tilespmem:s31], [sflag:$0x2] =	stream.linear.gather [hbm4b:s30+s4], $0x10, $0x38;
	[tilespmem:$0x10600] =	vst v63  }
0x6f0: {  	s0 =	sadd.s32 $0x70, s0;
	s31 =	sxor.u32 $0xBB90, s29  }
0x6f1: {  	[tilespmem:s31], [sflag:$0x2] =	stream.linear.gather [hbm4b:s0+s4], $0x10, $0x38;
	[tilespmem:$0x10600] =	vst v63  }
0x6f2: {  	s0 =	spop (v2sf)  }
0x6f3: {  	s31 =	sshll.u32 s0, $0x7;
	s0 =	sshll.u32 s0, $0x4  }
0x6f4: {  	s30 =	sand.u32 $0xFFFFFC00, s31;
	s0 =	sand.u32 $0x70, s0  }
0x6f5: {  	s0 =	sor.u32 s0, s30  }
0x6f6: {  	s0 =	sshrl.u32 s0, $0x3  }
0x6f7: {  	s31 =	sxor.u32 $0xBC00, s29;
	s0 =	sadd.s32 s1, s0  }
0x6f8: {  	[tilespmem:s31], [sflag:$0x3] =	stream.linear.gather [hbm4b:s0+s4], $0x10, $0x38;
	[tilespmem:$0x10600] =	vst v63  }
0x6f9: {  	s30 =	sadd.s32 $0x10, s0;
	s31 =	sxor.u32 $0xBC80, s29  }
0x6fa: {  	[tilespmem:s31], [sflag:$0x3] =	stream.linear.gather [hbm4b:s30+s4], $0x10, $0x38;
	[tilespmem:$0x10600] =	vst v63  }
0x6fb: {  	s30 =	sadd.s32 $0x20, s0;
	s31 =	sxor.u32 $0xBD00, s29  }
0x6fc: {  	[tilespmem:s31], [sflag:$0x3] =	stream.linear.gather [hbm4b:s30+s4], $0x10, $0x38;
	[tilespmem:$0x10600] =	vst v63  }
0x6fd: {  	s30 =	sadd.s32 $0x30, s0;
	s31 =	sxor.u32 $0xBD80, s29  }
0x6fe: {  	[tilespmem:s31], [sflag:$0x3] =	stream.linear.gather [hbm4b:s30+s4], $0x10, $0x38;
	[tilespmem:$0x10600] =	vst v63  }
0x6ff: {  	s30 =	sadd.s32 $0x40, s0;
	s31 =	sxor.u32 $0xBE00, s29  }
0x700: {  	[tilespmem:s31], [sflag:$0x3] =	stream.linear.gather [hbm4b:s30+s4], $0x10, $0x38;
	[tilespmem:$0x10600] =	vst v63  }
0x701: {  	s30 =	sadd.s32 $0x50, s0;
	s31 =	sxor.u32 $0xBE80, s29  }
0x702: {  	[tilespmem:s31], [sflag:$0x3] =	stream.linear.gather [hbm4b:s30+s4], $0x10, $0x38;
	[tilespmem:$0x10600] =	vst v63  }
0x703: {  	s30 =	sadd.s32 $0x60, s0;
	s31 =	sxor.u32 $0xBF00, s29  }
0x704: {  	[tilespmem:s31], [sflag:$0x3] =	stream.linear.gather [hbm4b:s30+s4], $0x10, $0x38;
	[tilespmem:$0x10600] =	vst v63  }
0x705: {  	s30 =	sadd.s32 $0x70, s0;
	s31 =	sxor.u32 $0xBF80, s29  }
0x706: {  	[tilespmem:s31], [sflag:$0x3] =	stream.linear.gather [hbm4b:s30+s4], $0x10, $0x38;
	[tilespmem:$0x10600] =	vst v63  }
0x707: {  	s0 =	sadd.s32 $0xF4280, s0;
	s31 =	sxor.u32 $0xC000, s29  }
0x708: {  	(v2sf) =	vpush v1, $0x7;
	[tilespmem:s31], [sflag:$0x3] =	stream.linear.gather [hbm4b:s0+s4], $0x10, $0x38;
	[tilespmem:$0x10600] =	vst v63  }
0x709: {  	s30 =	sadd.s32 $0x10, s0;
	s31 =	sxor.u32 $0xC080, s29  }
0x70a: {  	[tilespmem:s31], [sflag:$0x3] =	stream.linear.gather [hbm4b:s30+s4], $0x10, $0x38;
	[tilespmem:$0x10600] =	vst v63  }
0x70b: {  	s30 =	sadd.s32 $0x20, s0;
	s31 =	sxor.u32 $0xC100, s29  }
0x70c: {  	[tilespmem:s31], [sflag:$0x3] =	stream.linear.gather [hbm4b:s30+s4], $0x10, $0x38;
	[tilespmem:$0x10600] =	vst v63  }
0x70d: {  	s30 =	sadd.s32 $0x30, s0;
	s31 =	sxor.u32 $0xC180, s29  }
0x70e: {  	[tilespmem:s31], [sflag:$0x3] =	stream.linear.gather [hbm4b:s30+s4], $0x10, $0x38;
	[tilespmem:$0x10600] =	vst v63  }
0x70f: {  	s30 =	sadd.s32 $0x40, s0;
	s31 =	sxor.u32 $0xC200, s29  }
0x710: {  	[tilespmem:s31], [sflag:$0x3] =	stream.linear.gather [hbm4b:s30+s4], $0x10, $0x38;
	[tilespmem:$0x10600] =	vst v63  }
0x711: {  	s30 =	sadd.s32 $0x50, s0;
	s31 =	sxor.u32 $0xC280, s29  }
0x712: {  	[tilespmem:s31], [sflag:$0x3] =	stream.linear.gather [hbm4b:s30+s4], $0x10, $0x38;
	[tilespmem:$0x10600] =	vst v63  }
0x713: {  	s30 =	sadd.s32 $0x60, s0;
	s31 =	sxor.u32 $0xC300, s29  }
0x714: {  	[tilespmem:s31], [sflag:$0x3] =	stream.linear.gather [hbm4b:s30+s4], $0x10, $0x38;
	[tilespmem:$0x10600] =	vst v63  }
0x715: {  	s0 =	sadd.s32 $0x70, s0;
	s31 =	sxor.u32 $0xC380, s29  }
0x716: {  	[tilespmem:s31], [sflag:$0x3] =	stream.linear.gather [hbm4b:s0+s4], $0x10, $0x38;
	[tilespmem:$0x10600] =	vst v63  }
0x717: {  	s0 =	spop (v2sf)  }
0x718: {  	s31 =	sshll.u32 s0, $0x7;
	s0 =	sshll.u32 s0, $0x4  }
0x719: {  	s30 =	sand.u32 $0xFFFFFC00, s31;
	s0 =	sand.u32 $0x70, s0  }
0x71a: {  	s0 =	sor.u32 s0, s30  }
0x71b: {  	s0 =	sshrl.u32 s0, $0x3  }
0x71c: {  	s31 =	sxor.u32 $0xBC10, s29;
	s0 =	sadd.s32 s2, s0  }
0x71d: {  	[tilespmem:s31], [sflag:$0x4] =	stream.linear.gather [hbm4b:s0+s4], $0x10, $0x38;
	[tilespmem:$0x10600] =	vst v63  }
0x71e: {  	s30 =	sadd.s32 $0x10, s0;
	s31 =	sxor.u32 $0xBC90, s29  }
0x71f: {  	[tilespmem:s31], [sflag:$0x4] =	stream.linear.gather [hbm4b:s30+s4], $0x10, $0x38;
	[tilespmem:$0x10600] =	vst v63  }
0x720: {  	s30 =	sadd.s32 $0x20, s0;
	s31 =	sxor.u32 $0xBD10, s29  }
0x721: {  	[tilespmem:s31], [sflag:$0x4] =	stream.linear.gather [hbm4b:s30+s4], $0x10, $0x38;
	[tilespmem:$0x10600] =	vst v63  }
0x722: {  	s30 =	sadd.s32 $0x30, s0;
	s31 =	sxor.u32 $0xBD90, s29  }
0x723: {  	[tilespmem:s31], [sflag:$0x4] =	stream.linear.gather [hbm4b:s30+s4], $0x10, $0x38;
	[tilespmem:$0x10600] =	vst v63  }
0x724: {  	s30 =	sadd.s32 $0x40, s0;
	s31 =	sxor.u32 $0xBE10, s29  }
0x725: {  	[tilespmem:s31], [sflag:$0x4] =	stream.linear.gather [hbm4b:s30+s4], $0x10, $0x38;
	[tilespmem:$0x10600] =	vst v63  }
0x726: {  	s30 =	sadd.s32 $0x50, s0;
	s31 =	sxor.u32 $0xBE90, s29  }
0x727: {  	[tilespmem:s31], [sflag:$0x4] =	stream.linear.gather [hbm4b:s30+s4], $0x10, $0x38;
	[tilespmem:$0x10600] =	vst v63  }
0x728: {  	s30 =	sadd.s32 $0x60, s0;
	s31 =	sxor.u32 $0xBF10, s29  }
0x729: {  	[tilespmem:s31], [sflag:$0x4] =	stream.linear.gather [hbm4b:s30+s4], $0x10, $0x38;
	[tilespmem:$0x10600] =	vst v63  }
0x72a: {  	s30 =	sadd.s32 $0x70, s0;
	s31 =	sxor.u32 $0xBF90, s29  }
0x72b: {  	[tilespmem:s31], [sflag:$0x4] =	stream.linear.gather [hbm4b:s30+s4], $0x10, $0x38;
	[tilespmem:$0x10600] =	vst v63  }
0x72c: {  	s0 =	sadd.s32 $0xF4280, s0;
	s31 =	sxor.u32 $0xC010, s29  }
0x72d: {  	(v2sf) =	vpush v2, $0x8;
	[tilespmem:s31], [sflag:$0x4] =	stream.linear.gather [hbm4b:s0+s4], $0x10, $0x38;
	[tilespmem:$0x10600] =	vst v63  }
0x72e: {  	s30 =	sadd.s32 $0x10, s0;
	s31 =	sxor.u32 $0xC090, s29  }
0x72f: {  	[tilespmem:s31], [sflag:$0x4] =	stream.linear.gather [hbm4b:s30+s4], $0x10, $0x38;
	[tilespmem:$0x10600] =	vst v63  }
0x730: {  	s30 =	sadd.s32 $0x20, s0;
	s31 =	sxor.u32 $0xC110, s29  }
0x731: {  	[tilespmem:s31], [sflag:$0x4] =	stream.linear.gather [hbm4b:s30+s4], $0x10, $0x38;
	[tilespmem:$0x10600] =	vst v63  }
0x732: {  	s30 =	sadd.s32 $0x30, s0;
	s31 =	sxor.u32 $0xC190, s29  }
0x733: {  	[tilespmem:s31], [sflag:$0x4] =	stream.linear.gather [hbm4b:s30+s4], $0x10, $0x38;
	[tilespmem:$0x10600] =	vst v63  }
0x734: {  	s30 =	sadd.s32 $0x40, s0;
	s31 =	sxor.u32 $0xC210, s29  }
0x735: {  	[tilespmem:s31], [sflag:$0x4] =	stream.linear.gather [hbm4b:s30+s4], $0x10, $0x38;
	[tilespmem:$0x10600] =	vst v63  }
0x736: {  	s30 =	sadd.s32 $0x50, s0;
	s31 =	sxor.u32 $0xC290, s29  }
0x737: {  	[tilespmem:s31], [sflag:$0x4] =	stream.linear.gather [hbm4b:s30+s4], $0x10, $0x38;
	[tilespmem:$0x10600] =	vst v63  }
0x738: {  	s30 =	sadd.s32 $0x60, s0;
	s31 =	sxor.u32 $0xC310, s29  }
0x739: {  	[tilespmem:s31], [sflag:$0x4] =	stream.linear.gather [hbm4b:s30+s4], $0x10, $0x38;
	[tilespmem:$0x10600] =	vst v63  }
0x73a: {  	s0 =	sadd.s32 $0x70, s0;
	s31 =	sxor.u32 $0xC390, s29  }
0x73b: {  	[tilespmem:s31], [sflag:$0x4] =	stream.linear.gather [hbm4b:s0+s4], $0x10, $0x38;
	[tilespmem:$0x10600] =	vst v63  }
0x73c: {  	s0 =	spop (v2sf)  }
0x73d: {  	s31 =	sshll.u32 s0, $0x7;
	s0 =	sshll.u32 s0, $0x4  }
0x73e: {  	s30 =	sand.u32 $0xFFFFFC00, s31;
	s0 =	sand.u32 $0x70, s0  }
0x73f: {  	s0 =	sor.u32 s0, s30  }
0x740: {  	s0 =	sshrl.u32 s0, $0x3  }
0x741: {  	s31 =	sxor.u32 $0xC400, s29;
	s0 =	sadd.s32 s1, s0  }
0x742: {  	[tilespmem:s31], [sflag:$0x1] =	stream.linear.gather [hbm4b:s0+s4], $0x10, $0x38;
	[tilespmem:$0x10600] =	vst v63  }
0x743: {  	s30 =	sadd.s32 $0x10, s0;
	s31 =	sxor.u32 $0xC480, s29  }
0x744: {  	[tilespmem:s31], [sflag:$0x1] =	stream.linear.gather [hbm4b:s30+s4], $0x10, $0x38;
	[tilespmem:$0x10600] =	vst v63  }
0x745: {  	s30 =	sadd.s32 $0x20, s0;
	s31 =	sxor.u32 $0xC500, s29  }
0x746: {  	[tilespmem:s31], [sflag:$0x1] =	stream.linear.gather [hbm4b:s30+s4], $0x10, $0x38;
	[tilespmem:$0x10600] =	vst v63  }
0x747: {  	s30 =	sadd.s32 $0x30, s0;
	s31 =	sxor.u32 $0xC580, s29  }
0x748: {  	[tilespmem:s31], [sflag:$0x1] =	stream.linear.gather [hbm4b:s30+s4], $0x10, $0x38;
	[tilespmem:$0x10600] =	vst v63  }
0x749: {  	s30 =	sadd.s32 $0x40, s0;
	s31 =	sxor.u32 $0xC600, s29  }
0x74a: {  	[tilespmem:s31], [sflag:$0x1] =	stream.linear.gather [hbm4b:s30+s4], $0x10, $0x38;
	[tilespmem:$0x10600] =	vst v63  }
0x74b: {  	s30 =	sadd.s32 $0x50, s0;
	s31 =	sxor.u32 $0xC680, s29  }
0x74c: {  	[tilespmem:s31], [sflag:$0x1] =	stream.linear.gather [hbm4b:s30+s4], $0x10, $0x38;
	[tilespmem:$0x10600] =	vst v63  }
0x74d: {  	s30 =	sadd.s32 $0x60, s0;
	s31 =	sxor.u32 $0xC700, s29  }
0x74e: {  	[tilespmem:s31], [sflag:$0x1] =	stream.linear.gather [hbm4b:s30+s4], $0x10, $0x38;
	[tilespmem:$0x10600] =	vst v63  }
0x74f: {  	s30 =	sadd.s32 $0x70, s0;
	s31 =	sxor.u32 $0xC780, s29  }
0x750: {  	[tilespmem:s31], [sflag:$0x1] =	stream.linear.gather [hbm4b:s30+s4], $0x10, $0x38;
	[tilespmem:$0x10600] =	vst v63  }
0x751: {  	s0 =	sadd.s32 $0xF4280, s0;
	s31 =	sxor.u32 $0xC800, s29  }
0x752: {  	(v2sf) =	vpush v1, $0x8;
	[tilespmem:s31], [sflag:$0x1] =	stream.linear.gather [hbm4b:s0+s4], $0x10, $0x38;
	[tilespmem:$0x10600] =	vst v63  }
0x753: {  	s30 =	sadd.s32 $0x10, s0;
	s31 =	sxor.u32 $0xC880, s29  }
0x754: {  	[tilespmem:s31], [sflag:$0x1] =	stream.linear.gather [hbm4b:s30+s4], $0x10, $0x38;
	[tilespmem:$0x10600] =	vst v63  }
0x755: {  	s30 =	sadd.s32 $0x20, s0;
	s31 =	sxor.u32 $0xC900, s29  }
0x756: {  	[tilespmem:s31], [sflag:$0x1] =	stream.linear.gather [hbm4b:s30+s4], $0x10, $0x38;
	[tilespmem:$0x10600] =	vst v63  }
0x757: {  	s30 =	sadd.s32 $0x30, s0;
	s31 =	sxor.u32 $0xC980, s29  }
0x758: {  	[tilespmem:s31], [sflag:$0x1] =	stream.linear.gather [hbm4b:s30+s4], $0x10, $0x38;
	[tilespmem:$0x10600] =	vst v63  }
0x759: {  	s30 =	sadd.s32 $0x40, s0;
	s31 =	sxor.u32 $0xCA00, s29  }
0x75a: {  	[tilespmem:s31], [sflag:$0x1] =	stream.linear.gather [hbm4b:s30+s4], $0x10, $0x38;
	[tilespmem:$0x10600] =	vst v63  }
0x75b: {  	s30 =	sadd.s32 $0x50, s0;
	s31 =	sxor.u32 $0xCA80, s29  }
0x75c: {  	[tilespmem:s31], [sflag:$0x1] =	stream.linear.gather [hbm4b:s30+s4], $0x10, $0x38;
	[tilespmem:$0x10600] =	vst v63  }
0x75d: {  	s30 =	sadd.s32 $0x60, s0;
	s31 =	sxor.u32 $0xCB00, s29  }
0x75e: {  	[tilespmem:s31], [sflag:$0x1] =	stream.linear.gather [hbm4b:s30+s4], $0x10, $0x38;
	[tilespmem:$0x10600] =	vst v63  }
0x75f: {  	s0 =	sadd.s32 $0x70, s0;
	s31 =	sxor.u32 $0xCB80, s29  }
0x760: {  	[tilespmem:s31], [sflag:$0x1] =	stream.linear.gather [hbm4b:s0+s4], $0x10, $0x38;
	[tilespmem:$0x10600] =	vst v63  }
0x761: {  	s0 =	spop (v2sf)  }
0x762: {  	s31 =	sshll.u32 s0, $0x7;
	s0 =	sshll.u32 s0, $0x4  }
0x763: {  	s30 =	sand.u32 $0xFFFFFC00, s31;
	s0 =	sand.u32 $0x70, s0  }
0x764: {  	s0 =	sor.u32 s0, s30  }
0x765: {  	s0 =	sshrl.u32 s0, $0x3  }
0x766: {  	s31 =	sxor.u32 $0xC410, s29;
	s0 =	sadd.s32 s2, s0  }
0x767: {  	[tilespmem:s31], [sflag:$0x2] =	stream.linear.gather [hbm4b:s0+s4], $0x10, $0x38;
	[tilespmem:$0x10600] =	vst v63  }
0x768: {  	s30 =	sadd.s32 $0x10, s0;
	s31 =	sxor.u32 $0xC490, s29  }
0x769: {  	[tilespmem:s31], [sflag:$0x2] =	stream.linear.gather [hbm4b:s30+s4], $0x10, $0x38;
	[tilespmem:$0x10600] =	vst v63  }
0x76a: {  	s30 =	sadd.s32 $0x20, s0;
	s31 =	sxor.u32 $0xC510, s29  }
0x76b: {  	[tilespmem:s31], [sflag:$0x2] =	stream.linear.gather [hbm4b:s30+s4], $0x10, $0x38;
	[tilespmem:$0x10600] =	vst v63  }
0x76c: {  	s30 =	sadd.s32 $0x30, s0;
	s31 =	sxor.u32 $0xC590, s29  }
0x76d: {  	[tilespmem:s31], [sflag:$0x2] =	stream.linear.gather [hbm4b:s30+s4], $0x10, $0x38;
	[tilespmem:$0x10600] =	vst v63  }
0x76e: {  	s30 =	sadd.s32 $0x40, s0;
	s31 =	sxor.u32 $0xC610, s29  }
0x76f: {  	[tilespmem:s31], [sflag:$0x2] =	stream.linear.gather [hbm4b:s30+s4], $0x10, $0x38;
	[tilespmem:$0x10600] =	vst v63  }
0x770: {  	s30 =	sadd.s32 $0x50, s0;
	s31 =	sxor.u32 $0xC690, s29  }
0x771: {  	[tilespmem:s31], [sflag:$0x2] =	stream.linear.gather [hbm4b:s30+s4], $0x10, $0x38;
	[tilespmem:$0x10600] =	vst v63  }
0x772: {  	s30 =	sadd.s32 $0x60, s0;
	s31 =	sxor.u32 $0xC710, s29  }
0x773: {  	[tilespmem:s31], [sflag:$0x2] =	stream.linear.gather [hbm4b:s30+s4], $0x10, $0x38;
	[tilespmem:$0x10600] =	vst v63  }
0x774: {  	s30 =	sadd.s32 $0x70, s0;
	s31 =	sxor.u32 $0xC790, s29  }
0x775: {  	[tilespmem:s31], [sflag:$0x2] =	stream.linear.gather [hbm4b:s30+s4], $0x10, $0x38;
	[tilespmem:$0x10600] =	vst v63  }
0x776: {  	s0 =	sadd.s32 $0xF4280, s0;
	s31 =	sxor.u32 $0xC810, s29  }
0x777: {  	(v2sf) =	vpush v2, $0x9;
	[tilespmem:s31], [sflag:$0x2] =	stream.linear.gather [hbm4b:s0+s4], $0x10, $0x38;
	[tilespmem:$0x10600] =	vst v63  }
0x778: {  	s30 =	sadd.s32 $0x10, s0;
	s31 =	sxor.u32 $0xC890, s29  }
0x779: {  	[tilespmem:s31], [sflag:$0x2] =	stream.linear.gather [hbm4b:s30+s4], $0x10, $0x38;
	[tilespmem:$0x10600] =	vst v63  }
0x77a: {  	s30 =	sadd.s32 $0x20, s0;
	s31 =	sxor.u32 $0xC910, s29  }
0x77b: {  	[tilespmem:s31], [sflag:$0x2] =	stream.linear.gather [hbm4b:s30+s4], $0x10, $0x38;
	[tilespmem:$0x10600] =	vst v63  }
0x77c: {  	s30 =	sadd.s32 $0x30, s0;
	s31 =	sxor.u32 $0xC990, s29  }
0x77d: {  	[tilespmem:s31], [sflag:$0x2] =	stream.linear.gather [hbm4b:s30+s4], $0x10, $0x38;
	[tilespmem:$0x10600] =	vst v63  }
0x77e: {  	s30 =	sadd.s32 $0x40, s0;
	s31 =	sxor.u32 $0xCA10, s29  }
0x77f: {  	[tilespmem:s31], [sflag:$0x2] =	stream.linear.gather [hbm4b:s30+s4], $0x10, $0x38;
	[tilespmem:$0x10600] =	vst v63  }
0x780: {  	s30 =	sadd.s32 $0x50, s0;
	s31 =	sxor.u32 $0xCA90, s29  }
0x781: {  	[tilespmem:s31], [sflag:$0x2] =	stream.linear.gather [hbm4b:s30+s4], $0x10, $0x38;
	[tilespmem:$0x10600] =	vst v63  }
0x782: {  	s30 =	sadd.s32 $0x60, s0;
	s31 =	sxor.u32 $0xCB10, s29  }
0x783: {  	[tilespmem:s31], [sflag:$0x2] =	stream.linear.gather [hbm4b:s30+s4], $0x10, $0x38;
	[tilespmem:$0x10600] =	vst v63  }
0x784: {  	s0 =	sadd.s32 $0x70, s0;
	s31 =	sxor.u32 $0xCB90, s29  }
0x785: {  	[tilespmem:s31], [sflag:$0x2] =	stream.linear.gather [hbm4b:s0+s4], $0x10, $0x38;
	[tilespmem:$0x10600] =	vst v63  }
0x786: {  	s0 =	spop (v2sf)  }
0x787: {  	s31 =	sshll.u32 s0, $0x7;
	s0 =	sshll.u32 s0, $0x4  }
0x788: {  	s30 =	sand.u32 $0xFFFFFC00, s31;
	s0 =	sand.u32 $0x70, s0  }
0x789: {  	s0 =	sor.u32 s0, s30  }
0x78a: {  	s0 =	sshrl.u32 s0, $0x3  }
0x78b: {  	s31 =	sxor.u32 $0xCC00, s29;
	s0 =	sadd.s32 s1, s0  }
0x78c: {  	[tilespmem:s31], [sflag:$0x3] =	stream.linear.gather [hbm4b:s0+s4], $0x10, $0x38;
	[tilespmem:$0x10600] =	vst v63  }
0x78d: {  	s30 =	sadd.s32 $0x10, s0;
	s31 =	sxor.u32 $0xCC80, s29  }
0x78e: {  	[tilespmem:s31], [sflag:$0x3] =	stream.linear.gather [hbm4b:s30+s4], $0x10, $0x38;
	[tilespmem:$0x10600] =	vst v63  }
0x78f: {  	s30 =	sadd.s32 $0x20, s0;
	s31 =	sxor.u32 $0xCD00, s29  }
0x790: {  	[tilespmem:s31], [sflag:$0x3] =	stream.linear.gather [hbm4b:s30+s4], $0x10, $0x38;
	[tilespmem:$0x10600] =	vst v63  }
0x791: {  	s30 =	sadd.s32 $0x30, s0;
	s31 =	sxor.u32 $0xCD80, s29  }
0x792: {  	[tilespmem:s31], [sflag:$0x3] =	stream.linear.gather [hbm4b:s30+s4], $0x10, $0x38;
	[tilespmem:$0x10600] =	vst v63  }
0x793: {  	s30 =	sadd.s32 $0x40, s0;
	s31 =	sxor.u32 $0xCE00, s29  }
0x794: {  	[tilespmem:s31], [sflag:$0x3] =	stream.linear.gather [hbm4b:s30+s4], $0x10, $0x38;
	[tilespmem:$0x10600] =	vst v63  }
0x795: {  	s30 =	sadd.s32 $0x50, s0;
	s31 =	sxor.u32 $0xCE80, s29  }
0x796: {  	[tilespmem:s31], [sflag:$0x3] =	stream.linear.gather [hbm4b:s30+s4], $0x10, $0x38;
	[tilespmem:$0x10600] =	vst v63  }
0x797: {  	s30 =	sadd.s32 $0x60, s0;
	s31 =	sxor.u32 $0xCF00, s29  }
0x798: {  	[tilespmem:s31], [sflag:$0x3] =	stream.linear.gather [hbm4b:s30+s4], $0x10, $0x38;
	[tilespmem:$0x10600] =	vst v63  }
0x799: {  	s30 =	sadd.s32 $0x70, s0;
	s31 =	sxor.u32 $0xCF80, s29  }
0x79a: {  	[tilespmem:s31], [sflag:$0x3] =	stream.linear.gather [hbm4b:s30+s4], $0x10, $0x38;
	[tilespmem:$0x10600] =	vst v63  }
0x79b: {  	s0 =	sadd.s32 $0xF4280, s0;
	s31 =	sxor.u32 $0xD000, s29  }
0x79c: {  	(v2sf) =	vpush v1, $0x9;
	[tilespmem:s31], [sflag:$0x3] =	stream.linear.gather [hbm4b:s0+s4], $0x10, $0x38;
	[tilespmem:$0x10600] =	vst v63  }
0x79d: {  	s30 =	sadd.s32 $0x10, s0;
	s31 =	sxor.u32 $0xD080, s29  }
0x79e: {  	[tilespmem:s31], [sflag:$0x3] =	stream.linear.gather [hbm4b:s30+s4], $0x10, $0x38;
	[tilespmem:$0x10600] =	vst v63  }
0x79f: {  	s30 =	sadd.s32 $0x20, s0;
	s31 =	sxor.u32 $0xD100, s29  }
0x7a0: {  	[tilespmem:s31], [sflag:$0x3] =	stream.linear.gather [hbm4b:s30+s4], $0x10, $0x38;
	[tilespmem:$0x10600] =	vst v63  }
0x7a1: {  	s30 =	sadd.s32 $0x30, s0;
	s31 =	sxor.u32 $0xD180, s29  }
0x7a2: {  	[tilespmem:s31], [sflag:$0x3] =	stream.linear.gather [hbm4b:s30+s4], $0x10, $0x38;
	[tilespmem:$0x10600] =	vst v63  }
0x7a3: {  	s30 =	sadd.s32 $0x40, s0;
	s31 =	sxor.u32 $0xD200, s29  }
0x7a4: {  	[tilespmem:s31], [sflag:$0x3] =	stream.linear.gather [hbm4b:s30+s4], $0x10, $0x38;
	[tilespmem:$0x10600] =	vst v63  }
0x7a5: {  	s30 =	sadd.s32 $0x50, s0;
	s31 =	sxor.u32 $0xD280, s29  }
0x7a6: {  	[tilespmem:s31], [sflag:$0x3] =	stream.linear.gather [hbm4b:s30+s4], $0x10, $0x38;
	[tilespmem:$0x10600] =	vst v63  }
0x7a7: {  	s30 =	sadd.s32 $0x60, s0;
	s31 =	sxor.u32 $0xD300, s29  }
0x7a8: {  	[tilespmem:s31], [sflag:$0x3] =	stream.linear.gather [hbm4b:s30+s4], $0x10, $0x38;
	[tilespmem:$0x10600] =	vst v63  }
0x7a9: {  	s0 =	sadd.s32 $0x70, s0;
	s31 =	sxor.u32 $0xD380, s29  }
0x7aa: {  	[tilespmem:s31], [sflag:$0x3] =	stream.linear.gather [hbm4b:s0+s4], $0x10, $0x38;
	[tilespmem:$0x10600] =	vst v63  }
0x7ab: {  	s0 =	spop (v2sf)  }
0x7ac: {  	s31 =	sshll.u32 s0, $0x7;
	s0 =	sshll.u32 s0, $0x4  }
0x7ad: {  	s30 =	sand.u32 $0xFFFFFC00, s31;
	s0 =	sand.u32 $0x70, s0  }
0x7ae: {  	s0 =	sor.u32 s0, s30  }
0x7af: {  	s0 =	sshrl.u32 s0, $0x3  }
0x7b0: {  	s31 =	sxor.u32 $0xCC10, s29;
	s0 =	sadd.s32 s2, s0  }
0x7b1: {  	[tilespmem:s31], [sflag:$0x4] =	stream.linear.gather [hbm4b:s0+s4], $0x10, $0x38;
	[tilespmem:$0x10600] =	vst v63  }
0x7b2: {  	s30 =	sadd.s32 $0x10, s0;
	s31 =	sxor.u32 $0xCC90, s29  }
0x7b3: {  	[tilespmem:s31], [sflag:$0x4] =	stream.linear.gather [hbm4b:s30+s4], $0x10, $0x38;
	[tilespmem:$0x10600] =	vst v63  }
0x7b4: {  	s30 =	sadd.s32 $0x20, s0;
	s31 =	sxor.u32 $0xCD10, s29  }
0x7b5: {  	[tilespmem:s31], [sflag:$0x4] =	stream.linear.gather [hbm4b:s30+s4], $0x10, $0x38;
	[tilespmem:$0x10600] =	vst v63  }
0x7b6: {  	s30 =	sadd.s32 $0x30, s0;
	s31 =	sxor.u32 $0xCD90, s29  }
0x7b7: {  	[tilespmem:s31], [sflag:$0x4] =	stream.linear.gather [hbm4b:s30+s4], $0x10, $0x38;
	[tilespmem:$0x10600] =	vst v63  }
0x7b8: {  	s30 =	sadd.s32 $0x40, s0;
	s31 =	sxor.u32 $0xCE10, s29  }
0x7b9: {  	[tilespmem:s31], [sflag:$0x4] =	stream.linear.gather [hbm4b:s30+s4], $0x10, $0x38;
	[tilespmem:$0x10600] =	vst v63  }
0x7ba: {  	s30 =	sadd.s32 $0x50, s0;
	s31 =	sxor.u32 $0xCE90, s29  }
0x7bb: {  	[tilespmem:s31], [sflag:$0x4] =	stream.linear.gather [hbm4b:s30+s4], $0x10, $0x38;
	[tilespmem:$0x10600] =	vst v63  }
0x7bc: {  	s30 =	sadd.s32 $0x60, s0;
	s31 =	sxor.u32 $0xCF10, s29  }
0x7bd: {  	[tilespmem:s31], [sflag:$0x4] =	stream.linear.gather [hbm4b:s30+s4], $0x10, $0x38;
	[tilespmem:$0x10600] =	vst v63  }
0x7be: {  	s30 =	sadd.s32 $0x70, s0;
	s31 =	sxor.u32 $0xCF90, s29  }
0x7bf: {  	[tilespmem:s31], [sflag:$0x4] =	stream.linear.gather [hbm4b:s30+s4], $0x10, $0x38;
	[tilespmem:$0x10600] =	vst v63  }
0x7c0: {  	s0 =	sadd.s32 $0xF4280, s0;
	s31 =	sxor.u32 $0xD010, s29  }
0x7c1: {  	(v2sf) =	vpush v2, $0xA;
	[tilespmem:s31], [sflag:$0x4] =	stream.linear.gather [hbm4b:s0+s4], $0x10, $0x38;
	[tilespmem:$0x10600] =	vst v63  }
0x7c2: {  	s30 =	sadd.s32 $0x10, s0;
	s31 =	sxor.u32 $0xD090, s29  }
0x7c3: {  	[tilespmem:s31], [sflag:$0x4] =	stream.linear.gather [hbm4b:s30+s4], $0x10, $0x38;
	[tilespmem:$0x10600] =	vst v63  }
0x7c4: {  	s30 =	sadd.s32 $0x20, s0;
	s31 =	sxor.u32 $0xD110, s29  }
0x7c5: {  	[tilespmem:s31], [sflag:$0x4] =	stream.linear.gather [hbm4b:s30+s4], $0x10, $0x38;
	[tilespmem:$0x10600] =	vst v63  }
0x7c6: {  	s30 =	sadd.s32 $0x30, s0;
	s31 =	sxor.u32 $0xD190, s29  }
0x7c7: {  	[tilespmem:s31], [sflag:$0x4] =	stream.linear.gather [hbm4b:s30+s4], $0x10, $0x38;
	[tilespmem:$0x10600] =	vst v63  }
0x7c8: {  	s30 =	sadd.s32 $0x40, s0;
	s31 =	sxor.u32 $0xD210, s29  }
0x7c9: {  	[tilespmem:s31], [sflag:$0x4] =	stream.linear.gather [hbm4b:s30+s4], $0x10, $0x38;
	[tilespmem:$0x10600] =	vst v63  }
0x7ca: {  	s30 =	sadd.s32 $0x50, s0;
	s31 =	sxor.u32 $0xD290, s29  }
0x7cb: {  	[tilespmem:s31], [sflag:$0x4] =	stream.linear.gather [hbm4b:s30+s4], $0x10, $0x38;
	[tilespmem:$0x10600] =	vst v63  }
0x7cc: {  	s30 =	sadd.s32 $0x60, s0;
	s31 =	sxor.u32 $0xD310, s29  }
0x7cd: {  	[tilespmem:s31], [sflag:$0x4] =	stream.linear.gather [hbm4b:s30+s4], $0x10, $0x38;
	[tilespmem:$0x10600] =	vst v63  }
0x7ce: {  	s0 =	sadd.s32 $0x70, s0;
	s31 =	sxor.u32 $0xD390, s29  }
0x7cf: {  	[tilespmem:s31], [sflag:$0x4] =	stream.linear.gather [hbm4b:s0+s4], $0x10, $0x38;
	[tilespmem:$0x10600] =	vst v63  }
0x7d0: {  	s0 =	spop (v2sf)  }
0x7d1: {  	s31 =	sshll.u32 s0, $0x7;
	s0 =	sshll.u32 s0, $0x4  }
0x7d2: {  	s30 =	sand.u32 $0xFFFFFC00, s31;
	s0 =	sand.u32 $0x70, s0  }
0x7d3: {  	s0 =	sor.u32 s0, s30  }
0x7d4: {  	s0 =	sshrl.u32 s0, $0x3  }
0x7d5: {  	s31 =	sxor.u32 $0xD400, s29;
	s0 =	sadd.s32 s1, s0  }
0x7d6: {  	[tilespmem:s31], [sflag:$0x1] =	stream.linear.gather [hbm4b:s0+s4], $0x10, $0x38;
	[tilespmem:$0x10600] =	vst v63  }
0x7d7: {  	s30 =	sadd.s32 $0x10, s0;
	s31 =	sxor.u32 $0xD480, s29  }
0x7d8: {  	[tilespmem:s31], [sflag:$0x1] =	stream.linear.gather [hbm4b:s30+s4], $0x10, $0x38;
	[tilespmem:$0x10600] =	vst v63  }
0x7d9: {  	s30 =	sadd.s32 $0x20, s0;
	s31 =	sxor.u32 $0xD500, s29  }
0x7da: {  	[tilespmem:s31], [sflag:$0x1] =	stream.linear.gather [hbm4b:s30+s4], $0x10, $0x38;
	[tilespmem:$0x10600] =	vst v63  }
0x7db: {  	s30 =	sadd.s32 $0x30, s0;
	s31 =	sxor.u32 $0xD580, s29  }
0x7dc: {  	[tilespmem:s31], [sflag:$0x1] =	stream.linear.gather [hbm4b:s30+s4], $0x10, $0x38;
	[tilespmem:$0x10600] =	vst v63  }
0x7dd: {  	s30 =	sadd.s32 $0x40, s0;
	s31 =	sxor.u32 $0xD600, s29  }
0x7de: {  	[tilespmem:s31], [sflag:$0x1] =	stream.linear.gather [hbm4b:s30+s4], $0x10, $0x38;
	[tilespmem:$0x10600] =	vst v63  }
0x7df: {  	s30 =	sadd.s32 $0x50, s0;
	s31 =	sxor.u32 $0xD680, s29  }
0x7e0: {  	[tilespmem:s31], [sflag:$0x1] =	stream.linear.gather [hbm4b:s30+s4], $0x10, $0x38;
	[tilespmem:$0x10600] =	vst v63  }
0x7e1: {  	s30 =	sadd.s32 $0x60, s0;
	s31 =	sxor.u32 $0xD700, s29  }
0x7e2: {  	[tilespmem:s31], [sflag:$0x1] =	stream.linear.gather [hbm4b:s30+s4], $0x10, $0x38;
	[tilespmem:$0x10600] =	vst v63  }
0x7e3: {  	s30 =	sadd.s32 $0x70, s0;
	s31 =	sxor.u32 $0xD780, s29  }
0x7e4: {  	[tilespmem:s31], [sflag:$0x1] =	stream.linear.gather [hbm4b:s30+s4], $0x10, $0x38;
	[tilespmem:$0x10600] =	vst v63  }
0x7e5: {  	s0 =	sadd.s32 $0xF4280, s0;
	s31 =	sxor.u32 $0xD800, s29  }
0x7e6: {  	(v2sf) =	vpush v1, $0xA;
	[tilespmem:s31], [sflag:$0x1] =	stream.linear.gather [hbm4b:s0+s4], $0x10, $0x38;
	[tilespmem:$0x10600] =	vst v63  }
0x7e7: {  	s30 =	sadd.s32 $0x10, s0;
	s31 =	sxor.u32 $0xD880, s29  }
0x7e8: {  	[tilespmem:s31], [sflag:$0x1] =	stream.linear.gather [hbm4b:s30+s4], $0x10, $0x38;
	[tilespmem:$0x10600] =	vst v63  }
0x7e9: {  	s30 =	sadd.s32 $0x20, s0;
	s31 =	sxor.u32 $0xD900, s29  }
0x7ea: {  	[tilespmem:s31], [sflag:$0x1] =	stream.linear.gather [hbm4b:s30+s4], $0x10, $0x38;
	[tilespmem:$0x10600] =	vst v63  }
0x7eb: {  	s30 =	sadd.s32 $0x30, s0;
	s31 =	sxor.u32 $0xD980, s29  }
0x7ec: {  	[tilespmem:s31], [sflag:$0x1] =	stream.linear.gather [hbm4b:s30+s4], $0x10, $0x38;
	[tilespmem:$0x10600] =	vst v63  }
0x7ed: {  	s30 =	sadd.s32 $0x40, s0;
	s31 =	sxor.u32 $0xDA00, s29  }
0x7ee: {  	[tilespmem:s31], [sflag:$0x1] =	stream.linear.gather [hbm4b:s30+s4], $0x10, $0x38;
	[tilespmem:$0x10600] =	vst v63  }
0x7ef: {  	s30 =	sadd.s32 $0x50, s0;
	s31 =	sxor.u32 $0xDA80, s29  }
0x7f0: {  	[tilespmem:s31], [sflag:$0x1] =	stream.linear.gather [hbm4b:s30+s4], $0x10, $0x38;
	[tilespmem:$0x10600] =	vst v63  }
0x7f1: {  	s30 =	sadd.s32 $0x60, s0;
	s31 =	sxor.u32 $0xDB00, s29  }
0x7f2: {  	[tilespmem:s31], [sflag:$0x1] =	stream.linear.gather [hbm4b:s30+s4], $0x10, $0x38;
	[tilespmem:$0x10600] =	vst v63  }
0x7f3: {  	s0 =	sadd.s32 $0x70, s0;
	s31 =	sxor.u32 $0xDB80, s29  }
0x7f4: {  	[tilespmem:s31], [sflag:$0x1] =	stream.linear.gather [hbm4b:s0+s4], $0x10, $0x38;
	[tilespmem:$0x10600] =	vst v63  }
0x7f5: {  	s0 =	spop (v2sf)  }
0x7f6: {  	s31 =	sshll.u32 s0, $0x7;
	s0 =	sshll.u32 s0, $0x4  }
0x7f7: {  	s30 =	sand.u32 $0xFFFFFC00, s31;
	s0 =	sand.u32 $0x70, s0  }
0x7f8: {  	s0 =	sor.u32 s0, s30  }
0x7f9: {  	s0 =	sshrl.u32 s0, $0x3  }
0x7fa: {  	s31 =	sxor.u32 $0xD410, s29;
	s0 =	sadd.s32 s2, s0  }
0x7fb: {  	[tilespmem:s31], [sflag:$0x2] =	stream.linear.gather [hbm4b:s0+s4], $0x10, $0x38;
	[tilespmem:$0x10600] =	vst v63  }
0x7fc: {  	s30 =	sadd.s32 $0x10, s0;
	s31 =	sxor.u32 $0xD490, s29  }
0x7fd: {  	[tilespmem:s31], [sflag:$0x2] =	stream.linear.gather [hbm4b:s30+s4], $0x10, $0x38;
	[tilespmem:$0x10600] =	vst v63  }
0x7fe: {  	s30 =	sadd.s32 $0x20, s0;
	s31 =	sxor.u32 $0xD510, s29  }
0x7ff: {  	[tilespmem:s31], [sflag:$0x2] =	stream.linear.gather [hbm4b:s30+s4], $0x10, $0x38;
	[tilespmem:$0x10600] =	vst v63  }
0x800: {  	s30 =	sadd.s32 $0x30, s0;
	s31 =	sxor.u32 $0xD590, s29  }
0x801: {  	[tilespmem:s31], [sflag:$0x2] =	stream.linear.gather [hbm4b:s30+s4], $0x10, $0x38;
	[tilespmem:$0x10600] =	vst v63  }
0x802: {  	s30 =	sadd.s32 $0x40, s0;
	s31 =	sxor.u32 $0xD610, s29  }
0x803: {  	[tilespmem:s31], [sflag:$0x2] =	stream.linear.gather [hbm4b:s30+s4], $0x10, $0x38;
	[tilespmem:$0x10600] =	vst v63  }
0x804: {  	s30 =	sadd.s32 $0x50, s0;
	s31 =	sxor.u32 $0xD690, s29  }
0x805: {  	[tilespmem:s31], [sflag:$0x2] =	stream.linear.gather [hbm4b:s30+s4], $0x10, $0x38;
	[tilespmem:$0x10600] =	vst v63  }
0x806: {  	s30 =	sadd.s32 $0x60, s0;
	s31 =	sxor.u32 $0xD710, s29  }
0x807: {  	[tilespmem:s31], [sflag:$0x2] =	stream.linear.gather [hbm4b:s30+s4], $0x10, $0x38;
	[tilespmem:$0x10600] =	vst v63  }
0x808: {  	s30 =	sadd.s32 $0x70, s0;
	s31 =	sxor.u32 $0xD790, s29  }
0x809: {  	[tilespmem:s31], [sflag:$0x2] =	stream.linear.gather [hbm4b:s30+s4], $0x10, $0x38;
	[tilespmem:$0x10600] =	vst v63  }
0x80a: {  	s0 =	sadd.s32 $0xF4280, s0;
	s31 =	sxor.u32 $0xD810, s29  }
0x80b: {  	(v2sf) =	vpush v2, $0xB;
	[tilespmem:s31], [sflag:$0x2] =	stream.linear.gather [hbm4b:s0+s4], $0x10, $0x38;
	[tilespmem:$0x10600] =	vst v63  }
0x80c: {  	s30 =	sadd.s32 $0x10, s0;
	s31 =	sxor.u32 $0xD890, s29  }
0x80d: {  	[tilespmem:s31], [sflag:$0x2] =	stream.linear.gather [hbm4b:s30+s4], $0x10, $0x38;
	[tilespmem:$0x10600] =	vst v63  }
0x80e: {  	s30 =	sadd.s32 $0x20, s0;
	s31 =	sxor.u32 $0xD910, s29  }
0x80f: {  	[tilespmem:s31], [sflag:$0x2] =	stream.linear.gather [hbm4b:s30+s4], $0x10, $0x38;
	[tilespmem:$0x10600] =	vst v63  }
0x810: {  	s30 =	sadd.s32 $0x30, s0;
	s31 =	sxor.u32 $0xD990, s29  }
0x811: {  	[tilespmem:s31], [sflag:$0x2] =	stream.linear.gather [hbm4b:s30+s4], $0x10, $0x38;
	[tilespmem:$0x10600] =	vst v63  }
0x812: {  	s30 =	sadd.s32 $0x40, s0;
	s31 =	sxor.u32 $0xDA10, s29  }
0x813: {  	[tilespmem:s31], [sflag:$0x2] =	stream.linear.gather [hbm4b:s30+s4], $0x10, $0x38;
	[tilespmem:$0x10600] =	vst v63  }
0x814: {  	s30 =	sadd.s32 $0x50, s0;
	s31 =	sxor.u32 $0xDA90, s29  }
0x815: {  	[tilespmem:s31], [sflag:$0x2] =	stream.linear.gather [hbm4b:s30+s4], $0x10, $0x38;
	[tilespmem:$0x10600] =	vst v63  }
0x816: {  	s30 =	sadd.s32 $0x60, s0;
	s31 =	sxor.u32 $0xDB10, s29  }
0x817: {  	[tilespmem:s31], [sflag:$0x2] =	stream.linear.gather [hbm4b:s30+s4], $0x10, $0x38;
	[tilespmem:$0x10600] =	vst v63  }
0x818: {  	s0 =	sadd.s32 $0x70, s0;
	s31 =	sxor.u32 $0xDB90, s29  }
0x819: {  	[tilespmem:s31], [sflag:$0x2] =	stream.linear.gather [hbm4b:s0+s4], $0x10, $0x38;
	[tilespmem:$0x10600] =	vst v63  }
0x81a: {  	s0 =	spop (v2sf)  }
0x81b: {  	s31 =	sshll.u32 s0, $0x7;
	s0 =	sshll.u32 s0, $0x4  }
0x81c: {  	s30 =	sand.u32 $0xFFFFFC00, s31;
	s0 =	sand.u32 $0x70, s0  }
0x81d: {  	s0 =	sor.u32 s0, s30  }
0x81e: {  	s0 =	sshrl.u32 s0, $0x3  }
0x81f: {  	s31 =	sxor.u32 $0xDC00, s29;
	s0 =	sadd.s32 s1, s0  }
0x820: {  	[tilespmem:s31], [sflag:$0x3] =	stream.linear.gather [hbm4b:s0+s4], $0x10, $0x38;
	[tilespmem:$0x10600] =	vst v63  }
0x821: {  	s30 =	sadd.s32 $0x10, s0;
	s31 =	sxor.u32 $0xDC80, s29  }
0x822: {  	[tilespmem:s31], [sflag:$0x3] =	stream.linear.gather [hbm4b:s30+s4], $0x10, $0x38;
	[tilespmem:$0x10600] =	vst v63  }
0x823: {  	s30 =	sadd.s32 $0x20, s0;
	s31 =	sxor.u32 $0xDD00, s29  }
0x824: {  	[tilespmem:s31], [sflag:$0x3] =	stream.linear.gather [hbm4b:s30+s4], $0x10, $0x38;
	[tilespmem:$0x10600] =	vst v63  }
0x825: {  	s30 =	sadd.s32 $0x30, s0;
	s31 =	sxor.u32 $0xDD80, s29  }
0x826: {  	[tilespmem:s31], [sflag:$0x3] =	stream.linear.gather [hbm4b:s30+s4], $0x10, $0x38;
	[tilespmem:$0x10600] =	vst v63  }
0x827: {  	s30 =	sadd.s32 $0x40, s0;
	s31 =	sxor.u32 $0xDE00, s29  }
0x828: {  	[tilespmem:s31], [sflag:$0x3] =	stream.linear.gather [hbm4b:s30+s4], $0x10, $0x38;
	[tilespmem:$0x10600] =	vst v63  }
0x829: {  	s30 =	sadd.s32 $0x50, s0;
	s31 =	sxor.u32 $0xDE80, s29  }
0x82a: {  	[tilespmem:s31], [sflag:$0x3] =	stream.linear.gather [hbm4b:s30+s4], $0x10, $0x38;
	[tilespmem:$0x10600] =	vst v63  }
0x82b: {  	s30 =	sadd.s32 $0x60, s0;
	s31 =	sxor.u32 $0xDF00, s29  }
0x82c: {  	[tilespmem:s31], [sflag:$0x3] =	stream.linear.gather [hbm4b:s30+s4], $0x10, $0x38;
	[tilespmem:$0x10600] =	vst v63  }
0x82d: {  	s30 =	sadd.s32 $0x70, s0;
	s31 =	sxor.u32 $0xDF80, s29  }
0x82e: {  	[tilespmem:s31], [sflag:$0x3] =	stream.linear.gather [hbm4b:s30+s4], $0x10, $0x38;
	[tilespmem:$0x10600] =	vst v63  }
0x82f: {  	s0 =	sadd.s32 $0xF4280, s0;
	s31 =	sxor.u32 $0xE000, s29  }
0x830: {  	(v2sf) =	vpush v1, $0xB;
	[tilespmem:s31], [sflag:$0x3] =	stream.linear.gather [hbm4b:s0+s4], $0x10, $0x38;
	[tilespmem:$0x10600] =	vst v63  }
0x831: {  	s30 =	sadd.s32 $0x10, s0;
	s31 =	sxor.u32 $0xE080, s29  }
0x832: {  	[tilespmem:s31], [sflag:$0x3] =	stream.linear.gather [hbm4b:s30+s4], $0x10, $0x38;
	[tilespmem:$0x10600] =	vst v63  }
0x833: {  	s30 =	sadd.s32 $0x20, s0;
	s31 =	sxor.u32 $0xE100, s29  }
0x834: {  	[tilespmem:s31], [sflag:$0x3] =	stream.linear.gather [hbm4b:s30+s4], $0x10, $0x38;
	[tilespmem:$0x10600] =	vst v63  }
0x835: {  	s30 =	sadd.s32 $0x30, s0;
	s31 =	sxor.u32 $0xE180, s29  }
0x836: {  	[tilespmem:s31], [sflag:$0x3] =	stream.linear.gather [hbm4b:s30+s4], $0x10, $0x38;
	[tilespmem:$0x10600] =	vst v63  }
0x837: {  	s30 =	sadd.s32 $0x40, s0;
	s31 =	sxor.u32 $0xE200, s29  }
0x838: {  	[tilespmem:s31], [sflag:$0x3] =	stream.linear.gather [hbm4b:s30+s4], $0x10, $0x38;
	[tilespmem:$0x10600] =	vst v63  }
0x839: {  	s30 =	sadd.s32 $0x50, s0;
	s31 =	sxor.u32 $0xE280, s29  }
0x83a: {  	[tilespmem:s31], [sflag:$0x3] =	stream.linear.gather [hbm4b:s30+s4], $0x10, $0x38;
	[tilespmem:$0x10600] =	vst v63  }
0x83b: {  	s30 =	sadd.s32 $0x60, s0;
	s31 =	sxor.u32 $0xE300, s29  }
0x83c: {  	[tilespmem:s31], [sflag:$0x3] =	stream.linear.gather [hbm4b:s30+s4], $0x10, $0x38;
	[tilespmem:$0x10600] =	vst v63  }
0x83d: {  	s0 =	sadd.s32 $0x70, s0;
	s31 =	sxor.u32 $0xE380, s29  }
0x83e: {  	[tilespmem:s31], [sflag:$0x3] =	stream.linear.gather [hbm4b:s0+s4], $0x10, $0x38;
	[tilespmem:$0x10600] =	vst v63  }
0x83f: {  	s0 =	spop (v2sf)  }
0x840: {  	s31 =	sshll.u32 s0, $0x7;
	s0 =	sshll.u32 s0, $0x4  }
0x841: {  	s30 =	sand.u32 $0xFFFFFC00, s31;
	s0 =	sand.u32 $0x70, s0  }
0x842: {  	s0 =	sor.u32 s0, s30  }
0x843: {  	s0 =	sshrl.u32 s0, $0x3  }
0x844: {  	s31 =	sxor.u32 $0xDC10, s29;
	s0 =	sadd.s32 s2, s0  }
0x845: {  	[tilespmem:s31], [sflag:$0x4] =	stream.linear.gather [hbm4b:s0+s4], $0x10, $0x38;
	[tilespmem:$0x10600] =	vst v63  }
0x846: {  	s30 =	sadd.s32 $0x10, s0;
	s31 =	sxor.u32 $0xDC90, s29  }
0x847: {  	[tilespmem:s31], [sflag:$0x4] =	stream.linear.gather [hbm4b:s30+s4], $0x10, $0x38;
	[tilespmem:$0x10600] =	vst v63  }
0x848: {  	s30 =	sadd.s32 $0x20, s0;
	s31 =	sxor.u32 $0xDD10, s29  }
0x849: {  	[tilespmem:s31], [sflag:$0x4] =	stream.linear.gather [hbm4b:s30+s4], $0x10, $0x38;
	[tilespmem:$0x10600] =	vst v63  }
0x84a: {  	s30 =	sadd.s32 $0x30, s0;
	s31 =	sxor.u32 $0xDD90, s29  }
0x84b: {  	[tilespmem:s31], [sflag:$0x4] =	stream.linear.gather [hbm4b:s30+s4], $0x10, $0x38;
	[tilespmem:$0x10600] =	vst v63  }
0x84c: {  	s30 =	sadd.s32 $0x40, s0;
	s31 =	sxor.u32 $0xDE10, s29  }
0x84d: {  	[tilespmem:s31], [sflag:$0x4] =	stream.linear.gather [hbm4b:s30+s4], $0x10, $0x38;
	[tilespmem:$0x10600] =	vst v63  }
0x84e: {  	s30 =	sadd.s32 $0x50, s0;
	s31 =	sxor.u32 $0xDE90, s29  }
0x84f: {  	[tilespmem:s31], [sflag:$0x4] =	stream.linear.gather [hbm4b:s30+s4], $0x10, $0x38;
	[tilespmem:$0x10600] =	vst v63  }
0x850: {  	s30 =	sadd.s32 $0x60, s0;
	s31 =	sxor.u32 $0xDF10, s29  }
0x851: {  	[tilespmem:s31], [sflag:$0x4] =	stream.linear.gather [hbm4b:s30+s4], $0x10, $0x38;
	[tilespmem:$0x10600] =	vst v63  }
0x852: {  	s30 =	sadd.s32 $0x70, s0;
	s31 =	sxor.u32 $0xDF90, s29  }
0x853: {  	[tilespmem:s31], [sflag:$0x4] =	stream.linear.gather [hbm4b:s30+s4], $0x10, $0x38;
	[tilespmem:$0x10600] =	vst v63  }
0x854: {  	s0 =	sadd.s32 $0xF4280, s0;
	s31 =	sxor.u32 $0xE010, s29  }
0x855: {  	(v2sf) =	vpush v2, $0xC;
	[tilespmem:s31], [sflag:$0x4] =	stream.linear.gather [hbm4b:s0+s4], $0x10, $0x38;
	[tilespmem:$0x10600] =	vst v63  }
0x856: {  	s30 =	sadd.s32 $0x10, s0;
	s31 =	sxor.u32 $0xE090, s29  }
0x857: {  	[tilespmem:s31], [sflag:$0x4] =	stream.linear.gather [hbm4b:s30+s4], $0x10, $0x38;
	[tilespmem:$0x10600] =	vst v63  }
0x858: {  	s30 =	sadd.s32 $0x20, s0;
	s31 =	sxor.u32 $0xE110, s29  }
0x859: {  	[tilespmem:s31], [sflag:$0x4] =	stream.linear.gather [hbm4b:s30+s4], $0x10, $0x38;
	[tilespmem:$0x10600] =	vst v63  }
0x85a: {  	s30 =	sadd.s32 $0x30, s0;
	s31 =	sxor.u32 $0xE190, s29  }
0x85b: {  	[tilespmem:s31], [sflag:$0x4] =	stream.linear.gather [hbm4b:s30+s4], $0x10, $0x38;
	[tilespmem:$0x10600] =	vst v63  }
0x85c: {  	s30 =	sadd.s32 $0x40, s0;
	s31 =	sxor.u32 $0xE210, s29  }
0x85d: {  	[tilespmem:s31], [sflag:$0x4] =	stream.linear.gather [hbm4b:s30+s4], $0x10, $0x38;
	[tilespmem:$0x10600] =	vst v63  }
0x85e: {  	s30 =	sadd.s32 $0x50, s0;
	s31 =	sxor.u32 $0xE290, s29  }
0x85f: {  	[tilespmem:s31], [sflag:$0x4] =	stream.linear.gather [hbm4b:s30+s4], $0x10, $0x38;
	[tilespmem:$0x10600] =	vst v63  }
0x860: {  	s30 =	sadd.s32 $0x60, s0;
	s31 =	sxor.u32 $0xE310, s29  }
0x861: {  	[tilespmem:s31], [sflag:$0x4] =	stream.linear.gather [hbm4b:s30+s4], $0x10, $0x38;
	[tilespmem:$0x10600] =	vst v63  }
0x862: {  	s0 =	sadd.s32 $0x70, s0;
	s31 =	sxor.u32 $0xE390, s29  }
0x863: {  	[tilespmem:s31], [sflag:$0x4] =	stream.linear.gather [hbm4b:s0+s4], $0x10, $0x38;
	[tilespmem:$0x10600] =	vst v63  }
0x864: {  	s0 =	spop (v2sf)  }
0x865: {  	s31 =	sshll.u32 s0, $0x7;
	s0 =	sshll.u32 s0, $0x4  }
0x866: {  	s30 =	sand.u32 $0xFFFFFC00, s31;
	s0 =	sand.u32 $0x70, s0  }
0x867: {  	s0 =	sor.u32 s0, s30  }
0x868: {  	s0 =	sshrl.u32 s0, $0x3  }
0x869: {  	s31 =	sxor.u32 $0xE400, s29;
	s0 =	sadd.s32 s1, s0  }
0x86a: {  	[tilespmem:s31], [sflag:$0x1] =	stream.linear.gather [hbm4b:s0+s4], $0x10, $0x38;
	[tilespmem:$0x10600] =	vst v63  }
0x86b: {  	s30 =	sadd.s32 $0x10, s0;
	s31 =	sxor.u32 $0xE480, s29  }
0x86c: {  	[tilespmem:s31], [sflag:$0x1] =	stream.linear.gather [hbm4b:s30+s4], $0x10, $0x38;
	[tilespmem:$0x10600] =	vst v63  }
0x86d: {  	s30 =	sadd.s32 $0x20, s0;
	s31 =	sxor.u32 $0xE500, s29  }
0x86e: {  	[tilespmem:s31], [sflag:$0x1] =	stream.linear.gather [hbm4b:s30+s4], $0x10, $0x38;
	[tilespmem:$0x10600] =	vst v63  }
0x86f: {  	s30 =	sadd.s32 $0x30, s0;
	s31 =	sxor.u32 $0xE580, s29  }
0x870: {  	[tilespmem:s31], [sflag:$0x1] =	stream.linear.gather [hbm4b:s30+s4], $0x10, $0x38;
	[tilespmem:$0x10600] =	vst v63  }
0x871: {  	s30 =	sadd.s32 $0x40, s0;
	s31 =	sxor.u32 $0xE600, s29  }
0x872: {  	[tilespmem:s31], [sflag:$0x1] =	stream.linear.gather [hbm4b:s30+s4], $0x10, $0x38;
	[tilespmem:$0x10600] =	vst v63  }
0x873: {  	s30 =	sadd.s32 $0x50, s0;
	s31 =	sxor.u32 $0xE680, s29  }
0x874: {  	[tilespmem:s31], [sflag:$0x1] =	stream.linear.gather [hbm4b:s30+s4], $0x10, $0x38;
	[tilespmem:$0x10600] =	vst v63  }
0x875: {  	s30 =	sadd.s32 $0x60, s0;
	s31 =	sxor.u32 $0xE700, s29  }
0x876: {  	[tilespmem:s31], [sflag:$0x1] =	stream.linear.gather [hbm4b:s30+s4], $0x10, $0x38;
	[tilespmem:$0x10600] =	vst v63  }
0x877: {  	s30 =	sadd.s32 $0x70, s0;
	s31 =	sxor.u32 $0xE780, s29  }
0x878: {  	[tilespmem:s31], [sflag:$0x1] =	stream.linear.gather [hbm4b:s30+s4], $0x10, $0x38;
	[tilespmem:$0x10600] =	vst v63  }
0x879: {  	s0 =	sadd.s32 $0xF4280, s0;
	s31 =	sxor.u32 $0xE800, s29  }
0x87a: {  	(v2sf) =	vpush v1, $0xC;
	[tilespmem:s31], [sflag:$0x1] =	stream.linear.gather [hbm4b:s0+s4], $0x10, $0x38;
	[tilespmem:$0x10600] =	vst v63  }
0x87b: {  	s30 =	sadd.s32 $0x10, s0;
	s31 =	sxor.u32 $0xE880, s29  }
0x87c: {  	[tilespmem:s31], [sflag:$0x1] =	stream.linear.gather [hbm4b:s30+s4], $0x10, $0x38;
	[tilespmem:$0x10600] =	vst v63  }
0x87d: {  	s30 =	sadd.s32 $0x20, s0;
	s31 =	sxor.u32 $0xE900, s29  }
0x87e: {  	[tilespmem:s31], [sflag:$0x1] =	stream.linear.gather [hbm4b:s30+s4], $0x10, $0x38;
	[tilespmem:$0x10600] =	vst v63  }
0x87f: {  	s30 =	sadd.s32 $0x30, s0;
	s31 =	sxor.u32 $0xE980, s29  }
0x880: {  	[tilespmem:s31], [sflag:$0x1] =	stream.linear.gather [hbm4b:s30+s4], $0x10, $0x38;
	[tilespmem:$0x10600] =	vst v63  }
0x881: {  	s30 =	sadd.s32 $0x40, s0;
	s31 =	sxor.u32 $0xEA00, s29  }
0x882: {  	[tilespmem:s31], [sflag:$0x1] =	stream.linear.gather [hbm4b:s30+s4], $0x10, $0x38;
	[tilespmem:$0x10600] =	vst v63  }
0x883: {  	s30 =	sadd.s32 $0x50, s0;
	s31 =	sxor.u32 $0xEA80, s29  }
0x884: {  	[tilespmem:s31], [sflag:$0x1] =	stream.linear.gather [hbm4b:s30+s4], $0x10, $0x38;
	[tilespmem:$0x10600] =	vst v63  }
0x885: {  	s30 =	sadd.s32 $0x60, s0;
	s31 =	sxor.u32 $0xEB00, s29  }
0x886: {  	[tilespmem:s31], [sflag:$0x1] =	stream.linear.gather [hbm4b:s30+s4], $0x10, $0x38;
	[tilespmem:$0x10600] =	vst v63  }
0x887: {  	s0 =	sadd.s32 $0x70, s0;
	s31 =	sxor.u32 $0xEB80, s29  }
0x888: {  	[tilespmem:s31], [sflag:$0x1] =	stream.linear.gather [hbm4b:s0+s4], $0x10, $0x38;
	[tilespmem:$0x10600] =	vst v63  }
0x889: {  	s0 =	spop (v2sf)  }
0x88a: {  	s31 =	sshll.u32 s0, $0x7;
	s0 =	sshll.u32 s0, $0x4  }
0x88b: {  	s30 =	sand.u32 $0xFFFFFC00, s31;
	s0 =	sand.u32 $0x70, s0  }
0x88c: {  	s0 =	sor.u32 s0, s30  }
0x88d: {  	s0 =	sshrl.u32 s0, $0x3  }
0x88e: {  	s31 =	sxor.u32 $0xE410, s29;
	s0 =	sadd.s32 s2, s0  }
0x88f: {  	[tilespmem:s31], [sflag:$0x2] =	stream.linear.gather [hbm4b:s0+s4], $0x10, $0x38;
	[tilespmem:$0x10600] =	vst v63  }
0x890: {  	s30 =	sadd.s32 $0x10, s0;
	s31 =	sxor.u32 $0xE490, s29  }
0x891: {  	[tilespmem:s31], [sflag:$0x2] =	stream.linear.gather [hbm4b:s30+s4], $0x10, $0x38;
	[tilespmem:$0x10600] =	vst v63  }
0x892: {  	s30 =	sadd.s32 $0x20, s0;
	s31 =	sxor.u32 $0xE510, s29  }
0x893: {  	[tilespmem:s31], [sflag:$0x2] =	stream.linear.gather [hbm4b:s30+s4], $0x10, $0x38;
	[tilespmem:$0x10600] =	vst v63  }
0x894: {  	s30 =	sadd.s32 $0x30, s0;
	s31 =	sxor.u32 $0xE590, s29  }
0x895: {  	[tilespmem:s31], [sflag:$0x2] =	stream.linear.gather [hbm4b:s30+s4], $0x10, $0x38;
	[tilespmem:$0x10600] =	vst v63  }
0x896: {  	s30 =	sadd.s32 $0x40, s0;
	s31 =	sxor.u32 $0xE610, s29  }
0x897: {  	[tilespmem:s31], [sflag:$0x2] =	stream.linear.gather [hbm4b:s30+s4], $0x10, $0x38;
	[tilespmem:$0x10600] =	vst v63  }
0x898: {  	s30 =	sadd.s32 $0x50, s0;
	s31 =	sxor.u32 $0xE690, s29  }
0x899: {  	[tilespmem:s31], [sflag:$0x2] =	stream.linear.gather [hbm4b:s30+s4], $0x10, $0x38;
	[tilespmem:$0x10600] =	vst v63  }
0x89a: {  	s30 =	sadd.s32 $0x60, s0;
	s31 =	sxor.u32 $0xE710, s29  }
0x89b: {  	[tilespmem:s31], [sflag:$0x2] =	stream.linear.gather [hbm4b:s30+s4], $0x10, $0x38;
	[tilespmem:$0x10600] =	vst v63  }
0x89c: {  	s30 =	sadd.s32 $0x70, s0;
	s31 =	sxor.u32 $0xE790, s29  }
0x89d: {  	[tilespmem:s31], [sflag:$0x2] =	stream.linear.gather [hbm4b:s30+s4], $0x10, $0x38;
	[tilespmem:$0x10600] =	vst v63  }
0x89e: {  	s0 =	sadd.s32 $0xF4280, s0;
	s31 =	sxor.u32 $0xE810, s29  }
0x89f: {  	(v2sf) =	vpush v2, $0xD;
	[tilespmem:s31], [sflag:$0x2] =	stream.linear.gather [hbm4b:s0+s4], $0x10, $0x38;
	[tilespmem:$0x10600] =	vst v63  }
0x8a0: {  	s30 =	sadd.s32 $0x10, s0;
	s31 =	sxor.u32 $0xE890, s29  }
0x8a1: {  	[tilespmem:s31], [sflag:$0x2] =	stream.linear.gather [hbm4b:s30+s4], $0x10, $0x38;
	[tilespmem:$0x10600] =	vst v63  }
0x8a2: {  	s30 =	sadd.s32 $0x20, s0;
	s31 =	sxor.u32 $0xE910, s29  }
0x8a3: {  	[tilespmem:s31], [sflag:$0x2] =	stream.linear.gather [hbm4b:s30+s4], $0x10, $0x38;
	[tilespmem:$0x10600] =	vst v63  }
0x8a4: {  	s30 =	sadd.s32 $0x30, s0;
	s31 =	sxor.u32 $0xE990, s29  }
0x8a5: {  	[tilespmem:s31], [sflag:$0x2] =	stream.linear.gather [hbm4b:s30+s4], $0x10, $0x38;
	[tilespmem:$0x10600] =	vst v63  }
0x8a6: {  	s30 =	sadd.s32 $0x40, s0;
	s31 =	sxor.u32 $0xEA10, s29  }
0x8a7: {  	[tilespmem:s31], [sflag:$0x2] =	stream.linear.gather [hbm4b:s30+s4], $0x10, $0x38;
	[tilespmem:$0x10600] =	vst v63  }
0x8a8: {  	s30 =	sadd.s32 $0x50, s0;
	s31 =	sxor.u32 $0xEA90, s29  }
0x8a9: {  	[tilespmem:s31], [sflag:$0x2] =	stream.linear.gather [hbm4b:s30+s4], $0x10, $0x38;
	[tilespmem:$0x10600] =	vst v63  }
0x8aa: {  	s30 =	sadd.s32 $0x60, s0;
	s31 =	sxor.u32 $0xEB10, s29  }
0x8ab: {  	[tilespmem:s31], [sflag:$0x2] =	stream.linear.gather [hbm4b:s30+s4], $0x10, $0x38;
	[tilespmem:$0x10600] =	vst v63  }
0x8ac: {  	s0 =	sadd.s32 $0x70, s0;
	s31 =	sxor.u32 $0xEB90, s29  }
0x8ad: {  	[tilespmem:s31], [sflag:$0x2] =	stream.linear.gather [hbm4b:s0+s4], $0x10, $0x38;
	[tilespmem:$0x10600] =	vst v63  }
0x8ae: {  	s0 =	spop (v2sf)  }
0x8af: {  	s31 =	sshll.u32 s0, $0x7;
	s0 =	sshll.u32 s0, $0x4  }
0x8b0: {  	s30 =	sand.u32 $0xFFFFFC00, s31;
	s0 =	sand.u32 $0x70, s0  }
0x8b1: {  	s0 =	sor.u32 s0, s30  }
0x8b2: {  	s0 =	sshrl.u32 s0, $0x3  }
0x8b3: {  	s31 =	sxor.u32 $0xEC00, s29;
	s0 =	sadd.s32 s1, s0  }
0x8b4: {  	[tilespmem:s31], [sflag:$0x3] =	stream.linear.gather [hbm4b:s0+s4], $0x10, $0x38;
	[tilespmem:$0x10600] =	vst v63  }
0x8b5: {  	s30 =	sadd.s32 $0x10, s0;
	s31 =	sxor.u32 $0xEC80, s29  }
0x8b6: {  	[tilespmem:s31], [sflag:$0x3] =	stream.linear.gather [hbm4b:s30+s4], $0x10, $0x38;
	[tilespmem:$0x10600] =	vst v63  }
0x8b7: {  	s30 =	sadd.s32 $0x20, s0;
	s31 =	sxor.u32 $0xED00, s29  }
0x8b8: {  	[tilespmem:s31], [sflag:$0x3] =	stream.linear.gather [hbm4b:s30+s4], $0x10, $0x38;
	[tilespmem:$0x10600] =	vst v63  }
0x8b9: {  	s30 =	sadd.s32 $0x30, s0;
	s31 =	sxor.u32 $0xED80, s29  }
0x8ba: {  	[tilespmem:s31], [sflag:$0x3] =	stream.linear.gather [hbm4b:s30+s4], $0x10, $0x38;
	[tilespmem:$0x10600] =	vst v63  }
0x8bb: {  	s30 =	sadd.s32 $0x40, s0;
	s31 =	sxor.u32 $0xEE00, s29  }
0x8bc: {  	[tilespmem:s31], [sflag:$0x3] =	stream.linear.gather [hbm4b:s30+s4], $0x10, $0x38;
	[tilespmem:$0x10600] =	vst v63  }
0x8bd: {  	s30 =	sadd.s32 $0x50, s0;
	s31 =	sxor.u32 $0xEE80, s29  }
0x8be: {  	[tilespmem:s31], [sflag:$0x3] =	stream.linear.gather [hbm4b:s30+s4], $0x10, $0x38;
	[tilespmem:$0x10600] =	vst v63  }
0x8bf: {  	s30 =	sadd.s32 $0x60, s0;
	s31 =	sxor.u32 $0xEF00, s29  }
0x8c0: {  	[tilespmem:s31], [sflag:$0x3] =	stream.linear.gather [hbm4b:s30+s4], $0x10, $0x38;
	[tilespmem:$0x10600] =	vst v63  }
0x8c1: {  	s30 =	sadd.s32 $0x70, s0;
	s31 =	sxor.u32 $0xEF80, s29  }
0x8c2: {  	[tilespmem:s31], [sflag:$0x3] =	stream.linear.gather [hbm4b:s30+s4], $0x10, $0x38;
	[tilespmem:$0x10600] =	vst v63  }
0x8c3: {  	s0 =	sadd.s32 $0xF4280, s0;
	s31 =	sxor.u32 $0xF000, s29  }
0x8c4: {  	(v2sf) =	vpush v1, $0xD;
	[tilespmem:s31], [sflag:$0x3] =	stream.linear.gather [hbm4b:s0+s4], $0x10, $0x38;
	[tilespmem:$0x10600] =	vst v63  }
0x8c5: {  	s30 =	sadd.s32 $0x10, s0;
	s31 =	sxor.u32 $0xF080, s29  }
0x8c6: {  	[tilespmem:s31], [sflag:$0x3] =	stream.linear.gather [hbm4b:s30+s4], $0x10, $0x38;
	[tilespmem:$0x10600] =	vst v63  }
0x8c7: {  	s30 =	sadd.s32 $0x20, s0;
	s31 =	sxor.u32 $0xF100, s29  }
0x8c8: {  	[tilespmem:s31], [sflag:$0x3] =	stream.linear.gather [hbm4b:s30+s4], $0x10, $0x38;
	[tilespmem:$0x10600] =	vst v63  }
0x8c9: {  	s30 =	sadd.s32 $0x30, s0;
	s31 =	sxor.u32 $0xF180, s29  }
0x8ca: {  	[tilespmem:s31], [sflag:$0x3] =	stream.linear.gather [hbm4b:s30+s4], $0x10, $0x38;
	[tilespmem:$0x10600] =	vst v63  }
0x8cb: {  	s30 =	sadd.s32 $0x40, s0;
	s31 =	sxor.u32 $0xF200, s29  }
0x8cc: {  	[tilespmem:s31], [sflag:$0x3] =	stream.linear.gather [hbm4b:s30+s4], $0x10, $0x38;
	[tilespmem:$0x10600] =	vst v63  }
0x8cd: {  	s30 =	sadd.s32 $0x50, s0;
	s31 =	sxor.u32 $0xF280, s29  }
0x8ce: {  	[tilespmem:s31], [sflag:$0x3] =	stream.linear.gather [hbm4b:s30+s4], $0x10, $0x38;
	[tilespmem:$0x10600] =	vst v63  }
0x8cf: {  	s30 =	sadd.s32 $0x60, s0;
	s31 =	sxor.u32 $0xF300, s29  }
0x8d0: {  	[tilespmem:s31], [sflag:$0x3] =	stream.linear.gather [hbm4b:s30+s4], $0x10, $0x38;
	[tilespmem:$0x10600] =	vst v63  }
0x8d1: {  	s0 =	sadd.s32 $0x70, s0;
	s31 =	sxor.u32 $0xF380, s29  }
0x8d2: {  	[tilespmem:s31], [sflag:$0x3] =	stream.linear.gather [hbm4b:s0+s4], $0x10, $0x38;
	[tilespmem:$0x10600] =	vst v63  }
0x8d3: {  	s0 =	spop (v2sf)  }
0x8d4: {  	s31 =	sshll.u32 s0, $0x7;
	s0 =	sshll.u32 s0, $0x4  }
0x8d5: {  	s30 =	sand.u32 $0xFFFFFC00, s31;
	s0 =	sand.u32 $0x70, s0  }
0x8d6: {  	s0 =	sor.u32 s0, s30  }
0x8d7: {  	s0 =	sshrl.u32 s0, $0x3  }
0x8d8: {  	s31 =	sxor.u32 $0xEC10, s29;
	s0 =	sadd.s32 s2, s0  }
0x8d9: {  	[tilespmem:s31], [sflag:$0x4] =	stream.linear.gather [hbm4b:s0+s4], $0x10, $0x38;
	[tilespmem:$0x10600] =	vst v63  }
0x8da: {  	s30 =	sadd.s32 $0x10, s0;
	s31 =	sxor.u32 $0xEC90, s29  }
0x8db: {  	[tilespmem:s31], [sflag:$0x4] =	stream.linear.gather [hbm4b:s30+s4], $0x10, $0x38;
	[tilespmem:$0x10600] =	vst v63  }
0x8dc: {  	s30 =	sadd.s32 $0x20, s0;
	s31 =	sxor.u32 $0xED10, s29  }
0x8dd: {  	[tilespmem:s31], [sflag:$0x4] =	stream.linear.gather [hbm4b:s30+s4], $0x10, $0x38;
	[tilespmem:$0x10600] =	vst v63  }
0x8de: {  	s30 =	sadd.s32 $0x30, s0;
	s31 =	sxor.u32 $0xED90, s29  }
0x8df: {  	[tilespmem:s31], [sflag:$0x4] =	stream.linear.gather [hbm4b:s30+s4], $0x10, $0x38;
	[tilespmem:$0x10600] =	vst v63  }
0x8e0: {  	s30 =	sadd.s32 $0x40, s0;
	s31 =	sxor.u32 $0xEE10, s29  }
0x8e1: {  	[tilespmem:s31], [sflag:$0x4] =	stream.linear.gather [hbm4b:s30+s4], $0x10, $0x38;
	[tilespmem:$0x10600] =	vst v63  }
0x8e2: {  	s30 =	sadd.s32 $0x50, s0;
	s31 =	sxor.u32 $0xEE90, s29  }
0x8e3: {  	[tilespmem:s31], [sflag:$0x4] =	stream.linear.gather [hbm4b:s30+s4], $0x10, $0x38;
	[tilespmem:$0x10600] =	vst v63  }
0x8e4: {  	s30 =	sadd.s32 $0x60, s0;
	s31 =	sxor.u32 $0xEF10, s29  }
0x8e5: {  	[tilespmem:s31], [sflag:$0x4] =	stream.linear.gather [hbm4b:s30+s4], $0x10, $0x38;
	[tilespmem:$0x10600] =	vst v63  }
0x8e6: {  	s30 =	sadd.s32 $0x70, s0;
	s31 =	sxor.u32 $0xEF90, s29  }
0x8e7: {  	[tilespmem:s31], [sflag:$0x4] =	stream.linear.gather [hbm4b:s30+s4], $0x10, $0x38;
	[tilespmem:$0x10600] =	vst v63  }
0x8e8: {  	s0 =	sadd.s32 $0xF4280, s0;
	s31 =	sxor.u32 $0xF010, s29  }
0x8e9: {  	(v2sf) =	vpush v2, $0xE;
	[tilespmem:s31], [sflag:$0x4] =	stream.linear.gather [hbm4b:s0+s4], $0x10, $0x38;
	[tilespmem:$0x10600] =	vst v63  }
0x8ea: {  	s30 =	sadd.s32 $0x10, s0;
	s31 =	sxor.u32 $0xF090, s29  }
0x8eb: {  	[tilespmem:s31], [sflag:$0x4] =	stream.linear.gather [hbm4b:s30+s4], $0x10, $0x38;
	[tilespmem:$0x10600] =	vst v63  }
0x8ec: {  	s30 =	sadd.s32 $0x20, s0;
	s31 =	sxor.u32 $0xF110, s29  }
0x8ed: {  	[tilespmem:s31], [sflag:$0x4] =	stream.linear.gather [hbm4b:s30+s4], $0x10, $0x38;
	[tilespmem:$0x10600] =	vst v63  }
0x8ee: {  	s30 =	sadd.s32 $0x30, s0;
	s31 =	sxor.u32 $0xF190, s29  }
0x8ef: {  	[tilespmem:s31], [sflag:$0x4] =	stream.linear.gather [hbm4b:s30+s4], $0x10, $0x38;
	[tilespmem:$0x10600] =	vst v63  }
0x8f0: {  	s30 =	sadd.s32 $0x40, s0;
	s31 =	sxor.u32 $0xF210, s29  }
0x8f1: {  	[tilespmem:s31], [sflag:$0x4] =	stream.linear.gather [hbm4b:s30+s4], $0x10, $0x38;
	[tilespmem:$0x10600] =	vst v63  }
0x8f2: {  	s30 =	sadd.s32 $0x50, s0;
	s31 =	sxor.u32 $0xF290, s29  }
0x8f3: {  	[tilespmem:s31], [sflag:$0x4] =	stream.linear.gather [hbm4b:s30+s4], $0x10, $0x38;
	[tilespmem:$0x10600] =	vst v63  }
0x8f4: {  	s30 =	sadd.s32 $0x60, s0;
	s31 =	sxor.u32 $0xF310, s29  }
0x8f5: {  	[tilespmem:s31], [sflag:$0x4] =	stream.linear.gather [hbm4b:s30+s4], $0x10, $0x38;
	[tilespmem:$0x10600] =	vst v63  }
0x8f6: {  	s0 =	sadd.s32 $0x70, s0;
	s31 =	sxor.u32 $0xF390, s29  }
0x8f7: {  	[tilespmem:s31], [sflag:$0x4] =	stream.linear.gather [hbm4b:s0+s4], $0x10, $0x38;
	[tilespmem:$0x10600] =	vst v63  }
0x8f8: {  	s0 =	spop (v2sf)  }
0x8f9: {  	s31 =	sshll.u32 s0, $0x7;
	s0 =	sshll.u32 s0, $0x4  }
0x8fa: {  	s30 =	sand.u32 $0xFFFFFC00, s31;
	s0 =	sand.u32 $0x70, s0  }
0x8fb: {  	s0 =	sor.u32 s0, s30  }
0x8fc: {  	s0 =	sshrl.u32 s0, $0x3  }
0x8fd: {  	s31 =	sxor.u32 $0xF400, s29;
	s0 =	sadd.s32 s1, s0  }
0x8fe: {  	[tilespmem:s31], [sflag:$0x1] =	stream.linear.gather [hbm4b:s0+s4], $0x10, $0x38;
	[tilespmem:$0x10600] =	vst v63  }
0x8ff: {  	s30 =	sadd.s32 $0x10, s0;
	s31 =	sxor.u32 $0xF480, s29  }
0x900: {  	[tilespmem:s31], [sflag:$0x1] =	stream.linear.gather [hbm4b:s30+s4], $0x10, $0x38;
	[tilespmem:$0x10600] =	vst v63  }
0x901: {  	s30 =	sadd.s32 $0x20, s0;
	s31 =	sxor.u32 $0xF500, s29  }
0x902: {  	[tilespmem:s31], [sflag:$0x1] =	stream.linear.gather [hbm4b:s30+s4], $0x10, $0x38;
	[tilespmem:$0x10600] =	vst v63  }
0x903: {  	s30 =	sadd.s32 $0x30, s0;
	s31 =	sxor.u32 $0xF580, s29  }
0x904: {  	[tilespmem:s31], [sflag:$0x1] =	stream.linear.gather [hbm4b:s30+s4], $0x10, $0x38;
	[tilespmem:$0x10600] =	vst v63  }
0x905: {  	s30 =	sadd.s32 $0x40, s0;
	s31 =	sxor.u32 $0xF600, s29  }
0x906: {  	[tilespmem:s31], [sflag:$0x1] =	stream.linear.gather [hbm4b:s30+s4], $0x10, $0x38;
	[tilespmem:$0x10600] =	vst v63  }
0x907: {  	s30 =	sadd.s32 $0x50, s0;
	s31 =	sxor.u32 $0xF680, s29  }
0x908: {  	[tilespmem:s31], [sflag:$0x1] =	stream.linear.gather [hbm4b:s30+s4], $0x10, $0x38;
	[tilespmem:$0x10600] =	vst v63  }
0x909: {  	s30 =	sadd.s32 $0x60, s0;
	s31 =	sxor.u32 $0xF700, s29  }
0x90a: {  	[tilespmem:s31], [sflag:$0x1] =	stream.linear.gather [hbm4b:s30+s4], $0x10, $0x38;
	[tilespmem:$0x10600] =	vst v63  }
0x90b: {  	s30 =	sadd.s32 $0x70, s0;
	s31 =	sxor.u32 $0xF780, s29  }
0x90c: {  	[tilespmem:s31], [sflag:$0x1] =	stream.linear.gather [hbm4b:s30+s4], $0x10, $0x38;
	[tilespmem:$0x10600] =	vst v63  }
0x90d: {  	s0 =	sadd.s32 $0xF4280, s0;
	s31 =	sxor.u32 $0xF800, s29  }
0x90e: {  	(v2sf) =	vpush v1, $0xE;
	[tilespmem:s31], [sflag:$0x1] =	stream.linear.gather [hbm4b:s0+s4], $0x10, $0x38;
	[tilespmem:$0x10600] =	vst v63  }
0x90f: {  	s30 =	sadd.s32 $0x10, s0;
	s31 =	sxor.u32 $0xF880, s29  }
0x910: {  	[tilespmem:s31], [sflag:$0x1] =	stream.linear.gather [hbm4b:s30+s4], $0x10, $0x38;
	[tilespmem:$0x10600] =	vst v63  }
0x911: {  	s30 =	sadd.s32 $0x20, s0;
	s31 =	sxor.u32 $0xF900, s29  }
0x912: {  	[tilespmem:s31], [sflag:$0x1] =	stream.linear.gather [hbm4b:s30+s4], $0x10, $0x38;
	[tilespmem:$0x10600] =	vst v63  }
0x913: {  	s30 =	sadd.s32 $0x30, s0;
	s31 =	sxor.u32 $0xF980, s29  }
0x914: {  	[tilespmem:s31], [sflag:$0x1] =	stream.linear.gather [hbm4b:s30+s4], $0x10, $0x38;
	[tilespmem:$0x10600] =	vst v63  }
0x915: {  	s30 =	sadd.s32 $0x40, s0;
	s31 =	sxor.u32 $0xFA00, s29  }
0x916: {  	[tilespmem:s31], [sflag:$0x1] =	stream.linear.gather [hbm4b:s30+s4], $0x10, $0x38;
	[tilespmem:$0x10600] =	vst v63  }
0x917: {  	s30 =	sadd.s32 $0x50, s0;
	s31 =	sxor.u32 $0xFA80, s29  }
0x918: {  	[tilespmem:s31], [sflag:$0x1] =	stream.linear.gather [hbm4b:s30+s4], $0x10, $0x38;
	[tilespmem:$0x10600] =	vst v63  }
0x919: {  	s30 =	sadd.s32 $0x60, s0;
	s31 =	sxor.u32 $0xFB00, s29  }
0x91a: {  	[tilespmem:s31], [sflag:$0x1] =	stream.linear.gather [hbm4b:s30+s4], $0x10, $0x38;
	[tilespmem:$0x10600] =	vst v63  }
0x91b: {  	s0 =	sadd.s32 $0x70, s0;
	s31 =	sxor.u32 $0xFB80, s29  }
0x91c: {  	[tilespmem:s31], [sflag:$0x1] =	stream.linear.gather [hbm4b:s0+s4], $0x10, $0x38;
	[tilespmem:$0x10600] =	vst v63  }
0x91d: {  	s0 =	spop (v2sf)  }
0x91e: {  	s31 =	sshll.u32 s0, $0x7;
	s0 =	sshll.u32 s0, $0x4  }
0x91f: {  	s30 =	sand.u32 $0xFFFFFC00, s31;
	s0 =	sand.u32 $0x70, s0  }
0x920: {  	s0 =	sor.u32 s0, s30  }
0x921: {  	s0 =	sshrl.u32 s0, $0x3  }
0x922: {  	s31 =	sxor.u32 $0xF410, s29;
	s0 =	sadd.s32 s2, s0  }
0x923: {  	[tilespmem:s31], [sflag:$0x2] =	stream.linear.gather [hbm4b:s0+s4], $0x10, $0x38;
	[tilespmem:$0x10600] =	vst v63  }
0x924: {  	s30 =	sadd.s32 $0x10, s0;
	s31 =	sxor.u32 $0xF490, s29  }
0x925: {  	[tilespmem:s31], [sflag:$0x2] =	stream.linear.gather [hbm4b:s30+s4], $0x10, $0x38;
	[tilespmem:$0x10600] =	vst v63  }
0x926: {  	s30 =	sadd.s32 $0x20, s0;
	s31 =	sxor.u32 $0xF510, s29  }
0x927: {  	[tilespmem:s31], [sflag:$0x2] =	stream.linear.gather [hbm4b:s30+s4], $0x10, $0x38;
	[tilespmem:$0x10600] =	vst v63  }
0x928: {  	s30 =	sadd.s32 $0x30, s0;
	s31 =	sxor.u32 $0xF590, s29  }
0x929: {  	[tilespmem:s31], [sflag:$0x2] =	stream.linear.gather [hbm4b:s30+s4], $0x10, $0x38;
	[tilespmem:$0x10600] =	vst v63  }
0x92a: {  	s30 =	sadd.s32 $0x40, s0;
	s31 =	sxor.u32 $0xF610, s29  }
0x92b: {  	[tilespmem:s31], [sflag:$0x2] =	stream.linear.gather [hbm4b:s30+s4], $0x10, $0x38;
	[tilespmem:$0x10600] =	vst v63  }
0x92c: {  	s30 =	sadd.s32 $0x50, s0;
	s31 =	sxor.u32 $0xF690, s29  }
0x92d: {  	[tilespmem:s31], [sflag:$0x2] =	stream.linear.gather [hbm4b:s30+s4], $0x10, $0x38;
	[tilespmem:$0x10600] =	vst v63  }
0x92e: {  	s30 =	sadd.s32 $0x60, s0;
	s31 =	sxor.u32 $0xF710, s29  }
0x92f: {  	[tilespmem:s31], [sflag:$0x2] =	stream.linear.gather [hbm4b:s30+s4], $0x10, $0x38;
	[tilespmem:$0x10600] =	vst v63  }
0x930: {  	s30 =	sadd.s32 $0x70, s0;
	s31 =	sxor.u32 $0xF790, s29  }
0x931: {  	[tilespmem:s31], [sflag:$0x2] =	stream.linear.gather [hbm4b:s30+s4], $0x10, $0x38;
	[tilespmem:$0x10600] =	vst v63  }
0x932: {  	s0 =	sadd.s32 $0xF4280, s0;
	s31 =	sxor.u32 $0xF810, s29  }
0x933: {  	(v2sf) =	vpush v2, $0xF;
	[tilespmem:s31], [sflag:$0x2] =	stream.linear.gather [hbm4b:s0+s4], $0x10, $0x38;
	[tilespmem:$0x10600] =	vst v63  }
0x934: {  	s30 =	sadd.s32 $0x10, s0;
	s31 =	sxor.u32 $0xF890, s29  }
0x935: {  	[tilespmem:s31], [sflag:$0x2] =	stream.linear.gather [hbm4b:s30+s4], $0x10, $0x38;
	[tilespmem:$0x10600] =	vst v63  }
0x936: {  	s30 =	sadd.s32 $0x20, s0;
	s31 =	sxor.u32 $0xF910, s29  }
0x937: {  	[tilespmem:s31], [sflag:$0x2] =	stream.linear.gather [hbm4b:s30+s4], $0x10, $0x38;
	[tilespmem:$0x10600] =	vst v63  }
0x938: {  	s30 =	sadd.s32 $0x30, s0;
	s31 =	sxor.u32 $0xF990, s29  }
0x939: {  	[tilespmem:s31], [sflag:$0x2] =	stream.linear.gather [hbm4b:s30+s4], $0x10, $0x38;
	[tilespmem:$0x10600] =	vst v63  }
0x93a: {  	s30 =	sadd.s32 $0x40, s0;
	s31 =	sxor.u32 $0xFA10, s29  }
0x93b: {  	[tilespmem:s31], [sflag:$0x2] =	stream.linear.gather [hbm4b:s30+s4], $0x10, $0x38;
	[tilespmem:$0x10600] =	vst v63  }
0x93c: {  	s30 =	sadd.s32 $0x50, s0;
	s31 =	sxor.u32 $0xFA90, s29  }
0x93d: {  	[tilespmem:s31], [sflag:$0x2] =	stream.linear.gather [hbm4b:s30+s4], $0x10, $0x38;
	[tilespmem:$0x10600] =	vst v63  }
0x93e: {  	s30 =	sadd.s32 $0x60, s0;
	s31 =	sxor.u32 $0xFB10, s29  }
0x93f: {  	[tilespmem:s31], [sflag:$0x2] =	stream.linear.gather [hbm4b:s30+s4], $0x10, $0x38;
	[tilespmem:$0x10600] =	vst v63  }
0x940: {  	s0 =	sadd.s32 $0x70, s0;
	s31 =	sxor.u32 $0xFB90, s29  }
0x941: {  	[tilespmem:s31], [sflag:$0x2] =	stream.linear.gather [hbm4b:s0+s4], $0x10, $0x38;
	[tilespmem:$0x10600] =	vst v63  }
0x942: {  	s0 =	spop (v2sf)  }
0x943: {  	s31 =	sshll.u32 s0, $0x7;
	s0 =	sshll.u32 s0, $0x4  }
0x944: {  	s30 =	sand.u32 $0xFFFFFC00, s31;
	s0 =	sand.u32 $0x70, s0  }
0x945: {  	s0 =	sor.u32 s0, s30  }
0x946: {  	s0 =	sshrl.u32 s0, $0x3  }
0x947: {  	s31 =	sxor.u32 $0xFC00, s29;
	s0 =	sadd.s32 s1, s0  }
0x948: {  	[tilespmem:s31], [sflag:$0x3] =	stream.linear.gather [hbm4b:s0+s4], $0x10, $0x38;
	[tilespmem:$0x10600] =	vst v63  }
0x949: {  	s30 =	sadd.s32 $0x10, s0;
	s31 =	sxor.u32 $0xFC80, s29  }
0x94a: {  	[tilespmem:s31], [sflag:$0x3] =	stream.linear.gather [hbm4b:s30+s4], $0x10, $0x38;
	[tilespmem:$0x10600] =	vst v63  }
0x94b: {  	s30 =	sadd.s32 $0x20, s0;
	s31 =	sxor.u32 $0xFD00, s29  }
0x94c: {  	[tilespmem:s31], [sflag:$0x3] =	stream.linear.gather [hbm4b:s30+s4], $0x10, $0x38;
	[tilespmem:$0x10600] =	vst v63  }
0x94d: {  	s30 =	sadd.s32 $0x30, s0;
	s31 =	sxor.u32 $0xFD80, s29  }
0x94e: {  	[tilespmem:s31], [sflag:$0x3] =	stream.linear.gather [hbm4b:s30+s4], $0x10, $0x38;
	[tilespmem:$0x10600] =	vst v63  }
0x94f: {  	s30 =	sadd.s32 $0x40, s0;
	s31 =	sxor.u32 $0xFE00, s29  }
0x950: {  	[tilespmem:s31], [sflag:$0x3] =	stream.linear.gather [hbm4b:s30+s4], $0x10, $0x38;
	[tilespmem:$0x10600] =	vst v63  }
0x951: {  	s30 =	sadd.s32 $0x50, s0;
	s31 =	sxor.u32 $0xFE80, s29  }
0x952: {  	[tilespmem:s31], [sflag:$0x3] =	stream.linear.gather [hbm4b:s30+s4], $0x10, $0x38;
	[tilespmem:$0x10600] =	vst v63  }
0x953: {  	s30 =	sadd.s32 $0x60, s0;
	s31 =	sxor.u32 $0xFF00, s29  }
0x954: {  	[tilespmem:s31], [sflag:$0x3] =	stream.linear.gather [hbm4b:s30+s4], $0x10, $0x38;
	[tilespmem:$0x10600] =	vst v63  }
0x955: {  	s30 =	sadd.s32 $0x70, s0;
	s31 =	sxor.u32 $0xFF80, s29  }
0x956: {  	[tilespmem:s31], [sflag:$0x3] =	stream.linear.gather [hbm4b:s30+s4], $0x10, $0x38;
	[tilespmem:$0x10600] =	vst v63  }
0x957: {  	s0 =	sadd.s32 $0xF4280, s0;
	s31 =	ssub.s32 $0x10000, s29  }
0x958: {  	(v2sf) =	vpush v1, $0xF;
	[tilespmem:s31], [sflag:$0x3] =	stream.linear.gather [hbm4b:s0+s4], $0x10, $0x38;
	[tilespmem:$0x10600] =	vst v63  }
0x959: {  	s30 =	sadd.s32 $0x10, s0;
	s31 =	ssub.s32 $0x10080, s29  }
0x95a: {  	[tilespmem:s31], [sflag:$0x3] =	stream.linear.gather [hbm4b:s30+s4], $0x10, $0x38;
	[tilespmem:$0x10600] =	vst v63  }
0x95b: {  	s30 =	sadd.s32 $0x20, s0;
	s31 =	ssub.s32 $0x10100, s29  }
0x95c: {  	[tilespmem:s31], [sflag:$0x3] =	stream.linear.gather [hbm4b:s30+s4], $0x10, $0x38;
	[tilespmem:$0x10600] =	vst v63  }
0x95d: {  	s30 =	sadd.s32 $0x30, s0;
	s31 =	ssub.s32 $0x10180, s29  }
0x95e: {  	[tilespmem:s31], [sflag:$0x3] =	stream.linear.gather [hbm4b:s30+s4], $0x10, $0x38;
	[tilespmem:$0x10600] =	vst v63  }
0x95f: {  	s30 =	sadd.s32 $0x40, s0;
	s31 =	ssub.s32 $0x10200, s29  }
0x960: {  	[tilespmem:s31], [sflag:$0x3] =	stream.linear.gather [hbm4b:s30+s4], $0x10, $0x38;
	[tilespmem:$0x10600] =	vst v63  }
0x961: {  	s30 =	sadd.s32 $0x50, s0;
	s31 =	ssub.s32 $0x10280, s29  }
0x962: {  	[tilespmem:s31], [sflag:$0x3] =	stream.linear.gather [hbm4b:s30+s4], $0x10, $0x38;
	[tilespmem:$0x10600] =	vst v63  }
0x963: {  	s30 =	sadd.s32 $0x60, s0;
	s31 =	ssub.s32 $0x10300, s29  }
0x964: {  	[tilespmem:s31], [sflag:$0x3] =	stream.linear.gather [hbm4b:s30+s4], $0x10, $0x38;
	[tilespmem:$0x10600] =	vst v63  }
0x965: {  	s0 =	sadd.s32 $0x70, s0;
	s31 =	ssub.s32 $0x10380, s29  }
0x966: {  	[tilespmem:s31], [sflag:$0x3] =	stream.linear.gather [hbm4b:s0+s4], $0x10, $0x38;
	[tilespmem:$0x10600] =	vst v63  }
0x967: {  	s0 =	spop (v2sf)  }
0x968: {  	s31 =	sshll.u32 s0, $0x7;
	s0 =	sshll.u32 s0, $0x4  }
0x969: {  	s30 =	sand.u32 $0xFFFFFC00, s31;
	s0 =	sand.u32 $0x70, s0  }
0x96a: {  	s0 =	sor.u32 s0, s30  }
0x96b: {  	s0 =	sshrl.u32 s0, $0x3  }
0x96c: {  	s31 =	sxor.u32 $0xFC10, s29;
	s0 =	sadd.s32 s2, s0  }
0x96d: {  	[tilespmem:s31], [sflag:$0x4] =	stream.linear.gather [hbm4b:s0+s4], $0x10, $0x38;
	[tilespmem:$0x10600] =	vst v63  }
0x96e: {  	s30 =	sadd.s32 $0x10, s0;
	s31 =	sxor.u32 $0xFC90, s29  }
0x96f: {  	[tilespmem:s31], [sflag:$0x4] =	stream.linear.gather [hbm4b:s30+s4], $0x10, $0x38;
	[tilespmem:$0x10600] =	vst v63  }
0x970: {  	s30 =	sadd.s32 $0x20, s0;
	s31 =	sxor.u32 $0xFD10, s29  }
0x971: {  	[tilespmem:s31], [sflag:$0x4] =	stream.linear.gather [hbm4b:s30+s4], $0x10, $0x38;
	[tilespmem:$0x10600] =	vst v63  }
0x972: {  	s30 =	sadd.s32 $0x30, s0;
	s31 =	sxor.u32 $0xFD90, s29  }
0x973: {  	[tilespmem:s31], [sflag:$0x4] =	stream.linear.gather [hbm4b:s30+s4], $0x10, $0x38;
	[tilespmem:$0x10600] =	vst v63  }
0x974: {  	s30 =	sadd.s32 $0x40, s0;
	s31 =	sxor.u32 $0xFE10, s29  }
0x975: {  	[tilespmem:s31], [sflag:$0x4] =	stream.linear.gather [hbm4b:s30+s4], $0x10, $0x38;
	[tilespmem:$0x10600] =	vst v63  }
0x976: {  	s30 =	sadd.s32 $0x50, s0;
	s31 =	sxor.u32 $0xFE90, s29  }
0x977: {  	[tilespmem:s31], [sflag:$0x4] =	stream.linear.gather [hbm4b:s30+s4], $0x10, $0x38;
	[tilespmem:$0x10600] =	vst v63  }
0x978: {  	s30 =	sadd.s32 $0x60, s0;
	s31 =	sxor.u32 $0xFF10, s29  }
0x979: {  	[tilespmem:s31], [sflag:$0x4] =	stream.linear.gather [hbm4b:s30+s4], $0x10, $0x38;
	[tilespmem:$0x10600] =	vst v63  }
0x97a: {  	s30 =	sadd.s32 $0x70, s0;
	s31 =	sxor.u32 $0xFF90, s29  }
0x97b: {  	[tilespmem:s31], [sflag:$0x4] =	stream.linear.gather [hbm4b:s30+s4], $0x10, $0x38;
	[tilespmem:$0x10600] =	vst v63  }
0x97c: {  	s0 =	sadd.s32 $0xF4280, s0;
	s31 =	ssub.s32 $0x10010, s29  }
0x97d: {  	[tilespmem:s31], [sflag:$0x4] =	stream.linear.gather [hbm4b:s0+s4], $0x10, $0x38;
	[tilespmem:$0x10600] =	vst v63  }
0x97e: {  	s30 =	sadd.s32 $0x10, s0;
	s31 =	ssub.s32 $0x10090, s29  }
0x97f: {  	[tilespmem:s31], [sflag:$0x4] =	stream.linear.gather [hbm4b:s30+s4], $0x10, $0x38;
	[tilespmem:$0x10600] =	vst v63  }
0x980: {  	s30 =	sadd.s32 $0x20, s0;
	s31 =	ssub.s32 $0x10110, s29  }
0x981: {  	[tilespmem:s31], [sflag:$0x4] =	stream.linear.gather [hbm4b:s30+s4], $0x10, $0x38;
	[tilespmem:$0x10600] =	vst v63  }
0x982: {  	s30 =	sadd.s32 $0x30, s0;
	s31 =	ssub.s32 $0x10190, s29  }
0x983: {  	[tilespmem:s31], [sflag:$0x4] =	stream.linear.gather [hbm4b:s30+s4], $0x10, $0x38;
	[tilespmem:$0x10600] =	vst v63  }
0x984: {  	s30 =	sadd.s32 $0x40, s0;
	s31 =	ssub.s32 $0x10210, s29  }
0x985: {  	[tilespmem:s31], [sflag:$0x4] =	stream.linear.gather [hbm4b:s30+s4], $0x10, $0x38;
	[tilespmem:$0x10600] =	vst v63  }
0x986: {  	s30 =	sadd.s32 $0x50, s0;
	s31 =	ssub.s32 $0x10290, s29  }
0x987: {  	[tilespmem:s31], [sflag:$0x4] =	stream.linear.gather [hbm4b:s30+s4], $0x10, $0x38;
	[tilespmem:$0x10600] =	vst v63  }
.Ltmp5:
0x988: {  	s30 =	sadd.s32 $0x60, s0;
	s31 =	ssub.s32 $0x10310, s29;
	(pc) =	sbr.rel .LBB2_4-.Ltmp5, $4  }
0x989: {  	[tilespmem:s31], [sflag:$0x4] =	stream.linear.gather [hbm4b:s30+s4], $0x10, $0x38;
	[tilespmem:$0x10600] =	vst v63  }
0x98a: {  	s0 =	sadd.s32 $0x70, s0;
	s29 =	ssub.s32 $0x10390, s29  }
0x98b: {  	[tilespmem:s29], [sflag:$0x4] =	stream.linear.gather [hbm4b:s0+s4], $0x10, $0x38;
	[tilespmem:$0x10600] =	vst v63  }
0x98c: {  	s29 =	smov.u32 s25  }
.LBB2_6:
0x98d: {  	_ =	sfence.sel $0x180000  }
0x98e: {  	[bflag:$0x0] =	sbarrier.arrive $0xFFFF  }
0x98f: {  	_ =	strace $0x90000047  }
0x990: {  	s0 =	stileid.u32;
	[bflag:$0x2] =	sbarrier.arrive $0xFFFF  }
0x991: {  	p0 =	sne.s32 s0, $0x0;
	s0 =	rddreg [dreg:$0x5]  }
0x992: {  	s0 =	sadd.s32 @!p0 $0x100000, s0  }
0x993: {  	[sflag:s0] =	ssyncadd.tile.s32 @!p0 $0x1;
	_ =	shalt  }
.Lfunc_end2:
_tile_overlayer_lowered:
.L_overlay_start_2:
0x994: {  	(tag) =	ssettag $0x2  }
0x995: {  	s0 =	rddreg [dreg:$0x0];
	s2 =	stileid.u32  }
0x996: {  	s1 =	rddreg [dreg:$0x1];
	p0 =	sne.s32 s2, $0x0  }
0x997: {  	s3 =	rddreg [dreg:$0x2];
	[bflag:$0x3] =	sbarrier.arrive $0xFFFF;
	s2 =	simm.s32 @!p0 $0x1C05  }
0x998: {  	[timem:s3], [sflag:s2] =	dma.local @!p0 [hbm:s0], s1  }
0x999: {  	s0 =	simm.s32 @!p0 $0x5  }
0x99a: {  	_ =	swait.ge @!p0 [sflag:s0], s1  }
0x99b: {  	s1 =	ssub.s32 @!p0 $0x0, s1;
	[sflag:s0] =	ssyncset.done @!p0 $0x0  }
0x99c: {  	[sflag:s0] =	ssyncadd.s32 @!p0 s1  }
0x99d: {  	[bflag:$0x3] =	sbarrier.arrive $0xFFFF  }
0x99e: {  	_ =	shalt  }

</sc_bundles>
